<compile_context>
chip_gen: v7x
topology: tpu7x:2x2x1
jax: 0.10.2.dev20260603
libtpu: 0.0.44.dev20260713+nightly
codegen_flags: <defaults>
</compile_context>

<pallas_src>
import functools

import jax
import jax.numpy as jnp
from jax import lax
from jax.experimental import pallas as pl
from jax.experimental.pallas import tpu as pltpu
from jax.experimental.pallas import tpu_sc as plsc

B, N, C, H = 4096, 9, 96, 3
DH = C // H
E = 16384

NC, NS = 2, 16
NW = NC * NS
R_COLS = 256
A_COLS = H * N * N

_BB = 256
GR = H * N + 1
GC = GR * DH
_EB = 512


_RB = 2304
PW = 128


def _tc_qkv_body(x_ref, g1_ref, b1_ref, wt_ref, q_ref, k_ref, v_ref):
    g = g1_ref[...]
    b = b1_ref[...]
    wt = wt_ref[...]
    xn = x_ref[...]
    mu = jnp.mean(xn, axis=-1, keepdims=True)
    var = jnp.mean((xn - mu) ** 2, axis=-1, keepdims=True)
    x1 = (xn - mu) * jax.lax.rsqrt(var + 1e-5) * g + b
    qkv = jnp.dot(x1, wt, preferred_element_type=jnp.float32)
    zpad = jnp.zeros((_RB, PW - C), jnp.float32)
    q_ref[...] = jnp.concatenate([qkv[:, 0:C], zpad], axis=-1)
    k_ref[...] = jnp.concatenate([qkv[:, C:2 * C], zpad], axis=-1)
    v_ref[...] = qkv[:, 2 * C:3 * C]


def _tc_qkv(x2d, g1, b1, wqkv_t):
    grid = (B * N // _RB,)
    return pl.pallas_call(
        _tc_qkv_body,
        grid=grid,
        in_specs=[
            pl.BlockSpec((_RB, C), lambda i: (i, 0)),
            pl.BlockSpec((1, C), lambda i: (0, 0)),
            pl.BlockSpec((1, C), lambda i: (0, 0)),
            pl.BlockSpec((C, 3 * C), lambda i: (0, 0)),
        ],
        out_specs=[
            pl.BlockSpec((_RB, PW), lambda i: (i, 0)),
            pl.BlockSpec((_RB, PW), lambda i: (i, 0)),
            pl.BlockSpec((_RB, C), lambda i: (i, 0)),
        ],
        out_shape=[
            jax.ShapeDtypeStruct((B * N, PW), jnp.float32),
            jax.ShapeDtypeStruct((B * N, PW), jnp.float32),
            jax.ShapeDtypeStruct((B * N, C), jnp.float32),
        ],
    )(x2d, g1, b1, wqkv_t)


_G_CH = 32
_EPW = E // NW


def _sc_gather_body(q_hbm, k_hbm, dst_hbm, src_hbm, qg_hbm, kg_hbm,
                    idx_q, idx_k, buf0, buf1, gs0, gs1, os0, os1):
    wid = lax.axis_index("s") * NC + lax.axis_index("c")
    base = wid * _EPW
    pltpu.sync_copy(dst_hbm.at[pl.ds(base, _EPW)], idx_q)
    pltpu.sync_copy(src_hbm.at[pl.ds(base, _EPW)], idx_k)
    bufs = (buf0, buf1)
    gsems = (gs0, gs1)
    osems = (os0, os1)
    nch = _EPW // _G_CH
    units = [(q_hbm, idx_q, qg_hbm, c) for c in range(nch)]
    units += [(k_hbm, idx_k, kg_hbm, c) for c in range(nch)]
    nu = len(units)

    def _start(u, bi):
        tab, idxr, _, c = units[u]
        return pltpu.async_copy(
            tab.at[idxr.at[pl.ds(c * _G_CH, _G_CH)]], bufs[bi], gsems[bi])

    g = {0: _start(0, 0)}
    o = {}
    for u in range(nu):
        bi = u & 1
        g[bi].wait()
        if u + 1 < nu:
            b2 = 1 - bi
            if u >= 1:
                o[b2].wait()
            g[b2] = _start(u + 1, b2)
        _, _, out, c = units[u]
        o[bi] = pltpu.async_copy(
            bufs[bi], out.at[pl.ds(base + c * _G_CH, _G_CH)], osems[bi])
    o[0].wait()
    o[1].wait()


def _sc_gather(q2, k2, dst, src):
    mesh = plsc.VectorSubcoreMesh(core_axis_name="c", subcore_axis_name="s")
    fn = functools.partial(
        pl.kernel,
        mesh=mesh,
        out_type=[
            jax.ShapeDtypeStruct((E, N * PW), jnp.float32),
            jax.ShapeDtypeStruct((E, N * PW), jnp.float32),
        ],
        scratch_types=[
            pltpu.VMEM((_EPW,), jnp.int32),
            pltpu.VMEM((_EPW,), jnp.int32),
            pltpu.VMEM((_G_CH, N * PW), jnp.float32),
            pltpu.VMEM((_G_CH, N * PW), jnp.float32),
            pltpu.SemaphoreType.DMA,
            pltpu.SemaphoreType.DMA,
            pltpu.SemaphoreType.DMA,
            pltpu.SemaphoreType.DMA,
        ],
    )(_sc_gather_body)
    return fn(q2, k2, dst, src)


def _tc_attn_body(q_ref, k_ref, g_ref, dst_ref, s_ref, acc_ref):
    i = pl.program_id(0)

    @pl.when(i == 0)
    def _init():
        acc_ref[...] = jnp.zeros((B, R_COLS), jnp.float32)

    scale = DH ** -0.5
    parts = []
    for h in range(H):
        qh = q_ref[:, :, h * DH:(h + 1) * DH]
        kh = k_ref[:, :, h * DH:(h + 1) * DH]
        lg = jax.lax.dot_general(
            qh, kh, (((2,), (2,)), ((0,), (0,))),
            preferred_element_type=jnp.float32) * scale
        parts.append(lg)
    lg3 = jnp.concatenate(parts, axis=-1)
    lg2 = lg3.reshape(_EB, A_COLS)
    lgp = jnp.concatenate(
        [lg2, jnp.zeros((_EB, R_COLS - A_COLS), jnp.float32)], axis=-1)
    ex = jnp.exp(lgp)
    z = jnp.dot(ex, g_ref[...], preferred_element_type=jnp.float32)
    r = (ex / z).astype(jnp.bfloat16)

    de = dst_ref[...]
    for p in range(2):
        bi = jax.lax.broadcasted_iota(jnp.int32, (B // 2, _EB), 0) + p * (B // 2)
        oh = jnp.where(bi == de, 1.0, 0.0).astype(jnp.bfloat16)
        acc_ref[pl.ds(p * (B // 2), B // 2), :] += jax.lax.dot_general(
            oh, r, (((1,), (0,)), ((), ())),
            preferred_element_type=jnp.float32)

    @pl.when(i == pl.num_programs(0) - 1)
    def _done():
        s_ref[...] = acc_ref[...]


def _tc_attn_scatter(qg3, kg3, dst):
    ii = jnp.arange(R_COLS)[:, None]
    jj = jnp.arange(R_COLS)[None, :]
    gsum = jnp.where(
        ((ii // N == jj // N) & (ii < A_COLS) & (jj < A_COLS))
        | (ii == jj), 1.0, 0.0).astype(jnp.float32)
    grid = (E // _EB,)
    return pl.pallas_call(
        _tc_attn_body,
        grid=grid,
        in_specs=[
            pl.BlockSpec((_EB, N, PW), lambda i: (i, 0, 0)),
            pl.BlockSpec((_EB, N, PW), lambda i: (i, 0, 0)),
            pl.BlockSpec((R_COLS, R_COLS), lambda i: (0, 0)),
            pl.BlockSpec((1, _EB), lambda i: (0, i)),
        ],
        out_specs=pl.BlockSpec((B, R_COLS), lambda i: (0, 0)),
        out_shape=jax.ShapeDtypeStruct((B, R_COLS), jnp.float32),
        scratch_shapes=[pltpu.VMEM((B, R_COLS), jnp.float32)],
    )(qg3, kg3, gsum, dst.reshape(1, E))


def _tc_out_body(s_ref, v_ref, x_ref, em_ref, g2_ref, b2_ref, wp_ref, bp_ref,
                 wf1_ref, bf1_ref, wf2_ref, bf2_ref, o_ref):
    s = s_ref[...]
    cnt = s[:, A_COLS:A_COLS + 1]
    recip = 1.0 / jnp.maximum(cnt, 1.0)
    mask = (cnt > 0.0).astype(jnp.float32)
    s3 = (s[:, :A_COLS] * recip).reshape(_BB, N, H * N)
    heads = []
    for h in range(H):
        wh = s3[:, :, h * N:(h + 1) * N]
        vh = v_ref[:, :, h * DH:(h + 1) * DH]
        ah = jax.lax.dot_general(
            wh, vh, (((2,), (1,)), ((0,), (0,))),
            preferred_element_type=jnp.float32)
        heads.append(ah)
    a2 = jnp.concatenate(heads, axis=-1).reshape(_BB * N, C)
    mr = jnp.dot(em_ref[...], mask, preferred_element_type=jnp.float32)

    y = (jnp.dot(a2.astype(jnp.bfloat16), wp_ref[...],
                 preferred_element_type=jnp.float32) + bp_ref[...]) * mr
    x2 = x_ref[...] + y
    mu = jnp.mean(x2, axis=-1, keepdims=True)
    var = jnp.mean((x2 - mu) ** 2, axis=-1, keepdims=True)
    hn = (x2 - mu) * jax.lax.rsqrt(var + 1e-5) * g2_ref[...] + b2_ref[...]
    f = jnp.dot(hn.astype(jnp.bfloat16), wf1_ref[...],
                preferred_element_type=jnp.float32)
    f = f + bf1_ref[...]
    f = 0.5 * f * (1.0 + jax.lax.erf(f * 0.7071067811865476))
    on = jnp.dot(f.astype(jnp.bfloat16), wf2_ref[...],
                 preferred_element_type=jnp.float32)
    o_ref[...] = x2 + on + bf2_ref[...]


def _tc_out(s, v, x2d, g2, b2, wproj_t, bproj, wfc1_t, bfc1, wfc2_t, bfc2):
    grid = (B // _BB,)
    return pl.pallas_call(
        _tc_out_body,
        grid=grid,
        in_specs=[
            pl.BlockSpec((_BB, R_COLS), lambda i: (i, 0)),
            pl.BlockSpec((_BB, N, C), lambda i: (i, 0, 0)),
            pl.BlockSpec((_BB * N, C), lambda i: (i, 0)),
            pl.BlockSpec((_BB * N, _BB), lambda i: (0, 0)),
            pl.BlockSpec((1, C), lambda i: (0, 0)),
            pl.BlockSpec((1, C), lambda i: (0, 0)),
            pl.BlockSpec((C, C), lambda i: (0, 0)),
            pl.BlockSpec((1, C), lambda i: (0, 0)),
            pl.BlockSpec((C, 4 * C), lambda i: (0, 0)),
            pl.BlockSpec((1, 4 * C), lambda i: (0, 0)),
            pl.BlockSpec((4 * C, C), lambda i: (0, 0)),
            pl.BlockSpec((1, C), lambda i: (0, 0)),
        ],
        out_specs=pl.BlockSpec((_BB * N, C), lambda i: (i, 0)),
        out_shape=jax.ShapeDtypeStruct((B * N, C), jnp.float32),
    )(s, v, x2d, jnp.repeat(jnp.eye(_BB, dtype=jnp.float32), N, axis=0),
      g2, b2, wproj_t.astype(jnp.bfloat16), bproj,
      wfc1_t.astype(jnp.bfloat16), bfc1, wfc2_t.astype(jnp.bfloat16), bfc2)


def kernel(x, edge_index, g1, b1, Wqkv, Wproj, bproj, g2, b2,
           Wfc1, bfc1, Wfc2, bfc2):
    src = edge_index[0]
    dst = edge_index[1]

    q, k, v = _tc_qkv(x.reshape(B * N, C), g1.reshape(1, C),
                      b1.reshape(1, C), Wqkv.T)

    qg, kg = _sc_gather(q.reshape(B, N * PW), k.reshape(B, N * PW), dst, src)

    s = _tc_attn_scatter(qg.reshape(E, N, PW), kg.reshape(E, N, PW), dst)

    out = _tc_out(s, v.reshape(B, N, C), x.reshape(B * N, C),
                  g2.reshape(1, C), b2.reshape(1, C),
                  Wproj.T, bproj.reshape(1, C),
                  Wfc1.T, bfc1.reshape(1, 4 * C),
                  Wfc2.T, bfc2.reshape(1, C))
    return out.reshape(B, N, C)

# --- scband reference (transcript-rebuilt; emitter-appended) ---
"""Pipeline reference for scband-block-21792664060277 (READ-ONLY COPY).

The authoritative reference and input builder live on the scoring server;
editing this copy changes nothing except your own understanding.
"""

import jax, jax.numpy as jnp
import numpy as np

B, N, C, H = 4096, 9, 96, 3
DH = C // H
E = 16384

def _layernorm(t, g, b):
    m = jnp.mean(t, axis=-1, keepdims=True)
    v = jnp.mean((t - m) ** 2, axis=-1, keepdims=True)
    return (t - m) / jnp.sqrt(v + 1e-5) * g + b

def setup_inputs(seed: int = 0):
    key = jax.random.key(seed)
    ks = jax.random.split(key, 12)
    x = jax.random.normal(ks[0], (B, N, C), jnp.float32)
    edge_index = jax.random.randint(ks[1], (2, E), 0, B, dtype=jnp.int32)
    s = 1.0 / np.sqrt(C)
    Wqkv = jax.random.normal(ks[2], (3 * C, C), jnp.float32) * s
    Wproj = jax.random.normal(ks[3], (C, C), jnp.float32) * s
    bproj = jnp.zeros((C,), jnp.float32)
    g1 = jnp.ones((C,), jnp.float32)
    b1 = jnp.zeros((C,), jnp.float32)
    g2 = jnp.ones((C,), jnp.float32)
    b2 = jnp.zeros((C,), jnp.float32)
    Wfc1 = jax.random.normal(ks[4], (4 * C, C), jnp.float32) * s
    bfc1 = jnp.zeros((4 * C,), jnp.float32)
    Wfc2 = jax.random.normal(ks[5], (C, 4 * C), jnp.float32) * (1.0 / np.sqrt(4 * C))
    bfc2 = jnp.zeros((C,), jnp.float32)
    return {"x": x, "edge_index": edge_index, "g1": g1, "b1": b1, "Wqkv": Wqkv,
            "Wproj": Wproj, "bproj": bproj, "g2": g2, "b2": b2,
            "Wfc1": Wfc1, "bfc1": bfc1, "Wfc2": Wfc2, "bfc2": bfc2}

def reference(x, edge_index, g1, b1, Wqkv, Wproj, bproj, g2, b2, Wfc1, bfc1, Wfc2, bfc2):
    src, dst = edge_index[0], edge_index[1]
    # MEConv2: norm1 -> qkv -> per-edge multi-head attention message -> scatter-mean
    x1 = _layernorm(x, g1, b1)
    qkv = (x1 @ Wqkv.T).reshape(B, N, 3, H, DH)
    xi = jnp.transpose(qkv[dst], (2, 0, 3, 1, 4))  # [3, E, H, N, DH]
    xj = jnp.transpose(qkv[src], (2, 0, 3, 1, 4))
    q_i, v_i = xi[0], xi[2]
    k_j = xj[1]
    scale = DH ** -0.5
    attn = jnp.einsum('ehnd,ehmd->ehnm', q_i, k_j) * scale
    attn = jax.nn.softmax(attn, axis=-1)
    msg = jnp.einsum('ehnm,ehmd->ehnd', attn, v_i)  # [E, H, N, DH]
    msg = jnp.transpose(msg, (0, 2, 1, 3)).reshape(E, N, C)
    msg = msg @ Wproj.T + bproj
    sums = jax.ops.segment_sum(msg, dst, num_segments=B)
    cnt = jax.ops.segment_sum(jnp.ones((E,), jnp.float32), dst, num_segments=B)
    y = sums / jnp.clip(cnt, 1.0, None)[:, None, None]
    # residual + MLP
    x2 = x + y
    h = _layernorm(x2, g2, b2)
    h = jax.nn.gelu(h @ Wfc1.T + bfc1, approximate=False)
    h = h @ Wfc2.T + bfc2
    return x2 + h

if __name__ == "__main__":
    import jax
    _d = setup_inputs()
    print(jax.jit(kernel)(*tuple(_d.values())))

</pallas_src>

<mosaic_0001>
#map = affine_map<(d0, d1) -> (0, 0)>
#map1 = affine_map<(d0, d1) -> (0)>
module attributes {stable_mosaic.version = 14 : i64} {
  func.func @_sc_gather_body(%arg0: i32, %arg1: i32, %arg2: memref<4096x1152xf32, #tpu.memory_space<hbm>>, %arg3: memref<4096x1152xf32, #tpu.memory_space<hbm>>, %arg4: memref<16384xi32, #tpu.memory_space<hbm>>, %arg5: memref<16384xi32, #tpu.memory_space<hbm>>, %arg6: memref<16384x1152xf32, #tpu.memory_space<hbm>>, %arg7: memref<16384x1152xf32, #tpu.memory_space<hbm>>, %arg8: memref<512xi32, #tpu.memory_space<vmem>>, %arg9: memref<512xi32, #tpu.memory_space<vmem>>, %arg10: memref<32x1152xf32, #tpu.memory_space<vmem>>, %arg11: memref<32x1152xf32, #tpu.memory_space<vmem>>, %arg12: memref<!tpu.dma_semaphore, #tpu.memory_space<semaphore_mem>>, %arg13: memref<!tpu.dma_semaphore, #tpu.memory_space<semaphore_mem>>, %arg14: memref<!tpu.dma_semaphore, #tpu.memory_space<semaphore_mem>>, %arg15: memref<!tpu.dma_semaphore, #tpu.memory_space<semaphore_mem>>) attributes {dimension_semantics = [#tpu.dimension_semantics<core_parallel>, #tpu.dimension_semantics<subcore_parallel>], iteration_bounds = array<i64: 2, 16>, scalar_prefetch = 0 : i64, scratch_operands = 8 : i64, tpu.core_type = #tpu.core_type<sc_vector_subcore>, window_params = [{transform_indices = #map}, {transform_indices = #map}, {transform_indices = #map1}, {transform_indices = #map1}, {transform_indices = #map}, {transform_indices = #map}]} {
    %mul3A = arith.constant 2 : i32
    %mul3A_0 = arith.muli %arg1, %mul3A : i32
    %add3A = arith.addi %mul3A_0, %arg0 : i32
    %mul3A_1 = arith.constant 512 : i32
    %mul3A_2 = arith.muli %add3A, %mul3A_1 : i32
    "tpu.region"() ({
      %run_scoped3A = tpu.sem_alloc : memref<!tpu.dma_semaphore, #tpu.memory_space<semaphore_mem>>
      %dma_start3A_641 = tpu.memref_slice %arg4[%mul3A_2] : memref<16384xi32, #tpu.memory_space<hbm>> -> memref<512xi32, #tpu.memory_space<hbm>>
      %dma_start3A_642 = tpu.memref_slice %arg4[%mul3A_2] : memref<16384xi32, #tpu.memory_space<hbm>> -> memref<512xi32, #tpu.memory_space<hbm>>
      tpu.enqueue_dma source(%dma_start3A_642 : memref<512xi32, #tpu.memory_space<hbm>>) target(%arg8 : memref<512xi32, #tpu.memory_space<vmem>>) target_semaphore(%run_scoped3A : memref<!tpu.dma_semaphore, #tpu.memory_space<semaphore_mem>>)
      %dma_wait3A_643 = tpu.memref_slice %arg4[%mul3A_2] : memref<16384xi32, #tpu.memory_space<hbm>> -> memref<512xi32, #tpu.memory_space<hbm>>
      %dma_wait3A_644 = tpu.memref_slice %arg4[%mul3A_2] : memref<16384xi32, #tpu.memory_space<hbm>> -> memref<512xi32, #tpu.memory_space<hbm>>
      tpu.wait_dma2 semaphore(%run_scoped3A : memref<!tpu.dma_semaphore, #tpu.memory_space<semaphore_mem>>) src(%dma_wait3A_644 : memref<512xi32, #tpu.memory_space<hbm>>) dst(%arg8 : memref<512xi32, #tpu.memory_space<vmem>>)
      tpu.yield
    }) : () -> ()
    "tpu.region"() ({
      %run_scoped3A = tpu.sem_alloc : memref<!tpu.dma_semaphore, #tpu.memory_space<semaphore_mem>>
      %dma_start3A_641 = tpu.memref_slice %arg5[%mul3A_2] : memref<16384xi32, #tpu.memory_space<hbm>> -> memref<512xi32, #tpu.memory_space<hbm>>
      %dma_start3A_642 = tpu.memref_slice %arg5[%mul3A_2] : memref<16384xi32, #tpu.memory_space<hbm>> -> memref<512xi32, #tpu.memory_space<hbm>>
      tpu.enqueue_dma source(%dma_start3A_642 : memref<512xi32, #tpu.memory_space<hbm>>) target(%arg9 : memref<512xi32, #tpu.memory_space<vmem>>) target_semaphore(%run_scoped3A : memref<!tpu.dma_semaphore, #tpu.memory_space<semaphore_mem>>)
      %dma_wait3A_643 = tpu.memref_slice %arg5[%mul3A_2] : memref<16384xi32, #tpu.memory_space<hbm>> -> memref<512xi32, #tpu.memory_space<hbm>>
      %dma_wait3A_644 = tpu.memref_slice %arg5[%mul3A_2] : memref<16384xi32, #tpu.memory_space<hbm>> -> memref<512xi32, #tpu.memory_space<hbm>>
      tpu.wait_dma2 semaphore(%run_scoped3A : memref<!tpu.dma_semaphore, #tpu.memory_space<semaphore_mem>>) src(%dma_wait3A_644 : memref<512xi32, #tpu.memory_space<hbm>>) dst(%arg9 : memref<512xi32, #tpu.memory_space<vmem>>)
      tpu.yield
    }) : () -> ()
    %dma_start3A = arith.constant 0 : i32
    %dma_start3A_3 = tpu.memref_slice %arg8[%dma_start3A] : memref<512xi32, #tpu.memory_space<vmem>> -> memref<32xi32, #tpu.memory_space<vmem>>
    %dma_start3A_4 = arith.constant 0 : i32
    %dma_start3A_5 = arith.constant 0 : i32
    %dma_start3A_6 = tpu.memref_slice %arg2[%dma_start3A_4, %dma_start3A_5] : memref<4096x1152xf32, #tpu.memory_space<hbm>> -> memref<4096x1152xf32, #tpu.memory_space<hbm>>
    tpu.enqueue_indirect_dma source(%dma_start3A_6 : memref<4096x1152xf32, #tpu.memory_space<hbm>>) target(%arg10 : memref<32x1152xf32, #tpu.memory_space<vmem>>) offsets(%dma_start3A_3 : memref<32xi32, #tpu.memory_space<vmem>>) semaphore(%arg12 : memref<!tpu.dma_semaphore, #tpu.memory_space<semaphore_mem>>)
    %dma_wait3A = arith.constant 0 : i32
    %dma_wait3A_7 = tpu.memref_slice %arg8[%dma_wait3A] : memref<512xi32, #tpu.memory_space<vmem>> -> memref<32xi32, #tpu.memory_space<vmem>>
    %dma_wait3A_8 = arith.constant 0 : i32
    %dma_wait3A_9 = arith.constant 0 : i32
    %dma_wait3A_10 = tpu.memref_slice %arg2[%dma_wait3A_8, %dma_wait3A_9] : memref<4096x1152xf32, #tpu.memory_space<hbm>> -> memref<4096x1152xf32, #tpu.memory_space<hbm>>
    tpu.wait_indirect_dma semaphore(%arg12 : memref<!tpu.dma_semaphore, #tpu.memory_space<semaphore_mem>>) src(%dma_wait3A_10 : memref<4096x1152xf32, #tpu.memory_space<hbm>>) dst(%arg10 : memref<32x1152xf32, #tpu.memory_space<vmem>>)
    %dma_start3A_11 = arith.constant 32 : i32
    %dma_start3A_12 = tpu.memref_slice %arg8[%dma_start3A_11] : memref<512xi32, #tpu.memory_space<vmem>> -> memref<32xi32, #tpu.memory_space<vmem>>
    %dma_start3A_13 = arith.constant 0 : i32
    %dma_start3A_14 = arith.constant 0 : i32
    %dma_start3A_15 = tpu.memref_slice %arg2[%dma_start3A_13, %dma_start3A_14] : memref<4096x1152xf32, #tpu.memory_space<hbm>> -> memref<4096x1152xf32, #tpu.memory_space<hbm>>
    tpu.enqueue_indirect_dma source(%dma_start3A_15 : memref<4096x1152xf32, #tpu.memory_space<hbm>>) target(%arg11 : memref<32x1152xf32, #tpu.memory_space<vmem>>) offsets(%dma_start3A_12 : memref<32xi32, #tpu.memory_space<vmem>>) semaphore(%arg13 : memref<!tpu.dma_semaphore, #tpu.memory_space<semaphore_mem>>)
    %add3A_16 = arith.constant 0 : i32
    %add3A_17 = arith.addi %mul3A_2, %add3A_16 : i32
    %dma_start3A_18 = arith.constant 0 : i32
    %dma_start3A_19 = tpu.memref_slice %arg6[%add3A_17, %dma_start3A_18] : memref<16384x1152xf32, #tpu.memory_space<hbm>> -> memref<32x1152xf32, #tpu.memory_space<hbm>>
    %dma_start3A_20 = arith.constant 0 : i32
    %dma_start3A_21 = tpu.memref_slice %arg6[%add3A_17, %dma_start3A_20] : memref<16384x1152xf32, #tpu.memory_space<hbm>> -> memref<32x1152xf32, #tpu.memory_space<hbm>>
    tpu.enqueue_dma source(%arg10 : memref<32x1152xf32, #tpu.memory_space<vmem>>) target(%dma_start3A_21 : memref<32x1152xf32, #tpu.memory_space<hbm>>) target_semaphore(%arg14 : memref<!tpu.dma_semaphore, #tpu.memory_space<semaphore_mem>>)
    %dma_wait3A_22 = arith.constant 32 : i32
    %dma_wait3A_23 = tpu.memref_slice %arg8[%dma_wait3A_22] : memref<512xi32, #tpu.memory_space<vmem>> -> memref<32xi32, #tpu.memory_space<vmem>>
    %dma_wait3A_24 = arith.constant 0 : i32
    %dma_wait3A_25 = arith.constant 0 : i32
    %dma_wait3A_26 = tpu.memref_slice %arg2[%dma_wait3A_24, %dma_wait3A_25] : memref<4096x1152xf32, #tpu.memory_space<hbm>> -> memref<4096x1152xf32, #tpu.memory_space<hbm>>
    tpu.wait_indirect_dma semaphore(%arg13 : memref<!tpu.dma_semaphore, #tpu.memory_space<semaphore_mem>>) src(%dma_wait3A_26 : memref<4096x1152xf32, #tpu.memory_space<hbm>>) dst(%arg11 : memref<32x1152xf32, #tpu.memory_space<vmem>>)
    %dma_wait3A_27 = arith.constant 0 : i32
    %dma_wait3A_28 = tpu.memref_slice %arg6[%add3A_17, %dma_wait3A_27] : memref<16384x1152xf32, #tpu.memory_space<hbm>> -> memref<32x1152xf32, #tpu.memory_space<hbm>>
    %dma_wait3A_29 = arith.constant 0 : i32
    %dma_wait3A_30 = tpu.memref_slice %arg6[%add3A_17, %dma_wait3A_29] : memref<16384x1152xf32, #tpu.memory_space<hbm>> -> memref<32x1152xf32, #tpu.memory_space<hbm>>
    tpu.wait_dma2 semaphore(%arg14 : memref<!tpu.dma_semaphore, #tpu.memory_space<semaphore_mem>>) src(%arg10 : memref<32x1152xf32, #tpu.memory_space<vmem>>) dst(%dma_wait3A_30 : memref<32x1152xf32, #tpu.memory_space<hbm>>)
    %dma_start3A_31 = arith.constant 64 : i32
    %dma_start3A_32 = tpu.memref_slice %arg8[%dma_start3A_31] : memref<512xi32, #tpu.memory_space<vmem>> -> memref<32xi32, #tpu.memory_space<vmem>>
    %dma_start3A_33 = arith.constant 0 : i32
    %dma_start3A_34 = arith.constant 0 : i32
    %dma_start3A_35 = tpu.memref_slice %arg2[%dma_start3A_33, %dma_start3A_34] : memref<4096x1152xf32, #tpu.memory_space<hbm>> -> memref<4096x1152xf32, #tpu.memory_space<hbm>>
    tpu.enqueue_indirect_dma source(%dma_start3A_35 : memref<4096x1152xf32, #tpu.memory_space<hbm>>) target(%arg10 : memref<32x1152xf32, #tpu.memory_space<vmem>>) offsets(%dma_start3A_32 : memref<32xi32, #tpu.memory_space<vmem>>) semaphore(%arg12 : memref<!tpu.dma_semaphore, #tpu.memory_space<semaphore_mem>>)
    %add3A_36 = arith.constant 32 : i32
    %add3A_37 = arith.addi %mul3A_2, %add3A_36 : i32
    %dma_start3A_38 = arith.constant 0 : i32
    %dma_start3A_39 = tpu.memref_slice %arg6[%add3A_37, %dma_start3A_38] : memref<16384x1152xf32, #tpu.memory_space<hbm>> -> memref<32x1152xf32, #tpu.memory_space<hbm>>
    %dma_start3A_40 = arith.constant 0 : i32
    %dma_start3A_41 = tpu.memref_slice %arg6[%add3A_37, %dma_start3A_40] : memref<16384x1152xf32, #tpu.memory_space<hbm>> -> memref<32x1152xf32, #tpu.memory_space<hbm>>
    tpu.enqueue_dma source(%arg11 : memref<32x1152xf32, #tpu.memory_space<vmem>>) target(%dma_start3A_41 : memref<32x1152xf32, #tpu.memory_space<hbm>>) target_semaphore(%arg15 : memref<!tpu.dma_semaphore, #tpu.memory_space<semaphore_mem>>)
    %dma_wait3A_42 = arith.constant 64 : i32
    %dma_wait3A_43 = tpu.memref_slice %arg8[%dma_wait3A_42] : memref<512xi32, #tpu.memory_space<vmem>> -> memref<32xi32, #tpu.memory_space<vmem>>
    %dma_wait3A_44 = arith.constant 0 : i32
    %dma_wait3A_45 = arith.constant 0 : i32
    %dma_wait3A_46 = tpu.memref_slice %arg2[%dma_wait3A_44, %dma_wait3A_45] : memref<4096x1152xf32, #tpu.memory_space<hbm>> -> memref<4096x1152xf32, #tpu.memory_space<hbm>>
    tpu.wait_indirect_dma semaphore(%arg12 : memref<!tpu.dma_semaphore, #tpu.memory_space<semaphore_mem>>) src(%dma_wait3A_46 : memref<4096x1152xf32, #tpu.memory_space<hbm>>) dst(%arg10 : memref<32x1152xf32, #tpu.memory_space<vmem>>)
    %dma_wait3A_47 = arith.constant 0 : i32
    %dma_wait3A_48 = tpu.memref_slice %arg6[%add3A_37, %dma_wait3A_47] : memref<16384x1152xf32, #tpu.memory_space<hbm>> -> memref<32x1152xf32, #tpu.memory_space<hbm>>
    %dma_wait3A_49 = arith.constant 0 : i32
    %dma_wait3A_50 = tpu.memref_slice %arg6[%add3A_37, %dma_wait3A_49] : memref<16384x1152xf32, #tpu.memory_space<hbm>> -> memref<32x1152xf32, #tpu.memory_space<hbm>>
    tpu.wait_dma2 semaphore(%arg15 : memref<!tpu.dma_semaphore, #tpu.memory_space<semaphore_mem>>) src(%arg11 : memref<32x1152xf32, #tpu.memory_space<vmem>>) dst(%dma_wait3A_50 : memref<32x1152xf32, #tpu.memory_space<hbm>>)
    %dma_start3A_51 = arith.constant 96 : i32
    %dma_start3A_52 = tpu.memref_slice %arg8[%dma_start3A_51] : memref<512xi32, #tpu.memory_space<vmem>> -> memref<32xi32, #tpu.memory_space<vmem>>
    %dma_start3A_53 = arith.constant 0 : i32
    %dma_start3A_54 = arith.constant 0 : i32
    %dma_start3A_55 = tpu.memref_slice %arg2[%dma_start3A_53, %dma_start3A_54] : memref<4096x1152xf32, #tpu.memory_space<hbm>> -> memref<4096x1152xf32, #tpu.memory_space<hbm>>
    tpu.enqueue_indirect_dma source(%dma_start3A_55 : memref<4096x1152xf32, #tpu.memory_space<hbm>>) target(%arg11 : memref<32x1152xf32, #tpu.memory_space<vmem>>) offsets(%dma_start3A_52 : memref<32xi32, #tpu.memory_space<vmem>>) semaphore(%arg13 : memref<!tpu.dma_semaphore, #tpu.memory_space<semaphore_mem>>)
    %add3A_56 = arith.constant 64 : i32
    %add3A_57 = arith.addi %mul3A_2, %add3A_56 : i32
    %dma_start3A_58 = arith.constant 0 : i32
    %dma_start3A_59 = tpu.memref_slice %arg6[%add3A_57, %dma_start3A_58] : memref<16384x1152xf32, #tpu.memory_space<hbm>> -> memref<32x1152xf32, #tpu.memory_space<hbm>>
    %dma_start3A_60 = arith.constant 0 : i32
    %dma_start3A_61 = tpu.memref_slice %arg6[%add3A_57, %dma_start3A_60] : memref<16384x1152xf32, #tpu.memory_space<hbm>> -> memref<32x1152xf32, #tpu.memory_space<hbm>>
    tpu.enqueue_dma source(%arg10 : memref<32x1152xf32, #tpu.memory_space<vmem>>) target(%dma_start3A_61 : memref<32x1152xf32, #tpu.memory_space<hbm>>) target_semaphore(%arg14 : memref<!tpu.dma_semaphore, #tpu.memory_space<semaphore_mem>>)
    %dma_wait3A_62 = arith.constant 96 : i32
    %dma_wait3A_63 = tpu.memref_slice %arg8[%dma_wait3A_62] : memref<512xi32, #tpu.memory_space<vmem>> -> memref<32xi32, #tpu.memory_space<vmem>>
    %dma_wait3A_64 = arith.constant 0 : i32
    %dma_wait3A_65 = arith.constant 0 : i32
    %dma_wait3A_66 = tpu.memref_slice %arg2[%dma_wait3A_64, %dma_wait3A_65] : memref<4096x1152xf32, #tpu.memory_space<hbm>> -> memref<4096x1152xf32, #tpu.memory_space<hbm>>
    tpu.wait_indirect_dma semaphore(%arg13 : memref<!tpu.dma_semaphore, #tpu.memory_space<semaphore_mem>>) src(%dma_wait3A_66 : memref<4096x1152xf32, #tpu.memory_space<hbm>>) dst(%arg11 : memref<32x1152xf32, #tpu.memory_space<vmem>>)
    %dma_wait3A_67 = arith.constant 0 : i32
    %dma_wait3A_68 = tpu.memref_slice %arg6[%add3A_57, %dma_wait3A_67] : memref<16384x1152xf32, #tpu.memory_space<hbm>> -> memref<32x1152xf32, #tpu.memory_space<hbm>>
    %dma_wait3A_69 = arith.constant 0 : i32
    %dma_wait3A_70 = tpu.memref_slice %arg6[%add3A_57, %dma_wait3A_69] : memref<16384x1152xf32, #tpu.memory_space<hbm>> -> memref<32x1152xf32, #tpu.memory_space<hbm>>
    tpu.wait_dma2 semaphore(%arg14 : memref<!tpu.dma_semaphore, #tpu.memory_space<semaphore_mem>>) src(%arg10 : memref<32x1152xf32, #tpu.memory_space<vmem>>) dst(%dma_wait3A_70 : memref<32x1152xf32, #tpu.memory_space<hbm>>)
    %dma_start3A_71 = arith.constant 128 : i32
    %dma_start3A_72 = tpu.memref_slice %arg8[%dma_start3A_71] : memref<512xi32, #tpu.memory_space<vmem>> -> memref<32xi32, #tpu.memory_space<vmem>>
    %dma_start3A_73 = arith.constant 0 : i32
    %dma_start3A_74 = arith.constant 0 : i32
    %dma_start3A_75 = tpu.memref_slice %arg2[%dma_start3A_73, %dma_start3A_74] : memref<4096x1152xf32, #tpu.memory_space<hbm>> -> memref<4096x1152xf32, #tpu.memory_space<hbm>>
    tpu.enqueue_indirect_dma source(%dma_start3A_75 : memref<4096x1152xf32, #tpu.memory_space<hbm>>) target(%arg10 : memref<32x1152xf32, #tpu.memory_space<vmem>>) offsets(%dma_start3A_72 : memref<32xi32, #tpu.memory_space<vmem>>) semaphore(%arg12 : memref<!tpu.dma_semaphore, #tpu.memory_space<semaphore_mem>>)
    %add3A_76 = arith.constant 96 : i32
    %add3A_77 = arith.addi %mul3A_2, %add3A_76 : i32
    %dma_start3A_78 = arith.constant 0 : i32
    %dma_start3A_79 = tpu.memref_slice %arg6[%add3A_77, %dma_start3A_78] : memref<16384x1152xf32, #tpu.memory_space<hbm>> -> memref<32x1152xf32, #tpu.memory_space<hbm>>
    %dma_start3A_80 = arith.constant 0 : i32
    %dma_start3A_81 = tpu.memref_slice %arg6[%add3A_77, %dma_start3A_80] : memref<16384x1152xf32, #tpu.memory_space<hbm>> -> memref<32x1152xf32, #tpu.memory_space<hbm>>
    tpu.enqueue_dma source(%arg11 : memref<32x1152xf32, #tpu.memory_space<vmem>>) target(%dma_start3A_81 : memref<32x1152xf32, #tpu.memory_space<hbm>>) target_semaphore(%arg15 : memref<!tpu.dma_semaphore, #tpu.memory_space<semaphore_mem>>)
    %dma_wait3A_82 = arith.constant 128 : i32
    %dma_wait3A_83 = tpu.memref_slice %arg8[%dma_wait3A_82] : memref<512xi32, #tpu.memory_space<vmem>> -> memref<32xi32, #tpu.memory_space<vmem>>
    %dma_wait3A_84 = arith.constant 0 : i32
    %dma_wait3A_85 = arith.constant 0 : i32
    %dma_wait3A_86 = tpu.memref_slice %arg2[%dma_wait3A_84, %dma_wait3A_85] : memref<4096x1152xf32, #tpu.memory_space<hbm>> -> memref<4096x1152xf32, #tpu.memory_space<hbm>>
    tpu.wait_indirect_dma semaphore(%arg12 : memref<!tpu.dma_semaphore, #tpu.memory_space<semaphore_mem>>) src(%dma_wait3A_86 : memref<4096x1152xf32, #tpu.memory_space<hbm>>) dst(%arg10 : memref<32x1152xf32, #tpu.memory_space<vmem>>)
    %dma_wait3A_87 = arith.constant 0 : i32
    %dma_wait3A_88 = tpu.memref_slice %arg6[%add3A_77, %dma_wait3A_87] : memref<16384x1152xf32, #tpu.memory_space<hbm>> -> memref<32x1152xf32, #tpu.memory_space<hbm>>
    %dma_wait3A_89 = arith.constant 0 : i32
    %dma_wait3A_90 = tpu.memref_slice %arg6[%add3A_77, %dma_wait3A_89] : memref<16384x1152xf32, #tpu.memory_space<hbm>> -> memref<32x1152xf32, #tpu.memory_space<hbm>>
    tpu.wait_dma2 semaphore(%arg15 : memref<!tpu.dma_semaphore, #tpu.memory_space<semaphore_mem>>) src(%arg11 : memref<32x1152xf32, #tpu.memory_space<vmem>>) dst(%dma_wait3A_90 : memref<32x1152xf32, #tpu.memory_space<hbm>>)
    %dma_start3A_91 = arith.constant 160 : i32
    %dma_start3A_92 = tpu.memref_slice %arg8[%dma_start3A_91] : memref<512xi32, #tpu.memory_space<vmem>> -> memref<32xi32, #tpu.memory_space<vmem>>
    %dma_start3A_93 = arith.constant 0 : i32
    %dma_start3A_94 = arith.constant 0 : i32
    %dma_start3A_95 = tpu.memref_slice %arg2[%dma_start3A_93, %dma_start3A_94] : memref<4096x1152xf32, #tpu.memory_space<hbm>> -> memref<4096x1152xf32, #tpu.memory_space<hbm>>
    tpu.enqueue_indirect_dma source(%dma_start3A_95 : memref<4096x1152xf32, #tpu.memory_space<hbm>>) target(%arg11 : memref<32x1152xf32, #tpu.memory_space<vmem>>) offsets(%dma_start3A_92 : memref<32xi32, #tpu.memory_space<vmem>>) semaphore(%arg13 : memref<!tpu.dma_semaphore, #tpu.memory_space<semaphore_mem>>)
    %add3A_96 = arith.constant 128 : i32
    %add3A_97 = arith.addi %mul3A_2, %add3A_96 : i32
    %dma_start3A_98 = arith.constant 0 : i32
    %dma_start3A_99 = tpu.memref_slice %arg6[%add3A_97, %dma_start3A_98] : memref<16384x1152xf32, #tpu.memory_space<hbm>> -> memref<32x1152xf32, #tpu.memory_space<hbm>>
    %dma_start3A_100 = arith.constant 0 : i32
    %dma_start3A_101 = tpu.memref_slice %arg6[%add3A_97, %dma_start3A_100] : memref<16384x1152xf32, #tpu.memory_space<hbm>> -> memref<32x1152xf32, #tpu.memory_space<hbm>>
    tpu.enqueue_dma source(%arg10 : memref<32x1152xf32, #tpu.memory_space<vmem>>) target(%dma_start3A_101 : memref<32x1152xf32, #tpu.memory_space<hbm>>) target_semaphore(%arg14 : memref<!tpu.dma_semaphore, #tpu.memory_space<semaphore_mem>>)
    %dma_wait3A_102 = arith.constant 160 : i32
    %dma_wait3A_103 = tpu.memref_slice %arg8[%dma_wait3A_102] : memref<512xi32, #tpu.memory_space<vmem>> -> memref<32xi32, #tpu.memory_space<vmem>>
    %dma_wait3A_104 = arith.constant 0 : i32
    %dma_wait3A_105 = arith.constant 0 : i32
    %dma_wait3A_106 = tpu.memref_slice %arg2[%dma_wait3A_104, %dma_wait3A_105] : memref<4096x1152xf32, #tpu.memory_space<hbm>> -> memref<4096x1152xf32, #tpu.memory_space<hbm>>
    tpu.wait_indirect_dma semaphore(%arg13 : memref<!tpu.dma_semaphore, #tpu.memory_space<semaphore_mem>>) src(%dma_wait3A_106 : memref<4096x1152xf32, #tpu.memory_space<hbm>>) dst(%arg11 : memref<32x1152xf32, #tpu.memory_space<vmem>>)
    %dma_wait3A_107 = arith.constant 0 : i32
    %dma_wait3A_108 = tpu.memref_slice %arg6[%add3A_97, %dma_wait3A_107] : memref<16384x1152xf32, #tpu.memory_space<hbm>> -> memref<32x1152xf32, #tpu.memory_space<hbm>>
    %dma_wait3A_109 = arith.constant 0 : i32
    %dma_wait3A_110 = tpu.memref_slice %arg6[%add3A_97, %dma_wait3A_109] : memref<16384x1152xf32, #tpu.memory_space<hbm>> -> memref<32x1152xf32, #tpu.memory_space<hbm>>
    tpu.wait_dma2 semaphore(%arg14 : memref<!tpu.dma_semaphore, #tpu.memory_space<semaphore_mem>>) src(%arg10 : memref<32x1152xf32, #tpu.memory_space<vmem>>) dst(%dma_wait3A_110 : memref<32x1152xf32, #tpu.memory_space<hbm>>)
    %dma_start3A_111 = arith.constant 192 : i32
    %dma_start3A_112 = tpu.memref_slice %arg8[%dma_start3A_111] : memref<512xi32, #tpu.memory_space<vmem>> -> memref<32xi32, #tpu.memory_space<vmem>>
    %dma_start3A_113 = arith.constant 0 : i32
    %dma_start3A_114 = arith.constant 0 : i32
    %dma_start3A_115 = tpu.memref_slice %arg2[%dma_start3A_113, %dma_start3A_114] : memref<4096x1152xf32, #tpu.memory_space<hbm>> -> memref<4096x1152xf32, #tpu.memory_space<hbm>>
    tpu.enqueue_indirect_dma source(%dma_start3A_115 : memref<4096x1152xf32, #tpu.memory_space<hbm>>) target(%arg10 : memref<32x1152xf32, #tpu.memory_space<vmem>>) offsets(%dma_start3A_112 : memref<32xi32, #tpu.memory_space<vmem>>) semaphore(%arg12 : memref<!tpu.dma_semaphore, #tpu.memory_space<semaphore_mem>>)
    %add3A_116 = arith.constant 160 : i32
    %add3A_117 = arith.addi %mul3A_2, %add3A_116 : i32
    %dma_start3A_118 = arith.constant 0 : i32
    %dma_start3A_119 = tpu.memref_slice %arg6[%add3A_117, %dma_start3A_118] : memref<16384x1152xf32, #tpu.memory_space<hbm>> -> memref<32x1152xf32, #tpu.memory_space<hbm>>
    %dma_start3A_120 = arith.constant 0 : i32
    %dma_start3A_121 = tpu.memref_slice %arg6[%add3A_117, %dma_start3A_120] : memref<16384x1152xf32, #tpu.memory_space<hbm>> -> memref<32x1152xf32, #tpu.memory_space<hbm>>
    tpu.enqueue_dma source(%arg11 : memref<32x1152xf32, #tpu.memory_space<vmem>>) target(%dma_start3A_121 : memref<32x1152xf32, #tpu.memory_space<hbm>>) target_semaphore(%arg15 : memref<!tpu.dma_semaphore, #tpu.memory_space<semaphore_mem>>)
    %dma_wait3A_122 = arith.constant 192 : i32
    %dma_wait3A_123 = tpu.memref_slice %arg8[%dma_wait3A_122] : memref<512xi32, #tpu.memory_space<vmem>> -> memref<32xi32, #tpu.memory_space<vmem>>
    %dma_wait3A_124 = arith.constant 0 : i32
    %dma_wait3A_125 = arith.constant 0 : i32
    %dma_wait3A_126 = tpu.memref_slice %arg2[%dma_wait3A_124, %dma_wait3A_125] : memref<4096x1152xf32, #tpu.memory_space<hbm>> -> memref<4096x1152xf32, #tpu.memory_space<hbm>>
    tpu.wait_indirect_dma semaphore(%arg12 : memref<!tpu.dma_semaphore, #tpu.memory_space<semaphore_mem>>) src(%dma_wait3A_126 : memref<4096x1152xf32, #tpu.memory_space<hbm>>) dst(%arg10 : memref<32x1152xf32, #tpu.memory_space<vmem>>)
    %dma_wait3A_127 = arith.constant 0 : i32
    %dma_wait3A_128 = tpu.memref_slice %arg6[%add3A_117, %dma_wait3A_127] : memref<16384x1152xf32, #tpu.memory_space<hbm>> -> memref<32x1152xf32, #tpu.memory_space<hbm>>
    %dma_wait3A_129 = arith.constant 0 : i32
    %dma_wait3A_130 = tpu.memref_slice %arg6[%add3A_117, %dma_wait3A_129] : memref<16384x1152xf32, #tpu.memory_space<hbm>> -> memref<32x1152xf32, #tpu.memory_space<hbm>>
    tpu.wait_dma2 semaphore(%arg15 : memref<!tpu.dma_semaphore, #tpu.memory_space<semaphore_mem>>) src(%arg11 : memref<32x1152xf32, #tpu.memory_space<vmem>>) dst(%dma_wait3A_130 : memref<32x1152xf32, #tpu.memory_space<hbm>>)
    %dma_start3A_131 = arith.constant 224 : i32
    %dma_start3A_132 = tpu.memref_slice %arg8[%dma_start3A_131] : memref<512xi32, #tpu.memory_space<vmem>> -> memref<32xi32, #tpu.memory_space<vmem>>
    %dma_start3A_133 = arith.constant 0 : i32
    %dma_start3A_134 = arith.constant 0 : i32
    %dma_start3A_135 = tpu.memref_slice %arg2[%dma_start3A_133, %dma_start3A_134] : memref<4096x1152xf32, #tpu.memory_space<hbm>> -> memref<4096x1152xf32, #tpu.memory_space<hbm>>
    tpu.enqueue_indirect_dma source(%dma_start3A_135 : memref<4096x1152xf32, #tpu.memory_space<hbm>>) target(%arg11 : memref<32x1152xf32, #tpu.memory_space<vmem>>) offsets(%dma_start3A_132 : memref<32xi32, #tpu.memory_space<vmem>>) semaphore(%arg13 : memref<!tpu.dma_semaphore, #tpu.memory_space<semaphore_mem>>)
    %add3A_136 = arith.constant 192 : i32
    %add3A_137 = arith.addi %mul3A_2, %add3A_136 : i32
    %dma_start3A_138 = arith.constant 0 : i32
    %dma_start3A_139 = tpu.memref_slice %arg6[%add3A_137, %dma_start3A_138] : memref<16384x1152xf32, #tpu.memory_space<hbm>> -> memref<32x1152xf32, #tpu.memory_space<hbm>>
    %dma_start3A_140 = arith.constant 0 : i32
    %dma_start3A_141 = tpu.memref_slice %arg6[%add3A_137, %dma_start3A_140] : memref<16384x1152xf32, #tpu.memory_space<hbm>> -> memref<32x1152xf32, #tpu.memory_space<hbm>>
    tpu.enqueue_dma source(%arg10 : memref<32x1152xf32, #tpu.memory_space<vmem>>) target(%dma_start3A_141 : memref<32x1152xf32, #tpu.memory_space<hbm>>) target_semaphore(%arg14 : memref<!tpu.dma_semaphore, #tpu.memory_space<semaphore_mem>>)
    %dma_wait3A_142 = arith.constant 224 : i32
    %dma_wait3A_143 = tpu.memref_slice %arg8[%dma_wait3A_142] : memref<512xi32, #tpu.memory_space<vmem>> -> memref<32xi32, #tpu.memory_space<vmem>>
    %dma_wait3A_144 = arith.constant 0 : i32
    %dma_wait3A_145 = arith.constant 0 : i32
    %dma_wait3A_146 = tpu.memref_slice %arg2[%dma_wait3A_144, %dma_wait3A_145] : memref<4096x1152xf32, #tpu.memory_space<hbm>> -> memref<4096x1152xf32, #tpu.memory_space<hbm>>
    tpu.wait_indirect_dma semaphore(%arg13 : memref<!tpu.dma_semaphore, #tpu.memory_space<semaphore_mem>>) src(%dma_wait3A_146 : memref<4096x1152xf32, #tpu.memory_space<hbm>>) dst(%arg11 : memref<32x1152xf32, #tpu.memory_space<vmem>>)
    %dma_wait3A_147 = arith.constant 0 : i32
    %dma_wait3A_148 = tpu.memref_slice %arg6[%add3A_137, %dma_wait3A_147] : memref<16384x1152xf32, #tpu.memory_space<hbm>> -> memref<32x1152xf32, #tpu.memory_space<hbm>>
    %dma_wait3A_149 = arith.constant 0 : i32
    %dma_wait3A_150 = tpu.memref_slice %arg6[%add3A_137, %dma_wait3A_149] : memref<16384x1152xf32, #tpu.memory_space<hbm>> -> memref<32x1152xf32, #tpu.memory_space<hbm>>
    tpu.wait_dma2 semaphore(%arg14 : memref<!tpu.dma_semaphore, #tpu.memory_space<semaphore_mem>>) src(%arg10 : memref<32x1152xf32, #tpu.memory_space<vmem>>) dst(%dma_wait3A_150 : memref<32x1152xf32, #tpu.memory_space<hbm>>)
    %dma_start3A_151 = arith.constant 256 : i32
    %dma_start3A_152 = tpu.memref_slice %arg8[%dma_start3A_151] : memref<512xi32, #tpu.memory_space<vmem>> -> memref<32xi32, #tpu.memory_space<vmem>>
    %dma_start3A_153 = arith.constant 0 : i32
    %dma_start3A_154 = arith.constant 0 : i32
    %dma_start3A_155 = tpu.memref_slice %arg2[%dma_start3A_153, %dma_start3A_154] : memref<4096x1152xf32, #tpu.memory_space<hbm>> -> memref<4096x1152xf32, #tpu.memory_space<hbm>>
    tpu.enqueue_indirect_dma source(%dma_start3A_155 : memref<4096x1152xf32, #tpu.memory_space<hbm>>) target(%arg10 : memref<32x1152xf32, #tpu.memory_space<vmem>>) offsets(%dma_start3A_152 : memref<32xi32, #tpu.memory_space<vmem>>) semaphore(%arg12 : memref<!tpu.dma_semaphore, #tpu.memory_space<semaphore_mem>>)
    %add3A_156 = arith.constant 224 : i32
    %add3A_157 = arith.addi %mul3A_2, %add3A_156 : i32
    %dma_start3A_158 = arith.constant 0 : i32
    %dma_start3A_159 = tpu.memref_slice %arg6[%add3A_157, %dma_start3A_158] : memref<16384x1152xf32, #tpu.memory_space<hbm>> -> memref<32x1152xf32, #tpu.memory_space<hbm>>
    %dma_start3A_160 = arith.constant 0 : i32
    %dma_start3A_161 = tpu.memref_slice %arg6[%add3A_157, %dma_start3A_160] : memref<16384x1152xf32, #tpu.memory_space<hbm>> -> memref<32x1152xf32, #tpu.memory_space<hbm>>
    tpu.enqueue_dma source(%arg11 : memref<32x1152xf32, #tpu.memory_space<vmem>>) target(%dma_start3A_161 : memref<32x1152xf32, #tpu.memory_space<hbm>>) target_semaphore(%arg15 : memref<!tpu.dma_semaphore, #tpu.memory_space<semaphore_mem>>)
    %dma_wait3A_162 = arith.constant 256 : i32
    %dma_wait3A_163 = tpu.memref_slice %arg8[%dma_wait3A_162] : memref<512xi32, #tpu.memory_space<vmem>> -> memref<32xi32, #tpu.memory_space<vmem>>
    %dma_wait3A_164 = arith.constant 0 : i32
    %dma_wait3A_165 = arith.constant 0 : i32
    %dma_wait3A_166 = tpu.memref_slice %arg2[%dma_wait3A_164, %dma_wait3A_165] : memref<4096x1152xf32, #tpu.memory_space<hbm>> -> memref<4096x1152xf32, #tpu.memory_space<hbm>>
    tpu.wait_indirect_dma semaphore(%arg12 : memref<!tpu.dma_semaphore, #tpu.memory_space<semaphore_mem>>) src(%dma_wait3A_166 : memref<4096x1152xf32, #tpu.memory_space<hbm>>) dst(%arg10 : memref<32x1152xf32, #tpu.memory_space<vmem>>)
    %dma_wait3A_167 = arith.constant 0 : i32
    %dma_wait3A_168 = tpu.memref_slice %arg6[%add3A_157, %dma_wait3A_167] : memref<16384x1152xf32, #tpu.memory_space<hbm>> -> memref<32x1152xf32, #tpu.memory_space<hbm>>
    %dma_wait3A_169 = arith.constant 0 : i32
    %dma_wait3A_170 = tpu.memref_slice %arg6[%add3A_157, %dma_wait3A_169] : memref<16384x1152xf32, #tpu.memory_space<hbm>> -> memref<32x1152xf32, #tpu.memory_space<hbm>>
    tpu.wait_dma2 semaphore(%arg15 : memref<!tpu.dma_semaphore, #tpu.memory_space<semaphore_mem>>) src(%arg11 : memref<32x1152xf32, #tpu.memory_space<vmem>>) dst(%dma_wait3A_170 : memref<32x1152xf32, #tpu.memory_space<hbm>>)
    %dma_start3A_171 = arith.constant 288 : i32
    %dma_start3A_172 = tpu.memref_slice %arg8[%dma_start3A_171] : memref<512xi32, #tpu.memory_space<vmem>> -> memref<32xi32, #tpu.memory_space<vmem>>
    %dma_start3A_173 = arith.constant 0 : i32
    %dma_start3A_174 = arith.constant 0 : i32
    %dma_start3A_175 = tpu.memref_slice %arg2[%dma_start3A_173, %dma_start3A_174] : memref<4096x1152xf32, #tpu.memory_space<hbm>> -> memref<4096x1152xf32, #tpu.memory_space<hbm>>
    tpu.enqueue_indirect_dma source(%dma_start3A_175 : memref<4096x1152xf32, #tpu.memory_space<hbm>>) target(%arg11 : memref<32x1152xf32, #tpu.memory_space<vmem>>) offsets(%dma_start3A_172 : memref<32xi32, #tpu.memory_space<vmem>>) semaphore(%arg13 : memref<!tpu.dma_semaphore, #tpu.memory_space<semaphore_mem>>)
    %add3A_176 = arith.constant 256 : i32
    %add3A_177 = arith.addi %mul3A_2, %add3A_176 : i32
    %dma_start3A_178 = arith.constant 0 : i32
    %dma_start3A_179 = tpu.memref_slice %arg6[%add3A_177, %dma_start3A_178] : memref<16384x1152xf32, #tpu.memory_space<hbm>> -> memref<32x1152xf32, #tpu.memory_space<hbm>>
    %dma_start3A_180 = arith.constant 0 : i32
    %dma_start3A_181 = tpu.memref_slice %arg6[%add3A_177, %dma_start3A_180] : memref<16384x1152xf32, #tpu.memory_space<hbm>> -> memref<32x1152xf32, #tpu.memory_space<hbm>>
    tpu.enqueue_dma source(%arg10 : memref<32x1152xf32, #tpu.memory_space<vmem>>) target(%dma_start3A_181 : memref<32x1152xf32, #tpu.memory_space<hbm>>) target_semaphore(%arg14 : memref<!tpu.dma_semaphore, #tpu.memory_space<semaphore_mem>>)
    %dma_wait3A_182 = arith.constant 288 : i32
    %dma_wait3A_183 = tpu.memref_slice %arg8[%dma_wait3A_182] : memref<512xi32, #tpu.memory_space<vmem>> -> memref<32xi32, #tpu.memory_space<vmem>>
    %dma_wait3A_184 = arith.constant 0 : i32
    %dma_wait3A_185 = arith.constant 0 : i32
    %dma_wait3A_186 = tpu.memref_slice %arg2[%dma_wait3A_184, %dma_wait3A_185] : memref<4096x1152xf32, #tpu.memory_space<hbm>> -> memref<4096x1152xf32, #tpu.memory_space<hbm>>
    tpu.wait_indirect_dma semaphore(%arg13 : memref<!tpu.dma_semaphore, #tpu.memory_space<semaphore_mem>>) src(%dma_wait3A_186 : memref<4096x1152xf32, #tpu.memory_space<hbm>>) dst(%arg11 : memref<32x1152xf32, #tpu.memory_space<vmem>>)
    %dma_wait3A_187 = arith.constant 0 : i32
    %dma_wait3A_188 = tpu.memref_slice %arg6[%add3A_177, %dma_wait3A_187] : memref<16384x1152xf32, #tpu.memory_space<hbm>> -> memref<32x1152xf32, #tpu.memory_space<hbm>>
    %dma_wait3A_189 = arith.constant 0 : i32
    %dma_wait3A_190 = tpu.memref_slice %arg6[%add3A_177, %dma_wait3A_189] : memref<16384x1152xf32, #tpu.memory_space<hbm>> -> memref<32x1152xf32, #tpu.memory_space<hbm>>
    tpu.wait_dma2 semaphore(%arg14 : memref<!tpu.dma_semaphore, #tpu.memory_space<semaphore_mem>>) src(%arg10 : memref<32x1152xf32, #tpu.memory_space<vmem>>) dst(%dma_wait3A_190 : memref<32x1152xf32, #tpu.memory_space<hbm>>)
    %dma_start3A_191 = arith.constant 320 : i32
    %dma_start3A_192 = tpu.memref_slice %arg8[%dma_start3A_191] : memref<512xi32, #tpu.memory_space<vmem>> -> memref<32xi32, #tpu.memory_space<vmem>>
    %dma_start3A_193 = arith.constant 0 : i32
    %dma_start3A_194 = arith.constant 0 : i32
    %dma_start3A_195 = tpu.memref_slice %arg2[%dma_start3A_193, %dma_start3A_194] : memref<4096x1152xf32, #tpu.memory_space<hbm>> -> memref<4096x1152xf32, #tpu.memory_space<hbm>>
    tpu.enqueue_indirect_dma source(%dma_start3A_195 : memref<4096x1152xf32, #tpu.memory_space<hbm>>) target(%arg10 : memref<32x1152xf32, #tpu.memory_space<vmem>>) offsets(%dma_start3A_192 : memref<32xi32, #tpu.memory_space<vmem>>) semaphore(%arg12 : memref<!tpu.dma_semaphore, #tpu.memory_space<semaphore_mem>>)
    %add3A_196 = arith.constant 288 : i32
    %add3A_197 = arith.addi %mul3A_2, %add3A_196 : i32
    %dma_start3A_198 = arith.constant 0 : i32
    %dma_start3A_199 = tpu.memref_slice %arg6[%add3A_197, %dma_start3A_198] : memref<16384x1152xf32, #tpu.memory_space<hbm>> -> memref<32x1152xf32, #tpu.memory_space<hbm>>
    %dma_start3A_200 = arith.constant 0 : i32
    %dma_start3A_201 = tpu.memref_slice %arg6[%add3A_197, %dma_start3A_200] : memref<16384x1152xf32, #tpu.memory_space<hbm>> -> memref<32x1152xf32, #tpu.memory_space<hbm>>
    tpu.enqueue_dma source(%arg11 : memref<32x1152xf32, #tpu.memory_space<vmem>>) target(%dma_start3A_201 : memref<32x1152xf32, #tpu.memory_space<hbm>>) target_semaphore(%arg15 : memref<!tpu.dma_semaphore, #tpu.memory_space<semaphore_mem>>)
    %dma_wait3A_202 = arith.constant 320 : i32
    %dma_wait3A_203 = tpu.memref_slice %arg8[%dma_wait3A_202] : memref<512xi32, #tpu.memory_space<vmem>> -> memref<32xi32, #tpu.memory_space<vmem>>
    %dma_wait3A_204 = arith.constant 0 : i32
    %dma_wait3A_205 = arith.constant 0 : i32
    %dma_wait3A_206 = tpu.memref_slice %arg2[%dma_wait3A_204, %dma_wait3A_205] : memref<4096x1152xf32, #tpu.memory_space<hbm>> -> memref<4096x1152xf32, #tpu.memory_space<hbm>>
    tpu.wait_indirect_dma semaphore(%arg12 : memref<!tpu.dma_semaphore, #tpu.memory_space<semaphore_mem>>) src(%dma_wait3A_206 : memref<4096x1152xf32, #tpu.memory_space<hbm>>) dst(%arg10 : memref<32x1152xf32, #tpu.memory_space<vmem>>)
    %dma_wait3A_207 = arith.constant 0 : i32
    %dma_wait3A_208 = tpu.memref_slice %arg6[%add3A_197, %dma_wait3A_207] : memref<16384x1152xf32, #tpu.memory_space<hbm>> -> memref<32x1152xf32, #tpu.memory_space<hbm>>
    %dma_wait3A_209 = arith.constant 0 : i32
    %dma_wait3A_210 = tpu.memref_slice %arg6[%add3A_197, %dma_wait3A_209] : memref<16384x1152xf32, #tpu.memory_space<hbm>> -> memref<32x1152xf32, #tpu.memory_space<hbm>>
    tpu.wait_dma2 semaphore(%arg15 : memref<!tpu.dma_semaphore, #tpu.memory_space<semaphore_mem>>) src(%arg11 : memref<32x1152xf32, #tpu.memory_space<vmem>>) dst(%dma_wait3A_210 : memref<32x1152xf32, #tpu.memory_space<hbm>>)
    %dma_start3A_211 = arith.constant 352 : i32
    %dma_start3A_212 = tpu.memref_slice %arg8[%dma_start3A_211] : memref<512xi32, #tpu.memory_space<vmem>> -> memref<32xi32, #tpu.memory_space<vmem>>
    %dma_start3A_213 = arith.constant 0 : i32
    %dma_start3A_214 = arith.constant 0 : i32
    %dma_start3A_215 = tpu.memref_slice %arg2[%dma_start3A_213, %dma_start3A_214] : memref<4096x1152xf32, #tpu.memory_space<hbm>> -> memref<4096x1152xf32, #tpu.memory_space<hbm>>
    tpu.enqueue_indirect_dma source(%dma_start3A_215 : memref<4096x1152xf32, #tpu.memory_space<hbm>>) target(%arg11 : memref<32x1152xf32, #tpu.memory_space<vmem>>) offsets(%dma_start3A_212 : memref<32xi32, #tpu.memory_space<vmem>>) semaphore(%arg13 : memref<!tpu.dma_semaphore, #tpu.memory_space<semaphore_mem>>)
    %add3A_216 = arith.constant 320 : i32
    %add3A_217 = arith.addi %mul3A_2, %add3A_216 : i32
    %dma_start3A_218 = arith.constant 0 : i32
    %dma_start3A_219 = tpu.memref_slice %arg6[%add3A_217, %dma_start3A_218] : memref<16384x1152xf32, #tpu.memory_space<hbm>> -> memref<32x1152xf32, #tpu.memory_space<hbm>>
    %dma_start3A_220 = arith.constant 0 : i32
    %dma_start3A_221 = tpu.memref_slice %arg6[%add3A_217, %dma_start3A_220] : memref<16384x1152xf32, #tpu.memory_space<hbm>> -> memref<32x1152xf32, #tpu.memory_space<hbm>>
    tpu.enqueue_dma source(%arg10 : memref<32x1152xf32, #tpu.memory_space<vmem>>) target(%dma_start3A_221 : memref<32x1152xf32, #tpu.memory_space<hbm>>) target_semaphore(%arg14 : memref<!tpu.dma_semaphore, #tpu.memory_space<semaphore_mem>>)
    %dma_wait3A_222 = arith.constant 352 : i32
    %dma_wait3A_223 = tpu.memref_slice %arg8[%dma_wait3A_222] : memref<512xi32, #tpu.memory_space<vmem>> -> memref<32xi32, #tpu.memory_space<vmem>>
    %dma_wait3A_224 = arith.constant 0 : i32
    %dma_wait3A_225 = arith.constant 0 : i32
    %dma_wait3A_226 = tpu.memref_slice %arg2[%dma_wait3A_224, %dma_wait3A_225] : memref<4096x1152xf32, #tpu.memory_space<hbm>> -> memref<4096x1152xf32, #tpu.memory_space<hbm>>
    tpu.wait_indirect_dma semaphore(%arg13 : memref<!tpu.dma_semaphore, #tpu.memory_space<semaphore_mem>>) src(%dma_wait3A_226 : memref<4096x1152xf32, #tpu.memory_space<hbm>>) dst(%arg11 : memref<32x1152xf32, #tpu.memory_space<vmem>>)
    %dma_wait3A_227 = arith.constant 0 : i32
    %dma_wait3A_228 = tpu.memref_slice %arg6[%add3A_217, %dma_wait3A_227] : memref<16384x1152xf32, #tpu.memory_space<hbm>> -> memref<32x1152xf32, #tpu.memory_space<hbm>>
    %dma_wait3A_229 = arith.constant 0 : i32
    %dma_wait3A_230 = tpu.memref_slice %arg6[%add3A_217, %dma_wait3A_229] : memref<16384x1152xf32, #tpu.memory_space<hbm>> -> memref<32x1152xf32, #tpu.memory_space<hbm>>
    tpu.wait_dma2 semaphore(%arg14 : memref<!tpu.dma_semaphore, #tpu.memory_space<semaphore_mem>>) src(%arg10 : memref<32x1152xf32, #tpu.memory_space<vmem>>) dst(%dma_wait3A_230 : memref<32x1152xf32, #tpu.memory_space<hbm>>)
    %dma_start3A_231 = arith.constant 384 : i32
    %dma_start3A_232 = tpu.memref_slice %arg8[%dma_start3A_231] : memref<512xi32, #tpu.memory_space<vmem>> -> memref<32xi32, #tpu.memory_space<vmem>>
    %dma_start3A_233 = arith.constant 0 : i32
    %dma_start3A_234 = arith.constant 0 : i32
    %dma_start3A_235 = tpu.memref_slice %arg2[%dma_start3A_233, %dma_start3A_234] : memref<4096x1152xf32, #tpu.memory_space<hbm>> -> memref<4096x1152xf32, #tpu.memory_space<hbm>>
    tpu.enqueue_indirect_dma source(%dma_start3A_235 : memref<4096x1152xf32, #tpu.memory_space<hbm>>) target(%arg10 : memref<32x1152xf32, #tpu.memory_space<vmem>>) offsets(%dma_start3A_232 : memref<32xi32, #tpu.memory_space<vmem>>) semaphore(%arg12 : memref<!tpu.dma_semaphore, #tpu.memory_space<semaphore_mem>>)
    %add3A_236 = arith.constant 352 : i32
    %add3A_237 = arith.addi %mul3A_2, %add3A_236 : i32
    %dma_start3A_238 = arith.constant 0 : i32
    %dma_start3A_239 = tpu.memref_slice %arg6[%add3A_237, %dma_start3A_238] : memref<16384x1152xf32, #tpu.memory_space<hbm>> -> memref<32x1152xf32, #tpu.memory_space<hbm>>
    %dma_start3A_240 = arith.constant 0 : i32
    %dma_start3A_241 = tpu.memref_slice %arg6[%add3A_237, %dma_start3A_240] : memref<16384x1152xf32, #tpu.memory_space<hbm>> -> memref<32x1152xf32, #tpu.memory_space<hbm>>
    tpu.enqueue_dma source(%arg11 : memref<32x1152xf32, #tpu.memory_space<vmem>>) target(%dma_start3A_241 : memref<32x1152xf32, #tpu.memory_space<hbm>>) target_semaphore(%arg15 : memref<!tpu.dma_semaphore, #tpu.memory_space<semaphore_mem>>)
    %dma_wait3A_242 = arith.constant 384 : i32
    %dma_wait3A_243 = tpu.memref_slice %arg8[%dma_wait3A_242] : memref<512xi32, #tpu.memory_space<vmem>> -> memref<32xi32, #tpu.memory_space<vmem>>
    %dma_wait3A_244 = arith.constant 0 : i32
    %dma_wait3A_245 = arith.constant 0 : i32
    %dma_wait3A_246 = tpu.memref_slice %arg2[%dma_wait3A_244, %dma_wait3A_245] : memref<4096x1152xf32, #tpu.memory_space<hbm>> -> memref<4096x1152xf32, #tpu.memory_space<hbm>>
    tpu.wait_indirect_dma semaphore(%arg12 : memref<!tpu.dma_semaphore, #tpu.memory_space<semaphore_mem>>) src(%dma_wait3A_246 : memref<4096x1152xf32, #tpu.memory_space<hbm>>) dst(%arg10 : memref<32x1152xf32, #tpu.memory_space<vmem>>)
    %dma_wait3A_247 = arith.constant 0 : i32
    %dma_wait3A_248 = tpu.memref_slice %arg6[%add3A_237, %dma_wait3A_247] : memref<16384x1152xf32, #tpu.memory_space<hbm>> -> memref<32x1152xf32, #tpu.memory_space<hbm>>
    %dma_wait3A_249 = arith.constant 0 : i32
    %dma_wait3A_250 = tpu.memref_slice %arg6[%add3A_237, %dma_wait3A_249] : memref<16384x1152xf32, #tpu.memory_space<hbm>> -> memref<32x1152xf32, #tpu.memory_space<hbm>>
    tpu.wait_dma2 semaphore(%arg15 : memref<!tpu.dma_semaphore, #tpu.memory_space<semaphore_mem>>) src(%arg11 : memref<32x1152xf32, #tpu.memory_space<vmem>>) dst(%dma_wait3A_250 : memref<32x1152xf32, #tpu.memory_space<hbm>>)
    %dma_start3A_251 = arith.constant 416 : i32
    %dma_start3A_252 = tpu.memref_slice %arg8[%dma_start3A_251] : memref<512xi32, #tpu.memory_space<vmem>> -> memref<32xi32, #tpu.memory_space<vmem>>
    %dma_start3A_253 = arith.constant 0 : i32
    %dma_start3A_254 = arith.constant 0 : i32
    %dma_start3A_255 = tpu.memref_slice %arg2[%dma_start3A_253, %dma_start3A_254] : memref<4096x1152xf32, #tpu.memory_space<hbm>> -> memref<4096x1152xf32, #tpu.memory_space<hbm>>
    tpu.enqueue_indirect_dma source(%dma_start3A_255 : memref<4096x1152xf32, #tpu.memory_space<hbm>>) target(%arg11 : memref<32x1152xf32, #tpu.memory_space<vmem>>) offsets(%dma_start3A_252 : memref<32xi32, #tpu.memory_space<vmem>>) semaphore(%arg13 : memref<!tpu.dma_semaphore, #tpu.memory_space<semaphore_mem>>)
    %add3A_256 = arith.constant 384 : i32
    %add3A_257 = arith.addi %mul3A_2, %add3A_256 : i32
    %dma_start3A_258 = arith.constant 0 : i32
    %dma_start3A_259 = tpu.memref_slice %arg6[%add3A_257, %dma_start3A_258] : memref<16384x1152xf32, #tpu.memory_space<hbm>> -> memref<32x1152xf32, #tpu.memory_space<hbm>>
    %dma_start3A_260 = arith.constant 0 : i32
    %dma_start3A_261 = tpu.memref_slice %arg6[%add3A_257, %dma_start3A_260] : memref<16384x1152xf32, #tpu.memory_space<hbm>> -> memref<32x1152xf32, #tpu.memory_space<hbm>>
    tpu.enqueue_dma source(%arg10 : memref<32x1152xf32, #tpu.memory_space<vmem>>) target(%dma_start3A_261 : memref<32x1152xf32, #tpu.memory_space<hbm>>) target_semaphore(%arg14 : memref<!tpu.dma_semaphore, #tpu.memory_space<semaphore_mem>>)
    %dma_wait3A_262 = arith.constant 416 : i32
    %dma_wait3A_263 = tpu.memref_slice %arg8[%dma_wait3A_262] : memref<512xi32, #tpu.memory_space<vmem>> -> memref<32xi32, #tpu.memory_space<vmem>>
    %dma_wait3A_264 = arith.constant 0 : i32
    %dma_wait3A_265 = arith.constant 0 : i32
    %dma_wait3A_266 = tpu.memref_slice %arg2[%dma_wait3A_264, %dma_wait3A_265] : memref<4096x1152xf32, #tpu.memory_space<hbm>> -> memref<4096x1152xf32, #tpu.memory_space<hbm>>
    tpu.wait_indirect_dma semaphore(%arg13 : memref<!tpu.dma_semaphore, #tpu.memory_space<semaphore_mem>>) src(%dma_wait3A_266 : memref<4096x1152xf32, #tpu.memory_space<hbm>>) dst(%arg11 : memref<32x1152xf32, #tpu.memory_space<vmem>>)
    %dma_wait3A_267 = arith.constant 0 : i32
    %dma_wait3A_268 = tpu.memref_slice %arg6[%add3A_257, %dma_wait3A_267] : memref<16384x1152xf32, #tpu.memory_space<hbm>> -> memref<32x1152xf32, #tpu.memory_space<hbm>>
    %dma_wait3A_269 = arith.constant 0 : i32
    %dma_wait3A_270 = tpu.memref_slice %arg6[%add3A_257, %dma_wait3A_269] : memref<16384x1152xf32, #tpu.memory_space<hbm>> -> memref<32x1152xf32, #tpu.memory_space<hbm>>
    tpu.wait_dma2 semaphore(%arg14 : memref<!tpu.dma_semaphore, #tpu.memory_space<semaphore_mem>>) src(%arg10 : memref<32x1152xf32, #tpu.memory_space<vmem>>) dst(%dma_wait3A_270 : memref<32x1152xf32, #tpu.memory_space<hbm>>)
    %dma_start3A_271 = arith.constant 448 : i32
    %dma_start3A_272 = tpu.memref_slice %arg8[%dma_start3A_271] : memref<512xi32, #tpu.memory_space<vmem>> -> memref<32xi32, #tpu.memory_space<vmem>>
    %dma_start3A_273 = arith.constant 0 : i32
    %dma_start3A_274 = arith.constant 0 : i32
    %dma_start3A_275 = tpu.memref_slice %arg2[%dma_start3A_273, %dma_start3A_274] : memref<4096x1152xf32, #tpu.memory_space<hbm>> -> memref<4096x1152xf32, #tpu.memory_space<hbm>>
    tpu.enqueue_indirect_dma source(%dma_start3A_275 : memref<4096x1152xf32, #tpu.memory_space<hbm>>) target(%arg10 : memref<32x1152xf32, #tpu.memory_space<vmem>>) offsets(%dma_start3A_272 : memref<32xi32, #tpu.memory_space<vmem>>) semaphore(%arg12 : memref<!tpu.dma_semaphore, #tpu.memory_space<semaphore_mem>>)
    %add3A_276 = arith.constant 416 : i32
    %add3A_277 = arith.addi %mul3A_2, %add3A_276 : i32
    %dma_start3A_278 = arith.constant 0 : i32
    %dma_start3A_279 = tpu.memref_slice %arg6[%add3A_277, %dma_start3A_278] : memref<16384x1152xf32, #tpu.memory_space<hbm>> -> memref<32x1152xf32, #tpu.memory_space<hbm>>
    %dma_start3A_280 = arith.constant 0 : i32
    %dma_start3A_281 = tpu.memref_slice %arg6[%add3A_277, %dma_start3A_280] : memref<16384x1152xf32, #tpu.memory_space<hbm>> -> memref<32x1152xf32, #tpu.memory_space<hbm>>
    tpu.enqueue_dma source(%arg11 : memref<32x1152xf32, #tpu.memory_space<vmem>>) target(%dma_start3A_281 : memref<32x1152xf32, #tpu.memory_space<hbm>>) target_semaphore(%arg15 : memref<!tpu.dma_semaphore, #tpu.memory_space<semaphore_mem>>)
    %dma_wait3A_282 = arith.constant 448 : i32
    %dma_wait3A_283 = tpu.memref_slice %arg8[%dma_wait3A_282] : memref<512xi32, #tpu.memory_space<vmem>> -> memref<32xi32, #tpu.memory_space<vmem>>
    %dma_wait3A_284 = arith.constant 0 : i32
    %dma_wait3A_285 = arith.constant 0 : i32
    %dma_wait3A_286 = tpu.memref_slice %arg2[%dma_wait3A_284, %dma_wait3A_285] : memref<4096x1152xf32, #tpu.memory_space<hbm>> -> memref<4096x1152xf32, #tpu.memory_space<hbm>>
    tpu.wait_indirect_dma semaphore(%arg12 : memref<!tpu.dma_semaphore, #tpu.memory_space<semaphore_mem>>) src(%dma_wait3A_286 : memref<4096x1152xf32, #tpu.memory_space<hbm>>) dst(%arg10 : memref<32x1152xf32, #tpu.memory_space<vmem>>)
    %dma_wait3A_287 = arith.constant 0 : i32
    %dma_wait3A_288 = tpu.memref_slice %arg6[%add3A_277, %dma_wait3A_287] : memref<16384x1152xf32, #tpu.memory_space<hbm>> -> memref<32x1152xf32, #tpu.memory_space<hbm>>
    %dma_wait3A_289 = arith.constant 0 : i32
    %dma_wait3A_290 = tpu.memref_slice %arg6[%add3A_277, %dma_wait3A_289] : memref<16384x1152xf32, #tpu.memory_space<hbm>> -> memref<32x1152xf32, #tpu.memory_space<hbm>>
    tpu.wait_dma2 semaphore(%arg15 : memref<!tpu.dma_semaphore, #tpu.memory_space<semaphore_mem>>) src(%arg11 : memref<32x1152xf32, #tpu.memory_space<vmem>>) dst(%dma_wait3A_290 : memref<32x1152xf32, #tpu.memory_space<hbm>>)
    %dma_start3A_291 = arith.constant 480 : i32
    %dma_start3A_292 = tpu.memref_slice %arg8[%dma_start3A_291] : memref<512xi32, #tpu.memory_space<vmem>> -> memref<32xi32, #tpu.memory_space<vmem>>
    %dma_start3A_293 = arith.constant 0 : i32
    %dma_start3A_294 = arith.constant 0 : i32
    %dma_start3A_295 = tpu.memref_slice %arg2[%dma_start3A_293, %dma_start3A_294] : memref<4096x1152xf32, #tpu.memory_space<hbm>> -> memref<4096x1152xf32, #tpu.memory_space<hbm>>
    tpu.enqueue_indirect_dma source(%dma_start3A_295 : memref<4096x1152xf32, #tpu.memory_space<hbm>>) target(%arg11 : memref<32x1152xf32, #tpu.memory_space<vmem>>) offsets(%dma_start3A_292 : memref<32xi32, #tpu.memory_space<vmem>>) semaphore(%arg13 : memref<!tpu.dma_semaphore, #tpu.memory_space<semaphore_mem>>)
    %add3A_296 = arith.constant 448 : i32
    %add3A_297 = arith.addi %mul3A_2, %add3A_296 : i32
    %dma_start3A_298 = arith.constant 0 : i32
    %dma_start3A_299 = tpu.memref_slice %arg6[%add3A_297, %dma_start3A_298] : memref<16384x1152xf32, #tpu.memory_space<hbm>> -> memref<32x1152xf32, #tpu.memory_space<hbm>>
    %dma_start3A_300 = arith.constant 0 : i32
    %dma_start3A_301 = tpu.memref_slice %arg6[%add3A_297, %dma_start3A_300] : memref<16384x1152xf32, #tpu.memory_space<hbm>> -> memref<32x1152xf32, #tpu.memory_space<hbm>>
    tpu.enqueue_dma source(%arg10 : memref<32x1152xf32, #tpu.memory_space<vmem>>) target(%dma_start3A_301 : memref<32x1152xf32, #tpu.memory_space<hbm>>) target_semaphore(%arg14 : memref<!tpu.dma_semaphore, #tpu.memory_space<semaphore_mem>>)
    %dma_wait3A_302 = arith.constant 480 : i32
    %dma_wait3A_303 = tpu.memref_slice %arg8[%dma_wait3A_302] : memref<512xi32, #tpu.memory_space<vmem>> -> memref<32xi32, #tpu.memory_space<vmem>>
    %dma_wait3A_304 = arith.constant 0 : i32
    %dma_wait3A_305 = arith.constant 0 : i32
    %dma_wait3A_306 = tpu.memref_slice %arg2[%dma_wait3A_304, %dma_wait3A_305] : memref<4096x1152xf32, #tpu.memory_space<hbm>> -> memref<4096x1152xf32, #tpu.memory_space<hbm>>
    tpu.wait_indirect_dma semaphore(%arg13 : memref<!tpu.dma_semaphore, #tpu.memory_space<semaphore_mem>>) src(%dma_wait3A_306 : memref<4096x1152xf32, #tpu.memory_space<hbm>>) dst(%arg11 : memref<32x1152xf32, #tpu.memory_space<vmem>>)
    %dma_wait3A_307 = arith.constant 0 : i32
    %dma_wait3A_308 = tpu.memref_slice %arg6[%add3A_297, %dma_wait3A_307] : memref<16384x1152xf32, #tpu.memory_space<hbm>> -> memref<32x1152xf32, #tpu.memory_space<hbm>>
    %dma_wait3A_309 = arith.constant 0 : i32
    %dma_wait3A_310 = tpu.memref_slice %arg6[%add3A_297, %dma_wait3A_309] : memref<16384x1152xf32, #tpu.memory_space<hbm>> -> memref<32x1152xf32, #tpu.memory_space<hbm>>
    tpu.wait_dma2 semaphore(%arg14 : memref<!tpu.dma_semaphore, #tpu.memory_space<semaphore_mem>>) src(%arg10 : memref<32x1152xf32, #tpu.memory_space<vmem>>) dst(%dma_wait3A_310 : memref<32x1152xf32, #tpu.memory_space<hbm>>)
    %dma_start3A_311 = arith.constant 0 : i32
    %dma_start3A_312 = tpu.memref_slice %arg9[%dma_start3A_311] : memref<512xi32, #tpu.memory_space<vmem>> -> memref<32xi32, #tpu.memory_space<vmem>>
    %dma_start3A_313 = arith.constant 0 : i32
    %dma_start3A_314 = arith.constant 0 : i32
    %dma_start3A_315 = tpu.memref_slice %arg3[%dma_start3A_313, %dma_start3A_314] : memref<4096x1152xf32, #tpu.memory_space<hbm>> -> memref<4096x1152xf32, #tpu.memory_space<hbm>>
    tpu.enqueue_indirect_dma source(%dma_start3A_315 : memref<4096x1152xf32, #tpu.memory_space<hbm>>) target(%arg10 : memref<32x1152xf32, #tpu.memory_space<vmem>>) offsets(%dma_start3A_312 : memref<32xi32, #tpu.memory_space<vmem>>) semaphore(%arg12 : memref<!tpu.dma_semaphore, #tpu.memory_space<semaphore_mem>>)
    %add3A_316 = arith.constant 480 : i32
    %add3A_317 = arith.addi %mul3A_2, %add3A_316 : i32
    %dma_start3A_318 = arith.constant 0 : i32
    %dma_start3A_319 = tpu.memref_slice %arg6[%add3A_317, %dma_start3A_318] : memref<16384x1152xf32, #tpu.memory_space<hbm>> -> memref<32x1152xf32, #tpu.memory_space<hbm>>
    %dma_start3A_320 = arith.constant 0 : i32
    %dma_start3A_321 = tpu.memref_slice %arg6[%add3A_317, %dma_start3A_320] : memref<16384x1152xf32, #tpu.memory_space<hbm>> -> memref<32x1152xf32, #tpu.memory_space<hbm>>
    tpu.enqueue_dma source(%arg11 : memref<32x1152xf32, #tpu.memory_space<vmem>>) target(%dma_start3A_321 : memref<32x1152xf32, #tpu.memory_space<hbm>>) target_semaphore(%arg15 : memref<!tpu.dma_semaphore, #tpu.memory_space<semaphore_mem>>)
    %dma_wait3A_322 = arith.constant 0 : i32
    %dma_wait3A_323 = tpu.memref_slice %arg9[%dma_wait3A_322] : memref<512xi32, #tpu.memory_space<vmem>> -> memref<32xi32, #tpu.memory_space<vmem>>
    %dma_wait3A_324 = arith.constant 0 : i32
    %dma_wait3A_325 = arith.constant 0 : i32
    %dma_wait3A_326 = tpu.memref_slice %arg3[%dma_wait3A_324, %dma_wait3A_325] : memref<4096x1152xf32, #tpu.memory_space<hbm>> -> memref<4096x1152xf32, #tpu.memory_space<hbm>>
    tpu.wait_indirect_dma semaphore(%arg12 : memref<!tpu.dma_semaphore, #tpu.memory_space<semaphore_mem>>) src(%dma_wait3A_326 : memref<4096x1152xf32, #tpu.memory_space<hbm>>) dst(%arg10 : memref<32x1152xf32, #tpu.memory_space<vmem>>)
    %dma_wait3A_327 = arith.constant 0 : i32
    %dma_wait3A_328 = tpu.memref_slice %arg6[%add3A_317, %dma_wait3A_327] : memref<16384x1152xf32, #tpu.memory_space<hbm>> -> memref<32x1152xf32, #tpu.memory_space<hbm>>
    %dma_wait3A_329 = arith.constant 0 : i32
    %dma_wait3A_330 = tpu.memref_slice %arg6[%add3A_317, %dma_wait3A_329] : memref<16384x1152xf32, #tpu.memory_space<hbm>> -> memref<32x1152xf32, #tpu.memory_space<hbm>>
    tpu.wait_dma2 semaphore(%arg15 : memref<!tpu.dma_semaphore, #tpu.memory_space<semaphore_mem>>) src(%arg11 : memref<32x1152xf32, #tpu.memory_space<vmem>>) dst(%dma_wait3A_330 : memref<32x1152xf32, #tpu.memory_space<hbm>>)
    %dma_start3A_331 = arith.constant 32 : i32
    %dma_start3A_332 = tpu.memref_slice %arg9[%dma_start3A_331] : memref<512xi32, #tpu.memory_space<vmem>> -> memref<32xi32, #tpu.memory_space<vmem>>
    %dma_start3A_333 = arith.constant 0 : i32
    %dma_start3A_334 = arith.constant 0 : i32
    %dma_start3A_335 = tpu.memref_slice %arg3[%dma_start3A_333, %dma_start3A_334] : memref<4096x1152xf32, #tpu.memory_space<hbm>> -> memref<4096x1152xf32, #tpu.memory_space<hbm>>
    tpu.enqueue_indirect_dma source(%dma_start3A_335 : memref<4096x1152xf32, #tpu.memory_space<hbm>>) target(%arg11 : memref<32x1152xf32, #tpu.memory_space<vmem>>) offsets(%dma_start3A_332 : memref<32xi32, #tpu.memory_space<vmem>>) semaphore(%arg13 : memref<!tpu.dma_semaphore, #tpu.memory_space<semaphore_mem>>)
    %add3A_336 = arith.constant 0 : i32
    %add3A_337 = arith.addi %mul3A_2, %add3A_336 : i32
    %dma_start3A_338 = arith.constant 0 : i32
    %dma_start3A_339 = tpu.memref_slice %arg7[%add3A_337, %dma_start3A_338] : memref<16384x1152xf32, #tpu.memory_space<hbm>> -> memref<32x1152xf32, #tpu.memory_space<hbm>>
    %dma_start3A_340 = arith.constant 0 : i32
    %dma_start3A_341 = tpu.memref_slice %arg7[%add3A_337, %dma_start3A_340] : memref<16384x1152xf32, #tpu.memory_space<hbm>> -> memref<32x1152xf32, #tpu.memory_space<hbm>>
    tpu.enqueue_dma source(%arg10 : memref<32x1152xf32, #tpu.memory_space<vmem>>) target(%dma_start3A_341 : memref<32x1152xf32, #tpu.memory_space<hbm>>) target_semaphore(%arg14 : memref<!tpu.dma_semaphore, #tpu.memory_space<semaphore_mem>>)
    %dma_wait3A_342 = arith.constant 32 : i32
    %dma_wait3A_343 = tpu.memref_slice %arg9[%dma_wait3A_342] : memref<512xi32, #tpu.memory_space<vmem>> -> memref<32xi32, #tpu.memory_space<vmem>>
    %dma_wait3A_344 = arith.constant 0 : i32
    %dma_wait3A_345 = arith.constant 0 : i32
    %dma_wait3A_346 = tpu.memref_slice %arg3[%dma_wait3A_344, %dma_wait3A_345] : memref<4096x1152xf32, #tpu.memory_space<hbm>> -> memref<4096x1152xf32, #tpu.memory_space<hbm>>
    tpu.wait_indirect_dma semaphore(%arg13 : memref<!tpu.dma_semaphore, #tpu.memory_space<semaphore_mem>>) src(%dma_wait3A_346 : memref<4096x1152xf32, #tpu.memory_space<hbm>>) dst(%arg11 : memref<32x1152xf32, #tpu.memory_space<vmem>>)
    %dma_wait3A_347 = arith.constant 0 : i32
    %dma_wait3A_348 = tpu.memref_slice %arg7[%add3A_337, %dma_wait3A_347] : memref<16384x1152xf32, #tpu.memory_space<hbm>> -> memref<32x1152xf32, #tpu.memory_space<hbm>>
    %dma_wait3A_349 = arith.constant 0 : i32
    %dma_wait3A_350 = tpu.memref_slice %arg7[%add3A_337, %dma_wait3A_349] : memref<16384x1152xf32, #tpu.memory_space<hbm>> -> memref<32x1152xf32, #tpu.memory_space<hbm>>
    tpu.wait_dma2 semaphore(%arg14 : memref<!tpu.dma_semaphore, #tpu.memory_space<semaphore_mem>>) src(%arg10 : memref<32x1152xf32, #tpu.memory_space<vmem>>) dst(%dma_wait3A_350 : memref<32x1152xf32, #tpu.memory_space<hbm>>)
    %dma_start3A_351 = arith.constant 64 : i32
    %dma_start3A_352 = tpu.memref_slice %arg9[%dma_start3A_351] : memref<512xi32, #tpu.memory_space<vmem>> -> memref<32xi32, #tpu.memory_space<vmem>>
    %dma_start3A_353 = arith.constant 0 : i32
    %dma_start3A_354 = arith.constant 0 : i32
    %dma_start3A_355 = tpu.memref_slice %arg3[%dma_start3A_353, %dma_start3A_354] : memref<4096x1152xf32, #tpu.memory_space<hbm>> -> memref<4096x1152xf32, #tpu.memory_space<hbm>>
    tpu.enqueue_indirect_dma source(%dma_start3A_355 : memref<4096x1152xf32, #tpu.memory_space<hbm>>) target(%arg10 : memref<32x1152xf32, #tpu.memory_space<vmem>>) offsets(%dma_start3A_352 : memref<32xi32, #tpu.memory_space<vmem>>) semaphore(%arg12 : memref<!tpu.dma_semaphore, #tpu.memory_space<semaphore_mem>>)
    %add3A_356 = arith.constant 32 : i32
    %add3A_357 = arith.addi %mul3A_2, %add3A_356 : i32
    %dma_start3A_358 = arith.constant 0 : i32
    %dma_start3A_359 = tpu.memref_slice %arg7[%add3A_357, %dma_start3A_358] : memref<16384x1152xf32, #tpu.memory_space<hbm>> -> memref<32x1152xf32, #tpu.memory_space<hbm>>
    %dma_start3A_360 = arith.constant 0 : i32
    %dma_start3A_361 = tpu.memref_slice %arg7[%add3A_357, %dma_start3A_360] : memref<16384x1152xf32, #tpu.memory_space<hbm>> -> memref<32x1152xf32, #tpu.memory_space<hbm>>
    tpu.enqueue_dma source(%arg11 : memref<32x1152xf32, #tpu.memory_space<vmem>>) target(%dma_start3A_361 : memref<32x1152xf32, #tpu.memory_space<hbm>>) target_semaphore(%arg15 : memref<!tpu.dma_semaphore, #tpu.memory_space<semaphore_mem>>)
    %dma_wait3A_362 = arith.constant 64 : i32
    %dma_wait3A_363 = tpu.memref_slice %arg9[%dma_wait3A_362] : memref<512xi32, #tpu.memory_space<vmem>> -> memref<32xi32, #tpu.memory_space<vmem>>
    %dma_wait3A_364 = arith.constant 0 : i32
    %dma_wait3A_365 = arith.constant 0 : i32
    %dma_wait3A_366 = tpu.memref_slice %arg3[%dma_wait3A_364, %dma_wait3A_365] : memref<4096x1152xf32, #tpu.memory_space<hbm>> -> memref<4096x1152xf32, #tpu.memory_space<hbm>>
    tpu.wait_indirect_dma semaphore(%arg12 : memref<!tpu.dma_semaphore, #tpu.memory_space<semaphore_mem>>) src(%dma_wait3A_366 : memref<4096x1152xf32, #tpu.memory_space<hbm>>) dst(%arg10 : memref<32x1152xf32, #tpu.memory_space<vmem>>)
    %dma_wait3A_367 = arith.constant 0 : i32
    %dma_wait3A_368 = tpu.memref_slice %arg7[%add3A_357, %dma_wait3A_367] : memref<16384x1152xf32, #tpu.memory_space<hbm>> -> memref<32x1152xf32, #tpu.memory_space<hbm>>
    %dma_wait3A_369 = arith.constant 0 : i32
    %dma_wait3A_370 = tpu.memref_slice %arg7[%add3A_357, %dma_wait3A_369] : memref<16384x1152xf32, #tpu.memory_space<hbm>> -> memref<32x1152xf32, #tpu.memory_space<hbm>>
    tpu.wait_dma2 semaphore(%arg15 : memref<!tpu.dma_semaphore, #tpu.memory_space<semaphore_mem>>) src(%arg11 : memref<32x1152xf32, #tpu.memory_space<vmem>>) dst(%dma_wait3A_370 : memref<32x1152xf32, #tpu.memory_space<hbm>>)
    %dma_start3A_371 = arith.constant 96 : i32
    %dma_start3A_372 = tpu.memref_slice %arg9[%dma_start3A_371] : memref<512xi32, #tpu.memory_space<vmem>> -> memref<32xi32, #tpu.memory_space<vmem>>
    %dma_start3A_373 = arith.constant 0 : i32
    %dma_start3A_374 = arith.constant 0 : i32
    %dma_start3A_375 = tpu.memref_slice %arg3[%dma_start3A_373, %dma_start3A_374] : memref<4096x1152xf32, #tpu.memory_space<hbm>> -> memref<4096x1152xf32, #tpu.memory_space<hbm>>
    tpu.enqueue_indirect_dma source(%dma_start3A_375 : memref<4096x1152xf32, #tpu.memory_space<hbm>>) target(%arg11 : memref<32x1152xf32, #tpu.memory_space<vmem>>) offsets(%dma_start3A_372 : memref<32xi32, #tpu.memory_space<vmem>>) semaphore(%arg13 : memref<!tpu.dma_semaphore, #tpu.memory_space<semaphore_mem>>)
    %add3A_376 = arith.constant 64 : i32
    %add3A_377 = arith.addi %mul3A_2, %add3A_376 : i32
    %dma_start3A_378 = arith.constant 0 : i32
    %dma_start3A_379 = tpu.memref_slice %arg7[%add3A_377, %dma_start3A_378] : memref<16384x1152xf32, #tpu.memory_space<hbm>> -> memref<32x1152xf32, #tpu.memory_space<hbm>>
    %dma_start3A_380 = arith.constant 0 : i32
    %dma_start3A_381 = tpu.memref_slice %arg7[%add3A_377, %dma_start3A_380] : memref<16384x1152xf32, #tpu.memory_space<hbm>> -> memref<32x1152xf32, #tpu.memory_space<hbm>>
    tpu.enqueue_dma source(%arg10 : memref<32x1152xf32, #tpu.memory_space<vmem>>) target(%dma_start3A_381 : memref<32x1152xf32, #tpu.memory_space<hbm>>) target_semaphore(%arg14 : memref<!tpu.dma_semaphore, #tpu.memory_space<semaphore_mem>>)
    %dma_wait3A_382 = arith.constant 96 : i32
    %dma_wait3A_383 = tpu.memref_slice %arg9[%dma_wait3A_382] : memref<512xi32, #tpu.memory_space<vmem>> -> memref<32xi32, #tpu.memory_space<vmem>>
    %dma_wait3A_384 = arith.constant 0 : i32
    %dma_wait3A_385 = arith.constant 0 : i32
    %dma_wait3A_386 = tpu.memref_slice %arg3[%dma_wait3A_384, %dma_wait3A_385] : memref<4096x1152xf32, #tpu.memory_space<hbm>> -> memref<4096x1152xf32, #tpu.memory_space<hbm>>
    tpu.wait_indirect_dma semaphore(%arg13 : memref<!tpu.dma_semaphore, #tpu.memory_space<semaphore_mem>>) src(%dma_wait3A_386 : memref<4096x1152xf32, #tpu.memory_space<hbm>>) dst(%arg11 : memref<32x1152xf32, #tpu.memory_space<vmem>>)
    %dma_wait3A_387 = arith.constant 0 : i32
    %dma_wait3A_388 = tpu.memref_slice %arg7[%add3A_377, %dma_wait3A_387] : memref<16384x1152xf32, #tpu.memory_space<hbm>> -> memref<32x1152xf32, #tpu.memory_space<hbm>>
    %dma_wait3A_389 = arith.constant 0 : i32
    %dma_wait3A_390 = tpu.memref_slice %arg7[%add3A_377, %dma_wait3A_389] : memref<16384x1152xf32, #tpu.memory_space<hbm>> -> memref<32x1152xf32, #tpu.memory_space<hbm>>
    tpu.wait_dma2 semaphore(%arg14 : memref<!tpu.dma_semaphore, #tpu.memory_space<semaphore_mem>>) src(%arg10 : memref<32x1152xf32, #tpu.memory_space<vmem>>) dst(%dma_wait3A_390 : memref<32x1152xf32, #tpu.memory_space<hbm>>)
    %dma_start3A_391 = arith.constant 128 : i32
    %dma_start3A_392 = tpu.memref_slice %arg9[%dma_start3A_391] : memref<512xi32, #tpu.memory_space<vmem>> -> memref<32xi32, #tpu.memory_space<vmem>>
    %dma_start3A_393 = arith.constant 0 : i32
    %dma_start3A_394 = arith.constant 0 : i32
    %dma_start3A_395 = tpu.memref_slice %arg3[%dma_start3A_393, %dma_start3A_394] : memref<4096x1152xf32, #tpu.memory_space<hbm>> -> memref<4096x1152xf32, #tpu.memory_space<hbm>>
    tpu.enqueue_indirect_dma source(%dma_start3A_395 : memref<4096x1152xf32, #tpu.memory_space<hbm>>) target(%arg10 : memref<32x1152xf32, #tpu.memory_space<vmem>>) offsets(%dma_start3A_392 : memref<32xi32, #tpu.memory_space<vmem>>) semaphore(%arg12 : memref<!tpu.dma_semaphore, #tpu.memory_space<semaphore_mem>>)
    %add3A_396 = arith.constant 96 : i32
    %add3A_397 = arith.addi %mul3A_2, %add3A_396 : i32
    %dma_start3A_398 = arith.constant 0 : i32
    %dma_start3A_399 = tpu.memref_slice %arg7[%add3A_397, %dma_start3A_398] : memref<16384x1152xf32, #tpu.memory_space<hbm>> -> memref<32x1152xf32, #tpu.memory_space<hbm>>
    %dma_start3A_400 = arith.constant 0 : i32
    %dma_start3A_401 = tpu.memref_slice %arg7[%add3A_397, %dma_start3A_400] : memref<16384x1152xf32, #tpu.memory_space<hbm>> -> memref<32x1152xf32, #tpu.memory_space<hbm>>
    tpu.enqueue_dma source(%arg11 : memref<32x1152xf32, #tpu.memory_space<vmem>>) target(%dma_start3A_401 : memref<32x1152xf32, #tpu.memory_space<hbm>>) target_semaphore(%arg15 : memref<!tpu.dma_semaphore, #tpu.memory_space<semaphore_mem>>)
    %dma_wait3A_402 = arith.constant 128 : i32
    %dma_wait3A_403 = tpu.memref_slice %arg9[%dma_wait3A_402] : memref<512xi32, #tpu.memory_space<vmem>> -> memref<32xi32, #tpu.memory_space<vmem>>
    %dma_wait3A_404 = arith.constant 0 : i32
    %dma_wait3A_405 = arith.constant 0 : i32
    %dma_wait3A_406 = tpu.memref_slice %arg3[%dma_wait3A_404, %dma_wait3A_405] : memref<4096x1152xf32, #tpu.memory_space<hbm>> -> memref<4096x1152xf32, #tpu.memory_space<hbm>>
    tpu.wait_indirect_dma semaphore(%arg12 : memref<!tpu.dma_semaphore, #tpu.memory_space<semaphore_mem>>) src(%dma_wait3A_406 : memref<4096x1152xf32, #tpu.memory_space<hbm>>) dst(%arg10 : memref<32x1152xf32, #tpu.memory_space<vmem>>)
    %dma_wait3A_407 = arith.constant 0 : i32
    %dma_wait3A_408 = tpu.memref_slice %arg7[%add3A_397, %dma_wait3A_407] : memref<16384x1152xf32, #tpu.memory_space<hbm>> -> memref<32x1152xf32, #tpu.memory_space<hbm>>
    %dma_wait3A_409 = arith.constant 0 : i32
    %dma_wait3A_410 = tpu.memref_slice %arg7[%add3A_397, %dma_wait3A_409] : memref<16384x1152xf32, #tpu.memory_space<hbm>> -> memref<32x1152xf32, #tpu.memory_space<hbm>>
    tpu.wait_dma2 semaphore(%arg15 : memref<!tpu.dma_semaphore, #tpu.memory_space<semaphore_mem>>) src(%arg11 : memref<32x1152xf32, #tpu.memory_space<vmem>>) dst(%dma_wait3A_410 : memref<32x1152xf32, #tpu.memory_space<hbm>>)
    %dma_start3A_411 = arith.constant 160 : i32
    %dma_start3A_412 = tpu.memref_slice %arg9[%dma_start3A_411] : memref<512xi32, #tpu.memory_space<vmem>> -> memref<32xi32, #tpu.memory_space<vmem>>
    %dma_start3A_413 = arith.constant 0 : i32
    %dma_start3A_414 = arith.constant 0 : i32
    %dma_start3A_415 = tpu.memref_slice %arg3[%dma_start3A_413, %dma_start3A_414] : memref<4096x1152xf32, #tpu.memory_space<hbm>> -> memref<4096x1152xf32, #tpu.memory_space<hbm>>
    tpu.enqueue_indirect_dma source(%dma_start3A_415 : memref<4096x1152xf32, #tpu.memory_space<hbm>>) target(%arg11 : memref<32x1152xf32, #tpu.memory_space<vmem>>) offsets(%dma_start3A_412 : memref<32xi32, #tpu.memory_space<vmem>>) semaphore(%arg13 : memref<!tpu.dma_semaphore, #tpu.memory_space<semaphore_mem>>)
    %add3A_416 = arith.constant 128 : i32
    %add3A_417 = arith.addi %mul3A_2, %add3A_416 : i32
    %dma_start3A_418 = arith.constant 0 : i32
    %dma_start3A_419 = tpu.memref_slice %arg7[%add3A_417, %dma_start3A_418] : memref<16384x1152xf32, #tpu.memory_space<hbm>> -> memref<32x1152xf32, #tpu.memory_space<hbm>>
    %dma_start3A_420 = arith.constant 0 : i32
    %dma_start3A_421 = tpu.memref_slice %arg7[%add3A_417, %dma_start3A_420] : memref<16384x1152xf32, #tpu.memory_space<hbm>> -> memref<32x1152xf32, #tpu.memory_space<hbm>>
    tpu.enqueue_dma source(%arg10 : memref<32x1152xf32, #tpu.memory_space<vmem>>) target(%dma_start3A_421 : memref<32x1152xf32, #tpu.memory_space<hbm>>) target_semaphore(%arg14 : memref<!tpu.dma_semaphore, #tpu.memory_space<semaphore_mem>>)
    %dma_wait3A_422 = arith.constant 160 : i32
    %dma_wait3A_423 = tpu.memref_slice %arg9[%dma_wait3A_422] : memref<512xi32, #tpu.memory_space<vmem>> -> memref<32xi32, #tpu.memory_space<vmem>>
    %dma_wait3A_424 = arith.constant 0 : i32
    %dma_wait3A_425 = arith.constant 0 : i32
    %dma_wait3A_426 = tpu.memref_slice %arg3[%dma_wait3A_424, %dma_wait3A_425] : memref<4096x1152xf32, #tpu.memory_space<hbm>> -> memref<4096x1152xf32, #tpu.memory_space<hbm>>
    tpu.wait_indirect_dma semaphore(%arg13 : memref<!tpu.dma_semaphore, #tpu.memory_space<semaphore_mem>>) src(%dma_wait3A_426 : memref<4096x1152xf32, #tpu.memory_space<hbm>>) dst(%arg11 : memref<32x1152xf32, #tpu.memory_space<vmem>>)
    %dma_wait3A_427 = arith.constant 0 : i32
    %dma_wait3A_428 = tpu.memref_slice %arg7[%add3A_417, %dma_wait3A_427] : memref<16384x1152xf32, #tpu.memory_space<hbm>> -> memref<32x1152xf32, #tpu.memory_space<hbm>>
    %dma_wait3A_429 = arith.constant 0 : i32
    %dma_wait3A_430 = tpu.memref_slice %arg7[%add3A_417, %dma_wait3A_429] : memref<16384x1152xf32, #tpu.memory_space<hbm>> -> memref<32x1152xf32, #tpu.memory_space<hbm>>
    tpu.wait_dma2 semaphore(%arg14 : memref<!tpu.dma_semaphore, #tpu.memory_space<semaphore_mem>>) src(%arg10 : memref<32x1152xf32, #tpu.memory_space<vmem>>) dst(%dma_wait3A_430 : memref<32x1152xf32, #tpu.memory_space<hbm>>)
    %dma_start3A_431 = arith.constant 192 : i32
    %dma_start3A_432 = tpu.memref_slice %arg9[%dma_start3A_431] : memref<512xi32, #tpu.memory_space<vmem>> -> memref<32xi32, #tpu.memory_space<vmem>>
    %dma_start3A_433 = arith.constant 0 : i32
    %dma_start3A_434 = arith.constant 0 : i32
    %dma_start3A_435 = tpu.memref_slice %arg3[%dma_start3A_433, %dma_start3A_434] : memref<4096x1152xf32, #tpu.memory_space<hbm>> -> memref<4096x1152xf32, #tpu.memory_space<hbm>>
    tpu.enqueue_indirect_dma source(%dma_start3A_435 : memref<4096x1152xf32, #tpu.memory_space<hbm>>) target(%arg10 : memref<32x1152xf32, #tpu.memory_space<vmem>>) offsets(%dma_start3A_432 : memref<32xi32, #tpu.memory_space<vmem>>) semaphore(%arg12 : memref<!tpu.dma_semaphore, #tpu.memory_space<semaphore_mem>>)
    %add3A_436 = arith.constant 160 : i32
    %add3A_437 = arith.addi %mul3A_2, %add3A_436 : i32
    %dma_start3A_438 = arith.constant 0 : i32
    %dma_start3A_439 = tpu.memref_slice %arg7[%add3A_437, %dma_start3A_438] : memref<16384x1152xf32, #tpu.memory_space<hbm>> -> memref<32x1152xf32, #tpu.memory_space<hbm>>
    %dma_start3A_440 = arith.constant 0 : i32
    %dma_start3A_441 = tpu.memref_slice %arg7[%add3A_437, %dma_start3A_440] : memref<16384x1152xf32, #tpu.memory_space<hbm>> -> memref<32x1152xf32, #tpu.memory_space<hbm>>
    tpu.enqueue_dma source(%arg11 : memref<32x1152xf32, #tpu.memory_space<vmem>>) target(%dma_start3A_441 : memref<32x1152xf32, #tpu.memory_space<hbm>>) target_semaphore(%arg15 : memref<!tpu.dma_semaphore, #tpu.memory_space<semaphore_mem>>)
    %dma_wait3A_442 = arith.constant 192 : i32
    %dma_wait3A_443 = tpu.memref_slice %arg9[%dma_wait3A_442] : memref<512xi32, #tpu.memory_space<vmem>> -> memref<32xi32, #tpu.memory_space<vmem>>
    %dma_wait3A_444 = arith.constant 0 : i32
    %dma_wait3A_445 = arith.constant 0 : i32
    %dma_wait3A_446 = tpu.memref_slice %arg3[%dma_wait3A_444, %dma_wait3A_445] : memref<4096x1152xf32, #tpu.memory_space<hbm>> -> memref<4096x1152xf32, #tpu.memory_space<hbm>>
    tpu.wait_indirect_dma semaphore(%arg12 : memref<!tpu.dma_semaphore, #tpu.memory_space<semaphore_mem>>) src(%dma_wait3A_446 : memref<4096x1152xf32, #tpu.memory_space<hbm>>) dst(%arg10 : memref<32x1152xf32, #tpu.memory_space<vmem>>)
    %dma_wait3A_447 = arith.constant 0 : i32
    %dma_wait3A_448 = tpu.memref_slice %arg7[%add3A_437, %dma_wait3A_447] : memref<16384x1152xf32, #tpu.memory_space<hbm>> -> memref<32x1152xf32, #tpu.memory_space<hbm>>
    %dma_wait3A_449 = arith.constant 0 : i32
    %dma_wait3A_450 = tpu.memref_slice %arg7[%add3A_437, %dma_wait3A_449] : memref<16384x1152xf32, #tpu.memory_space<hbm>> -> memref<32x1152xf32, #tpu.memory_space<hbm>>
    tpu.wait_dma2 semaphore(%arg15 : memref<!tpu.dma_semaphore, #tpu.memory_space<semaphore_mem>>) src(%arg11 : memref<32x1152xf32, #tpu.memory_space<vmem>>) dst(%dma_wait3A_450 : memref<32x1152xf32, #tpu.memory_space<hbm>>)
    %dma_start3A_451 = arith.constant 224 : i32
    %dma_start3A_452 = tpu.memref_slice %arg9[%dma_start3A_451] : memref<512xi32, #tpu.memory_space<vmem>> -> memref<32xi32, #tpu.memory_space<vmem>>
    %dma_start3A_453 = arith.constant 0 : i32
    %dma_start3A_454 = arith.constant 0 : i32
    %dma_start3A_455 = tpu.memref_slice %arg3[%dma_start3A_453, %dma_start3A_454] : memref<4096x1152xf32, #tpu.memory_space<hbm>> -> memref<4096x1152xf32, #tpu.memory_space<hbm>>
    tpu.enqueue_indirect_dma source(%dma_start3A_455 : memref<4096x1152xf32, #tpu.memory_space<hbm>>) target(%arg11 : memref<32x1152xf32, #tpu.memory_space<vmem>>) offsets(%dma_start3A_452 : memref<32xi32, #tpu.memory_space<vmem>>) semaphore(%arg13 : memref<!tpu.dma_semaphore, #tpu.memory_space<semaphore_mem>>)
    %add3A_456 = arith.constant 192 : i32
    %add3A_457 = arith.addi %mul3A_2, %add3A_456 : i32
    %dma_start3A_458 = arith.constant 0 : i32
    %dma_start3A_459 = tpu.memref_slice %arg7[%add3A_457, %dma_start3A_458] : memref<16384x1152xf32, #tpu.memory_space<hbm>> -> memref<32x1152xf32, #tpu.memory_space<hbm>>
    %dma_start3A_460 = arith.constant 0 : i32
    %dma_start3A_461 = tpu.memref_slice %arg7[%add3A_457, %dma_start3A_460] : memref<16384x1152xf32, #tpu.memory_space<hbm>> -> memref<32x1152xf32, #tpu.memory_space<hbm>>
    tpu.enqueue_dma source(%arg10 : memref<32x1152xf32, #tpu.memory_space<vmem>>) target(%dma_start3A_461 : memref<32x1152xf32, #tpu.memory_space<hbm>>) target_semaphore(%arg14 : memref<!tpu.dma_semaphore, #tpu.memory_space<semaphore_mem>>)
    %dma_wait3A_462 = arith.constant 224 : i32
    %dma_wait3A_463 = tpu.memref_slice %arg9[%dma_wait3A_462] : memref<512xi32, #tpu.memory_space<vmem>> -> memref<32xi32, #tpu.memory_space<vmem>>
    %dma_wait3A_464 = arith.constant 0 : i32
    %dma_wait3A_465 = arith.constant 0 : i32
    %dma_wait3A_466 = tpu.memref_slice %arg3[%dma_wait3A_464, %dma_wait3A_465] : memref<4096x1152xf32, #tpu.memory_space<hbm>> -> memref<4096x1152xf32, #tpu.memory_space<hbm>>
    tpu.wait_indirect_dma semaphore(%arg13 : memref<!tpu.dma_semaphore, #tpu.memory_space<semaphore_mem>>) src(%dma_wait3A_466 : memref<4096x1152xf32, #tpu.memory_space<hbm>>) dst(%arg11 : memref<32x1152xf32, #tpu.memory_space<vmem>>)
    %dma_wait3A_467 = arith.constant 0 : i32
    %dma_wait3A_468 = tpu.memref_slice %arg7[%add3A_457, %dma_wait3A_467] : memref<16384x1152xf32, #tpu.memory_space<hbm>> -> memref<32x1152xf32, #tpu.memory_space<hbm>>
    %dma_wait3A_469 = arith.constant 0 : i32
    %dma_wait3A_470 = tpu.memref_slice %arg7[%add3A_457, %dma_wait3A_469] : memref<16384x1152xf32, #tpu.memory_space<hbm>> -> memref<32x1152xf32, #tpu.memory_space<hbm>>
    tpu.wait_dma2 semaphore(%arg14 : memref<!tpu.dma_semaphore, #tpu.memory_space<semaphore_mem>>) src(%arg10 : memref<32x1152xf32, #tpu.memory_space<vmem>>) dst(%dma_wait3A_470 : memref<32x1152xf32, #tpu.memory_space<hbm>>)
    %dma_start3A_471 = arith.constant 256 : i32
    %dma_start3A_472 = tpu.memref_slice %arg9[%dma_start3A_471] : memref<512xi32, #tpu.memory_space<vmem>> -> memref<32xi32, #tpu.memory_space<vmem>>
    %dma_start3A_473 = arith.constant 0 : i32
    %dma_start3A_474 = arith.constant 0 : i32
    %dma_start3A_475 = tpu.memref_slice %arg3[%dma_start3A_473, %dma_start3A_474] : memref<4096x1152xf32, #tpu.memory_space<hbm>> -> memref<4096x1152xf32, #tpu.memory_space<hbm>>
    tpu.enqueue_indirect_dma source(%dma_start3A_475 : memref<4096x1152xf32, #tpu.memory_space<hbm>>) target(%arg10 : memref<32x1152xf32, #tpu.memory_space<vmem>>) offsets(%dma_start3A_472 : memref<32xi32, #tpu.memory_space<vmem>>) semaphore(%arg12 : memref<!tpu.dma_semaphore, #tpu.memory_space<semaphore_mem>>)
    %add3A_476 = arith.constant 224 : i32
    %add3A_477 = arith.addi %mul3A_2, %add3A_476 : i32
    %dma_start3A_478 = arith.constant 0 : i32
    %dma_start3A_479 = tpu.memref_slice %arg7[%add3A_477, %dma_start3A_478] : memref<16384x1152xf32, #tpu.memory_space<hbm>> -> memref<32x1152xf32, #tpu.memory_space<hbm>>
    %dma_start3A_480 = arith.constant 0 : i32
    %dma_start3A_481 = tpu.memref_slice %arg7[%add3A_477, %dma_start3A_480] : memref<16384x1152xf32, #tpu.memory_space<hbm>> -> memref<32x1152xf32, #tpu.memory_space<hbm>>
    tpu.enqueue_dma source(%arg11 : memref<32x1152xf32, #tpu.memory_space<vmem>>) target(%dma_start3A_481 : memref<32x1152xf32, #tpu.memory_space<hbm>>) target_semaphore(%arg15 : memref<!tpu.dma_semaphore, #tpu.memory_space<semaphore_mem>>)
    %dma_wait3A_482 = arith.constant 256 : i32
    %dma_wait3A_483 = tpu.memref_slice %arg9[%dma_wait3A_482] : memref<512xi32, #tpu.memory_space<vmem>> -> memref<32xi32, #tpu.memory_space<vmem>>
    %dma_wait3A_484 = arith.constant 0 : i32
    %dma_wait3A_485 = arith.constant 0 : i32
    %dma_wait3A_486 = tpu.memref_slice %arg3[%dma_wait3A_484, %dma_wait3A_485] : memref<4096x1152xf32, #tpu.memory_space<hbm>> -> memref<4096x1152xf32, #tpu.memory_space<hbm>>
    tpu.wait_indirect_dma semaphore(%arg12 : memref<!tpu.dma_semaphore, #tpu.memory_space<semaphore_mem>>) src(%dma_wait3A_486 : memref<4096x1152xf32, #tpu.memory_space<hbm>>) dst(%arg10 : memref<32x1152xf32, #tpu.memory_space<vmem>>)
    %dma_wait3A_487 = arith.constant 0 : i32
    %dma_wait3A_488 = tpu.memref_slice %arg7[%add3A_477, %dma_wait3A_487] : memref<16384x1152xf32, #tpu.memory_space<hbm>> -> memref<32x1152xf32, #tpu.memory_space<hbm>>
    %dma_wait3A_489 = arith.constant 0 : i32
    %dma_wait3A_490 = tpu.memref_slice %arg7[%add3A_477, %dma_wait3A_489] : memref<16384x1152xf32, #tpu.memory_space<hbm>> -> memref<32x1152xf32, #tpu.memory_space<hbm>>
    tpu.wait_dma2 semaphore(%arg15 : memref<!tpu.dma_semaphore, #tpu.memory_space<semaphore_mem>>) src(%arg11 : memref<32x1152xf32, #tpu.memory_space<vmem>>) dst(%dma_wait3A_490 : memref<32x1152xf32, #tpu.memory_space<hbm>>)
    %dma_start3A_491 = arith.constant 288 : i32
    %dma_start3A_492 = tpu.memref_slice %arg9[%dma_start3A_491] : memref<512xi32, #tpu.memory_space<vmem>> -> memref<32xi32, #tpu.memory_space<vmem>>
    %dma_start3A_493 = arith.constant 0 : i32
    %dma_start3A_494 = arith.constant 0 : i32
    %dma_start3A_495 = tpu.memref_slice %arg3[%dma_start3A_493, %dma_start3A_494] : memref<4096x1152xf32, #tpu.memory_space<hbm>> -> memref<4096x1152xf32, #tpu.memory_space<hbm>>
    tpu.enqueue_indirect_dma source(%dma_start3A_495 : memref<4096x1152xf32, #tpu.memory_space<hbm>>) target(%arg11 : memref<32x1152xf32, #tpu.memory_space<vmem>>) offsets(%dma_start3A_492 : memref<32xi32, #tpu.memory_space<vmem>>) semaphore(%arg13 : memref<!tpu.dma_semaphore, #tpu.memory_space<semaphore_mem>>)
    %add3A_496 = arith.constant 256 : i32
    %add3A_497 = arith.addi %mul3A_2, %add3A_496 : i32
    %dma_start3A_498 = arith.constant 0 : i32
    %dma_start3A_499 = tpu.memref_slice %arg7[%add3A_497, %dma_start3A_498] : memref<16384x1152xf32, #tpu.memory_space<hbm>> -> memref<32x1152xf32, #tpu.memory_space<hbm>>
    %dma_start3A_500 = arith.constant 0 : i32
    %dma_start3A_501 = tpu.memref_slice %arg7[%add3A_497, %dma_start3A_500] : memref<16384x1152xf32, #tpu.memory_space<hbm>> -> memref<32x1152xf32, #tpu.memory_space<hbm>>
    tpu.enqueue_dma source(%arg10 : memref<32x1152xf32, #tpu.memory_space<vmem>>) target(%dma_start3A_501 : memref<32x1152xf32, #tpu.memory_space<hbm>>) target_semaphore(%arg14 : memref<!tpu.dma_semaphore, #tpu.memory_space<semaphore_mem>>)
    %dma_wait3A_502 = arith.constant 288 : i32
    %dma_wait3A_503 = tpu.memref_slice %arg9[%dma_wait3A_502] : memref<512xi32, #tpu.memory_space<vmem>> -> memref<32xi32, #tpu.memory_space<vmem>>
    %dma_wait3A_504 = arith.constant 0 : i32
    %dma_wait3A_505 = arith.constant 0 : i32
    %dma_wait3A_506 = tpu.memref_slice %arg3[%dma_wait3A_504, %dma_wait3A_505] : memref<4096x1152xf32, #tpu.memory_space<hbm>> -> memref<4096x1152xf32, #tpu.memory_space<hbm>>
    tpu.wait_indirect_dma semaphore(%arg13 : memref<!tpu.dma_semaphore, #tpu.memory_space<semaphore_mem>>) src(%dma_wait3A_506 : memref<4096x1152xf32, #tpu.memory_space<hbm>>) dst(%arg11 : memref<32x1152xf32, #tpu.memory_space<vmem>>)
    %dma_wait3A_507 = arith.constant 0 : i32
    %dma_wait3A_508 = tpu.memref_slice %arg7[%add3A_497, %dma_wait3A_507] : memref<16384x1152xf32, #tpu.memory_space<hbm>> -> memref<32x1152xf32, #tpu.memory_space<hbm>>
    %dma_wait3A_509 = arith.constant 0 : i32
    %dma_wait3A_510 = tpu.memref_slice %arg7[%add3A_497, %dma_wait3A_509] : memref<16384x1152xf32, #tpu.memory_space<hbm>> -> memref<32x1152xf32, #tpu.memory_space<hbm>>
    tpu.wait_dma2 semaphore(%arg14 : memref<!tpu.dma_semaphore, #tpu.memory_space<semaphore_mem>>) src(%arg10 : memref<32x1152xf32, #tpu.memory_space<vmem>>) dst(%dma_wait3A_510 : memref<32x1152xf32, #tpu.memory_space<hbm>>)
    %dma_start3A_511 = arith.constant 320 : i32
    %dma_start3A_512 = tpu.memref_slice %arg9[%dma_start3A_511] : memref<512xi32, #tpu.memory_space<vmem>> -> memref<32xi32, #tpu.memory_space<vmem>>
    %dma_start3A_513 = arith.constant 0 : i32
    %dma_start3A_514 = arith.constant 0 : i32
    %dma_start3A_515 = tpu.memref_slice %arg3[%dma_start3A_513, %dma_start3A_514] : memref<4096x1152xf32, #tpu.memory_space<hbm>> -> memref<4096x1152xf32, #tpu.memory_space<hbm>>
    tpu.enqueue_indirect_dma source(%dma_start3A_515 : memref<4096x1152xf32, #tpu.memory_space<hbm>>) target(%arg10 : memref<32x1152xf32, #tpu.memory_space<vmem>>) offsets(%dma_start3A_512 : memref<32xi32, #tpu.memory_space<vmem>>) semaphore(%arg12 : memref<!tpu.dma_semaphore, #tpu.memory_space<semaphore_mem>>)
    %add3A_516 = arith.constant 288 : i32
    %add3A_517 = arith.addi %mul3A_2, %add3A_516 : i32
    %dma_start3A_518 = arith.constant 0 : i32
    %dma_start3A_519 = tpu.memref_slice %arg7[%add3A_517, %dma_start3A_518] : memref<16384x1152xf32, #tpu.memory_space<hbm>> -> memref<32x1152xf32, #tpu.memory_space<hbm>>
    %dma_start3A_520 = arith.constant 0 : i32
    %dma_start3A_521 = tpu.memref_slice %arg7[%add3A_517, %dma_start3A_520] : memref<16384x1152xf32, #tpu.memory_space<hbm>> -> memref<32x1152xf32, #tpu.memory_space<hbm>>
    tpu.enqueue_dma source(%arg11 : memref<32x1152xf32, #tpu.memory_space<vmem>>) target(%dma_start3A_521 : memref<32x1152xf32, #tpu.memory_space<hbm>>) target_semaphore(%arg15 : memref<!tpu.dma_semaphore, #tpu.memory_space<semaphore_mem>>)
    %dma_wait3A_522 = arith.constant 320 : i32
    %dma_wait3A_523 = tpu.memref_slice %arg9[%dma_wait3A_522] : memref<512xi32, #tpu.memory_space<vmem>> -> memref<32xi32, #tpu.memory_space<vmem>>
    %dma_wait3A_524 = arith.constant 0 : i32
    %dma_wait3A_525 = arith.constant 0 : i32
    %dma_wait3A_526 = tpu.memref_slice %arg3[%dma_wait3A_524, %dma_wait3A_525] : memref<4096x1152xf32, #tpu.memory_space<hbm>> -> memref<4096x1152xf32, #tpu.memory_space<hbm>>
    tpu.wait_indirect_dma semaphore(%arg12 : memref<!tpu.dma_semaphore, #tpu.memory_space<semaphore_mem>>) src(%dma_wait3A_526 : memref<4096x1152xf32, #tpu.memory_space<hbm>>) dst(%arg10 : memref<32x1152xf32, #tpu.memory_space<vmem>>)
    %dma_wait3A_527 = arith.constant 0 : i32
    %dma_wait3A_528 = tpu.memref_slice %arg7[%add3A_517, %dma_wait3A_527] : memref<16384x1152xf32, #tpu.memory_space<hbm>> -> memref<32x1152xf32, #tpu.memory_space<hbm>>
    %dma_wait3A_529 = arith.constant 0 : i32
    %dma_wait3A_530 = tpu.memref_slice %arg7[%add3A_517, %dma_wait3A_529] : memref<16384x1152xf32, #tpu.memory_space<hbm>> -> memref<32x1152xf32, #tpu.memory_space<hbm>>
    tpu.wait_dma2 semaphore(%arg15 : memref<!tpu.dma_semaphore, #tpu.memory_space<semaphore_mem>>) src(%arg11 : memref<32x1152xf32, #tpu.memory_space<vmem>>) dst(%dma_wait3A_530 : memref<32x1152xf32, #tpu.memory_space<hbm>>)
    %dma_start3A_531 = arith.constant 352 : i32
    %dma_start3A_532 = tpu.memref_slice %arg9[%dma_start3A_531] : memref<512xi32, #tpu.memory_space<vmem>> -> memref<32xi32, #tpu.memory_space<vmem>>
    %dma_start3A_533 = arith.constant 0 : i32
    %dma_start3A_534 = arith.constant 0 : i32
    %dma_start3A_535 = tpu.memref_slice %arg3[%dma_start3A_533, %dma_start3A_534] : memref<4096x1152xf32, #tpu.memory_space<hbm>> -> memref<4096x1152xf32, #tpu.memory_space<hbm>>
    tpu.enqueue_indirect_dma source(%dma_start3A_535 : memref<4096x1152xf32, #tpu.memory_space<hbm>>) target(%arg11 : memref<32x1152xf32, #tpu.memory_space<vmem>>) offsets(%dma_start3A_532 : memref<32xi32, #tpu.memory_space<vmem>>) semaphore(%arg13 : memref<!tpu.dma_semaphore, #tpu.memory_space<semaphore_mem>>)
    %add3A_536 = arith.constant 320 : i32
    %add3A_537 = arith.addi %mul3A_2, %add3A_536 : i32
    %dma_start3A_538 = arith.constant 0 : i32
    %dma_start3A_539 = tpu.memref_slice %arg7[%add3A_537, %dma_start3A_538] : memref<16384x1152xf32, #tpu.memory_space<hbm>> -> memref<32x1152xf32, #tpu.memory_space<hbm>>
    %dma_start3A_540 = arith.constant 0 : i32
    %dma_start3A_541 = tpu.memref_slice %arg7[%add3A_537, %dma_start3A_540] : memref<16384x1152xf32, #tpu.memory_space<hbm>> -> memref<32x1152xf32, #tpu.memory_space<hbm>>
    tpu.enqueue_dma source(%arg10 : memref<32x1152xf32, #tpu.memory_space<vmem>>) target(%dma_start3A_541 : memref<32x1152xf32, #tpu.memory_space<hbm>>) target_semaphore(%arg14 : memref<!tpu.dma_semaphore, #tpu.memory_space<semaphore_mem>>)
    %dma_wait3A_542 = arith.constant 352 : i32
    %dma_wait3A_543 = tpu.memref_slice %arg9[%dma_wait3A_542] : memref<512xi32, #tpu.memory_space<vmem>> -> memref<32xi32, #tpu.memory_space<vmem>>
    %dma_wait3A_544 = arith.constant 0 : i32
    %dma_wait3A_545 = arith.constant 0 : i32
    %dma_wait3A_546 = tpu.memref_slice %arg3[%dma_wait3A_544, %dma_wait3A_545] : memref<4096x1152xf32, #tpu.memory_space<hbm>> -> memref<4096x1152xf32, #tpu.memory_space<hbm>>
    tpu.wait_indirect_dma semaphore(%arg13 : memref<!tpu.dma_semaphore, #tpu.memory_space<semaphore_mem>>) src(%dma_wait3A_546 : memref<4096x1152xf32, #tpu.memory_space<hbm>>) dst(%arg11 : memref<32x1152xf32, #tpu.memory_space<vmem>>)
    %dma_wait3A_547 = arith.constant 0 : i32
    %dma_wait3A_548 = tpu.memref_slice %arg7[%add3A_537, %dma_wait3A_547] : memref<16384x1152xf32, #tpu.memory_space<hbm>> -> memref<32x1152xf32, #tpu.memory_space<hbm>>
    %dma_wait3A_549 = arith.constant 0 : i32
    %dma_wait3A_550 = tpu.memref_slice %arg7[%add3A_537, %dma_wait3A_549] : memref<16384x1152xf32, #tpu.memory_space<hbm>> -> memref<32x1152xf32, #tpu.memory_space<hbm>>
    tpu.wait_dma2 semaphore(%arg14 : memref<!tpu.dma_semaphore, #tpu.memory_space<semaphore_mem>>) src(%arg10 : memref<32x1152xf32, #tpu.memory_space<vmem>>) dst(%dma_wait3A_550 : memref<32x1152xf32, #tpu.memory_space<hbm>>)
    %dma_start3A_551 = arith.constant 384 : i32
    %dma_start3A_552 = tpu.memref_slice %arg9[%dma_start3A_551] : memref<512xi32, #tpu.memory_space<vmem>> -> memref<32xi32, #tpu.memory_space<vmem>>
    %dma_start3A_553 = arith.constant 0 : i32
    %dma_start3A_554 = arith.constant 0 : i32
    %dma_start3A_555 = tpu.memref_slice %arg3[%dma_start3A_553, %dma_start3A_554] : memref<4096x1152xf32, #tpu.memory_space<hbm>> -> memref<4096x1152xf32, #tpu.memory_space<hbm>>
    tpu.enqueue_indirect_dma source(%dma_start3A_555 : memref<4096x1152xf32, #tpu.memory_space<hbm>>) target(%arg10 : memref<32x1152xf32, #tpu.memory_space<vmem>>) offsets(%dma_start3A_552 : memref<32xi32, #tpu.memory_space<vmem>>) semaphore(%arg12 : memref<!tpu.dma_semaphore, #tpu.memory_space<semaphore_mem>>)
    %add3A_556 = arith.constant 352 : i32
    %add3A_557 = arith.addi %mul3A_2, %add3A_556 : i32
    %dma_start3A_558 = arith.constant 0 : i32
    %dma_start3A_559 = tpu.memref_slice %arg7[%add3A_557, %dma_start3A_558] : memref<16384x1152xf32, #tpu.memory_space<hbm>> -> memref<32x1152xf32, #tpu.memory_space<hbm>>
    %dma_start3A_560 = arith.constant 0 : i32
    %dma_start3A_561 = tpu.memref_slice %arg7[%add3A_557, %dma_start3A_560] : memref<16384x1152xf32, #tpu.memory_space<hbm>> -> memref<32x1152xf32, #tpu.memory_space<hbm>>
    tpu.enqueue_dma source(%arg11 : memref<32x1152xf32, #tpu.memory_space<vmem>>) target(%dma_start3A_561 : memref<32x1152xf32, #tpu.memory_space<hbm>>) target_semaphore(%arg15 : memref<!tpu.dma_semaphore, #tpu.memory_space<semaphore_mem>>)
    %dma_wait3A_562 = arith.constant 384 : i32
    %dma_wait3A_563 = tpu.memref_slice %arg9[%dma_wait3A_562] : memref<512xi32, #tpu.memory_space<vmem>> -> memref<32xi32, #tpu.memory_space<vmem>>
    %dma_wait3A_564 = arith.constant 0 : i32
    %dma_wait3A_565 = arith.constant 0 : i32
    %dma_wait3A_566 = tpu.memref_slice %arg3[%dma_wait3A_564, %dma_wait3A_565] : memref<4096x1152xf32, #tpu.memory_space<hbm>> -> memref<4096x1152xf32, #tpu.memory_space<hbm>>
    tpu.wait_indirect_dma semaphore(%arg12 : memref<!tpu.dma_semaphore, #tpu.memory_space<semaphore_mem>>) src(%dma_wait3A_566 : memref<4096x1152xf32, #tpu.memory_space<hbm>>) dst(%arg10 : memref<32x1152xf32, #tpu.memory_space<vmem>>)
    %dma_wait3A_567 = arith.constant 0 : i32
    %dma_wait3A_568 = tpu.memref_slice %arg7[%add3A_557, %dma_wait3A_567] : memref<16384x1152xf32, #tpu.memory_space<hbm>> -> memref<32x1152xf32, #tpu.memory_space<hbm>>
    %dma_wait3A_569 = arith.constant 0 : i32
    %dma_wait3A_570 = tpu.memref_slice %arg7[%add3A_557, %dma_wait3A_569] : memref<16384x1152xf32, #tpu.memory_space<hbm>> -> memref<32x1152xf32, #tpu.memory_space<hbm>>
    tpu.wait_dma2 semaphore(%arg15 : memref<!tpu.dma_semaphore, #tpu.memory_space<semaphore_mem>>) src(%arg11 : memref<32x1152xf32, #tpu.memory_space<vmem>>) dst(%dma_wait3A_570 : memref<32x1152xf32, #tpu.memory_space<hbm>>)
    %dma_start3A_571 = arith.constant 416 : i32
    %dma_start3A_572 = tpu.memref_slice %arg9[%dma_start3A_571] : memref<512xi32, #tpu.memory_space<vmem>> -> memref<32xi32, #tpu.memory_space<vmem>>
    %dma_start3A_573 = arith.constant 0 : i32
    %dma_start3A_574 = arith.constant 0 : i32
    %dma_start3A_575 = tpu.memref_slice %arg3[%dma_start3A_573, %dma_start3A_574] : memref<4096x1152xf32, #tpu.memory_space<hbm>> -> memref<4096x1152xf32, #tpu.memory_space<hbm>>
    tpu.enqueue_indirect_dma source(%dma_start3A_575 : memref<4096x1152xf32, #tpu.memory_space<hbm>>) target(%arg11 : memref<32x1152xf32, #tpu.memory_space<vmem>>) offsets(%dma_start3A_572 : memref<32xi32, #tpu.memory_space<vmem>>) semaphore(%arg13 : memref<!tpu.dma_semaphore, #tpu.memory_space<semaphore_mem>>)
    %add3A_576 = arith.constant 384 : i32
    %add3A_577 = arith.addi %mul3A_2, %add3A_576 : i32
    %dma_start3A_578 = arith.constant 0 : i32
    %dma_start3A_579 = tpu.memref_slice %arg7[%add3A_577, %dma_start3A_578] : memref<16384x1152xf32, #tpu.memory_space<hbm>> -> memref<32x1152xf32, #tpu.memory_space<hbm>>
    %dma_start3A_580 = arith.constant 0 : i32
    %dma_start3A_581 = tpu.memref_slice %arg7[%add3A_577, %dma_start3A_580] : memref<16384x1152xf32, #tpu.memory_space<hbm>> -> memref<32x1152xf32, #tpu.memory_space<hbm>>
    tpu.enqueue_dma source(%arg10 : memref<32x1152xf32, #tpu.memory_space<vmem>>) target(%dma_start3A_581 : memref<32x1152xf32, #tpu.memory_space<hbm>>) target_semaphore(%arg14 : memref<!tpu.dma_semaphore, #tpu.memory_space<semaphore_mem>>)
    %dma_wait3A_582 = arith.constant 416 : i32
    %dma_wait3A_583 = tpu.memref_slice %arg9[%dma_wait3A_582] : memref<512xi32, #tpu.memory_space<vmem>> -> memref<32xi32, #tpu.memory_space<vmem>>
    %dma_wait3A_584 = arith.constant 0 : i32
    %dma_wait3A_585 = arith.constant 0 : i32
    %dma_wait3A_586 = tpu.memref_slice %arg3[%dma_wait3A_584, %dma_wait3A_585] : memref<4096x1152xf32, #tpu.memory_space<hbm>> -> memref<4096x1152xf32, #tpu.memory_space<hbm>>
    tpu.wait_indirect_dma semaphore(%arg13 : memref<!tpu.dma_semaphore, #tpu.memory_space<semaphore_mem>>) src(%dma_wait3A_586 : memref<4096x1152xf32, #tpu.memory_space<hbm>>) dst(%arg11 : memref<32x1152xf32, #tpu.memory_space<vmem>>)
    %dma_wait3A_587 = arith.constant 0 : i32
    %dma_wait3A_588 = tpu.memref_slice %arg7[%add3A_577, %dma_wait3A_587] : memref<16384x1152xf32, #tpu.memory_space<hbm>> -> memref<32x1152xf32, #tpu.memory_space<hbm>>
    %dma_wait3A_589 = arith.constant 0 : i32
    %dma_wait3A_590 = tpu.memref_slice %arg7[%add3A_577, %dma_wait3A_589] : memref<16384x1152xf32, #tpu.memory_space<hbm>> -> memref<32x1152xf32, #tpu.memory_space<hbm>>
    tpu.wait_dma2 semaphore(%arg14 : memref<!tpu.dma_semaphore, #tpu.memory_space<semaphore_mem>>) src(%arg10 : memref<32x1152xf32, #tpu.memory_space<vmem>>) dst(%dma_wait3A_590 : memref<32x1152xf32, #tpu.memory_space<hbm>>)
    %dma_start3A_591 = arith.constant 448 : i32
    %dma_start3A_592 = tpu.memref_slice %arg9[%dma_start3A_591] : memref<512xi32, #tpu.memory_space<vmem>> -> memref<32xi32, #tpu.memory_space<vmem>>
    %dma_start3A_593 = arith.constant 0 : i32
    %dma_start3A_594 = arith.constant 0 : i32
    %dma_start3A_595 = tpu.memref_slice %arg3[%dma_start3A_593, %dma_start3A_594] : memref<4096x1152xf32, #tpu.memory_space<hbm>> -> memref<4096x1152xf32, #tpu.memory_space<hbm>>
    tpu.enqueue_indirect_dma source(%dma_start3A_595 : memref<4096x1152xf32, #tpu.memory_space<hbm>>) target(%arg10 : memref<32x1152xf32, #tpu.memory_space<vmem>>) offsets(%dma_start3A_592 : memref<32xi32, #tpu.memory_space<vmem>>) semaphore(%arg12 : memref<!tpu.dma_semaphore, #tpu.memory_space<semaphore_mem>>)
    %add3A_596 = arith.constant 416 : i32
    %add3A_597 = arith.addi %mul3A_2, %add3A_596 : i32
    %dma_start3A_598 = arith.constant 0 : i32
    %dma_start3A_599 = tpu.memref_slice %arg7[%add3A_597, %dma_start3A_598] : memref<16384x1152xf32, #tpu.memory_space<hbm>> -> memref<32x1152xf32, #tpu.memory_space<hbm>>
    %dma_start3A_600 = arith.constant 0 : i32
    %dma_start3A_601 = tpu.memref_slice %arg7[%add3A_597, %dma_start3A_600] : memref<16384x1152xf32, #tpu.memory_space<hbm>> -> memref<32x1152xf32, #tpu.memory_space<hbm>>
    tpu.enqueue_dma source(%arg11 : memref<32x1152xf32, #tpu.memory_space<vmem>>) target(%dma_start3A_601 : memref<32x1152xf32, #tpu.memory_space<hbm>>) target_semaphore(%arg15 : memref<!tpu.dma_semaphore, #tpu.memory_space<semaphore_mem>>)
    %dma_wait3A_602 = arith.constant 448 : i32
    %dma_wait3A_603 = tpu.memref_slice %arg9[%dma_wait3A_602] : memref<512xi32, #tpu.memory_space<vmem>> -> memref<32xi32, #tpu.memory_space<vmem>>
    %dma_wait3A_604 = arith.constant 0 : i32
    %dma_wait3A_605 = arith.constant 0 : i32
    %dma_wait3A_606 = tpu.memref_slice %arg3[%dma_wait3A_604, %dma_wait3A_605] : memref<4096x1152xf32, #tpu.memory_space<hbm>> -> memref<4096x1152xf32, #tpu.memory_space<hbm>>
    tpu.wait_indirect_dma semaphore(%arg12 : memref<!tpu.dma_semaphore, #tpu.memory_space<semaphore_mem>>) src(%dma_wait3A_606 : memref<4096x1152xf32, #tpu.memory_space<hbm>>) dst(%arg10 : memref<32x1152xf32, #tpu.memory_space<vmem>>)
    %dma_wait3A_607 = arith.constant 0 : i32
    %dma_wait3A_608 = tpu.memref_slice %arg7[%add3A_597, %dma_wait3A_607] : memref<16384x1152xf32, #tpu.memory_space<hbm>> -> memref<32x1152xf32, #tpu.memory_space<hbm>>
    %dma_wait3A_609 = arith.constant 0 : i32
    %dma_wait3A_610 = tpu.memref_slice %arg7[%add3A_597, %dma_wait3A_609] : memref<16384x1152xf32, #tpu.memory_space<hbm>> -> memref<32x1152xf32, #tpu.memory_space<hbm>>
    tpu.wait_dma2 semaphore(%arg15 : memref<!tpu.dma_semaphore, #tpu.memory_space<semaphore_mem>>) src(%arg11 : memref<32x1152xf32, #tpu.memory_space<vmem>>) dst(%dma_wait3A_610 : memref<32x1152xf32, #tpu.memory_space<hbm>>)
    %dma_start3A_611 = arith.constant 480 : i32
    %dma_start3A_612 = tpu.memref_slice %arg9[%dma_start3A_611] : memref<512xi32, #tpu.memory_space<vmem>> -> memref<32xi32, #tpu.memory_space<vmem>>
    %dma_start3A_613 = arith.constant 0 : i32
    %dma_start3A_614 = arith.constant 0 : i32
    %dma_start3A_615 = tpu.memref_slice %arg3[%dma_start3A_613, %dma_start3A_614] : memref<4096x1152xf32, #tpu.memory_space<hbm>> -> memref<4096x1152xf32, #tpu.memory_space<hbm>>
    tpu.enqueue_indirect_dma source(%dma_start3A_615 : memref<4096x1152xf32, #tpu.memory_space<hbm>>) target(%arg11 : memref<32x1152xf32, #tpu.memory_space<vmem>>) offsets(%dma_start3A_612 : memref<32xi32, #tpu.memory_space<vmem>>) semaphore(%arg13 : memref<!tpu.dma_semaphore, #tpu.memory_space<semaphore_mem>>)
    %add3A_616 = arith.constant 448 : i32
    %add3A_617 = arith.addi %mul3A_2, %add3A_616 : i32
    %dma_start3A_618 = arith.constant 0 : i32
    %dma_start3A_619 = tpu.memref_slice %arg7[%add3A_617, %dma_start3A_618] : memref<16384x1152xf32, #tpu.memory_space<hbm>> -> memref<32x1152xf32, #tpu.memory_space<hbm>>
    %dma_start3A_620 = arith.constant 0 : i32
    %dma_start3A_621 = tpu.memref_slice %arg7[%add3A_617, %dma_start3A_620] : memref<16384x1152xf32, #tpu.memory_space<hbm>> -> memref<32x1152xf32, #tpu.memory_space<hbm>>
    tpu.enqueue_dma source(%arg10 : memref<32x1152xf32, #tpu.memory_space<vmem>>) target(%dma_start3A_621 : memref<32x1152xf32, #tpu.memory_space<hbm>>) target_semaphore(%arg14 : memref<!tpu.dma_semaphore, #tpu.memory_space<semaphore_mem>>)
    %dma_wait3A_622 = arith.constant 480 : i32
    %dma_wait3A_623 = tpu.memref_slice %arg9[%dma_wait3A_622] : memref<512xi32, #tpu.memory_space<vmem>> -> memref<32xi32, #tpu.memory_space<vmem>>
    %dma_wait3A_624 = arith.constant 0 : i32
    %dma_wait3A_625 = arith.constant 0 : i32
    %dma_wait3A_626 = tpu.memref_slice %arg3[%dma_wait3A_624, %dma_wait3A_625] : memref<4096x1152xf32, #tpu.memory_space<hbm>> -> memref<4096x1152xf32, #tpu.memory_space<hbm>>
    tpu.wait_indirect_dma semaphore(%arg13 : memref<!tpu.dma_semaphore, #tpu.memory_space<semaphore_mem>>) src(%dma_wait3A_626 : memref<4096x1152xf32, #tpu.memory_space<hbm>>) dst(%arg11 : memref<32x1152xf32, #tpu.memory_space<vmem>>)
    %add3A_627 = arith.constant 480 : i32
    %add3A_628 = arith.addi %mul3A_2, %add3A_627 : i32
    %dma_start3A_629 = arith.constant 0 : i32
    %dma_start3A_630 = tpu.memref_slice %arg7[%add3A_628, %dma_start3A_629] : memref<16384x1152xf32, #tpu.memory_space<hbm>> -> memref<32x1152xf32, #tpu.memory_space<hbm>>
    %dma_start3A_631 = arith.constant 0 : i32
    %dma_start3A_632 = tpu.memref_slice %arg7[%add3A_628, %dma_start3A_631] : memref<16384x1152xf32, #tpu.memory_space<hbm>> -> memref<32x1152xf32, #tpu.memory_space<hbm>>
    tpu.enqueue_dma source(%arg11 : memref<32x1152xf32, #tpu.memory_space<vmem>>) target(%dma_start3A_632 : memref<32x1152xf32, #tpu.memory_space<hbm>>) target_semaphore(%arg15 : memref<!tpu.dma_semaphore, #tpu.memory_space<semaphore_mem>>)
    %dma_wait3A_633 = arith.constant 0 : i32
    %dma_wait3A_634 = tpu.memref_slice %arg7[%add3A_617, %dma_wait3A_633] : memref<16384x1152xf32, #tpu.memory_space<hbm>> -> memref<32x1152xf32, #tpu.memory_space<hbm>>
    %dma_wait3A_635 = arith.constant 0 : i32
    %dma_wait3A_636 = tpu.memref_slice %arg7[%add3A_617, %dma_wait3A_635] : memref<16384x1152xf32, #tpu.memory_space<hbm>> -> memref<32x1152xf32, #tpu.memory_space<hbm>>
    tpu.wait_dma2 semaphore(%arg14 : memref<!tpu.dma_semaphore, #tpu.memory_space<semaphore_mem>>) src(%arg10 : memref<32x1152xf32, #tpu.memory_space<vmem>>) dst(%dma_wait3A_636 : memref<32x1152xf32, #tpu.memory_space<hbm>>)
    %dma_wait3A_637 = arith.constant 0 : i32
    %dma_wait3A_638 = tpu.memref_slice %arg7[%add3A_628, %dma_wait3A_637] : memref<16384x1152xf32, #tpu.memory_space<hbm>> -> memref<32x1152xf32, #tpu.memory_space<hbm>>
    %dma_wait3A_639 = arith.constant 0 : i32
    %dma_wait3A_640 = tpu.memref_slice %arg7[%add3A_628, %dma_wait3A_639] : memref<16384x1152xf32, #tpu.memory_space<hbm>> -> memref<32x1152xf32, #tpu.memory_space<hbm>>
    tpu.wait_dma2 semaphore(%arg15 : memref<!tpu.dma_semaphore, #tpu.memory_space<semaphore_mem>>) src(%arg11 : memref<32x1152xf32, #tpu.memory_space<vmem>>) dst(%dma_wait3A_640 : memref<32x1152xf32, #tpu.memory_space<hbm>>)
    return
  }
}

module attributes {stable_mosaic.version = 14 : i64} {
  func.func @_tc_qkv_body(%arg0: i32, %arg1: memref<2304x96xf32, #tpu.memory_space<vmem>>, %arg2: memref<1x96xf32, #tpu.memory_space<vmem>>, %arg3: memref<1x96xf32, #tpu.memory_space<vmem>>, %arg4: memref<96x288xf32, #tpu.memory_space<vmem>>, %arg5: memref<2304x128xf32, #tpu.memory_space<vmem>>, %arg6: memref<2304x128xf32, #tpu.memory_space<vmem>>, %arg7: memref<2304x96xf32, #tpu.memory_space<vmem>>) attributes {dimension_semantics = [#tpu.dimension_semantics<arbitrary>], iteration_bounds = array<i64: 16>, scalar_prefetch = 0 : i64, scratch_operands = 0 : i64, tpu.core_type = #tpu.core_type<tc>, window_params = [{transform_indices = @transform_0, window_bounds = array<i64: 2304, 96>}, {pipeline_mode = #tpu.pipeline_mode<synchronous>, transform_indices = @transform_1, window_bounds = array<i64: 1, 96>}, {pipeline_mode = #tpu.pipeline_mode<synchronous>, transform_indices = @transform_2, window_bounds = array<i64: 1, 96>}, {pipeline_mode = #tpu.pipeline_mode<synchronous>, transform_indices = @transform_3, window_bounds = array<i64: 96, 288>}, {transform_indices = @transform_4, window_bounds = array<i64: 2304, 128>}, {transform_indices = @transform_5, window_bounds = array<i64: 2304, 128>}, {transform_indices = @transform_6, window_bounds = array<i64: 2304, 96>}]} {
    %get3A = arith.constant 0 : index
    %get3A_0 = arith.constant 0 : index
    %get3A_1 = vector.load %arg2[%get3A, %get3A_0] : memref<1x96xf32, #tpu.memory_space<vmem>>, vector<1x96xf32>
    %get3A_2 = arith.constant 0 : index
    %get3A_3 = arith.constant 0 : index
    %get3A_4 = vector.load %arg3[%get3A_2, %get3A_3] : memref<1x96xf32, #tpu.memory_space<vmem>>, vector<1x96xf32>
    %get3A_5 = arith.constant 0 : index
    %get3A_6 = arith.constant 0 : index
    %get3A_7 = vector.load %arg4[%get3A_5, %get3A_6] : memref<96x288xf32, #tpu.memory_space<vmem>>, vector<96x288xf32>
    %get3A_8 = arith.constant 0 : index
    %get3A_9 = arith.constant 0 : index
    %get3A_10 = vector.load %arg1[%get3A_8, %get3A_9] : memref<2304x96xf32, #tpu.memory_space<vmem>>, vector<2304x96xf32>
    %reduce_sum3A = arith.constant dense<0.000000e+00> : vector<2304xf32>
    %reduce_sum3A_11 = vector.multi_reduction <add>, %get3A_10, %reduce_sum3A [1] : vector<2304x96xf32> to vector<2304xf32>
    %broadcast_in_dim3A = vector.shape_cast %reduce_sum3A_11 : vector<2304xf32> to vector<2304x1xf32>
    %div3A = arith.constant 9.600000e+01 : f32
    %div3A_12 = vector.broadcast %div3A : f32 to vector<2304x1xf32>
    %div3A_13 = arith.divf %broadcast_in_dim3A, %div3A_12 : vector<2304x1xf32>
    %sub3A = vector.broadcast %div3A_13 : vector<2304x1xf32> to vector<2304x96xf32>
    %sub3A_14 = arith.subf %get3A_10, %sub3A : vector<2304x96xf32>
    %integer_pow3A = arith.mulf %sub3A_14, %sub3A_14 : vector<2304x96xf32>
    %reduce_sum3A_15 = arith.constant dense<0.000000e+00> : vector<2304xf32>
    %reduce_sum3A_16 = vector.multi_reduction <add>, %integer_pow3A, %reduce_sum3A_15 [1] : vector<2304x96xf32> to vector<2304xf32>
    %broadcast_in_dim3A_17 = vector.shape_cast %reduce_sum3A_16 : vector<2304xf32> to vector<2304x1xf32>
    %div3A_18 = arith.constant 9.600000e+01 : f32
    %div3A_19 = vector.broadcast %div3A_18 : f32 to vector<2304x1xf32>
    %div3A_20 = arith.divf %broadcast_in_dim3A_17, %div3A_19 : vector<2304x1xf32>
    %sub3A_21 = vector.broadcast %div3A_13 : vector<2304x1xf32> to vector<2304x96xf32>
    %sub3A_22 = arith.subf %get3A_10, %sub3A_21 : vector<2304x96xf32>
    %add3A = arith.constant 9.99999974E-6 : f32
    %add3A_23 = vector.broadcast %add3A : f32 to vector<2304x1xf32>
    %add3A_24 = arith.addf %div3A_20, %add3A_23 : vector<2304x1xf32>
    %rsqrt3A = math.rsqrt %add3A_24 : vector<2304x1xf32>
    %mul3A = vector.broadcast %rsqrt3A : vector<2304x1xf32> to vector<2304x96xf32>
    %mul3A_25 = arith.mulf %sub3A_22, %mul3A : vector<2304x96xf32>
    %mul3A_26 = vector.broadcast %get3A_1 : vector<1x96xf32> to vector<2304x96xf32>
    %mul3A_27 = arith.mulf %mul3A_25, %mul3A_26 : vector<2304x96xf32>
    %add3A_28 = vector.broadcast %get3A_4 : vector<1x96xf32> to vector<2304x96xf32>
    %add3A_29 = arith.addf %mul3A_27, %add3A_28 : vector<2304x96xf32>
    %dot_general3A = arith.constant dense<0.000000e+00> : vector<2304x288xf32>
    %dot_general3A_30 = tpu.matmul %add3A_29, %get3A_7, %dot_general3A {dimension_numbers = #tpu.dot_dimension_numbers<[1], [0], [0], [1], [0, 0, 1, 1], [], []>, transpose_lhs_hint = false} : vector<2304x96xf32>, vector<96x288xf32>, vector<2304x288xf32> -> vector<2304x288xf32>
    %broadcast_in_dim3A_31 = arith.constant 0.000000e+00 : f32
    %broadcast_in_dim3A_32 = vector.broadcast %broadcast_in_dim3A_31 : f32 to vector<2304x32xf32>
    %slice3A = vector.extract_strided_slice %dot_general3A_30 {offsets = [0, 0], sizes = [2304, 96], strides = [1, 1]} : vector<2304x288xf32> to vector<2304x96xf32>
    %concatenate3A = tpu.concatenate %slice3A, %broadcast_in_dim3A_32 in 1 : vector<2304x96xf32>, vector<2304x32xf32> -> vector<2304x128xf32>
    %swap3A = arith.constant 0 : index
    %swap3A_33 = arith.constant 0 : index
    %swap3A_34 = vector.load %arg5[%swap3A, %swap3A_33] : memref<2304x128xf32, #tpu.memory_space<vmem>>, vector<2304x128xf32>
    tpu.vector_store %arg5[%swap3A, %swap3A_33], %concatenate3A {strides = array<i32>} : memref<2304x128xf32, #tpu.memory_space<vmem>>, vector<2304x128xf32>,
    %slice3A_35 = vector.extract_strided_slice %dot_general3A_30 {offsets = [0, 96], sizes = [2304, 96], strides = [1, 1]} : vector<2304x288xf32> to vector<2304x96xf32>
    %concatenate3A_36 = tpu.concatenate %slice3A_35, %broadcast_in_dim3A_32 in 1 : vector<2304x96xf32>, vector<2304x32xf32> -> vector<2304x128xf32>
    %swap3A_37 = arith.constant 0 : index
    %swap3A_38 = arith.constant 0 : index
    %swap3A_39 = vector.load %arg6[%swap3A_37, %swap3A_38] : memref<2304x128xf32, #tpu.memory_space<vmem>>, vector<2304x128xf32>
    tpu.vector_store %arg6[%swap3A_37, %swap3A_38], %concatenate3A_36 {strides = array<i32>} : memref<2304x128xf32, #tpu.memory_space<vmem>>, vector<2304x128xf32>,
    %slice3A_40 = vector.extract_strided_slice %dot_general3A_30 {offsets = [0, 192], sizes = [2304, 96], strides = [1, 1]} : vector<2304x288xf32> to vector<2304x96xf32>
    %swap3A_41 = arith.constant 0 : index
    %swap3A_42 = arith.constant 0 : index
    %swap3A_43 = vector.load %arg7[%swap3A_41, %swap3A_42] : memref<2304x96xf32, #tpu.memory_space<vmem>>, vector<2304x96xf32>
    tpu.vector_store %arg7[%swap3A_41, %swap3A_42], %slice3A_40 {strides = array<i32>} : memref<2304x96xf32, #tpu.memory_space<vmem>>, vector<2304x96xf32>,
    return
  }
  func.func @transform_0(%arg0: i32) -> (i32, i32) {
    %c0_i32 = arith.constant 0 : i32
    %c0_i32_0 = arith.constant 0 : i32
    return %arg0, %c0_i32 : i32, i32
  }
  func.func @transform_1(%arg0: i32) -> (i32, i32) {
    %c0_i32 = arith.constant 0 : i32
    %c0_i32_0 = arith.constant 0 : i32
    %c0_i32_1 = arith.constant 0 : i32
    return %c0_i32, %c0_i32_0 : i32, i32
  }
  func.func @transform_2(%arg0: i32) -> (i32, i32) {
    %c0_i32 = arith.constant 0 : i32
    %c0_i32_0 = arith.constant 0 : i32
    %c0_i32_1 = arith.constant 0 : i32
    return %c0_i32, %c0_i32_0 : i32, i32
  }
  func.func @transform_3(%arg0: i32) -> (i32, i32) {
    %c0_i32 = arith.constant 0 : i32
    %c0_i32_0 = arith.constant 0 : i32
    %c0_i32_1 = arith.constant 0 : i32
    return %c0_i32, %c0_i32_0 : i32, i32
  }
  func.func @transform_4(%arg0: i32) -> (i32, i32) {
    %c0_i32 = arith.constant 0 : i32
    %c0_i32_0 = arith.constant 0 : i32
    return %arg0, %c0_i32 : i32, i32
  }
  func.func @transform_5(%arg0: i32) -> (i32, i32) {
    %c0_i32 = arith.constant 0 : i32
    %c0_i32_0 = arith.constant 0 : i32
    return %arg0, %c0_i32 : i32, i32
  }
  func.func @transform_6(%arg0: i32) -> (i32, i32) {
    %c0_i32 = arith.constant 0 : i32
    %c0_i32_0 = arith.constant 0 : i32
    return %arg0, %c0_i32 : i32, i32
  }
}

module attributes {stable_mosaic.version = 14 : i64} {
  func.func @_tc_attn_body(%arg0: i32, %arg1: memref<512x9x128xf32, #tpu.memory_space<vmem>>, %arg2: memref<512x9x128xf32, #tpu.memory_space<vmem>>, %arg3: memref<256x256xf32, #tpu.memory_space<vmem>>, %arg4: memref<1x512xi32, #tpu.memory_space<vmem>>, %arg5: memref<4096x256xf32, #tpu.memory_space<vmem>>, %arg6: memref<4096x256xf32, #tpu.memory_space<vmem>>) attributes {dimension_semantics = [#tpu.dimension_semantics<arbitrary>], iteration_bounds = array<i64: 32>, scalar_prefetch = 0 : i64, scratch_operands = 1 : i64, tpu.core_type = #tpu.core_type<tc>, window_params = [{transform_indices = @transform_0, window_bounds = array<i64: 512, 9, 128>}, {transform_indices = @transform_1, window_bounds = array<i64: 512, 9, 128>}, {pipeline_mode = #tpu.pipeline_mode<synchronous>, transform_indices = @transform_2, window_bounds = array<i64: 256, 256>}, {transform_indices = @transform_3, window_bounds = array<i64: 1, 512>}, {pipeline_mode = #tpu.pipeline_mode<synchronous>, transform_indices = @transform_4, window_bounds = array<i64: 4096, 256>}]} {
    %eq3A = arith.constant 0 : i32
    %eq3A_0 = arith.cmpi eq, %arg0, %eq3A : i32
    %convert_element_type3A = arith.extui %eq3A_0 : i1 to i32
    %cond3A = arith.constant 0 : i32
    %cond3A_1 = arith.cmpi ne, %convert_element_type3A, %cond3A : i32
    scf.if %cond3A_1 {
      %broadcast_in_dim3A_91 = arith.constant 0.000000e+00 : f32
      %broadcast_in_dim3A_92 = vector.broadcast %broadcast_in_dim3A_91 : f32 to vector<4096x256xf32>
      %swap3A_93 = arith.constant 0 : index
      %swap3A_94 = arith.constant 0 : index
      %swap3A_95 = vector.load %arg6[%swap3A_93, %swap3A_94] : memref<4096x256xf32, #tpu.memory_space<vmem>>, vector<4096x256xf32>
      tpu.vector_store %arg6[%swap3A_93, %swap3A_94], %broadcast_in_dim3A_92 {strides = array<i32>} : memref<4096x256xf32, #tpu.memory_space<vmem>>, vector<4096x256xf32>,
    } else {
    }
    %get3A = arith.constant 0 : index
    %get3A_2 = arith.constant 0 : index
    %get3A_3 = arith.constant 0 : index
    %get3A_4 = vector.load %arg1[%get3A, %get3A_2, %get3A_3] : memref<512x9x128xf32, #tpu.memory_space<vmem>>, vector<512x9x32xf32>
    %get3A_5 = arith.constant 0 : index
    %get3A_6 = arith.constant 0 : index
    %get3A_7 = arith.constant 0 : index
    %get3A_8 = vector.load %arg2[%get3A_5, %get3A_6, %get3A_7] : memref<512x9x128xf32, #tpu.memory_space<vmem>>, vector<512x9x32xf32>
    %dot_general3A = arith.constant dense<0.000000e+00> : vector<512x9x9xf32>
    %dot_general3A_9 = tpu.matmul %get3A_4, %get3A_8, %dot_general3A {dimension_numbers = #tpu.dot_dimension_numbers<[2], [2], [1], [1], [0, 0, 0, 1, 1, 1], [0], [0]>, transpose_lhs_hint = false} : vector<512x9x32xf32>, vector<512x9x32xf32>, vector<512x9x9xf32> -> vector<512x9x9xf32>
    %mul3A = arith.constant 0.176776692 : f32
    %mul3A_10 = vector.broadcast %mul3A : f32 to vector<512x9x9xf32>
    %mul3A_11 = arith.mulf %dot_general3A_9, %mul3A_10 : vector<512x9x9xf32>
    %get3A_12 = arith.constant 0 : index
    %get3A_13 = arith.constant 0 : index
    %get3A_14 = arith.constant 32 : index
    %get3A_15 = vector.load %arg1[%get3A_12, %get3A_13, %get3A_14] : memref<512x9x128xf32, #tpu.memory_space<vmem>>, vector<512x9x32xf32>
    %get3A_16 = arith.constant 0 : index
    %get3A_17 = arith.constant 0 : index
    %get3A_18 = arith.constant 32 : index
    %get3A_19 = vector.load %arg2[%get3A_16, %get3A_17, %get3A_18] : memref<512x9x128xf32, #tpu.memory_space<vmem>>, vector<512x9x32xf32>
    %dot_general3A_20 = arith.constant dense<0.000000e+00> : vector<512x9x9xf32>
    %dot_general3A_21 = tpu.matmul %get3A_15, %get3A_19, %dot_general3A_20 {dimension_numbers = #tpu.dot_dimension_numbers<[2], [2], [1], [1], [0, 0, 0, 1, 1, 1], [0], [0]>, transpose_lhs_hint = false} : vector<512x9x32xf32>, vector<512x9x32xf32>, vector<512x9x9xf32> -> vector<512x9x9xf32>
    %mul3A_22 = arith.constant 0.176776692 : f32
    %mul3A_23 = vector.broadcast %mul3A_22 : f32 to vector<512x9x9xf32>
    %mul3A_24 = arith.mulf %dot_general3A_21, %mul3A_23 : vector<512x9x9xf32>
    %get3A_25 = arith.constant 0 : index
    %get3A_26 = arith.constant 0 : index
    %get3A_27 = arith.constant 64 : index
    %get3A_28 = vector.load %arg1[%get3A_25, %get3A_26, %get3A_27] : memref<512x9x128xf32, #tpu.memory_space<vmem>>, vector<512x9x32xf32>
    %get3A_29 = arith.constant 0 : index
    %get3A_30 = arith.constant 0 : index
    %get3A_31 = arith.constant 64 : index
    %get3A_32 = vector.load %arg2[%get3A_29, %get3A_30, %get3A_31] : memref<512x9x128xf32, #tpu.memory_space<vmem>>, vector<512x9x32xf32>
    %dot_general3A_33 = arith.constant dense<0.000000e+00> : vector<512x9x9xf32>
    %dot_general3A_34 = tpu.matmul %get3A_28, %get3A_32, %dot_general3A_33 {dimension_numbers = #tpu.dot_dimension_numbers<[2], [2], [1], [1], [0, 0, 0, 1, 1, 1], [0], [0]>, transpose_lhs_hint = false} : vector<512x9x32xf32>, vector<512x9x32xf32>, vector<512x9x9xf32> -> vector<512x9x9xf32>
    %mul3A_35 = arith.constant 0.176776692 : f32
    %mul3A_36 = vector.broadcast %mul3A_35 : f32 to vector<512x9x9xf32>
    %mul3A_37 = arith.mulf %dot_general3A_34, %mul3A_36 : vector<512x9x9xf32>
    %concatenate3A = tpu.concatenate %mul3A_11, %mul3A_24, %mul3A_37 in 2 : vector<512x9x9xf32>, vector<512x9x9xf32>, vector<512x9x9xf32> -> vector<512x9x27xf32>
    %reshape3A = vector.shape_cast %concatenate3A : vector<512x9x27xf32> to vector<512x243xf32>
    %broadcast_in_dim3A = arith.constant 0.000000e+00 : f32
    %broadcast_in_dim3A_38 = vector.broadcast %broadcast_in_dim3A : f32 to vector<512x13xf32>
    %concatenate3A_39 = tpu.concatenate %reshape3A, %broadcast_in_dim3A_38 in 1 : vector<512x243xf32>, vector<512x13xf32> -> vector<512x256xf32>
    %exp3A = math.exp %concatenate3A_39 : vector<512x256xf32>
    %get3A_40 = arith.constant 0 : index
    %get3A_41 = arith.constant 0 : index
    %get3A_42 = vector.load %arg3[%get3A_40, %get3A_41] : memref<256x256xf32, #tpu.memory_space<vmem>>, vector<256x256xf32>
    %dot_general3A_43 = arith.constant dense<0.000000e+00> : vector<512x256xf32>
    %dot_general3A_44 = tpu.matmul %exp3A, %get3A_42, %dot_general3A_43 {dimension_numbers = #tpu.dot_dimension_numbers<[1], [0], [0], [1], [0, 0, 1, 1], [], []>, transpose_lhs_hint = false} : vector<512x256xf32>, vector<256x256xf32>, vector<512x256xf32> -> vector<512x256xf32>
    %div3A = arith.divf %exp3A, %dot_general3A_44 : vector<512x256xf32>
    %convert_element_type3A_45 = arith.truncf %div3A : vector<512x256xf32> to vector<512x256xbf16>
    %get3A_46 = arith.constant 0 : index
    %get3A_47 = arith.constant 0 : index
    %get3A_48 = vector.load %arg4[%get3A_46, %get3A_47] : memref<1x512xi32, #tpu.memory_space<vmem>>, vector<1x512xi32>
    %iota3A = tpu.iota {dimensions = array<i32: 0>} : vector<2048x512xi32>
    %add3A = arith.constant 0 : i32
    %add3A_49 = vector.broadcast %add3A : i32 to vector<2048x512xi32>
    %add3A_50 = arith.addi %iota3A, %add3A_49 : vector<2048x512xi32>
    %eq3A_51 = vector.broadcast %get3A_48 : vector<1x512xi32> to vector<2048x512xi32>
    %eq3A_52 = arith.cmpi eq, %add3A_50, %eq3A_51 : vector<2048x512xi32>
    %jit3A = arith.constant 1.000000e+00 : f32
    %jit3A_53 = arith.constant 0.000000e+00 : f32
    %broadcast_in_dim3A_54 = vector.broadcast %jit3A : f32 to vector<2048x512xf32>
    %broadcast_in_dim3A_55 = vector.broadcast %jit3A_53 : f32 to vector<2048x512xf32>
    %select_n3A = arith.select %eq3A_52, %broadcast_in_dim3A_54, %broadcast_in_dim3A_55 : vector<2048x512xi1>, vector<2048x512xf32>
    %convert_element_type3A_56 = arith.truncf %select_n3A : vector<2048x512xf32> to vector<2048x512xbf16>
    %get3A_57 = arith.constant 0 : index
    %get3A_58 = arith.constant 0 : index
    %get3A_59 = vector.load %arg6[%get3A_57, %get3A_58] : memref<4096x256xf32, #tpu.memory_space<vmem>>, vector<2048x256xf32>
    %dot_general3A_60 = arith.constant dense<0.000000e+00> : vector<2048x256xf32>
    %dot_general3A_61 = tpu.matmul %convert_element_type3A_56, %convert_element_type3A_45, %dot_general3A_60 {dimension_numbers = #tpu.dot_dimension_numbers<[1], [0], [0], [1], [0, 0, 1, 1], [], []>, transpose_lhs_hint = false} : vector<2048x512xbf16>, vector<512x256xbf16>, vector<2048x256xf32> -> vector<2048x256xf32>
    %add3A_62 = arith.addf %get3A_59, %dot_general3A_61 : vector<2048x256xf32>
    %swap3A = arith.constant 0 : index
    %swap3A_63 = arith.constant 0 : index
    %swap3A_64 = vector.load %arg6[%swap3A, %swap3A_63] : memref<4096x256xf32, #tpu.memory_space<vmem>>, vector<2048x256xf32>
    tpu.vector_store %arg6[%swap3A, %swap3A_63], %add3A_62 {strides = array<i32>} : memref<4096x256xf32, #tpu.memory_space<vmem>>, vector<2048x256xf32>,
    %iota3A_65 = tpu.iota {dimensions = array<i32: 0>} : vector<2048x512xi32>
    %add3A_66 = arith.constant 2048 : i32
    %add3A_67 = vector.broadcast %add3A_66 : i32 to vector<2048x512xi32>
    %add3A_68 = arith.addi %iota3A_65, %add3A_67 : vector<2048x512xi32>
    %eq3A_69 = vector.broadcast %get3A_48 : vector<1x512xi32> to vector<2048x512xi32>
    %eq3A_70 = arith.cmpi eq, %add3A_68, %eq3A_69 : vector<2048x512xi32>
    %jit3A_71 = arith.constant 1.000000e+00 : f32
    %jit3A_72 = arith.constant 0.000000e+00 : f32
    %broadcast_in_dim3A_73 = vector.broadcast %jit3A_71 : f32 to vector<2048x512xf32>
    %broadcast_in_dim3A_74 = vector.broadcast %jit3A_72 : f32 to vector<2048x512xf32>
    %select_n3A_75 = arith.select %eq3A_70, %broadcast_in_dim3A_73, %broadcast_in_dim3A_74 : vector<2048x512xi1>, vector<2048x512xf32>
    %convert_element_type3A_76 = arith.truncf %select_n3A_75 : vector<2048x512xf32> to vector<2048x512xbf16>
    %get3A_77 = arith.constant 2048 : index
    %get3A_78 = arith.constant 0 : index
    %get3A_79 = vector.load %arg6[%get3A_77, %get3A_78] : memref<4096x256xf32, #tpu.memory_space<vmem>>, vector<2048x256xf32>
    %dot_general3A_80 = arith.constant dense<0.000000e+00> : vector<2048x256xf32>
    %dot_general3A_81 = tpu.matmul %convert_element_type3A_76, %convert_element_type3A_45, %dot_general3A_80 {dimension_numbers = #tpu.dot_dimension_numbers<[1], [0], [0], [1], [0, 0, 1, 1], [], []>, transpose_lhs_hint = false} : vector<2048x512xbf16>, vector<512x256xbf16>, vector<2048x256xf32> -> vector<2048x256xf32>
    %add3A_82 = arith.addf %get3A_79, %dot_general3A_81 : vector<2048x256xf32>
    %swap3A_83 = arith.constant 2048 : index
    %swap3A_84 = arith.constant 0 : index
    %swap3A_85 = vector.load %arg6[%swap3A_83, %swap3A_84] : memref<4096x256xf32, #tpu.memory_space<vmem>>, vector<2048x256xf32>
    tpu.vector_store %arg6[%swap3A_83, %swap3A_84], %add3A_82 {strides = array<i32>} : memref<4096x256xf32, #tpu.memory_space<vmem>>, vector<2048x256xf32>,
    %eq3A_86 = arith.constant 31 : i32
    %eq3A_87 = arith.cmpi eq, %arg0, %eq3A_86 : i32
    %convert_element_type3A_88 = arith.extui %eq3A_87 : i1 to i32
    %cond3A_89 = arith.constant 0 : i32
    %cond3A_90 = arith.cmpi ne, %convert_element_type3A_88, %cond3A_89 : i32
    scf.if %cond3A_90 {
      %get3A_91 = arith.constant 0 : index
      %get3A_92 = arith.constant 0 : index
      %get3A_93 = vector.load %arg6[%get3A_91, %get3A_92] : memref<4096x256xf32, #tpu.memory_space<vmem>>, vector<4096x256xf32>
      %swap3A_94 = arith.constant 0 : index
      %swap3A_95 = arith.constant 0 : index
      %swap3A_96 = vector.load %arg5[%swap3A_94, %swap3A_95] : memref<4096x256xf32, #tpu.memory_space<vmem>>, vector<4096x256xf32>
      tpu.vector_store %arg5[%swap3A_94, %swap3A_95], %get3A_93 {strides = array<i32>} : memref<4096x256xf32, #tpu.memory_space<vmem>>, vector<4096x256xf32>,
    } else {
    }
    return
  }
  func.func @transform_0(%arg0: i32) -> (i32, i32, i32) {
    %c0_i32 = arith.constant 0 : i32
    %c0_i32_0 = arith.constant 0 : i32
    %c0_i32_1 = arith.constant 0 : i32
    return %arg0, %c0_i32, %c0_i32_0 : i32, i32, i32
  }
  func.func @transform_1(%arg0: i32) -> (i32, i32, i32) {
    %c0_i32 = arith.constant 0 : i32
    %c0_i32_0 = arith.constant 0 : i32
    %c0_i32_1 = arith.constant 0 : i32
    return %arg0, %c0_i32, %c0_i32_0 : i32, i32, i32
  }
  func.func @transform_2(%arg0: i32) -> (i32, i32) {
    %c0_i32 = arith.constant 0 : i32
    %c0_i32_0 = arith.constant 0 : i32
    %c0_i32_1 = arith.constant 0 : i32
    return %c0_i32, %c0_i32_0 : i32, i32
  }
  func.func @transform_3(%arg0: i32) -> (i32, i32) {
    %c0_i32 = arith.constant 0 : i32
    %c0_i32_0 = arith.constant 0 : i32
    return %c0_i32, %arg0 : i32, i32
  }
  func.func @transform_4(%arg0: i32) -> (i32, i32) {
    %c0_i32 = arith.constant 0 : i32
    %c0_i32_0 = arith.constant 0 : i32
    %c0_i32_1 = arith.constant 0 : i32
    return %c0_i32, %c0_i32_0 : i32, i32
  }
}

module attributes {stable_mosaic.version = 14 : i64} {
  func.func @_tc_out_body(%arg0: i32, %arg1: memref<256x256xf32, #tpu.memory_space<vmem>>, %arg2: memref<256x9x96xf32, #tpu.memory_space<vmem>>, %arg3: memref<2304x96xf32, #tpu.memory_space<vmem>>, %arg4: memref<2304x256xf32, #tpu.memory_space<vmem>>, %arg5: memref<1x96xf32, #tpu.memory_space<vmem>>, %arg6: memref<1x96xf32, #tpu.memory_space<vmem>>, %arg7: memref<96x96xbf16, #tpu.memory_space<vmem>>, %arg8: memref<1x96xf32, #tpu.memory_space<vmem>>, %arg9: memref<96x384xbf16, #tpu.memory_space<vmem>>, %arg10: memref<1x384xf32, #tpu.memory_space<vmem>>, %arg11: memref<384x96xbf16, #tpu.memory_space<vmem>>, %arg12: memref<1x96xf32, #tpu.memory_space<vmem>>, %arg13: memref<2304x96xf32, #tpu.memory_space<vmem>>) attributes {dimension_semantics = [#tpu.dimension_semantics<arbitrary>], iteration_bounds = array<i64: 16>, scalar_prefetch = 0 : i64, scratch_operands = 0 : i64, tpu.core_type = #tpu.core_type<tc>, window_params = [{transform_indices = @transform_0, window_bounds = array<i64: 256, 256>}, {transform_indices = @transform_1, window_bounds = array<i64: 256, 9, 96>}, {transform_indices = @transform_2, window_bounds = array<i64: 2304, 96>}, {pipeline_mode = #tpu.pipeline_mode<synchronous>, transform_indices = @transform_3, window_bounds = array<i64: 2304, 256>}, {pipeline_mode = #tpu.pipeline_mode<synchronous>, transform_indices = @transform_4, window_bounds = array<i64: 1, 96>}, {pipeline_mode = #tpu.pipeline_mode<synchronous>, transform_indices = @transform_5, window_bounds = array<i64: 1, 96>}, {pipeline_mode = #tpu.pipeline_mode<synchronous>, transform_indices = @transform_6, window_bounds = array<i64: 96, 96>}, {pipeline_mode = #tpu.pipeline_mode<synchronous>, transform_indices = @transform_7, window_bounds = array<i64: 1, 96>}, {pipeline_mode = #tpu.pipeline_mode<synchronous>, transform_indices = @transform_8, window_bounds = array<i64: 96, 384>}, {pipeline_mode = #tpu.pipeline_mode<synchronous>, transform_indices = @transform_9, window_bounds = array<i64: 1, 384>}, {pipeline_mode = #tpu.pipeline_mode<synchronous>, transform_indices = @transform_10, window_bounds = array<i64: 384, 96>}, {pipeline_mode = #tpu.pipeline_mode<synchronous>, transform_indices = @transform_11, window_bounds = array<i64: 1, 96>}, {transform_indices = @transform_12, window_bounds = array<i64: 2304, 96>}]} {
    %get3A = arith.constant 0 : index
    %get3A_0 = arith.constant 0 : index
    %get3A_1 = vector.load %arg1[%get3A, %get3A_0] : memref<256x256xf32, #tpu.memory_space<vmem>>, vector<256x256xf32>
    %slice3A = vector.extract_strided_slice %get3A_1 {offsets = [0, 243], sizes = [256, 1], strides = [1, 1]} : vector<256x256xf32> to vector<256x1xf32>
    %max3A = arith.constant 1.000000e+00 : f32
    %max3A_2 = vector.broadcast %max3A : f32 to vector<256x1xf32>
    %max3A_3 = arith.maximumf %slice3A, %max3A_2 : vector<256x1xf32>
    %div3A = arith.constant 1.000000e+00 : f32
    %div3A_4 = vector.broadcast %div3A : f32 to vector<256x1xf32>
    %div3A_5 = arith.divf %div3A_4, %max3A_3 : vector<256x1xf32>
    %gt3A = arith.constant 0.000000e+00 : f32
    %gt3A_6 = vector.broadcast %gt3A : f32 to vector<256x1xf32>
    %gt3A_7 = arith.cmpf ogt, %slice3A, %gt3A_6 : vector<256x1xf32>
    %convert_element_type3A = arith.extui %gt3A_7 : vector<256x1xi1> to vector<256x1xi32>
    %convert_element_type3A_8 = arith.sitofp %convert_element_type3A : vector<256x1xi32> to vector<256x1xf32>
    %slice3A_9 = vector.extract_strided_slice %get3A_1 {offsets = [0, 0], sizes = [256, 243], strides = [1, 1]} : vector<256x256xf32> to vector<256x243xf32>
    %mul3A = vector.broadcast %div3A_5 : vector<256x1xf32> to vector<256x243xf32>
    %mul3A_10 = arith.mulf %slice3A_9, %mul3A : vector<256x243xf32>
    %reshape3A = vector.shape_cast %mul3A_10 : vector<256x243xf32> to vector<256x9x27xf32>
    %slice3A_11 = vector.extract_strided_slice %reshape3A {offsets = [0, 0, 0], sizes = [256, 9, 9], strides = [1, 1, 1]} : vector<256x9x27xf32> to vector<256x9x9xf32>
    %get3A_12 = arith.constant 0 : index
    %get3A_13 = arith.constant 0 : index
    %get3A_14 = arith.constant 0 : index
    %get3A_15 = vector.load %arg2[%get3A_12, %get3A_13, %get3A_14] : memref<256x9x96xf32, #tpu.memory_space<vmem>>, vector<256x9x32xf32>
    %dot_general3A = arith.constant dense<0.000000e+00> : vector<256x9x32xf32>
    %dot_general3A_16 = tpu.matmul %slice3A_11, %get3A_15, %dot_general3A {dimension_numbers = #tpu.dot_dimension_numbers<[2], [1], [1], [2], [0, 0, 0, 1, 1, 2], [0], [0]>, transpose_lhs_hint = false} : vector<256x9x9xf32>, vector<256x9x32xf32>, vector<256x9x32xf32> -> vector<256x9x32xf32>
    %slice3A_17 = vector.extract_strided_slice %reshape3A {offsets = [0, 0, 9], sizes = [256, 9, 9], strides = [1, 1, 1]} : vector<256x9x27xf32> to vector<256x9x9xf32>
    %get3A_18 = arith.constant 0 : index
    %get3A_19 = arith.constant 0 : index
    %get3A_20 = arith.constant 32 : index
    %get3A_21 = vector.load %arg2[%get3A_18, %get3A_19, %get3A_20] : memref<256x9x96xf32, #tpu.memory_space<vmem>>, vector<256x9x32xf32>
    %dot_general3A_22 = arith.constant dense<0.000000e+00> : vector<256x9x32xf32>
    %dot_general3A_23 = tpu.matmul %slice3A_17, %get3A_21, %dot_general3A_22 {dimension_numbers = #tpu.dot_dimension_numbers<[2], [1], [1], [2], [0, 0, 0, 1, 1, 2], [0], [0]>, transpose_lhs_hint = false} : vector<256x9x9xf32>, vector<256x9x32xf32>, vector<256x9x32xf32> -> vector<256x9x32xf32>
    %slice3A_24 = vector.extract_strided_slice %reshape3A {offsets = [0, 0, 18], sizes = [256, 9, 9], strides = [1, 1, 1]} : vector<256x9x27xf32> to vector<256x9x9xf32>
    %get3A_25 = arith.constant 0 : index
    %get3A_26 = arith.constant 0 : index
    %get3A_27 = arith.constant 64 : index
    %get3A_28 = vector.load %arg2[%get3A_25, %get3A_26, %get3A_27] : memref<256x9x96xf32, #tpu.memory_space<vmem>>, vector<256x9x32xf32>
    %dot_general3A_29 = arith.constant dense<0.000000e+00> : vector<256x9x32xf32>
    %dot_general3A_30 = tpu.matmul %slice3A_24, %get3A_28, %dot_general3A_29 {dimension_numbers = #tpu.dot_dimension_numbers<[2], [1], [1], [2], [0, 0, 0, 1, 1, 2], [0], [0]>, transpose_lhs_hint = false} : vector<256x9x9xf32>, vector<256x9x32xf32>, vector<256x9x32xf32> -> vector<256x9x32xf32>
    %concatenate3A = tpu.concatenate %dot_general3A_16, %dot_general3A_23, %dot_general3A_30 in 2 : vector<256x9x32xf32>, vector<256x9x32xf32>, vector<256x9x32xf32> -> vector<256x9x96xf32>
    %reshape3A_31 = vector.shape_cast %concatenate3A : vector<256x9x96xf32> to vector<2304x96xf32>
    %get3A_32 = arith.constant 0 : index
    %get3A_33 = arith.constant 0 : index
    %get3A_34 = vector.load %arg4[%get3A_32, %get3A_33] : memref<2304x256xf32, #tpu.memory_space<vmem>>, vector<2304x256xf32>
    %dot_general3A_35 = arith.constant dense<0.000000e+00> : vector<2304x1xf32>
    %dot_general3A_36 = tpu.matmul %get3A_34, %convert_element_type3A_8, %dot_general3A_35 {dimension_numbers = #tpu.dot_dimension_numbers<[1], [0], [0], [1], [0, 0, 1, 1], [], []>, transpose_lhs_hint = false} : vector<2304x256xf32>, vector<256x1xf32>, vector<2304x1xf32> -> vector<2304x1xf32>
    %convert_element_type3A_37 = arith.truncf %reshape3A_31 : vector<2304x96xf32> to vector<2304x96xbf16>
    %get3A_38 = arith.constant 0 : index
    %get3A_39 = arith.constant 0 : index
    %get3A_40 = vector.load %arg7[%get3A_38, %get3A_39] : memref<96x96xbf16, #tpu.memory_space<vmem>>, vector<96x96xbf16>
    %dot_general3A_41 = arith.constant dense<0.000000e+00> : vector<2304x96xf32>
    %dot_general3A_42 = tpu.matmul %convert_element_type3A_37, %get3A_40, %dot_general3A_41 {dimension_numbers = #tpu.dot_dimension_numbers<[1], [0], [0], [1], [0, 0, 1, 1], [], []>, transpose_lhs_hint = false} : vector<2304x96xbf16>, vector<96x96xbf16>, vector<2304x96xf32> -> vector<2304x96xf32>
    %get3A_43 = arith.constant 0 : index
    %get3A_44 = arith.constant 0 : index
    %get3A_45 = vector.load %arg8[%get3A_43, %get3A_44] : memref<1x96xf32, #tpu.memory_space<vmem>>, vector<1x96xf32>
    %add3A = vector.broadcast %get3A_45 : vector<1x96xf32> to vector<2304x96xf32>
    %add3A_46 = arith.addf %dot_general3A_42, %add3A : vector<2304x96xf32>
    %mul3A_47 = vector.broadcast %dot_general3A_36 : vector<2304x1xf32> to vector<2304x96xf32>
    %mul3A_48 = arith.mulf %add3A_46, %mul3A_47 : vector<2304x96xf32>
    %get3A_49 = arith.constant 0 : index
    %get3A_50 = arith.constant 0 : index
    %get3A_51 = vector.load %arg3[%get3A_49, %get3A_50] : memref<2304x96xf32, #tpu.memory_space<vmem>>, vector<2304x96xf32>
    %add3A_52 = arith.addf %get3A_51, %mul3A_48 : vector<2304x96xf32>
    %reduce_sum3A = arith.constant dense<0.000000e+00> : vector<2304xf32>
    %reduce_sum3A_53 = vector.multi_reduction <add>, %add3A_52, %reduce_sum3A [1] : vector<2304x96xf32> to vector<2304xf32>
    %broadcast_in_dim3A = vector.shape_cast %reduce_sum3A_53 : vector<2304xf32> to vector<2304x1xf32>
    %div3A_54 = arith.constant 9.600000e+01 : f32
    %div3A_55 = vector.broadcast %div3A_54 : f32 to vector<2304x1xf32>
    %div3A_56 = arith.divf %broadcast_in_dim3A, %div3A_55 : vector<2304x1xf32>
    %sub3A = vector.broadcast %div3A_56 : vector<2304x1xf32> to vector<2304x96xf32>
    %sub3A_57 = arith.subf %add3A_52, %sub3A : vector<2304x96xf32>
    %integer_pow3A = arith.mulf %sub3A_57, %sub3A_57 : vector<2304x96xf32>
    %reduce_sum3A_58 = arith.constant dense<0.000000e+00> : vector<2304xf32>
    %reduce_sum3A_59 = vector.multi_reduction <add>, %integer_pow3A, %reduce_sum3A_58 [1] : vector<2304x96xf32> to vector<2304xf32>
    %broadcast_in_dim3A_60 = vector.shape_cast %reduce_sum3A_59 : vector<2304xf32> to vector<2304x1xf32>
    %div3A_61 = arith.constant 9.600000e+01 : f32
    %div3A_62 = vector.broadcast %div3A_61 : f32 to vector<2304x1xf32>
    %div3A_63 = arith.divf %broadcast_in_dim3A_60, %div3A_62 : vector<2304x1xf32>
    %sub3A_64 = vector.broadcast %div3A_56 : vector<2304x1xf32> to vector<2304x96xf32>
    %sub3A_65 = arith.subf %add3A_52, %sub3A_64 : vector<2304x96xf32>
    %add3A_66 = arith.constant 9.99999974E-6 : f32
    %add3A_67 = vector.broadcast %add3A_66 : f32 to vector<2304x1xf32>
    %add3A_68 = arith.addf %div3A_63, %add3A_67 : vector<2304x1xf32>
    %rsqrt3A = math.rsqrt %add3A_68 : vector<2304x1xf32>
    %mul3A_69 = vector.broadcast %rsqrt3A : vector<2304x1xf32> to vector<2304x96xf32>
    %mul3A_70 = arith.mulf %sub3A_65, %mul3A_69 : vector<2304x96xf32>
    %get3A_71 = arith.constant 0 : index
    %get3A_72 = arith.constant 0 : index
    %get3A_73 = vector.load %arg5[%get3A_71, %get3A_72] : memref<1x96xf32, #tpu.memory_space<vmem>>, vector<1x96xf32>
    %mul3A_74 = vector.broadcast %get3A_73 : vector<1x96xf32> to vector<2304x96xf32>
    %mul3A_75 = arith.mulf %mul3A_70, %mul3A_74 : vector<2304x96xf32>
    %get3A_76 = arith.constant 0 : index
    %get3A_77 = arith.constant 0 : index
    %get3A_78 = vector.load %arg6[%get3A_76, %get3A_77] : memref<1x96xf32, #tpu.memory_space<vmem>>, vector<1x96xf32>
    %add3A_79 = vector.broadcast %get3A_78 : vector<1x96xf32> to vector<2304x96xf32>
    %add3A_80 = arith.addf %mul3A_75, %add3A_79 : vector<2304x96xf32>
    %convert_element_type3A_81 = arith.truncf %add3A_80 : vector<2304x96xf32> to vector<2304x96xbf16>
    %get3A_82 = arith.constant 0 : index
    %get3A_83 = arith.constant 0 : index
    %get3A_84 = vector.load %arg9[%get3A_82, %get3A_83] : memref<96x384xbf16, #tpu.memory_space<vmem>>, vector<96x384xbf16>
    %dot_general3A_85 = arith.constant dense<0.000000e+00> : vector<2304x384xf32>
    %dot_general3A_86 = tpu.matmul %convert_element_type3A_81, %get3A_84, %dot_general3A_85 {dimension_numbers = #tpu.dot_dimension_numbers<[1], [0], [0], [1], [0, 0, 1, 1], [], []>, transpose_lhs_hint = false} : vector<2304x96xbf16>, vector<96x384xbf16>, vector<2304x384xf32> -> vector<2304x384xf32>
    %get3A_87 = arith.constant 0 : index
    %get3A_88 = arith.constant 0 : index
    %get3A_89 = vector.load %arg10[%get3A_87, %get3A_88] : memref<1x384xf32, #tpu.memory_space<vmem>>, vector<1x384xf32>
    %add3A_90 = vector.broadcast %get3A_89 : vector<1x384xf32> to vector<2304x384xf32>
    %add3A_91 = arith.addf %dot_general3A_86, %add3A_90 : vector<2304x384xf32>
    %mul3A_92 = arith.constant 5.000000e-01 : f32
    %mul3A_93 = vector.broadcast %mul3A_92 : f32 to vector<2304x384xf32>
    %mul3A_94 = arith.mulf %mul3A_93, %add3A_91 : vector<2304x384xf32>
    %mul3A_95 = arith.constant 0.707106769 : f32
    %mul3A_96 = vector.broadcast %mul3A_95 : f32 to vector<2304x384xf32>
    %mul3A_97 = arith.mulf %add3A_91, %mul3A_96 : vector<2304x384xf32>
    %erf3A = math.erf %mul3A_97 : vector<2304x384xf32>
    %add3A_98 = arith.constant 1.000000e+00 : f32
    %add3A_99 = vector.broadcast %add3A_98 : f32 to vector<2304x384xf32>
    %add3A_100 = arith.addf %add3A_99, %erf3A : vector<2304x384xf32>
    %mul3A_101 = arith.mulf %mul3A_94, %add3A_100 : vector<2304x384xf32>
    %convert_element_type3A_102 = arith.truncf %mul3A_101 : vector<2304x384xf32> to vector<2304x384xbf16>
    %get3A_103 = arith.constant 0 : index
    %get3A_104 = arith.constant 0 : index
    %get3A_105 = vector.load %arg11[%get3A_103, %get3A_104] : memref<384x96xbf16, #tpu.memory_space<vmem>>, vector<384x96xbf16>
    %dot_general3A_106 = arith.constant dense<0.000000e+00> : vector<2304x96xf32>
    %dot_general3A_107 = tpu.matmul %convert_element_type3A_102, %get3A_105, %dot_general3A_106 {dimension_numbers = #tpu.dot_dimension_numbers<[1], [0], [0], [1], [0, 0, 1, 1], [], []>, transpose_lhs_hint = false} : vector<2304x384xbf16>, vector<384x96xbf16>, vector<2304x96xf32> -> vector<2304x96xf32>
    %add3A_108 = arith.addf %add3A_52, %dot_general3A_107 : vector<2304x96xf32>
    %get3A_109 = arith.constant 0 : index
    %get3A_110 = arith.constant 0 : index
    %get3A_111 = vector.load %arg12[%get3A_109, %get3A_110] : memref<1x96xf32, #tpu.memory_space<vmem>>, vector<1x96xf32>
    %add3A_112 = vector.broadcast %get3A_111 : vector<1x96xf32> to vector<2304x96xf32>
    %add3A_113 = arith.addf %add3A_108, %add3A_112 : vector<2304x96xf32>
    %swap3A = arith.constant 0 : index
    %swap3A_114 = arith.constant 0 : index
    %swap3A_115 = vector.load %arg13[%swap3A, %swap3A_114] : memref<2304x96xf32, #tpu.memory_space<vmem>>, vector<2304x96xf32>
    tpu.vector_store %arg13[%swap3A, %swap3A_114], %add3A_113 {strides = array<i32>} : memref<2304x96xf32, #tpu.memory_space<vmem>>, vector<2304x96xf32>,
    return
  }
  func.func @transform_0(%arg0: i32) -> (i32, i32) {
    %c0_i32 = arith.constant 0 : i32
    %c0_i32_0 = arith.constant 0 : i32
    return %arg0, %c0_i32 : i32, i32
  }
  func.func @transform_1(%arg0: i32) -> (i32, i32, i32) {
    %c0_i32 = arith.constant 0 : i32
    %c0_i32_0 = arith.constant 0 : i32
    %c0_i32_1 = arith.constant 0 : i32
    return %arg0, %c0_i32, %c0_i32_0 : i32, i32, i32
  }
  func.func @transform_2(%arg0: i32) -> (i32, i32) {
    %c0_i32 = arith.constant 0 : i32
    %c0_i32_0 = arith.constant 0 : i32
    return %arg0, %c0_i32 : i32, i32
  }
  func.func @transform_3(%arg0: i32) -> (i32, i32) {
    %c0_i32 = arith.constant 0 : i32
    %c0_i32_0 = arith.constant 0 : i32
    %c0_i32_1 = arith.constant 0 : i32
    return %c0_i32, %c0_i32_0 : i32, i32
  }
  func.func @transform_4(%arg0: i32) -> (i32, i32) {
    %c0_i32 = arith.constant 0 : i32
    %c0_i32_0 = arith.constant 0 : i32
    %c0_i32_1 = arith.constant 0 : i32
    return %c0_i32, %c0_i32_0 : i32, i32
  }
  func.func @transform_5(%arg0: i32) -> (i32, i32) {
    %c0_i32 = arith.constant 0 : i32
    %c0_i32_0 = arith.constant 0 : i32
    %c0_i32_1 = arith.constant 0 : i32
    return %c0_i32, %c0_i32_0 : i32, i32
  }
  func.func @transform_6(%arg0: i32) -> (i32, i32) {
    %c0_i32 = arith.constant 0 : i32
    %c0_i32_0 = arith.constant 0 : i32
    %c0_i32_1 = arith.constant 0 : i32
    return %c0_i32, %c0_i32_0 : i32, i32
  }
  func.func @transform_7(%arg0: i32) -> (i32, i32) {
    %c0_i32 = arith.constant 0 : i32
    %c0_i32_0 = arith.constant 0 : i32
    %c0_i32_1 = arith.constant 0 : i32
    return %c0_i32, %c0_i32_0 : i32, i32
  }
  func.func @transform_8(%arg0: i32) -> (i32, i32) {
    %c0_i32 = arith.constant 0 : i32
    %c0_i32_0 = arith.constant 0 : i32
    %c0_i32_1 = arith.constant 0 : i32
    return %c0_i32, %c0_i32_0 : i32, i32
  }
  func.func @transform_9(%arg0: i32) -> (i32, i32) {
    %c0_i32 = arith.constant 0 : i32
    %c0_i32_0 = arith.constant 0 : i32
    %c0_i32_1 = arith.constant 0 : i32
    return %c0_i32, %c0_i32_0 : i32, i32
  }
  func.func @transform_10(%arg0: i32) -> (i32, i32) {
    %c0_i32 = arith.constant 0 : i32
    %c0_i32_0 = arith.constant 0 : i32
    %c0_i32_1 = arith.constant 0 : i32
    return %c0_i32, %c0_i32_0 : i32, i32
  }
  func.func @transform_11(%arg0: i32) -> (i32, i32) {
    %c0_i32 = arith.constant 0 : i32
    %c0_i32_0 = arith.constant 0 : i32
    %c0_i32_1 = arith.constant 0 : i32
    return %c0_i32, %c0_i32_0 : i32, i32
  }
  func.func @transform_12(%arg0: i32) -> (i32, i32) {
    %c0_i32 = arith.constant 0 : i32
    %c0_i32_0 = arith.constant 0 : i32
    return %arg0, %c0_i32 : i32, i32
  }
}

</mosaic_0001>

<sc_bundles>
// kernel: kernel.6.cloned.1.call-start
scs
__scs_entry_jumppad:
0x0: {  	(pc) =	sbr.rel $0x88, $3  }
0x1: {  	(tag) =	ssettag $0x0;
	lr =	simm.s32 $0x1  }
0x2: {  	[smem:$0x3F94] =	sst lr;
	_ =	strace $0xD0000000  }
0x3: {  	_ = 	snop  }
0x4: {  	_ = 	snop  }
0x5: {  	_ = 	snop  }
0x6: {  	_ = 	snop  }
0x7: {  	_ = 	snop  }
__scs_overlays_trampoline_lowered:
0x8: {  	[smem:$0x3FA3] =	sst s0  }
0x9: {  	[smem:$0x3FA4] =	sst s1  }
0xa: {  	[smem:$0x3FA5] =	sst s2  }
0xb: {  	[smem:$0x3FA6] =	sst s3  }
0xc: {  	[smem:$0x3FA7] =	sst s4  }
0xd: {  	[smem:$0x3FA8] =	sst s5  }
0xe: {  	[smem:$0x3FA9] =	sst s6  }
0xf: {  	[smem:$0x3FAA] =	sst s7  }
0x10: {  	[smem:$0x3FAB] =	sst s8  }
0x11: {  	[smem:$0x3FAC] =	sst s9;
	s0 =	simm.s32 @!p0 $0x0  }
0x12: {  	s1 =	sld [smem:$0x3F92];
	s0 =	simm.s32 @p0 $0x1  }
0x13: {  	[smem:$0x3FAD] =	sst s0;
	s0 =	simm.s32 @!p1 $0x0  }
0x14: {  	s2 =	sld [smem:$0x3F91];
	s0 =	simm.s32 @p1 $0x1  }
0x15: {  	[smem:$0x3FAE] =	sst s0;
	s0 =	simm.s32 @!p2 $0x0  }
0x16: {  	s3 =	sld [smem:$0x3FDB];
	s0 =	simm.s32 @p2 $0x1  }
0x17: {  	s4 =	simm.s32 $0x1BF5;
	[smem:$0x3FB0] =	sst s0  }
0x18: {  	s0 =	sld [smem:$0x3F93];
	_ =	swait.ge [sflag:s4], $0x0  }
0x19: {  	s7 =	sld [smem:$0x3F94]  }
0x1a: {  	s8 =	sadd.s32 $0xFFFFE003, lr  }
0x1b: {  	s9 =	sadd.s32 $0xFFFFFEF7, lr;
	s5 =	simm.s32 $0xFFFFFFFF;
	p2 =	slt.u32 s8, $0xFFFFF086  }
0x1c: {  	p1 =	slt.u32 s9, $0xF7A;
	s5 =	simm.s32 @!p2 $0x0  }
0x1d: {  	s5 =	simm.s32 @p1 $0x1;
	p0 =	seq.s32 s7, s2  }
0x1e: {  	s7 =	smul.u32 @!p0 $0xF7A, s2;
	p2 =	seq.s32 @!p0 s5, $0x0  }
0x1f: {  	s9 =	smul.u32 $0xF7A, s1;
	s8 =	simm.s32 @!p0 $0x1BF5;
	p2 =	por !p2, p0  }
0x20: {  	[sflag:s8] =	ssyncset.s32 @!p0 $0xFFFFF086;
	s6 =	sadd.s32 @!p0 s3, s7;
	s7 =	simm.s32 @!p0 $0x108  }
0x21: {  	s3 =	sadd.s32 s3, s9;
	s6 =	sadd.s32 @!p0 $0x88, s6;
	s7 =	simm.s32 @p2 $0x1082  }
0x22: {  	[simem:s7], [sflag:s8] =	dma.local @!p0 [hbm:s6], $0xF7A  }
0x23: {  	s9 =	sor.u32 $0xD0000000, s2;
	s6 =	simm.s32 $0x108;
	_ =	swait.ge @!p0 [sflag:s8], $0x0  }
0x24: {  	s3 =	sadd.s32 $0x88, s3;
	s6 =	simm.s32 @!p1 $0x1082;
	[sflag:s4] =	ssyncset.s32 $0xFFFFF086  }
0x25: {  	[simem:s6], [sflag:s4] =	dma.local [hbm:s3], $0xF7A  }
0x26: {  	[smem:$0x3F94] =	sst s1;
	(tag) =	ssettag s2;
	_ =	strace s9  }
0x27: {  	s1 =	sld [smem:$0x3FA4]  }
0x28: {  	s2 =	sld [smem:$0x3FA5]  }
0x29: {  	s4 =	sld [smem:$0x3FA7]  }
0x2a: {  	p0 =	seq.s32 s5, $0x0;
	s5 =	sld [smem:$0x3FA8]  }
0x2b: {  	s6 =	sld [smem:$0x3FA9]  }
0x2c: {  	s7 =	sld [smem:$0x3FAA]  }
0x2d: {  	s3 =	simm.s32 $0x108;
	s8 =	sld [smem:$0x3FAB]  }
0x2e: {  	s3 =	simm.s32 @!p0 $0x1082;
	s9 =	sld [smem:$0x3FAC]  }
0x2f: {  	lr =	sadd.s32 s0, s3;
	s0 =	sld [smem:$0x3FA3]  }
0x30: {  	s3 =	sld [smem:$0x3FA6]  }
0x31: {  	[smem:$0x3FAF] =	sst s10  }
0x32: {  	s10 =	sld [smem:$0x3FAD];
	_ =	sdelay $0x3  }
0x33: {  	p0 =	seq.s32 s10, $0x1;
	s10 =	sld [smem:$0x3FAF];
	_ =	sdelay $0x3  }
0x34: {  	[smem:$0x3FAF] =	sst s10  }
0x35: {  	s10 =	sld [smem:$0x3FAE];
	_ =	sdelay $0x3  }
0x36: {  	p1 =	seq.s32 s10, $0x1;
	s10 =	sld [smem:$0x3FAF];
	_ =	sdelay $0x3  }
0x37: {  	[smem:$0x3FAF] =	sst s10  }
0x38: {  	s10 =	sld [smem:$0x3FB0]  }
0x39: {  	_ = 	snop;
	(pc) =	sbr.ind lr, $3  }
0x3a: {  	_ = 	snop  }
0x3b: {  	_ = 	snop  }
0x3c: {  	p2 =	seq.s32 s10, $0x1;
	s10 =	sld [smem:$0x3FAF]  }
0x3d: {  	_ =	shalt  }
0x3e: {  	_ =	shalt  }
0x3f: {  	_ =	shalt  }
0x40: {  	_ =	shalt  }
0x41: {  	_ =	shalt  }
0x42: {  	_ =	shalt  }
0x43: {  	_ =	shalt  }
0x44: {  	_ =	shalt  }
0x45: {  	_ =	shalt  }
0x46: {  	_ =	shalt  }
0x47: {  	_ =	shalt  }
0x48: {  	_ =	shalt  }
0x49: {  	_ =	shalt  }
0x4a: {  	_ =	shalt  }
0x4b: {  	_ =	shalt  }
0x4c: {  	_ =	shalt  }
0x4d: {  	_ =	shalt  }
0x4e: {  	_ =	shalt  }
0x4f: {  	_ =	shalt  }
0x50: {  	_ =	shalt  }
0x51: {  	_ =	shalt  }
0x52: {  	_ =	shalt  }
0x53: {  	_ =	shalt  }
0x54: {  	_ =	shalt  }
0x55: {  	_ =	shalt  }
0x56: {  	_ =	shalt  }
0x57: {  	_ =	shalt  }
0x58: {  	_ =	shalt  }
0x59: {  	_ =	shalt  }
0x5a: {  	_ =	shalt  }
0x5b: {  	_ =	shalt  }
0x5c: {  	_ =	shalt  }
0x5d: {  	_ =	shalt  }
0x5e: {  	_ =	shalt  }
0x5f: {  	_ =	shalt  }
0x60: {  	_ =	shalt  }
0x61: {  	_ =	shalt  }
0x62: {  	_ =	shalt  }
0x63: {  	_ =	shalt  }
0x64: {  	_ =	shalt  }
0x65: {  	_ =	shalt  }
0x66: {  	_ =	shalt  }
0x67: {  	_ =	shalt  }
0x68: {  	_ =	shalt  }
0x69: {  	_ =	shalt  }
0x6a: {  	_ =	shalt  }
0x6b: {  	_ =	shalt  }
0x6c: {  	_ =	shalt  }
0x6d: {  	_ =	shalt  }
0x6e: {  	_ =	shalt  }
0x6f: {  	_ =	shalt  }
0x70: {  	_ =	shalt  }
0x71: {  	_ =	shalt  }
0x72: {  	_ =	shalt  }
0x73: {  	_ =	shalt  }
0x74: {  	_ =	shalt  }
0x75: {  	_ =	shalt  }
0x76: {  	_ =	shalt  }
0x77: {  	_ =	shalt  }
0x78: {  	_ =	shalt  }
0x79: {  	_ =	shalt  }
0x7a: {  	_ =	shalt  }
0x7b: {  	_ =	shalt  }
0x7c: {  	_ =	shalt  }
0x7d: {  	_ =	shalt  }
0x7e: {  	_ =	shalt  }
0x7f: {  	_ =	shalt  }
0x80: {  	_ =	shalt  }
0x81: {  	_ =	shalt  }
0x82: {  	_ =	shalt  }
0x83: {  	_ =	shalt  }
0x84: {  	_ =	shalt  }
0x85: {  	_ =	shalt  }
0x86: {  	_ =	shalt  }
0x87: {  	_ =	shalt  }
.Lfunc_end0:
.L_simem_size_0:
called_computation_lowered:
.L_overlay_start_0:
0x88: {  	s2 =	sld [smem:$0x3FD9]  }
0x89: {  	s3 =	sld [smem:$0x3FFE];
	_ =	sdelay $0x1  }
0x8a: {  	s1 =	srdreg.scid  }
0x8b: {  	s0 =	sand.u32 $0x1, s1  }
0x8c: {  	s16 =	sshll.u32 s0, $0xA;
	s2 =	sadd.s32 s3, s2  }
0x8d: {  	s2 =	sadd.s32 s2, s16  }
0x8e: {  	[smem:$0x3FBB] =	sst s2  }
0x8f: {  	_ = 	snop  }
0x90: {  	(tm) =	ssettm $0x1  }
0x91: {  	s17 =	sld [smem:$0x3FFB];
	_ =	sdelay $0x3  }
0x92: {  	_ =	strace s17  }
0x93: {  	s2 =	sld [smem:$0x3FFC];
	_ =	sdelay $0x3  }
0x94: {  	_ =	strace s2  }
0x95: {  	s2 =	sld [smem:$0x3FFD];
	_ =	sdelay $0x3  }
0x96: {  	_ =	strace s2  }
0x97: {  	_ =	strace $0x8FFFFFFF  }
0x98: {  	s18 =	sld [smem:$0x3FDB];
	_ =	sdelay $0x1  }
0x99: {  	s19 =	simm.s32 $_scs_section_size  }
0x9a: {  	s4 =	simm.s32 $_size__tile_overlayer_lowered;
	s5 =	simm.s32 $_tile_overlayer_lowered  }
0x9b: {  	s22 =	simm.s32 $0x1BFF;
	s21 =	sshll.u32 s5, $0x1;
	s2 =	sadd.s32 s19, s18  }
0x9c: {  	s6 =	simm.s32 $0x0;
	s20 =	sshll.u32 s4, $0x1;
	s4 =	sadd.s32 s21, s2  }
0x9d: {  	[timem:s6], [sflag:s22] =	dma.local [hbm:s4], s20  }
0x9e: {  	_ =	swait.ge [sflag:s22], s20  }
0x9f: {  	s3 =	ssub.s32 $0x0, s20;
	[sflag:s22] =	ssyncset.done $0x0  }
0xa0: {  	[sflag:s22] =	ssyncadd.s32 s3;
	_ =	sdelay $0x1  }
0xa1: {  	s23 =	simm.s32 $0x1B8B  }
0xa2: {  	_ =	swait.ge [sflag:s23], $0x1  }
0xa3: {  	[sflag:s23] =	ssyncset.done $0x0  }
0xa4: {  	s25 =	simm.s32 $0x1B8E;
	s24 =	sld [smem:$0x3FFE];
	[sflag:s23] =	ssyncadd.s32 $0xFFFFFFFF  }
0xa5: {  	s26 =	simm.s32 $execute0_lowered;
	[smem:$0x3FD2] =	sst s25  }
0xa6: {  	s4 =	sshll.u32 s26, $0x1;
	_ =	strace $0x80000046;
	[dreg:$0x1] =	wrdreg $0xFFFFFFFF  }
0xa7: {  	s28 =	simm.s32 $_size_execute0_lowered;
	s2 =	sadd.s32 s2, s4;
	[dreg:$0x0] =	wrdreg $0x0  }
0xa8: {  	s4 =	sshll.u32 s28, $0x1;
	[dreg:$0x2] =	wrdreg s2  }
0xa9: {  	[dreg:$0x3] =	wrdreg s4  }
0xaa: {  	[dreg:$0x4] =	wrdreg $0xC0  }
0xab: {  	_ =	task [dreg:s6], $0x5FFFF  }
0xac: {  	[dreg:$0x1] =	wrdreg $0xFFFFFFFF  }
0xad: {  	[dreg:$0x0] =	wrdreg $0x60  }
0xae: {  	[dreg:$0x2] =	wrdreg s24  }
0xaf: {  	[dreg:$0x3] =	wrdreg $0x9  }
0xb0: {  	_ =	task.clear_ibuf [dreg:s6], $0x4FFFF;
	_ =	strace $0x90000046  }
0xb1: {  	s29 =	simm.s32 $0x9;
	_ =	strace $0x80000048  }
0xb2: {  	_ =	swait.ge [sflag:s29], $0x1  }
0xb3: {  	[sflag:s29] =	ssyncadd.s32 $0xFFFFFFFF  }
0xb4: {  	_ =	strace $0x90000048  }
0xb5: {  	_ =	sfence  }
0xb6: {  	s30 =	sld [smem:$0x0];
	_ =	sdelay $0x2  }
0xb7: {  	s31 =	sshll.u32 s1, $0xD;
	s1 =	sshrl.u32 s1, $0x2  }
0xb8: {  	s3 =	sand.u32 $0x4000, s31;
	s1 =	sadd.s32 s1, s30  }
0xb9: {  	s0 =	sor.u32 s3, s0;
	s1 =	sshll.u32 s1, $0x11  }
0xba: {  	s0 =	sor.u32 s1, s0  }
0xbb: {  	s0 =	sadd.s32 $0x8F2B, s0  }
0xbc: {  	[sflag:s0] =	ssyncadd.remote.s32 $0x1  }
0xbd: {  	_ =	sfence.sel $0xFFFF  }
0xbe: {  	[dreg:$0x0] =	wrdreg $0xFFFFFFFF;
	(pc) =	sbr.abs _section_cstart, $3  }
0xbf: {  	[dreg:$0x1] =	wrdreg $0xFFFFFFFF  }
0xc0: {  	_ =	task.clear_ibuf [dreg:s6], $0x2FFFF;
	_ =	strace $0x9FFFFFFF  }
0xc1: {  	(tm) =	ssettm $0x7FFFFFFF  }
tec
execute0_lowered:
.L_overlay_start_1:
0x0: {  	(tag) =	ssettag $0x1  }
0x1: {  	s0 =	srdreg.scid  }
0x2: {  	s2 =	stileid.u32;
	s1 =	sand.u32 $0x1, s0  }
0x3: {  	s3 =	sshll.u32 s2, $0x7;
	s4 =	sshll.u32 s1, $0x6  }
0x4: {  	s0 =	rddreg [dreg:$0x0];
	s2 =	simm.s32 $0x0;
	s3 =	sor.u32 s4, s3  }
0x5: {  	[smem:$0x7FF] =	sst s2;
	s4 =	sadd.s32 s3, s0  }
0x6: {  	_ =	strace $0x80000047;
	s6 =	smul.u32 $0x480, s3;
	s5 =	sadd.s32 $0x4E00, s4  }
0x7: {  	s3 =	smul.u32 $0x2400, s3;
	s4 =	sadd.s32 $0x4600, s4;
	[dreg:$0x2] =	wrdreg s5  }
0x8: {  	s5 =	sadd.s32 $0x344600, s0;
	[dreg:$0x3] =	wrdreg s4  }
0x9: {  	s7 =	sor.u32 $0x1200, s6;
	s3 =	sshrl.u32 s3, $0x3;
	s16 =	sadd.s32 s5, s6  }
0xa: {  	s17 =	sadd.s32 s5, s7;
	s8 =	sadd.s32 $0x2400, s3;
	[dreg:$0x4] =	wrdreg s16  }
0xb: {  	s9 =	sadd.s32 $0x3600, s3;
	[dreg:$0x5] =	wrdreg s17;
	s18 =	sadd.s32 s5, s8  }
0xc: {  	s10 =	sadd.s32 $0x4800, s3;
	s19 =	sadd.s32 s5, s9;
	[dreg:$0x6] =	wrdreg s18  }
0xd: {  	s11 =	sadd.s32 $0x5A00, s3;
	s20 =	sadd.s32 s5, s10;
	[dreg:$0x7] =	wrdreg s19  }
0xe: {  	s12 =	sadd.s32 $0x6C00, s3;
	s21 =	sadd.s32 s5, s11;
	[dreg:$0x8] =	wrdreg s20  }
0xf: {  	s13 =	sadd.s32 $0x7E00, s3;
	s22 =	sadd.s32 s5, s12;
	[dreg:$0x9] =	wrdreg s21  }
0x10: {  	s14 =	sadd.s32 $0x9000, s3;
	s23 =	sadd.s32 s5, s13;
	[dreg:$0xa] =	wrdreg s22  }
0x11: {  	s15 =	sadd.s32 $0xA200, s3;
	s24 =	sadd.s32 s5, s14;
	[dreg:$0xb] =	wrdreg s23  }
0x12: {  	s25 =	sadd.s32 s5, s15;
	s16 =	sadd.s32 $0xB400, s3;
	[dreg:$0xc] =	wrdreg s24  }
0x13: {  	s17 =	sadd.s32 $0xC600, s3;
	[dreg:$0xd] =	wrdreg s25;
	s26 =	sadd.s32 s5, s16  }
0x14: {  	s28 =	sadd.s32 s5, s17;
	s18 =	sadd.s32 $0xD800, s3;
	[dreg:$0xe] =	wrdreg s26  }
0x15: {  	s19 =	sadd.s32 $0xEA00, s3;
	[dreg:$0xf] =	wrdreg s28;
	s29 =	sadd.s32 s5, s18  }
0x16: {  	s20 =	sadd.s32 $0xFC00, s3;
	s30 =	sadd.s32 s5, s19;
	[dreg:$0x10] =	wrdreg s29  }
0x17: {  	s21 =	sadd.s32 $0x10E00, s3;
	s31 =	sadd.s32 s5, s20;
	[dreg:$0x11] =	wrdreg s30  }
0x18: {  	s22 =	sadd.s32 $0x584600, s0;
	s3 =	sadd.s32 s5, s21;
	[dreg:$0x12] =	wrdreg s31  }
0x19: {  	s5 =	sadd.s32 s22, s6;
	[dreg:$0x13] =	wrdreg s3  }
0x1a: {  	s6 =	sadd.s32 s22, s7;
	[dreg:$0x14] =	wrdreg s5  }
0x1b: {  	s7 =	sadd.s32 s22, s8;
	[dreg:$0x15] =	wrdreg s6  }
0x1c: {  	s8 =	sadd.s32 s22, s9;
	[dreg:$0x16] =	wrdreg s7  }
0x1d: {  	s1 =	ssub.s32 $0x2, s1;
	s9 =	sadd.s32 s22, s10;
	[dreg:$0x17] =	wrdreg s8  }
0x1e: {  	s4 =	sadd.s32 $0x2B4600, s0;
	s10 =	sadd.s32 s22, s11;
	[dreg:$0x18] =	wrdreg s9  }
0x1f: {  	s11 =	sadd.s32 s22, s12;
	s12 =	sadd.s32 s22, s13;
	[dreg:$0x19] =	wrdreg s10  }
0x20: {  	s13 =	sshrl.u32 s1, $0x1;
	s14 =	sadd.s32 s22, s14;
	[dreg:$0x1a] =	wrdreg s11  }
0x21: {  	s23 =	sadd.s32 s22, s15;
	s24 =	sadd.s32 s22, s16;
	[dreg:$0x1b] =	wrdreg s12  }
0x22: {  	s25 =	sadd.s32 s22, s17;
	s26 =	sadd.s32 s22, s18;
	[dreg:$0x1c] =	wrdreg s14  }
0x23: {  	s28 =	sadd.s32 s22, s19;
	s16 =	simm.s32 $0x1;
	[dreg:$0x1d] =	wrdreg s23  }
0x24: {  	s3 =	sadd.s32 $0x224600, s0;
	s5 =	sadd.s32 $0x224700, s0;
	[dreg:$0x1e] =	wrdreg s24  }
0x25: {  	s6 =	sadd.s32 $0x224800, s0;
	s7 =	sadd.s32 $0x224900, s0;
	[dreg:$0x1f] =	wrdreg s25  }
0x26: {  	s1 =	ssub.s32 s1, s13;
	s8 =	sadd.s32 $0x224A00, s0;
	[smem:$0x7F9] =	sst s26  }
0x27: {  	s9 =	sadd.s32 $0x2B4700, s0;
	[smem:$0x7FA] =	sst s28;
	s29 =	sadd.s32 s22, s20  }
0x28: {  	s10 =	sadd.s32 $0x2B4800, s0;
	s30 =	sadd.s32 s22, s21;
	s11 =	sadd.s32 $0x2B4900, s0  }
0x29: {  	v2 =	vlaneseq.u32;
	s12 =	sadd.s32 $0x2B4A00, s0;
	s31 =	simm.s32 $0x200;
	[smem:$0x7FB] =	sst s29  }
0x2a: {  	vm0 =	vmmov $0xffff;
	vm1 =	vmmov $0xff;
	v1 =	vshrl.u32 v2, $0x3;
	s20 =	simm.s32 $0x2;
	s21 =	simm.s32 $0x3;
	[smem:$0x7FC] =	sst s30  }
0x2b: {  	v0 =	vand.u32 $0x7, v2;
	v2 =	vor.u32 $0x8, v2;
	v1 =	vmul.u32 $0x8, v1;
	s22 =	simm.s32 $0x4;
	s23 =	smax.u32 s1, $0x1;
	[smem:$0x7FD] =	sst s31  }
.LBB2_1:
0x2c: {  	[smem:$0x7F8] =	sst s23  }
0x2d: {  	s26 =	rddreg [dreg:$0x2];
	s25 =	simm.s32 $0x5  }
0x2e: {  	[tilespmem:s2], [sflag:$0x5] =	stream.linear.gather [hbm4b:s26+s2], $0x200, $0x38;
	[tilespmem:$0x12400] =	vst v63  }
0x2f: {  	_ =	swait.ge [sflag:s25], $0x200  }
0x30: {  	s24 =	sld [smem:$0x7FD]  }
0x31: {  	[sflag:s25] =	ssyncset.done $0x0  }
0x32: {  	s28 =	rddreg [dreg:$0x3];
	[sflag:s25] =	ssyncadd.s32 $0xFFFFFE00  }
0x33: {  	[tilespmem:s24], [sflag:$0x5] =	stream.linear.gather [hbm4b:s28+s2], $0x200, $0x38;
	[tilespmem:$0x12400] =	vst v63  }
0x34: {  	_ =	swait.ge [sflag:s25], $0x200  }
0x35: {  	[sflag:s25] =	ssyncset.done $0x0  }
0x36: {  	[sflag:s25] =	ssyncadd.s32 $0xFFFFFE00  }
0x37: {  	v3 =	vld [tilespmem:$0x0];
	_ =	sdelay $0x4  }
0x38: {  	v4 =	vshrl.u32 v3, $0x3  }
0x39: {  	v4 =	vmul.u32 $0x48, v4  }
0x3a: {  	v3 =	vand.u32 $0x7, v3  }
0x3b: {  	v3 =	vor.u32 v3, v4  }
0x3c: {  	v4 =	vperm.xlane v3, v0;
	_ =	sdelay $0x1  }
0x3d: {  	v4 =	vadd.s32 v1, v4;
	_ =	sdelay $0x3  }
0x3e: {  	s0 =	simm.s32 $0x400  }
0x3f: {  	[tilespmem:s0], [sflag:$0x1] =	stream.indirect_vreg.gather [hbm4b:s3+s2], $0x80, v4, vm0, $0xb8;
	[tilespmem:$0x12400] =	vst v63  }
0x40: {  	s29 =	simm.s32 $0xC00  }
0x41: {  	[tilespmem:s29], [sflag:$0x1] =	stream.indirect_vreg.gather [hbm4b:s5+s2], $0x80, v4, vm0, $0xb8;
	[tilespmem:$0x12400] =	vst v63  }
0x42: {  	s30 =	simm.s32 $0x1400;
	v3 =	vperm.xlane v3, v2  }
0x43: {  	[tilespmem:s30], [sflag:$0x1] =	stream.indirect_vreg.gather [hbm4b:s6+s2], $0x80, v4, vm0, $0xb8;
	[tilespmem:$0x12400] =	vst v63  }
0x44: {  	s31 =	simm.s32 $0x1C00;
	v3 =	vadd.s32 v1, v3  }
0x45: {  	[tilespmem:s31], [sflag:$0x1] =	stream.indirect_vreg.gather [hbm4b:s7+s2], $0x80, v4, vm0, $0xb8;
	[tilespmem:$0x12400] =	vst v63  }
0x46: {  	s1 =	simm.s32 $0x2400  }
0x47: {  	[tilespmem:s1], [sflag:$0x1] =	stream.indirect_vreg.gather [hbm4b:s8+s2], $0x80, v4, vm1, $0xb8;
	[tilespmem:$0x12400] =	vst v63  }
0x48: {  	s13 =	simm.s32 $0x2800  }
0x49: {  	[tilespmem:s13], [sflag:$0x1] =	stream.indirect_vreg.gather [hbm4b:s3+s2], $0x80, v3, vm0, $0xb8;
	[tilespmem:$0x12400] =	vst v63  }
0x4a: {  	s14 =	simm.s32 $0x3000  }
0x4b: {  	[tilespmem:s14], [sflag:$0x1] =	stream.indirect_vreg.gather [hbm4b:s5+s2], $0x80, v3, vm0, $0xb8;
	[tilespmem:$0x12400] =	vst v63  }
0x4c: {  	s19 =	simm.s32 $0x3800  }
0x4d: {  	[tilespmem:s19], [sflag:$0x1] =	stream.indirect_vreg.gather [hbm4b:s6+s2], $0x80, v3, vm0, $0xb8;
	[tilespmem:$0x12400] =	vst v63  }
0x4e: {  	s23 =	simm.s32 $0x4000  }
0x4f: {  	[tilespmem:s23], [sflag:$0x1] =	stream.indirect_vreg.gather [hbm4b:s7+s2], $0x80, v3, vm0, $0xb8;
	[tilespmem:$0x12400] =	vst v63  }
0x50: {  	s26 =	simm.s32 $0x4800  }
0x51: {  	[tilespmem:s26], [sflag:$0x1] =	stream.indirect_vreg.gather [hbm4b:s8+s2], $0x80, v3, vm1, $0xb8;
	[tilespmem:$0x12400] =	vst v63  }
0x52: {  	v3 =	vld [tilespmem:$0x10];
	_ =	sdelay $0x4  }
0x53: {  	v57 =	vshrl.u32 v3, $0x3  }
0x54: {  	v4 =	vmul.u32 $0x48, v57  }
0x55: {  	v3 =	vand.u32 $0x7, v3  }
0x56: {  	v3 =	vor.u32 v3, v4  }
0x57: {  	v4 =	vperm.xlane v3, v0;
	_ =	sdelay $0x1  }
0x58: {  	v4 =	vadd.s32 v1, v4;
	_ =	sdelay $0x3  }
0x59: {  	s28 =	simm.s32 $0x4C00  }
0x5a: {  	[tilespmem:s28], [sflag:$0x1] =	stream.indirect_vreg.gather [hbm4b:s3+s2], $0x80, v4, vm0, $0xb8;
	[tilespmem:$0x12400] =	vst v63  }
0x5b: {  	s13 =	simm.s32 $0x5400  }
0x5c: {  	[tilespmem:s13], [sflag:$0x1] =	stream.indirect_vreg.gather [hbm4b:s5+s2], $0x80, v4, vm0, $0xb8;
	[tilespmem:$0x12400] =	vst v63  }
0x5d: {  	s14 =	simm.s32 $0x5C00;
	v3 =	vperm.xlane v3, v2  }
0x5e: {  	[tilespmem:s14], [sflag:$0x1] =	stream.indirect_vreg.gather [hbm4b:s6+s2], $0x80, v4, vm0, $0xb8;
	[tilespmem:$0x12400] =	vst v63  }
0x5f: {  	s19 =	simm.s32 $0x6400;
	v3 =	vadd.s32 v1, v3  }
0x60: {  	[tilespmem:s19], [sflag:$0x1] =	stream.indirect_vreg.gather [hbm4b:s7+s2], $0x80, v4, vm0, $0xb8;
	[tilespmem:$0x12400] =	vst v63  }
0x61: {  	s23 =	simm.s32 $0x6C00  }
0x62: {  	[tilespmem:s23], [sflag:$0x1] =	stream.indirect_vreg.gather [hbm4b:s8+s2], $0x80, v4, vm1, $0xb8;
	[tilespmem:$0x12400] =	vst v63  }
0x63: {  	s26 =	simm.s32 $0x7000  }
0x64: {  	[tilespmem:s26], [sflag:$0x1] =	stream.indirect_vreg.gather [hbm4b:s3+s2], $0x80, v3, vm0, $0xb8;
	[tilespmem:$0x12400] =	vst v63  }
0x65: {  	s19 =	simm.s32 $0x7800  }
0x66: {  	[tilespmem:s19], [sflag:$0x1] =	stream.indirect_vreg.gather [hbm4b:s5+s2], $0x80, v3, vm0, $0xb8;
	[tilespmem:$0x12400] =	vst v63  }
0x67: {  	s23 =	simm.s32 $0x8000  }
0x68: {  	[tilespmem:s23], [sflag:$0x1] =	stream.indirect_vreg.gather [hbm4b:s6+s2], $0x80, v3, vm0, $0xb8;
	[tilespmem:$0x12400] =	vst v63  }
0x69: {  	s26 =	simm.s32 $0x8800  }
0x6a: {  	[tilespmem:s26], [sflag:$0x1] =	stream.indirect_vreg.gather [hbm4b:s7+s2], $0x80, v3, vm0, $0xb8;
	[tilespmem:$0x12400] =	vst v63  }
0x6b: {  	s23 =	simm.s32 $0x9000  }
0x6c: {  	[tilespmem:s23], [sflag:$0x1] =	stream.indirect_vreg.gather [hbm4b:s8+s2], $0x80, v3, vm1, $0xb8;
	[tilespmem:$0x12400] =	vst v63  }
0x6d: {  	_ =	swait.ge [sflag:s16], $0x9000  }
0x6e: {  	[sflag:s16] =	ssyncset.done $0x0  }
0x6f: {  	[sflag:s16] =	ssyncadd.s32 $0xFFFF7000  }
0x70: {  	v3 =	vld [tilespmem:$0x20];
	_ =	sdelay $0x4  }
0x71: {  	v58 =	vshrl.u32 v3, $0x3  }
0x72: {  	v4 =	vmul.u32 $0x48, v58  }
0x73: {  	v3 =	vand.u32 $0x7, v3  }
0x74: {  	v3 =	vor.u32 v3, v4  }
0x75: {  	v4 =	vperm.xlane v3, v0;
	_ =	sdelay $0x1  }
0x76: {  	v4 =	vadd.s32 v1, v4;
	_ =	sdelay $0x3  }
0x77: {  	s23 =	simm.s32 $0x9400  }
0x78: {  	[tilespmem:s23], [sflag:$0x2] =	stream.indirect_vreg.gather [hbm4b:s3+s2], $0x80, v4, vm0, $0xb8;
	[tilespmem:$0x12400] =	vst v63  }
0x79: {  	s0 =	simm.s32 $0x9C00  }
0x7a: {  	[tilespmem:s0], [sflag:$0x2] =	stream.indirect_vreg.gather [hbm4b:s5+s2], $0x80, v4, vm0, $0xb8;
	[tilespmem:$0x12400] =	vst v63  }
0x7b: {  	v3 =	vperm.xlane v3, v2;
	s0 =	simm.s32 $0xA400  }
0x7c: {  	[tilespmem:s0], [sflag:$0x2] =	stream.indirect_vreg.gather [hbm4b:s6+s2], $0x80, v4, vm0, $0xb8;
	[tilespmem:$0x12400] =	vst v63  }
0x7d: {  	v3 =	vadd.s32 v1, v3;
	s0 =	simm.s32 $0xAC00  }
0x7e: {  	[tilespmem:s0], [sflag:$0x2] =	stream.indirect_vreg.gather [hbm4b:s7+s2], $0x80, v4, vm0, $0xb8;
	[tilespmem:$0x12400] =	vst v63  }
0x7f: {  	s0 =	simm.s32 $0xB400  }
0x80: {  	[tilespmem:s0], [sflag:$0x2] =	stream.indirect_vreg.gather [hbm4b:s8+s2], $0x80, v4, vm1, $0xb8;
	[tilespmem:$0x12400] =	vst v63  }
0x81: {  	s0 =	simm.s32 $0xB800  }
0x82: {  	[tilespmem:s0], [sflag:$0x2] =	stream.indirect_vreg.gather [hbm4b:s3+s2], $0x80, v3, vm0, $0xb8;
	[tilespmem:$0x12400] =	vst v63  }
0x83: {  	s0 =	simm.s32 $0xC000  }
0x84: {  	[tilespmem:s0], [sflag:$0x2] =	stream.indirect_vreg.gather [hbm4b:s5+s2], $0x80, v3, vm0, $0xb8;
	[tilespmem:$0x12400] =	vst v63  }
0x85: {  	s0 =	simm.s32 $0xC800  }
0x86: {  	[tilespmem:s0], [sflag:$0x2] =	stream.indirect_vreg.gather [hbm4b:s6+s2], $0x80, v3, vm0, $0xb8;
	[tilespmem:$0x12400] =	vst v63  }
0x87: {  	s0 =	simm.s32 $0xD000  }
0x88: {  	[tilespmem:s0], [sflag:$0x2] =	stream.indirect_vreg.gather [hbm4b:s7+s2], $0x80, v3, vm0, $0xb8;
	[tilespmem:$0x12400] =	vst v63  }
0x89: {  	s0 =	simm.s32 $0xD800  }
0x8a: {  	[tilespmem:s0], [sflag:$0x2] =	stream.indirect_vreg.gather [hbm4b:s8+s2], $0x80, v3, vm1, $0xb8;
	[tilespmem:$0x12400] =	vst v63  }
0x8b: {  	v3 =	vld [tilespmem:$0x30];
	_ =	sdelay $0x4  }
0x8c: {  	v59 =	vshrl.u32 v3, $0x3  }
0x8d: {  	v4 =	vmul.u32 $0x48, v59  }
0x8e: {  	v3 =	vand.u32 $0x7, v3  }
0x8f: {  	v3 =	vor.u32 v3, v4  }
0x90: {  	v4 =	vperm.xlane v3, v0;
	_ =	sdelay $0x1  }
0x91: {  	v4 =	vadd.s32 v1, v4;
	_ =	sdelay $0x3  }
0x92: {  	s0 =	simm.s32 $0xDC00  }
0x93: {  	[tilespmem:s0], [sflag:$0x2] =	stream.indirect_vreg.gather [hbm4b:s3+s2], $0x80, v4, vm0, $0xb8;
	[tilespmem:$0x12400] =	vst v63  }
0x94: {  	s0 =	simm.s32 $0xE400  }
0x95: {  	[tilespmem:s0], [sflag:$0x2] =	stream.indirect_vreg.gather [hbm4b:s5+s2], $0x80, v4, vm0, $0xb8;
	[tilespmem:$0x12400] =	vst v63  }
0x96: {  	v3 =	vperm.xlane v3, v2;
	s0 =	simm.s32 $0xEC00  }
0x97: {  	[tilespmem:s0], [sflag:$0x2] =	stream.indirect_vreg.gather [hbm4b:s6+s2], $0x80, v4, vm0, $0xb8;
	[tilespmem:$0x12400] =	vst v63  }
0x98: {  	v3 =	vadd.s32 v1, v3;
	s0 =	simm.s32 $0xF400  }
0x99: {  	[tilespmem:s0], [sflag:$0x2] =	stream.indirect_vreg.gather [hbm4b:s7+s2], $0x80, v4, vm0, $0xb8;
	[tilespmem:$0x12400] =	vst v63  }
0x9a: {  	s0 =	simm.s32 $0xFC00  }
0x9b: {  	[tilespmem:s0], [sflag:$0x2] =	stream.indirect_vreg.gather [hbm4b:s8+s2], $0x80, v4, vm1, $0xb8;
	[tilespmem:$0x12400] =	vst v63  }
0x9c: {  	s0 =	simm.s32 $0x10000  }
0x9d: {  	[tilespmem:s0], [sflag:$0x2] =	stream.indirect_vreg.gather [hbm4b:s3+s2], $0x80, v3, vm0, $0xb8;
	[tilespmem:$0x12400] =	vst v63  }
0x9e: {  	s0 =	simm.s32 $0x10800  }
0x9f: {  	[tilespmem:s0], [sflag:$0x2] =	stream.indirect_vreg.gather [hbm4b:s5+s2], $0x80, v3, vm0, $0xb8;
	[tilespmem:$0x12400] =	vst v63  }
0xa0: {  	s0 =	simm.s32 $0x11000  }
0xa1: {  	[tilespmem:s0], [sflag:$0x2] =	stream.indirect_vreg.gather [hbm4b:s6+s2], $0x80, v3, vm0, $0xb8;
	[tilespmem:$0x12400] =	vst v63  }
0xa2: {  	s0 =	simm.s32 $0x11800  }
0xa3: {  	[tilespmem:s0], [sflag:$0x2] =	stream.indirect_vreg.gather [hbm4b:s7+s2], $0x80, v3, vm0, $0xb8;
	[tilespmem:$0x12400] =	vst v63  }
0xa4: {  	s0 =	simm.s32 $0x12000  }
0xa5: {  	[tilespmem:s0], [sflag:$0x2] =	stream.indirect_vreg.gather [hbm4b:s8+s2], $0x80, v3, vm1, $0xb8;
	[tilespmem:$0x12400] =	vst v63  }
0xa6: {  	s23 =	rddreg [dreg:$0x4];
	s0 =	simm.s32 $0x400  }
0xa7: {  	[hbm4b:s23+s2] =	stream.linear.scatter [tilespmem:s0], [sflag:$0x3], $0x9000, $0x38;
	[tilespmem:$0x12400] =	vst v63  }
0xa8: {  	_ =	swait.ge [sflag:s20], $0x9000  }
0xa9: {  	[sflag:s20] =	ssyncset.done $0x0  }
0xaa: {  	[sflag:s20] =	ssyncadd.s32 $0xFFFF7000  }
0xab: {  	_ =	swait.ge [sflag:s21], $0x9000  }
0xac: {  	[sflag:s21] =	ssyncset.done $0x0  }
0xad: {  	[sflag:s21] =	ssyncadd.s32 $0xFFFF7000  }
0xae: {  	v3 =	vld [tilespmem:$0x40];
	_ =	sdelay $0x4  }
0xaf: {  	v60 =	vshrl.u32 v3, $0x3  }
0xb0: {  	v4 =	vmul.u32 $0x48, v60  }
0xb1: {  	v3 =	vand.u32 $0x7, v3  }
0xb2: {  	v3 =	vor.u32 v3, v4  }
0xb3: {  	v4 =	vperm.xlane v3, v0;
	_ =	sdelay $0x1  }
0xb4: {  	v4 =	vadd.s32 v1, v4;
	_ =	sdelay $0x4  }
0xb5: {  	[tilespmem:s0], [sflag:$0x1] =	stream.indirect_vreg.gather [hbm4b:s3+s2], $0x80, v4, vm0, $0xb8;
	[tilespmem:$0x12400] =	vst v63  }
0xb6: {  	s24 =	simm.s32 $0xC00  }
0xb7: {  	[tilespmem:s24], [sflag:$0x1] =	stream.indirect_vreg.gather [hbm4b:s5+s2], $0x80, v4, vm0, $0xb8;
	[tilespmem:$0x12400] =	vst v63  }
0xb8: {  	s25 =	simm.s32 $0x1400;
	v3 =	vperm.xlane v3, v2  }
0xb9: {  	[tilespmem:s25], [sflag:$0x1] =	stream.indirect_vreg.gather [hbm4b:s6+s2], $0x80, v4, vm0, $0xb8;
	[tilespmem:$0x12400] =	vst v63  }
0xba: {  	s15 =	simm.s32 $0x1C00;
	v3 =	vadd.s32 v1, v3  }
0xbb: {  	[tilespmem:s15], [sflag:$0x1] =	stream.indirect_vreg.gather [hbm4b:s7+s2], $0x80, v4, vm0, $0xb8;
	[tilespmem:$0x12400] =	vst v63  }
0xbc: {  	s17 =	simm.s32 $0x2400  }
0xbd: {  	[tilespmem:s17], [sflag:$0x1] =	stream.indirect_vreg.gather [hbm4b:s8+s2], $0x80, v4, vm1, $0xb8;
	[tilespmem:$0x12400] =	vst v63  }
0xbe: {  	s18 =	simm.s32 $0x2800  }
0xbf: {  	[tilespmem:s18], [sflag:$0x1] =	stream.indirect_vreg.gather [hbm4b:s3+s2], $0x80, v3, vm0, $0xb8;
	[tilespmem:$0x12400] =	vst v63  }
0xc0: {  	s29 =	simm.s32 $0x3000  }
0xc1: {  	[tilespmem:s29], [sflag:$0x1] =	stream.indirect_vreg.gather [hbm4b:s5+s2], $0x80, v3, vm0, $0xb8;
	[tilespmem:$0x12400] =	vst v63  }
0xc2: {  	s30 =	simm.s32 $0x3800  }
0xc3: {  	[tilespmem:s30], [sflag:$0x1] =	stream.indirect_vreg.gather [hbm4b:s6+s2], $0x80, v3, vm0, $0xb8;
	[tilespmem:$0x12400] =	vst v63  }
0xc4: {  	s31 =	simm.s32 $0x4000  }
0xc5: {  	[tilespmem:s31], [sflag:$0x1] =	stream.indirect_vreg.gather [hbm4b:s7+s2], $0x80, v3, vm0, $0xb8;
	[tilespmem:$0x12400] =	vst v63  }
0xc6: {  	s1 =	simm.s32 $0x4800  }
0xc7: {  	[tilespmem:s1], [sflag:$0x1] =	stream.indirect_vreg.gather [hbm4b:s8+s2], $0x80, v3, vm1, $0xb8;
	[tilespmem:$0x12400] =	vst v63  }
0xc8: {  	v3 =	vld [tilespmem:$0x50];
	_ =	sdelay $0x4  }
0xc9: {  	v61 =	vshrl.u32 v3, $0x3  }
0xca: {  	v4 =	vmul.u32 $0x48, v61  }
0xcb: {  	v3 =	vand.u32 $0x7, v3  }
0xcc: {  	v3 =	vor.u32 v3, v4  }
0xcd: {  	v4 =	vperm.xlane v3, v0;
	_ =	sdelay $0x1  }
0xce: {  	v4 =	vadd.s32 v1, v4;
	_ =	sdelay $0x3  }
0xcf: {  	s24 =	simm.s32 $0x4C00  }
0xd0: {  	[tilespmem:s24], [sflag:$0x1] =	stream.indirect_vreg.gather [hbm4b:s3+s2], $0x80, v4, vm0, $0xb8;
	[tilespmem:$0x12400] =	vst v63  }
0xd1: {  	s13 =	simm.s32 $0x5400  }
0xd2: {  	[tilespmem:s13], [sflag:$0x1] =	stream.indirect_vreg.gather [hbm4b:s5+s2], $0x80, v4, vm0, $0xb8;
	[tilespmem:$0x12400] =	vst v63  }
0xd3: {  	s14 =	simm.s32 $0x5C00;
	v3 =	vperm.xlane v3, v2  }
0xd4: {  	[tilespmem:s14], [sflag:$0x1] =	stream.indirect_vreg.gather [hbm4b:s6+s2], $0x80, v4, vm0, $0xb8;
	[tilespmem:$0x12400] =	vst v63  }
0xd5: {  	s25 =	simm.s32 $0x6400;
	v3 =	vadd.s32 v1, v3  }
0xd6: {  	[tilespmem:s25], [sflag:$0x1] =	stream.indirect_vreg.gather [hbm4b:s7+s2], $0x80, v4, vm0, $0xb8;
	[tilespmem:$0x12400] =	vst v63  }
0xd7: {  	s28 =	simm.s32 $0x6C00  }
0xd8: {  	[tilespmem:s28], [sflag:$0x1] =	stream.indirect_vreg.gather [hbm4b:s8+s2], $0x80, v4, vm1, $0xb8;
	[tilespmem:$0x12400] =	vst v63  }
0xd9: {  	s13 =	simm.s32 $0x7000  }
0xda: {  	[tilespmem:s13], [sflag:$0x1] =	stream.indirect_vreg.gather [hbm4b:s3+s2], $0x80, v3, vm0, $0xb8;
	[tilespmem:$0x12400] =	vst v63  }
0xdb: {  	s14 =	simm.s32 $0x7800  }
0xdc: {  	[tilespmem:s14], [sflag:$0x1] =	stream.indirect_vreg.gather [hbm4b:s5+s2], $0x80, v3, vm0, $0xb8;
	[tilespmem:$0x12400] =	vst v63  }
0xdd: {  	s19 =	simm.s32 $0x8000  }
0xde: {  	[tilespmem:s19], [sflag:$0x1] =	stream.indirect_vreg.gather [hbm4b:s6+s2], $0x80, v3, vm0, $0xb8;
	[tilespmem:$0x12400] =	vst v63  }
0xdf: {  	s26 =	simm.s32 $0x8800  }
0xe0: {  	[tilespmem:s26], [sflag:$0x1] =	stream.indirect_vreg.gather [hbm4b:s7+s2], $0x80, v3, vm0, $0xb8;
	[tilespmem:$0x12400] =	vst v63  }
0xe1: {  	s17 =	simm.s32 $0x9000  }
0xe2: {  	[tilespmem:s17], [sflag:$0x1] =	stream.indirect_vreg.gather [hbm4b:s8+s2], $0x80, v3, vm1, $0xb8;
	[tilespmem:$0x12400] =	vst v63  }
0xe3: {  	s15 =	rddreg [dreg:$0x5];
	s18 =	simm.s32 $0x9400  }
0xe4: {  	[hbm4b:s15+s2] =	stream.linear.scatter [tilespmem:s18], [sflag:$0x4], $0x9000, $0x38;
	[tilespmem:$0x12400] =	vst v63  }
0xe5: {  	_ =	swait.ge [sflag:s16], $0x9000  }
0xe6: {  	[sflag:s16] =	ssyncset.done $0x0  }
0xe7: {  	[sflag:s16] =	ssyncadd.s32 $0xFFFF7000  }
0xe8: {  	_ =	swait.ge [sflag:s22], $0x9000  }
0xe9: {  	[sflag:s22] =	ssyncset.done $0x0  }
0xea: {  	[sflag:s22] =	ssyncadd.s32 $0xFFFF7000  }
0xeb: {  	v3 =	vld [tilespmem:$0x60];
	_ =	sdelay $0x4  }
0xec: {  	v62 =	vshrl.u32 v3, $0x3  }
0xed: {  	v4 =	vmul.u32 $0x48, v62  }
0xee: {  	v3 =	vand.u32 $0x7, v3  }
0xef: {  	v3 =	vor.u32 v3, v4  }
0xf0: {  	v4 =	vperm.xlane v3, v0;
	_ =	sdelay $0x1  }
0xf1: {  	v4 =	vadd.s32 v1, v4;
	_ =	sdelay $0x4  }
0xf2: {  	[tilespmem:s18], [sflag:$0x2] =	stream.indirect_vreg.gather [hbm4b:s3+s2], $0x80, v4, vm0, $0xb8;
	[tilespmem:$0x12400] =	vst v63  }
0xf3: {  	s19 =	simm.s32 $0x9C00  }
0xf4: {  	[tilespmem:s19], [sflag:$0x2] =	stream.indirect_vreg.gather [hbm4b:s5+s2], $0x80, v4, vm0, $0xb8;
	[tilespmem:$0x12400] =	vst v63  }
0xf5: {  	s23 =	simm.s32 $0xA400;
	v3 =	vperm.xlane v3, v2  }
0xf6: {  	[tilespmem:s23], [sflag:$0x2] =	stream.indirect_vreg.gather [hbm4b:s6+s2], $0x80, v4, vm0, $0xb8;
	[tilespmem:$0x12400] =	vst v63  }
0xf7: {  	s26 =	simm.s32 $0xAC00;
	v3 =	vadd.s32 v1, v3  }
0xf8: {  	[tilespmem:s26], [sflag:$0x2] =	stream.indirect_vreg.gather [hbm4b:s7+s2], $0x80, v4, vm0, $0xb8;
	[tilespmem:$0x12400] =	vst v63  }
0xf9: {  	s28 =	simm.s32 $0xB400  }
0xfa: {  	[tilespmem:s28], [sflag:$0x2] =	stream.indirect_vreg.gather [hbm4b:s8+s2], $0x80, v4, vm1, $0xb8;
	[tilespmem:$0x12400] =	vst v63  }
0xfb: {  	s13 =	simm.s32 $0xB800  }
0xfc: {  	[tilespmem:s13], [sflag:$0x2] =	stream.indirect_vreg.gather [hbm4b:s3+s2], $0x80, v3, vm0, $0xb8;
	[tilespmem:$0x12400] =	vst v63  }
0xfd: {  	s14 =	simm.s32 $0xC000  }
0xfe: {  	[tilespmem:s14], [sflag:$0x2] =	stream.indirect_vreg.gather [hbm4b:s5+s2], $0x80, v3, vm0, $0xb8;
	[tilespmem:$0x12400] =	vst v63  }
0xff: {  	s15 =	simm.s32 $0xC800  }
0x100: {  	[tilespmem:s15], [sflag:$0x2] =	stream.indirect_vreg.gather [hbm4b:s6+s2], $0x80, v3, vm0, $0xb8;
	[tilespmem:$0x12400] =	vst v63  }
0x101: {  	s18 =	simm.s32 $0xD000  }
0x102: {  	[tilespmem:s18], [sflag:$0x2] =	stream.indirect_vreg.gather [hbm4b:s7+s2], $0x80, v3, vm0, $0xb8;
	[tilespmem:$0x12400] =	vst v63  }
0x103: {  	s29 =	simm.s32 $0xD800  }
0x104: {  	[tilespmem:s29], [sflag:$0x2] =	stream.indirect_vreg.gather [hbm4b:s8+s2], $0x80, v3, vm1, $0xb8;
	[tilespmem:$0x12400] =	vst v63  }
0x105: {  	v3 =	vld [tilespmem:$0x70];
	_ =	sdelay $0x4  }
0x106: {  	v63 =	vshrl.u32 v3, $0x3  }
0x107: {  	v4 =	vmul.u32 $0x48, v63  }
0x108: {  	v3 =	vand.u32 $0x7, v3  }
0x109: {  	v3 =	vor.u32 v3, v4  }
0x10a: {  	v4 =	vperm.xlane v3, v0;
	_ =	sdelay $0x1  }
0x10b: {  	v4 =	vadd.s32 v1, v4;
	_ =	sdelay $0x3  }
0x10c: {  	s19 =	simm.s32 $0xDC00  }
0x10d: {  	[tilespmem:s19], [sflag:$0x2] =	stream.indirect_vreg.gather [hbm4b:s3+s2], $0x80, v4, vm0, $0xb8;
	[tilespmem:$0x12400] =	vst v63  }
0x10e: {  	s30 =	simm.s32 $0xE400  }
0x10f: {  	[tilespmem:s30], [sflag:$0x2] =	stream.indirect_vreg.gather [hbm4b:s5+s2], $0x80, v4, vm0, $0xb8;
	[tilespmem:$0x12400] =	vst v63  }
0x110: {  	s31 =	simm.s32 $0xEC00;
	v3 =	vperm.xlane v3, v2  }
0x111: {  	[tilespmem:s31], [sflag:$0x2] =	stream.indirect_vreg.gather [hbm4b:s6+s2], $0x80, v4, vm0, $0xb8;
	[tilespmem:$0x12400] =	vst v63  }
0x112: {  	s26 =	simm.s32 $0xF400;
	v3 =	vadd.s32 v1, v3  }
0x113: {  	[tilespmem:s26], [sflag:$0x2] =	stream.indirect_vreg.gather [hbm4b:s7+s2], $0x80, v4, vm0, $0xb8;
	[tilespmem:$0x12400] =	vst v63  }
0x114: {  	s28 =	simm.s32 $0xFC00  }
0x115: {  	[tilespmem:s28], [sflag:$0x2] =	stream.indirect_vreg.gather [hbm4b:s8+s2], $0x80, v4, vm1, $0xb8;
	[tilespmem:$0x12400] =	vst v63  }
0x116: {  	s29 =	simm.s32 $0x10000  }
0x117: {  	[tilespmem:s29], [sflag:$0x2] =	stream.indirect_vreg.gather [hbm4b:s3+s2], $0x80, v3, vm0, $0xb8;
	[tilespmem:$0x12400] =	vst v63  }
0x118: {  	s30 =	simm.s32 $0x10800  }
0x119: {  	[tilespmem:s30], [sflag:$0x2] =	stream.indirect_vreg.gather [hbm4b:s5+s2], $0x80, v3, vm0, $0xb8;
	[tilespmem:$0x12400] =	vst v63  }
0x11a: {  	s31 =	simm.s32 $0x11000  }
0x11b: {  	[tilespmem:s31], [sflag:$0x2] =	stream.indirect_vreg.gather [hbm4b:s6+s2], $0x80, v3, vm0, $0xb8;
	[tilespmem:$0x12400] =	vst v63  }
0x11c: {  	s17 =	simm.s32 $0x11800  }
0x11d: {  	[tilespmem:s17], [sflag:$0x2] =	stream.indirect_vreg.gather [hbm4b:s7+s2], $0x80, v3, vm0, $0xb8;
	[tilespmem:$0x12400] =	vst v63  }
0x11e: {  	s1 =	simm.s32 $0x12000  }
0x11f: {  	[tilespmem:s1], [sflag:$0x2] =	stream.indirect_vreg.gather [hbm4b:s8+s2], $0x80, v3, vm1, $0xb8;
	[tilespmem:$0x12400] =	vst v63  }
0x120: {  	s23 =	rddreg [dreg:$0x6];
	s1 =	simm.s32 $0x400  }
0x121: {  	[hbm4b:s23+s2] =	stream.linear.scatter [tilespmem:s1], [sflag:$0x3], $0x9000, $0x38;
	[tilespmem:$0x12400] =	vst v63  }
0x122: {  	_ =	swait.ge [sflag:s20], $0x9000  }
0x123: {  	[sflag:s20] =	ssyncset.done $0x0  }
0x124: {  	[sflag:s20] =	ssyncadd.s32 $0xFFFF7000  }
0x125: {  	_ =	swait.ge [sflag:s21], $0x9000  }
0x126: {  	[sflag:s21] =	ssyncset.done $0x0  }
0x127: {  	[sflag:s21] =	ssyncadd.s32 $0xFFFF7000  }
0x128: {  	v3 =	vld [tilespmem:$0x80];
	_ =	sdelay $0x4  }
0x129: {  	v8 =	vshrl.u32 v3, $0x3  }
0x12a: {  	v4 =	vmul.u32 $0x48, v8  }
0x12b: {  	v3 =	vand.u32 $0x7, v3  }
0x12c: {  	v3 =	vor.u32 v3, v4  }
0x12d: {  	v4 =	vperm.xlane v3, v0;
	_ =	sdelay $0x1  }
0x12e: {  	v4 =	vadd.s32 v1, v4;
	_ =	sdelay $0x4  }
0x12f: {  	[tilespmem:s1], [sflag:$0x1] =	stream.indirect_vreg.gather [hbm4b:s3+s2], $0x80, v4, vm0, $0xb8;
	[tilespmem:$0x12400] =	vst v63  }
0x130: {  	s23 =	simm.s32 $0xC00  }
0x131: {  	[tilespmem:s23], [sflag:$0x1] =	stream.indirect_vreg.gather [hbm4b:s5+s2], $0x80, v4, vm0, $0xb8;
	[tilespmem:$0x12400] =	vst v63  }
0x132: {  	v3 =	vperm.xlane v3, v2;
	s1 =	simm.s32 $0x1400  }
0x133: {  	[tilespmem:s1], [sflag:$0x1] =	stream.indirect_vreg.gather [hbm4b:s6+s2], $0x80, v4, vm0, $0xb8;
	[tilespmem:$0x12400] =	vst v63  }
0x134: {  	v3 =	vadd.s32 v1, v3;
	s23 =	simm.s32 $0x1C00  }
0x135: {  	[tilespmem:s23], [sflag:$0x1] =	stream.indirect_vreg.gather [hbm4b:s7+s2], $0x80, v4, vm0, $0xb8;
	[tilespmem:$0x12400] =	vst v63  }
0x136: {  	s1 =	simm.s32 $0x2400  }
0x137: {  	[tilespmem:s1], [sflag:$0x1] =	stream.indirect_vreg.gather [hbm4b:s8+s2], $0x80, v4, vm1, $0xb8;
	[tilespmem:$0x12400] =	vst v63  }
0x138: {  	s23 =	simm.s32 $0x2800  }
0x139: {  	[tilespmem:s23], [sflag:$0x1] =	stream.indirect_vreg.gather [hbm4b:s3+s2], $0x80, v3, vm0, $0xb8;
	[tilespmem:$0x12400] =	vst v63  }
0x13a: {  	s1 =	simm.s32 $0x3000  }
0x13b: {  	[tilespmem:s1], [sflag:$0x1] =	stream.indirect_vreg.gather [hbm4b:s5+s2], $0x80, v3, vm0, $0xb8;
	[tilespmem:$0x12400] =	vst v63  }
0x13c: {  	s23 =	simm.s32 $0x3800  }
0x13d: {  	[tilespmem:s23], [sflag:$0x1] =	stream.indirect_vreg.gather [hbm4b:s6+s2], $0x80, v3, vm0, $0xb8;
	[tilespmem:$0x12400] =	vst v63  }
0x13e: {  	s1 =	simm.s32 $0x4000  }
0x13f: {  	[tilespmem:s1], [sflag:$0x1] =	stream.indirect_vreg.gather [hbm4b:s7+s2], $0x80, v3, vm0, $0xb8;
	[tilespmem:$0x12400] =	vst v63  }
0x140: {  	s23 =	simm.s32 $0x4800  }
0x141: {  	[tilespmem:s23], [sflag:$0x1] =	stream.indirect_vreg.gather [hbm4b:s8+s2], $0x80, v3, vm1, $0xb8;
	[tilespmem:$0x12400] =	vst v63  }
0x142: {  	v3 =	vld [tilespmem:$0x90];
	_ =	sdelay $0x4  }
0x143: {  	v9 =	vshrl.u32 v3, $0x3  }
0x144: {  	v4 =	vmul.u32 $0x48, v9  }
0x145: {  	v3 =	vand.u32 $0x7, v3  }
0x146: {  	v3 =	vor.u32 v3, v4  }
0x147: {  	v4 =	vperm.xlane v3, v0;
	_ =	sdelay $0x1  }
0x148: {  	v4 =	vadd.s32 v1, v4;
	_ =	sdelay $0x4  }
0x149: {  	[tilespmem:s24], [sflag:$0x1] =	stream.indirect_vreg.gather [hbm4b:s3+s2], $0x80, v4, vm0, $0xb8;
	[tilespmem:$0x12400] =	vst v63  }
0x14a: {  	s1 =	simm.s32 $0x5400  }
0x14b: {  	[tilespmem:s1], [sflag:$0x1] =	stream.indirect_vreg.gather [hbm4b:s5+s2], $0x80, v4, vm0, $0xb8;
	[tilespmem:$0x12400] =	vst v63  }
0x14c: {  	v3 =	vperm.xlane v3, v2;
	s24 =	simm.s32 $0x5C00  }
0x14d: {  	[tilespmem:s24], [sflag:$0x1] =	stream.indirect_vreg.gather [hbm4b:s6+s2], $0x80, v4, vm0, $0xb8;
	[tilespmem:$0x12400] =	vst v63  }
0x14e: {  	v3 =	vadd.s32 v1, v3  }
0x14f: {  	[tilespmem:s25], [sflag:$0x1] =	stream.indirect_vreg.gather [hbm4b:s7+s2], $0x80, v4, vm0, $0xb8;
	[tilespmem:$0x12400] =	vst v63  }
0x150: {  	s25 =	simm.s32 $0x6C00  }
0x151: {  	[tilespmem:s25], [sflag:$0x1] =	stream.indirect_vreg.gather [hbm4b:s8+s2], $0x80, v4, vm1, $0xb8;
	[tilespmem:$0x12400] =	vst v63  }
0x152: {  	s24 =	simm.s32 $0x7000  }
0x153: {  	[tilespmem:s24], [sflag:$0x1] =	stream.indirect_vreg.gather [hbm4b:s3+s2], $0x80, v3, vm0, $0xb8;
	[tilespmem:$0x12400] =	vst v63  }
0x154: {  	s23 =	simm.s32 $0x7800  }
0x155: {  	[tilespmem:s23], [sflag:$0x1] =	stream.indirect_vreg.gather [hbm4b:s5+s2], $0x80, v3, vm0, $0xb8;
	[tilespmem:$0x12400] =	vst v63  }
0x156: {  	s23 =	simm.s32 $0x8000  }
0x157: {  	[tilespmem:s23], [sflag:$0x1] =	stream.indirect_vreg.gather [hbm4b:s6+s2], $0x80, v3, vm0, $0xb8;
	[tilespmem:$0x12400] =	vst v63  }
0x158: {  	s23 =	simm.s32 $0x8800  }
0x159: {  	[tilespmem:s23], [sflag:$0x1] =	stream.indirect_vreg.gather [hbm4b:s7+s2], $0x80, v3, vm0, $0xb8;
	[tilespmem:$0x12400] =	vst v63  }
0x15a: {  	s0 =	simm.s32 $0x9000  }
0x15b: {  	[tilespmem:s0], [sflag:$0x1] =	stream.indirect_vreg.gather [hbm4b:s8+s2], $0x80, v3, vm1, $0xb8;
	[tilespmem:$0x12400] =	vst v63  }
0x15c: {  	s23 =	rddreg [dreg:$0x7];
	s0 =	simm.s32 $0x9400  }
0x15d: {  	[hbm4b:s23+s2] =	stream.linear.scatter [tilespmem:s0], [sflag:$0x4], $0x9000, $0x38;
	[tilespmem:$0x12400] =	vst v63  }
0x15e: {  	_ =	swait.ge [sflag:s16], $0x9000  }
0x15f: {  	[sflag:s16] =	ssyncset.done $0x0  }
0x160: {  	[sflag:s16] =	ssyncadd.s32 $0xFFFF7000  }
0x161: {  	_ =	swait.ge [sflag:s22], $0x9000  }
0x162: {  	[sflag:s22] =	ssyncset.done $0x0  }
0x163: {  	[sflag:s22] =	ssyncadd.s32 $0xFFFF7000  }
0x164: {  	v3 =	vld [tilespmem:$0xA0];
	_ =	sdelay $0x4  }
0x165: {  	v10 =	vshrl.u32 v3, $0x3  }
0x166: {  	v4 =	vmul.u32 $0x48, v10  }
0x167: {  	v3 =	vand.u32 $0x7, v3  }
0x168: {  	v3 =	vor.u32 v3, v4  }
0x169: {  	v4 =	vperm.xlane v3, v0;
	_ =	sdelay $0x1  }
0x16a: {  	v4 =	vadd.s32 v1, v4;
	_ =	sdelay $0x4  }
0x16b: {  	[tilespmem:s0], [sflag:$0x2] =	stream.indirect_vreg.gather [hbm4b:s3+s2], $0x80, v4, vm0, $0xb8;
	[tilespmem:$0x12400] =	vst v63  }
0x16c: {  	s0 =	simm.s32 $0x9C00  }
0x16d: {  	[tilespmem:s0], [sflag:$0x2] =	stream.indirect_vreg.gather [hbm4b:s5+s2], $0x80, v4, vm0, $0xb8;
	[tilespmem:$0x12400] =	vst v63  }
0x16e: {  	s23 =	simm.s32 $0xA400;
	v3 =	vperm.xlane v3, v2  }
0x16f: {  	[tilespmem:s23], [sflag:$0x2] =	stream.indirect_vreg.gather [hbm4b:s6+s2], $0x80, v4, vm0, $0xb8;
	[tilespmem:$0x12400] =	vst v63  }
0x170: {  	v3 =	vadd.s32 v1, v3;
	s23 =	simm.s32 $0xAC00  }
0x171: {  	[tilespmem:s23], [sflag:$0x2] =	stream.indirect_vreg.gather [hbm4b:s7+s2], $0x80, v4, vm0, $0xb8;
	[tilespmem:$0x12400] =	vst v63  }
0x172: {  	s23 =	simm.s32 $0xB400  }
0x173: {  	[tilespmem:s23], [sflag:$0x2] =	stream.indirect_vreg.gather [hbm4b:s8+s2], $0x80, v4, vm1, $0xb8;
	[tilespmem:$0x12400] =	vst v63  }
0x174: {  	_ = 	snop  }
0x175: {  	[tilespmem:s13], [sflag:$0x2] =	stream.indirect_vreg.gather [hbm4b:s3+s2], $0x80, v3, vm0, $0xb8;
	[tilespmem:$0x12400] =	vst v63  }
0x176: {  	_ = 	snop  }
0x177: {  	[tilespmem:s14], [sflag:$0x2] =	stream.indirect_vreg.gather [hbm4b:s5+s2], $0x80, v3, vm0, $0xb8;
	[tilespmem:$0x12400] =	vst v63  }
0x178: {  	_ = 	snop  }
0x179: {  	[tilespmem:s15], [sflag:$0x2] =	stream.indirect_vreg.gather [hbm4b:s6+s2], $0x80, v3, vm0, $0xb8;
	[tilespmem:$0x12400] =	vst v63  }
0x17a: {  	_ = 	snop  }
0x17b: {  	[tilespmem:s18], [sflag:$0x2] =	stream.indirect_vreg.gather [hbm4b:s7+s2], $0x80, v3, vm0, $0xb8;
	[tilespmem:$0x12400] =	vst v63  }
0x17c: {  	s13 =	simm.s32 $0xD800  }
0x17d: {  	[tilespmem:s13], [sflag:$0x2] =	stream.indirect_vreg.gather [hbm4b:s8+s2], $0x80, v3, vm1, $0xb8;
	[tilespmem:$0x12400] =	vst v63  }
0x17e: {  	v3 =	vld [tilespmem:$0xB0];
	_ =	sdelay $0x4  }
0x17f: {  	v11 =	vshrl.u32 v3, $0x3  }
0x180: {  	v4 =	vmul.u32 $0x48, v11  }
0x181: {  	v3 =	vand.u32 $0x7, v3  }
0x182: {  	v3 =	vor.u32 v3, v4  }
0x183: {  	v4 =	vperm.xlane v3, v0;
	_ =	sdelay $0x1  }
0x184: {  	v4 =	vadd.s32 v1, v4;
	_ =	sdelay $0x4  }
0x185: {  	[tilespmem:s19], [sflag:$0x2] =	stream.indirect_vreg.gather [hbm4b:s3+s2], $0x80, v4, vm0, $0xb8;
	[tilespmem:$0x12400] =	vst v63  }
0x186: {  	s14 =	simm.s32 $0xE400  }
0x187: {  	[tilespmem:s14], [sflag:$0x2] =	stream.indirect_vreg.gather [hbm4b:s5+s2], $0x80, v4, vm0, $0xb8;
	[tilespmem:$0x12400] =	vst v63  }
0x188: {  	s15 =	simm.s32 $0xEC00;
	v3 =	vperm.xlane v3, v2  }
0x189: {  	[tilespmem:s15], [sflag:$0x2] =	stream.indirect_vreg.gather [hbm4b:s6+s2], $0x80, v4, vm0, $0xb8;
	[tilespmem:$0x12400] =	vst v63  }
0x18a: {  	v3 =	vadd.s32 v1, v3  }
0x18b: {  	[tilespmem:s26], [sflag:$0x2] =	stream.indirect_vreg.gather [hbm4b:s7+s2], $0x80, v4, vm0, $0xb8;
	[tilespmem:$0x12400] =	vst v63  }
0x18c: {  	_ = 	snop  }
0x18d: {  	[tilespmem:s28], [sflag:$0x2] =	stream.indirect_vreg.gather [hbm4b:s8+s2], $0x80, v4, vm1, $0xb8;
	[tilespmem:$0x12400] =	vst v63  }
0x18e: {  	_ = 	snop  }
0x18f: {  	[tilespmem:s29], [sflag:$0x2] =	stream.indirect_vreg.gather [hbm4b:s3+s2], $0x80, v3, vm0, $0xb8;
	[tilespmem:$0x12400] =	vst v63  }
0x190: {  	_ = 	snop  }
0x191: {  	[tilespmem:s30], [sflag:$0x2] =	stream.indirect_vreg.gather [hbm4b:s5+s2], $0x80, v3, vm0, $0xb8;
	[tilespmem:$0x12400] =	vst v63  }
0x192: {  	_ = 	snop  }
0x193: {  	[tilespmem:s31], [sflag:$0x2] =	stream.indirect_vreg.gather [hbm4b:s6+s2], $0x80, v3, vm0, $0xb8;
	[tilespmem:$0x12400] =	vst v63  }
0x194: {  	_ = 	snop  }
0x195: {  	[tilespmem:s17], [sflag:$0x2] =	stream.indirect_vreg.gather [hbm4b:s7+s2], $0x80, v3, vm0, $0xb8;
	[tilespmem:$0x12400] =	vst v63  }
0x196: {  	s17 =	simm.s32 $0x12000  }
0x197: {  	[tilespmem:s17], [sflag:$0x2] =	stream.indirect_vreg.gather [hbm4b:s8+s2], $0x80, v3, vm1, $0xb8;
	[tilespmem:$0x12400] =	vst v63  }
0x198: {  	s30 =	rddreg [dreg:$0x8];
	s31 =	simm.s32 $0x400  }
0x199: {  	[hbm4b:s30+s2] =	stream.linear.scatter [tilespmem:s31], [sflag:$0x3], $0x9000, $0x38;
	[tilespmem:$0x12400] =	vst v63  }
0x19a: {  	_ =	swait.ge [sflag:s20], $0x9000  }
0x19b: {  	[sflag:s20] =	ssyncset.done $0x0  }
0x19c: {  	[sflag:s20] =	ssyncadd.s32 $0xFFFF7000  }
0x19d: {  	_ =	swait.ge [sflag:s21], $0x9000  }
0x19e: {  	[sflag:s21] =	ssyncset.done $0x0  }
0x19f: {  	[sflag:s21] =	ssyncadd.s32 $0xFFFF7000  }
0x1a0: {  	v3 =	vld [tilespmem:$0xC0];
	_ =	sdelay $0x4  }
0x1a1: {  	v12 =	vshrl.u32 v3, $0x3  }
0x1a2: {  	v4 =	vmul.u32 $0x48, v12  }
0x1a3: {  	v3 =	vand.u32 $0x7, v3  }
0x1a4: {  	v3 =	vor.u32 v3, v4  }
0x1a5: {  	v4 =	vperm.xlane v3, v0;
	_ =	sdelay $0x1  }
0x1a6: {  	v4 =	vadd.s32 v1, v4;
	_ =	sdelay $0x4  }
0x1a7: {  	[tilespmem:s31], [sflag:$0x1] =	stream.indirect_vreg.gather [hbm4b:s3+s2], $0x80, v4, vm0, $0xb8;
	[tilespmem:$0x12400] =	vst v63  }
0x1a8: {  	s31 =	simm.s32 $0xC00  }
0x1a9: {  	[tilespmem:s31], [sflag:$0x1] =	stream.indirect_vreg.gather [hbm4b:s5+s2], $0x80, v4, vm0, $0xb8;
	[tilespmem:$0x12400] =	vst v63  }
0x1aa: {  	s19 =	simm.s32 $0x1400;
	v3 =	vperm.xlane v3, v2  }
0x1ab: {  	[tilespmem:s19], [sflag:$0x1] =	stream.indirect_vreg.gather [hbm4b:s6+s2], $0x80, v4, vm0, $0xb8;
	[tilespmem:$0x12400] =	vst v63  }
0x1ac: {  	s18 =	simm.s32 $0x1C00;
	v3 =	vadd.s32 v1, v3  }
0x1ad: {  	[tilespmem:s18], [sflag:$0x1] =	stream.indirect_vreg.gather [hbm4b:s7+s2], $0x80, v4, vm0, $0xb8;
	[tilespmem:$0x12400] =	vst v63  }
0x1ae: {  	s19 =	simm.s32 $0x2400  }
0x1af: {  	[tilespmem:s19], [sflag:$0x1] =	stream.indirect_vreg.gather [hbm4b:s8+s2], $0x80, v4, vm1, $0xb8;
	[tilespmem:$0x12400] =	vst v63  }
0x1b0: {  	s26 =	simm.s32 $0x2800  }
0x1b1: {  	[tilespmem:s26], [sflag:$0x1] =	stream.indirect_vreg.gather [hbm4b:s3+s2], $0x80, v3, vm0, $0xb8;
	[tilespmem:$0x12400] =	vst v63  }
0x1b2: {  	s28 =	simm.s32 $0x3000  }
0x1b3: {  	[tilespmem:s28], [sflag:$0x1] =	stream.indirect_vreg.gather [hbm4b:s5+s2], $0x80, v3, vm0, $0xb8;
	[tilespmem:$0x12400] =	vst v63  }
0x1b4: {  	s29 =	simm.s32 $0x3800  }
0x1b5: {  	[tilespmem:s29], [sflag:$0x1] =	stream.indirect_vreg.gather [hbm4b:s6+s2], $0x80, v3, vm0, $0xb8;
	[tilespmem:$0x12400] =	vst v63  }
0x1b6: {  	s30 =	simm.s32 $0x4000  }
0x1b7: {  	[tilespmem:s30], [sflag:$0x1] =	stream.indirect_vreg.gather [hbm4b:s7+s2], $0x80, v3, vm0, $0xb8;
	[tilespmem:$0x12400] =	vst v63  }
0x1b8: {  	s23 =	simm.s32 $0x4800  }
0x1b9: {  	[tilespmem:s23], [sflag:$0x1] =	stream.indirect_vreg.gather [hbm4b:s8+s2], $0x80, v3, vm1, $0xb8;
	[tilespmem:$0x12400] =	vst v63  }
0x1ba: {  	v3 =	vld [tilespmem:$0xD0];
	_ =	sdelay $0x4  }
0x1bb: {  	v13 =	vshrl.u32 v3, $0x3  }
0x1bc: {  	v4 =	vmul.u32 $0x48, v13  }
0x1bd: {  	v3 =	vand.u32 $0x7, v3  }
0x1be: {  	v3 =	vor.u32 v3, v4  }
0x1bf: {  	v4 =	vperm.xlane v3, v0;
	_ =	sdelay $0x1  }
0x1c0: {  	v4 =	vadd.s32 v1, v4;
	_ =	sdelay $0x3  }
0x1c1: {  	s23 =	simm.s32 $0x4C00  }
0x1c2: {  	[tilespmem:s23], [sflag:$0x1] =	stream.indirect_vreg.gather [hbm4b:s3+s2], $0x80, v4, vm0, $0xb8;
	[tilespmem:$0x12400] =	vst v63  }
0x1c3: {  	_ = 	snop  }
0x1c4: {  	[tilespmem:s1], [sflag:$0x1] =	stream.indirect_vreg.gather [hbm4b:s5+s2], $0x80, v4, vm0, $0xb8;
	[tilespmem:$0x12400] =	vst v63  }
0x1c5: {  	v3 =	vperm.xlane v3, v2;
	s23 =	simm.s32 $0x5C00  }
0x1c6: {  	[tilespmem:s23], [sflag:$0x1] =	stream.indirect_vreg.gather [hbm4b:s6+s2], $0x80, v4, vm0, $0xb8;
	[tilespmem:$0x12400] =	vst v63  }
0x1c7: {  	v3 =	vadd.s32 v1, v3;
	s23 =	simm.s32 $0x6400  }
0x1c8: {  	[tilespmem:s23], [sflag:$0x1] =	stream.indirect_vreg.gather [hbm4b:s7+s2], $0x80, v4, vm0, $0xb8;
	[tilespmem:$0x12400] =	vst v63  }
0x1c9: {  	_ = 	snop  }
0x1ca: {  	[tilespmem:s25], [sflag:$0x1] =	stream.indirect_vreg.gather [hbm4b:s8+s2], $0x80, v4, vm1, $0xb8;
	[tilespmem:$0x12400] =	vst v63  }
0x1cb: {  	_ = 	snop  }
0x1cc: {  	[tilespmem:s24], [sflag:$0x1] =	stream.indirect_vreg.gather [hbm4b:s3+s2], $0x80, v3, vm0, $0xb8;
	[tilespmem:$0x12400] =	vst v63  }
0x1cd: {  	s24 =	simm.s32 $0x7800  }
0x1ce: {  	[tilespmem:s24], [sflag:$0x1] =	stream.indirect_vreg.gather [hbm4b:s5+s2], $0x80, v3, vm0, $0xb8;
	[tilespmem:$0x12400] =	vst v63  }
0x1cf: {  	s25 =	simm.s32 $0x8000  }
0x1d0: {  	[tilespmem:s25], [sflag:$0x1] =	stream.indirect_vreg.gather [hbm4b:s6+s2], $0x80, v3, vm0, $0xb8;
	[tilespmem:$0x12400] =	vst v63  }
0x1d1: {  	s23 =	simm.s32 $0x8800  }
0x1d2: {  	[tilespmem:s23], [sflag:$0x1] =	stream.indirect_vreg.gather [hbm4b:s7+s2], $0x80, v3, vm0, $0xb8;
	[tilespmem:$0x12400] =	vst v63  }
0x1d3: {  	s1 =	simm.s32 $0x9000  }
0x1d4: {  	[tilespmem:s1], [sflag:$0x1] =	stream.indirect_vreg.gather [hbm4b:s8+s2], $0x80, v3, vm1, $0xb8;
	[tilespmem:$0x12400] =	vst v63  }
0x1d5: {  	s24 =	rddreg [dreg:$0x9];
	s25 =	simm.s32 $0x9400  }
0x1d6: {  	[hbm4b:s24+s2] =	stream.linear.scatter [tilespmem:s25], [sflag:$0x4], $0x9000, $0x38;
	[tilespmem:$0x12400] =	vst v63  }
0x1d7: {  	_ =	swait.ge [sflag:s16], $0x9000  }
0x1d8: {  	[sflag:s16] =	ssyncset.done $0x0  }
0x1d9: {  	[sflag:s16] =	ssyncadd.s32 $0xFFFF7000  }
0x1da: {  	_ =	swait.ge [sflag:s22], $0x9000  }
0x1db: {  	[sflag:s22] =	ssyncset.done $0x0  }
0x1dc: {  	[sflag:s22] =	ssyncadd.s32 $0xFFFF7000  }
0x1dd: {  	v3 =	vld [tilespmem:$0xE0];
	_ =	sdelay $0x4  }
0x1de: {  	v14 =	vshrl.u32 v3, $0x3  }
0x1df: {  	v4 =	vmul.u32 $0x48, v14  }
0x1e0: {  	v3 =	vand.u32 $0x7, v3  }
0x1e1: {  	v3 =	vor.u32 v3, v4  }
0x1e2: {  	v4 =	vperm.xlane v3, v0;
	_ =	sdelay $0x1  }
0x1e3: {  	v4 =	vadd.s32 v1, v4;
	_ =	sdelay $0x4  }
0x1e4: {  	[tilespmem:s25], [sflag:$0x2] =	stream.indirect_vreg.gather [hbm4b:s3+s2], $0x80, v4, vm0, $0xb8;
	[tilespmem:$0x12400] =	vst v63  }
0x1e5: {  	_ = 	snop  }
0x1e6: {  	[tilespmem:s0], [sflag:$0x2] =	stream.indirect_vreg.gather [hbm4b:s5+s2], $0x80, v4, vm0, $0xb8;
	[tilespmem:$0x12400] =	vst v63  }
0x1e7: {  	v3 =	vperm.xlane v3, v2;
	s25 =	simm.s32 $0xA400  }
0x1e8: {  	[tilespmem:s25], [sflag:$0x2] =	stream.indirect_vreg.gather [hbm4b:s6+s2], $0x80, v4, vm0, $0xb8;
	[tilespmem:$0x12400] =	vst v63  }
0x1e9: {  	v3 =	vadd.s32 v1, v3;
	s0 =	simm.s32 $0xAC00  }
0x1ea: {  	[tilespmem:s0], [sflag:$0x2] =	stream.indirect_vreg.gather [hbm4b:s7+s2], $0x80, v4, vm0, $0xb8;
	[tilespmem:$0x12400] =	vst v63  }
0x1eb: {  	s24 =	simm.s32 $0xB400  }
0x1ec: {  	[tilespmem:s24], [sflag:$0x2] =	stream.indirect_vreg.gather [hbm4b:s8+s2], $0x80, v4, vm1, $0xb8;
	[tilespmem:$0x12400] =	vst v63  }
0x1ed: {  	s25 =	simm.s32 $0xB800  }
0x1ee: {  	[tilespmem:s25], [sflag:$0x2] =	stream.indirect_vreg.gather [hbm4b:s3+s2], $0x80, v3, vm0, $0xb8;
	[tilespmem:$0x12400] =	vst v63  }
0x1ef: {  	s23 =	simm.s32 $0xC000  }
0x1f0: {  	[tilespmem:s23], [sflag:$0x2] =	stream.indirect_vreg.gather [hbm4b:s5+s2], $0x80, v3, vm0, $0xb8;
	[tilespmem:$0x12400] =	vst v63  }
0x1f1: {  	s23 =	simm.s32 $0xC800  }
0x1f2: {  	[tilespmem:s23], [sflag:$0x2] =	stream.indirect_vreg.gather [hbm4b:s6+s2], $0x80, v3, vm0, $0xb8;
	[tilespmem:$0x12400] =	vst v63  }
0x1f3: {  	s23 =	simm.s32 $0xD000  }
0x1f4: {  	[tilespmem:s23], [sflag:$0x2] =	stream.indirect_vreg.gather [hbm4b:s7+s2], $0x80, v3, vm0, $0xb8;
	[tilespmem:$0x12400] =	vst v63  }
0x1f5: {  	_ = 	snop  }
0x1f6: {  	[tilespmem:s13], [sflag:$0x2] =	stream.indirect_vreg.gather [hbm4b:s8+s2], $0x80, v3, vm1, $0xb8;
	[tilespmem:$0x12400] =	vst v63  }
0x1f7: {  	v3 =	vld [tilespmem:$0xF0];
	_ =	sdelay $0x4  }
0x1f8: {  	v15 =	vshrl.u32 v3, $0x3  }
0x1f9: {  	v4 =	vmul.u32 $0x48, v15  }
0x1fa: {  	v3 =	vand.u32 $0x7, v3  }
0x1fb: {  	v3 =	vor.u32 v3, v4  }
0x1fc: {  	v4 =	vperm.xlane v3, v0;
	_ =	sdelay $0x1  }
0x1fd: {  	v4 =	vadd.s32 v1, v4;
	_ =	sdelay $0x3  }
0x1fe: {  	s13 =	simm.s32 $0xDC00  }
0x1ff: {  	[tilespmem:s13], [sflag:$0x2] =	stream.indirect_vreg.gather [hbm4b:s3+s2], $0x80, v4, vm0, $0xb8;
	[tilespmem:$0x12400] =	vst v63  }
0x200: {  	_ = 	snop  }
0x201: {  	[tilespmem:s14], [sflag:$0x2] =	stream.indirect_vreg.gather [hbm4b:s5+s2], $0x80, v4, vm0, $0xb8;
	[tilespmem:$0x12400] =	vst v63  }
0x202: {  	v3 =	vperm.xlane v3, v2  }
0x203: {  	[tilespmem:s15], [sflag:$0x2] =	stream.indirect_vreg.gather [hbm4b:s6+s2], $0x80, v4, vm0, $0xb8;
	[tilespmem:$0x12400] =	vst v63  }
0x204: {  	v3 =	vadd.s32 v1, v3;
	s14 =	simm.s32 $0xF400  }
0x205: {  	[tilespmem:s14], [sflag:$0x2] =	stream.indirect_vreg.gather [hbm4b:s7+s2], $0x80, v4, vm0, $0xb8;
	[tilespmem:$0x12400] =	vst v63  }
0x206: {  	s15 =	simm.s32 $0xFC00  }
0x207: {  	[tilespmem:s15], [sflag:$0x2] =	stream.indirect_vreg.gather [hbm4b:s8+s2], $0x80, v4, vm1, $0xb8;
	[tilespmem:$0x12400] =	vst v63  }
0x208: {  	s23 =	simm.s32 $0x10000  }
0x209: {  	[tilespmem:s23], [sflag:$0x2] =	stream.indirect_vreg.gather [hbm4b:s3+s2], $0x80, v3, vm0, $0xb8;
	[tilespmem:$0x12400] =	vst v63  }
0x20a: {  	s23 =	simm.s32 $0x10800  }
0x20b: {  	[tilespmem:s23], [sflag:$0x2] =	stream.indirect_vreg.gather [hbm4b:s5+s2], $0x80, v3, vm0, $0xb8;
	[tilespmem:$0x12400] =	vst v63  }
0x20c: {  	s23 =	simm.s32 $0x11000  }
0x20d: {  	[tilespmem:s23], [sflag:$0x2] =	stream.indirect_vreg.gather [hbm4b:s6+s2], $0x80, v3, vm0, $0xb8;
	[tilespmem:$0x12400] =	vst v63  }
0x20e: {  	s23 =	simm.s32 $0x11800  }
0x20f: {  	[tilespmem:s23], [sflag:$0x2] =	stream.indirect_vreg.gather [hbm4b:s7+s2], $0x80, v3, vm0, $0xb8;
	[tilespmem:$0x12400] =	vst v63  }
0x210: {  	_ = 	snop  }
0x211: {  	[tilespmem:s17], [sflag:$0x2] =	stream.indirect_vreg.gather [hbm4b:s8+s2], $0x80, v3, vm1, $0xb8;
	[tilespmem:$0x12400] =	vst v63  }
0x212: {  	s23 =	rddreg [dreg:$0xa];
	s17 =	simm.s32 $0x400  }
0x213: {  	[hbm4b:s23+s2] =	stream.linear.scatter [tilespmem:s17], [sflag:$0x3], $0x9000, $0x38;
	[tilespmem:$0x12400] =	vst v63  }
0x214: {  	_ =	swait.ge [sflag:s20], $0x9000  }
0x215: {  	[sflag:s20] =	ssyncset.done $0x0  }
0x216: {  	[sflag:s20] =	ssyncadd.s32 $0xFFFF7000  }
0x217: {  	_ =	swait.ge [sflag:s21], $0x9000  }
0x218: {  	[sflag:s21] =	ssyncset.done $0x0  }
0x219: {  	[sflag:s21] =	ssyncadd.s32 $0xFFFF7000  }
0x21a: {  	v3 =	vld [tilespmem:$0x100];
	_ =	sdelay $0x4  }
0x21b: {  	v16 =	vshrl.u32 v3, $0x3  }
0x21c: {  	v4 =	vmul.u32 $0x48, v16  }
0x21d: {  	v3 =	vand.u32 $0x7, v3  }
0x21e: {  	v3 =	vor.u32 v3, v4  }
0x21f: {  	v4 =	vperm.xlane v3, v0;
	_ =	sdelay $0x1  }
0x220: {  	v4 =	vadd.s32 v1, v4;
	_ =	sdelay $0x4  }
0x221: {  	[tilespmem:s17], [sflag:$0x1] =	stream.indirect_vreg.gather [hbm4b:s3+s2], $0x80, v4, vm0, $0xb8;
	[tilespmem:$0x12400] =	vst v63  }
0x222: {  	_ = 	snop  }
0x223: {  	[tilespmem:s31], [sflag:$0x1] =	stream.indirect_vreg.gather [hbm4b:s5+s2], $0x80, v4, vm0, $0xb8;
	[tilespmem:$0x12400] =	vst v63  }
0x224: {  	s23 =	simm.s32 $0x1400;
	v3 =	vperm.xlane v3, v2  }
0x225: {  	[tilespmem:s23], [sflag:$0x1] =	stream.indirect_vreg.gather [hbm4b:s6+s2], $0x80, v4, vm0, $0xb8;
	[tilespmem:$0x12400] =	vst v63  }
0x226: {  	v3 =	vadd.s32 v1, v3  }
0x227: {  	[tilespmem:s18], [sflag:$0x1] =	stream.indirect_vreg.gather [hbm4b:s7+s2], $0x80, v4, vm0, $0xb8;
	[tilespmem:$0x12400] =	vst v63  }
0x228: {  	_ = 	snop  }
0x229: {  	[tilespmem:s19], [sflag:$0x1] =	stream.indirect_vreg.gather [hbm4b:s8+s2], $0x80, v4, vm1, $0xb8;
	[tilespmem:$0x12400] =	vst v63  }
0x22a: {  	_ = 	snop  }
0x22b: {  	[tilespmem:s26], [sflag:$0x1] =	stream.indirect_vreg.gather [hbm4b:s3+s2], $0x80, v3, vm0, $0xb8;
	[tilespmem:$0x12400] =	vst v63  }
0x22c: {  	_ = 	snop  }
0x22d: {  	[tilespmem:s28], [sflag:$0x1] =	stream.indirect_vreg.gather [hbm4b:s5+s2], $0x80, v3, vm0, $0xb8;
	[tilespmem:$0x12400] =	vst v63  }
0x22e: {  	_ = 	snop  }
0x22f: {  	[tilespmem:s29], [sflag:$0x1] =	stream.indirect_vreg.gather [hbm4b:s6+s2], $0x80, v3, vm0, $0xb8;
	[tilespmem:$0x12400] =	vst v63  }
0x230: {  	_ = 	snop  }
0x231: {  	[tilespmem:s30], [sflag:$0x1] =	stream.indirect_vreg.gather [hbm4b:s7+s2], $0x80, v3, vm0, $0xb8;
	[tilespmem:$0x12400] =	vst v63  }
0x232: {  	s29 =	simm.s32 $0x4800  }
0x233: {  	[tilespmem:s29], [sflag:$0x1] =	stream.indirect_vreg.gather [hbm4b:s8+s2], $0x80, v3, vm1, $0xb8;
	[tilespmem:$0x12400] =	vst v63  }
0x234: {  	v3 =	vld [tilespmem:$0x110];
	_ =	sdelay $0x4  }
0x235: {  	v17 =	vshrl.u32 v3, $0x3  }
0x236: {  	v4 =	vmul.u32 $0x48, v17  }
0x237: {  	v3 =	vand.u32 $0x7, v3  }
0x238: {  	v3 =	vor.u32 v3, v4  }
0x239: {  	v4 =	vperm.xlane v3, v0;
	_ =	sdelay $0x1  }
0x23a: {  	v4 =	vadd.s32 v1, v4;
	_ =	sdelay $0x3  }
0x23b: {  	s17 =	simm.s32 $0x4C00  }
0x23c: {  	[tilespmem:s17], [sflag:$0x1] =	stream.indirect_vreg.gather [hbm4b:s3+s2], $0x80, v4, vm0, $0xb8;
	[tilespmem:$0x12400] =	vst v63  }
0x23d: {  	s26 =	simm.s32 $0x5400  }
0x23e: {  	[tilespmem:s26], [sflag:$0x1] =	stream.indirect_vreg.gather [hbm4b:s5+s2], $0x80, v4, vm0, $0xb8;
	[tilespmem:$0x12400] =	vst v63  }
0x23f: {  	s28 =	simm.s32 $0x5C00;
	v3 =	vperm.xlane v3, v2  }
0x240: {  	[tilespmem:s28], [sflag:$0x1] =	stream.indirect_vreg.gather [hbm4b:s6+s2], $0x80, v4, vm0, $0xb8;
	[tilespmem:$0x12400] =	vst v63  }
0x241: {  	s18 =	simm.s32 $0x6400;
	v3 =	vadd.s32 v1, v3  }
0x242: {  	[tilespmem:s18], [sflag:$0x1] =	stream.indirect_vreg.gather [hbm4b:s7+s2], $0x80, v4, vm0, $0xb8;
	[tilespmem:$0x12400] =	vst v63  }
0x243: {  	s30 =	simm.s32 $0x6C00  }
0x244: {  	[tilespmem:s30], [sflag:$0x1] =	stream.indirect_vreg.gather [hbm4b:s8+s2], $0x80, v4, vm1, $0xb8;
	[tilespmem:$0x12400] =	vst v63  }
0x245: {  	s31 =	simm.s32 $0x7000  }
0x246: {  	[tilespmem:s31], [sflag:$0x1] =	stream.indirect_vreg.gather [hbm4b:s3+s2], $0x80, v3, vm0, $0xb8;
	[tilespmem:$0x12400] =	vst v63  }
0x247: {  	s23 =	simm.s32 $0x7800  }
0x248: {  	[tilespmem:s23], [sflag:$0x1] =	stream.indirect_vreg.gather [hbm4b:s5+s2], $0x80, v3, vm0, $0xb8;
	[tilespmem:$0x12400] =	vst v63  }
0x249: {  	s29 =	simm.s32 $0x8000  }
0x24a: {  	[tilespmem:s29], [sflag:$0x1] =	stream.indirect_vreg.gather [hbm4b:s6+s2], $0x80, v3, vm0, $0xb8;
	[tilespmem:$0x12400] =	vst v63  }
0x24b: {  	s30 =	simm.s32 $0x8800  }
0x24c: {  	[tilespmem:s30], [sflag:$0x1] =	stream.indirect_vreg.gather [hbm4b:s7+s2], $0x80, v3, vm0, $0xb8;
	[tilespmem:$0x12400] =	vst v63  }
0x24d: {  	_ = 	snop  }
0x24e: {  	[tilespmem:s1], [sflag:$0x1] =	stream.indirect_vreg.gather [hbm4b:s8+s2], $0x80, v3, vm1, $0xb8;
	[tilespmem:$0x12400] =	vst v63  }
0x24f: {  	s19 =	simm.s32 $0x9400;
	s31 =	rddreg [dreg:$0xb]  }
0x250: {  	[hbm4b:s31+s2] =	stream.linear.scatter [tilespmem:s19], [sflag:$0x4], $0x9000, $0x38;
	[tilespmem:$0x12400] =	vst v63  }
0x251: {  	_ =	swait.ge [sflag:s16], $0x9000  }
0x252: {  	[sflag:s16] =	ssyncset.done $0x0  }
0x253: {  	[sflag:s16] =	ssyncadd.s32 $0xFFFF7000  }
0x254: {  	_ =	swait.ge [sflag:s22], $0x9000  }
0x255: {  	[sflag:s22] =	ssyncset.done $0x0  }
0x256: {  	[sflag:s22] =	ssyncadd.s32 $0xFFFF7000  }
0x257: {  	v3 =	vld [tilespmem:$0x120];
	_ =	sdelay $0x4  }
0x258: {  	v18 =	vshrl.u32 v3, $0x3  }
0x259: {  	v4 =	vmul.u32 $0x48, v18  }
0x25a: {  	v3 =	vand.u32 $0x7, v3  }
0x25b: {  	v3 =	vor.u32 v3, v4  }
0x25c: {  	v4 =	vperm.xlane v3, v0;
	_ =	sdelay $0x1  }
0x25d: {  	v4 =	vadd.s32 v1, v4;
	_ =	sdelay $0x4  }
0x25e: {  	[tilespmem:s19], [sflag:$0x2] =	stream.indirect_vreg.gather [hbm4b:s3+s2], $0x80, v4, vm0, $0xb8;
	[tilespmem:$0x12400] =	vst v63  }
0x25f: {  	s29 =	simm.s32 $0x9C00  }
0x260: {  	[tilespmem:s29], [sflag:$0x2] =	stream.indirect_vreg.gather [hbm4b:s5+s2], $0x80, v4, vm0, $0xb8;
	[tilespmem:$0x12400] =	vst v63  }
0x261: {  	s30 =	simm.s32 $0xA400;
	v3 =	vperm.xlane v3, v2  }
0x262: {  	[tilespmem:s30], [sflag:$0x2] =	stream.indirect_vreg.gather [hbm4b:s6+s2], $0x80, v4, vm0, $0xb8;
	[tilespmem:$0x12400] =	vst v63  }
0x263: {  	v3 =	vadd.s32 v1, v3  }
0x264: {  	[tilespmem:s0], [sflag:$0x2] =	stream.indirect_vreg.gather [hbm4b:s7+s2], $0x80, v4, vm0, $0xb8;
	[tilespmem:$0x12400] =	vst v63  }
0x265: {  	_ = 	snop  }
0x266: {  	[tilespmem:s24], [sflag:$0x2] =	stream.indirect_vreg.gather [hbm4b:s8+s2], $0x80, v4, vm1, $0xb8;
	[tilespmem:$0x12400] =	vst v63  }
0x267: {  	_ = 	snop  }
0x268: {  	[tilespmem:s25], [sflag:$0x2] =	stream.indirect_vreg.gather [hbm4b:s3+s2], $0x80, v3, vm0, $0xb8;
	[tilespmem:$0x12400] =	vst v63  }
0x269: {  	s25 =	simm.s32 $0xC000  }
0x26a: {  	[tilespmem:s25], [sflag:$0x2] =	stream.indirect_vreg.gather [hbm4b:s5+s2], $0x80, v3, vm0, $0xb8;
	[tilespmem:$0x12400] =	vst v63  }
0x26b: {  	s31 =	simm.s32 $0xC800  }
0x26c: {  	[tilespmem:s31], [sflag:$0x2] =	stream.indirect_vreg.gather [hbm4b:s6+s2], $0x80, v3, vm0, $0xb8;
	[tilespmem:$0x12400] =	vst v63  }
0x26d: {  	s1 =	simm.s32 $0xD000  }
0x26e: {  	[tilespmem:s1], [sflag:$0x2] =	stream.indirect_vreg.gather [hbm4b:s7+s2], $0x80, v3, vm0, $0xb8;
	[tilespmem:$0x12400] =	vst v63  }
0x26f: {  	s31 =	simm.s32 $0xD800  }
0x270: {  	[tilespmem:s31], [sflag:$0x2] =	stream.indirect_vreg.gather [hbm4b:s8+s2], $0x80, v3, vm1, $0xb8;
	[tilespmem:$0x12400] =	vst v63  }
0x271: {  	v3 =	vld [tilespmem:$0x130];
	_ =	sdelay $0x4  }
0x272: {  	v19 =	vshrl.u32 v3, $0x3  }
0x273: {  	v4 =	vmul.u32 $0x48, v19  }
0x274: {  	v3 =	vand.u32 $0x7, v3  }
0x275: {  	v3 =	vor.u32 v3, v4  }
0x276: {  	v4 =	vperm.xlane v3, v0;
	_ =	sdelay $0x1  }
0x277: {  	v4 =	vadd.s32 v1, v4;
	_ =	sdelay $0x4  }
0x278: {  	[tilespmem:s13], [sflag:$0x2] =	stream.indirect_vreg.gather [hbm4b:s3+s2], $0x80, v4, vm0, $0xb8;
	[tilespmem:$0x12400] =	vst v63  }
0x279: {  	s0 =	simm.s32 $0xE400  }
0x27a: {  	[tilespmem:s0], [sflag:$0x2] =	stream.indirect_vreg.gather [hbm4b:s5+s2], $0x80, v4, vm0, $0xb8;
	[tilespmem:$0x12400] =	vst v63  }
0x27b: {  	s19 =	simm.s32 $0xEC00;
	v3 =	vperm.xlane v3, v2  }
0x27c: {  	[tilespmem:s19], [sflag:$0x2] =	stream.indirect_vreg.gather [hbm4b:s6+s2], $0x80, v4, vm0, $0xb8;
	[tilespmem:$0x12400] =	vst v63  }
0x27d: {  	v3 =	vadd.s32 v1, v3  }
0x27e: {  	[tilespmem:s14], [sflag:$0x2] =	stream.indirect_vreg.gather [hbm4b:s7+s2], $0x80, v4, vm0, $0xb8;
	[tilespmem:$0x12400] =	vst v63  }
0x27f: {  	_ = 	snop  }
0x280: {  	[tilespmem:s15], [sflag:$0x2] =	stream.indirect_vreg.gather [hbm4b:s8+s2], $0x80, v4, vm1, $0xb8;
	[tilespmem:$0x12400] =	vst v63  }
0x281: {  	s15 =	simm.s32 $0x10000  }
0x282: {  	[tilespmem:s15], [sflag:$0x2] =	stream.indirect_vreg.gather [hbm4b:s3+s2], $0x80, v3, vm0, $0xb8;
	[tilespmem:$0x12400] =	vst v63  }
0x283: {  	s23 =	simm.s32 $0x10800  }
0x284: {  	[tilespmem:s23], [sflag:$0x2] =	stream.indirect_vreg.gather [hbm4b:s5+s2], $0x80, v3, vm0, $0xb8;
	[tilespmem:$0x12400] =	vst v63  }
0x285: {  	s24 =	simm.s32 $0x11000  }
0x286: {  	[tilespmem:s24], [sflag:$0x2] =	stream.indirect_vreg.gather [hbm4b:s6+s2], $0x80, v3, vm0, $0xb8;
	[tilespmem:$0x12400] =	vst v63  }
0x287: {  	s25 =	simm.s32 $0x11800  }
0x288: {  	[tilespmem:s25], [sflag:$0x2] =	stream.indirect_vreg.gather [hbm4b:s7+s2], $0x80, v3, vm0, $0xb8;
	[tilespmem:$0x12400] =	vst v63  }
0x289: {  	s24 =	simm.s32 $0x12000  }
0x28a: {  	[tilespmem:s24], [sflag:$0x2] =	stream.indirect_vreg.gather [hbm4b:s8+s2], $0x80, v3, vm1, $0xb8;
	[tilespmem:$0x12400] =	vst v63  }
0x28b: {  	s13 =	rddreg [dreg:$0xc];
	s14 =	simm.s32 $0x400  }
0x28c: {  	[hbm4b:s13+s2] =	stream.linear.scatter [tilespmem:s14], [sflag:$0x3], $0x9000, $0x38;
	[tilespmem:$0x12400] =	vst v63  }
0x28d: {  	_ =	swait.ge [sflag:s20], $0x9000  }
0x28e: {  	[sflag:s20] =	ssyncset.done $0x0  }
0x28f: {  	[sflag:s20] =	ssyncadd.s32 $0xFFFF7000  }
0x290: {  	_ =	swait.ge [sflag:s21], $0x9000  }
0x291: {  	[sflag:s21] =	ssyncset.done $0x0  }
0x292: {  	[sflag:s21] =	ssyncadd.s32 $0xFFFF7000  }
0x293: {  	v3 =	vld [tilespmem:$0x140];
	_ =	sdelay $0x4  }
0x294: {  	v20 =	vshrl.u32 v3, $0x3  }
0x295: {  	v4 =	vmul.u32 $0x48, v20  }
0x296: {  	v3 =	vand.u32 $0x7, v3  }
0x297: {  	v3 =	vor.u32 v3, v4  }
0x298: {  	v4 =	vperm.xlane v3, v0;
	_ =	sdelay $0x1  }
0x299: {  	v4 =	vadd.s32 v1, v4;
	_ =	sdelay $0x4  }
0x29a: {  	[tilespmem:s14], [sflag:$0x1] =	stream.indirect_vreg.gather [hbm4b:s3+s2], $0x80, v4, vm0, $0xb8;
	[tilespmem:$0x12400] =	vst v63  }
0x29b: {  	s15 =	simm.s32 $0xC00  }
0x29c: {  	[tilespmem:s15], [sflag:$0x1] =	stream.indirect_vreg.gather [hbm4b:s5+s2], $0x80, v4, vm0, $0xb8;
	[tilespmem:$0x12400] =	vst v63  }
0x29d: {  	s23 =	simm.s32 $0x1400;
	v3 =	vperm.xlane v3, v2  }
0x29e: {  	[tilespmem:s23], [sflag:$0x1] =	stream.indirect_vreg.gather [hbm4b:s6+s2], $0x80, v4, vm0, $0xb8;
	[tilespmem:$0x12400] =	vst v63  }
0x29f: {  	s25 =	simm.s32 $0x1C00;
	v3 =	vadd.s32 v1, v3  }
0x2a0: {  	[tilespmem:s25], [sflag:$0x1] =	stream.indirect_vreg.gather [hbm4b:s7+s2], $0x80, v4, vm0, $0xb8;
	[tilespmem:$0x12400] =	vst v63  }
0x2a1: {  	s13 =	simm.s32 $0x2400  }
0x2a2: {  	[tilespmem:s13], [sflag:$0x1] =	stream.indirect_vreg.gather [hbm4b:s8+s2], $0x80, v4, vm1, $0xb8;
	[tilespmem:$0x12400] =	vst v63  }
0x2a3: {  	s14 =	simm.s32 $0x2800  }
0x2a4: {  	[tilespmem:s14], [sflag:$0x1] =	stream.indirect_vreg.gather [hbm4b:s3+s2], $0x80, v3, vm0, $0xb8;
	[tilespmem:$0x12400] =	vst v63  }
0x2a5: {  	s15 =	simm.s32 $0x3000  }
0x2a6: {  	[tilespmem:s15], [sflag:$0x1] =	stream.indirect_vreg.gather [hbm4b:s5+s2], $0x80, v3, vm0, $0xb8;
	[tilespmem:$0x12400] =	vst v63  }
0x2a7: {  	s23 =	simm.s32 $0x3800  }
0x2a8: {  	[tilespmem:s23], [sflag:$0x1] =	stream.indirect_vreg.gather [hbm4b:s6+s2], $0x80, v3, vm0, $0xb8;
	[tilespmem:$0x12400] =	vst v63  }
0x2a9: {  	s25 =	simm.s32 $0x4000  }
0x2aa: {  	[tilespmem:s25], [sflag:$0x1] =	stream.indirect_vreg.gather [hbm4b:s7+s2], $0x80, v3, vm0, $0xb8;
	[tilespmem:$0x12400] =	vst v63  }
0x2ab: {  	s1 =	simm.s32 $0x4800  }
0x2ac: {  	[tilespmem:s1], [sflag:$0x1] =	stream.indirect_vreg.gather [hbm4b:s8+s2], $0x80, v3, vm1, $0xb8;
	[tilespmem:$0x12400] =	vst v63  }
0x2ad: {  	v3 =	vld [tilespmem:$0x150];
	_ =	sdelay $0x4  }
0x2ae: {  	v21 =	vshrl.u32 v3, $0x3  }
0x2af: {  	v4 =	vmul.u32 $0x48, v21  }
0x2b0: {  	v3 =	vand.u32 $0x7, v3  }
0x2b1: {  	v3 =	vor.u32 v3, v4  }
0x2b2: {  	v4 =	vperm.xlane v3, v0;
	_ =	sdelay $0x1  }
0x2b3: {  	v4 =	vadd.s32 v1, v4;
	_ =	sdelay $0x4  }
0x2b4: {  	[tilespmem:s17], [sflag:$0x1] =	stream.indirect_vreg.gather [hbm4b:s3+s2], $0x80, v4, vm0, $0xb8;
	[tilespmem:$0x12400] =	vst v63  }
0x2b5: {  	_ = 	snop  }
0x2b6: {  	[tilespmem:s26], [sflag:$0x1] =	stream.indirect_vreg.gather [hbm4b:s5+s2], $0x80, v4, vm0, $0xb8;
	[tilespmem:$0x12400] =	vst v63  }
0x2b7: {  	v3 =	vperm.xlane v3, v2  }
0x2b8: {  	[tilespmem:s28], [sflag:$0x1] =	stream.indirect_vreg.gather [hbm4b:s6+s2], $0x80, v4, vm0, $0xb8;
	[tilespmem:$0x12400] =	vst v63  }
0x2b9: {  	v3 =	vadd.s32 v1, v3  }
0x2ba: {  	[tilespmem:s18], [sflag:$0x1] =	stream.indirect_vreg.gather [hbm4b:s7+s2], $0x80, v4, vm0, $0xb8;
	[tilespmem:$0x12400] =	vst v63  }
0x2bb: {  	s18 =	simm.s32 $0x6C00  }
0x2bc: {  	[tilespmem:s18], [sflag:$0x1] =	stream.indirect_vreg.gather [hbm4b:s8+s2], $0x80, v4, vm1, $0xb8;
	[tilespmem:$0x12400] =	vst v63  }
0x2bd: {  	s17 =	simm.s32 $0x7000  }
0x2be: {  	[tilespmem:s17], [sflag:$0x1] =	stream.indirect_vreg.gather [hbm4b:s3+s2], $0x80, v3, vm0, $0xb8;
	[tilespmem:$0x12400] =	vst v63  }
0x2bf: {  	s13 =	simm.s32 $0x7800  }
0x2c0: {  	[tilespmem:s13], [sflag:$0x1] =	stream.indirect_vreg.gather [hbm4b:s5+s2], $0x80, v3, vm0, $0xb8;
	[tilespmem:$0x12400] =	vst v63  }
0x2c1: {  	s14 =	simm.s32 $0x8000  }
0x2c2: {  	[tilespmem:s14], [sflag:$0x1] =	stream.indirect_vreg.gather [hbm4b:s6+s2], $0x80, v3, vm0, $0xb8;
	[tilespmem:$0x12400] =	vst v63  }
0x2c3: {  	s15 =	simm.s32 $0x8800  }
0x2c4: {  	[tilespmem:s15], [sflag:$0x1] =	stream.indirect_vreg.gather [hbm4b:s7+s2], $0x80, v3, vm0, $0xb8;
	[tilespmem:$0x12400] =	vst v63  }
0x2c5: {  	s26 =	simm.s32 $0x9000  }
0x2c6: {  	[tilespmem:s26], [sflag:$0x1] =	stream.indirect_vreg.gather [hbm4b:s8+s2], $0x80, v3, vm1, $0xb8;
	[tilespmem:$0x12400] =	vst v63  }
0x2c7: {  	s23 =	rddreg [dreg:$0xd];
	s28 =	simm.s32 $0x9400  }
0x2c8: {  	[hbm4b:s23+s2] =	stream.linear.scatter [tilespmem:s28], [sflag:$0x4], $0x9000, $0x38;
	[tilespmem:$0x12400] =	vst v63  }
0x2c9: {  	_ =	swait.ge [sflag:s16], $0x9000  }
0x2ca: {  	[sflag:s16] =	ssyncset.done $0x0  }
0x2cb: {  	[sflag:s16] =	ssyncadd.s32 $0xFFFF7000  }
0x2cc: {  	_ =	swait.ge [sflag:s22], $0x9000  }
0x2cd: {  	[sflag:s22] =	ssyncset.done $0x0  }
0x2ce: {  	[sflag:s22] =	ssyncadd.s32 $0xFFFF7000  }
0x2cf: {  	v3 =	vld [tilespmem:$0x160];
	_ =	sdelay $0x4  }
0x2d0: {  	v22 =	vshrl.u32 v3, $0x3  }
0x2d1: {  	v4 =	vmul.u32 $0x48, v22  }
0x2d2: {  	v3 =	vand.u32 $0x7, v3  }
0x2d3: {  	v3 =	vor.u32 v3, v4  }
0x2d4: {  	v4 =	vperm.xlane v3, v0;
	_ =	sdelay $0x1  }
0x2d5: {  	v4 =	vadd.s32 v1, v4;
	_ =	sdelay $0x4  }
0x2d6: {  	[tilespmem:s28], [sflag:$0x2] =	stream.indirect_vreg.gather [hbm4b:s3+s2], $0x80, v4, vm0, $0xb8;
	[tilespmem:$0x12400] =	vst v63  }
0x2d7: {  	_ = 	snop  }
0x2d8: {  	[tilespmem:s29], [sflag:$0x2] =	stream.indirect_vreg.gather [hbm4b:s5+s2], $0x80, v4, vm0, $0xb8;
	[tilespmem:$0x12400] =	vst v63  }
0x2d9: {  	v3 =	vperm.xlane v3, v2  }
0x2da: {  	[tilespmem:s30], [sflag:$0x2] =	stream.indirect_vreg.gather [hbm4b:s6+s2], $0x80, v4, vm0, $0xb8;
	[tilespmem:$0x12400] =	vst v63  }
0x2db: {  	v3 =	vadd.s32 v1, v3;
	s29 =	simm.s32 $0xAC00  }
0x2dc: {  	[tilespmem:s29], [sflag:$0x2] =	stream.indirect_vreg.gather [hbm4b:s7+s2], $0x80, v4, vm0, $0xb8;
	[tilespmem:$0x12400] =	vst v63  }
0x2dd: {  	s30 =	simm.s32 $0xB400  }
0x2de: {  	[tilespmem:s30], [sflag:$0x2] =	stream.indirect_vreg.gather [hbm4b:s8+s2], $0x80, v4, vm1, $0xb8;
	[tilespmem:$0x12400] =	vst v63  }
0x2df: {  	s25 =	simm.s32 $0xB800  }
0x2e0: {  	[tilespmem:s25], [sflag:$0x2] =	stream.indirect_vreg.gather [hbm4b:s3+s2], $0x80, v3, vm0, $0xb8;
	[tilespmem:$0x12400] =	vst v63  }
0x2e1: {  	s26 =	simm.s32 $0xC000  }
0x2e2: {  	[tilespmem:s26], [sflag:$0x2] =	stream.indirect_vreg.gather [hbm4b:s5+s2], $0x80, v3, vm0, $0xb8;
	[tilespmem:$0x12400] =	vst v63  }
0x2e3: {  	s28 =	simm.s32 $0xC800  }
0x2e4: {  	[tilespmem:s28], [sflag:$0x2] =	stream.indirect_vreg.gather [hbm4b:s6+s2], $0x80, v3, vm0, $0xb8;
	[tilespmem:$0x12400] =	vst v63  }
0x2e5: {  	s29 =	simm.s32 $0xD000  }
0x2e6: {  	[tilespmem:s29], [sflag:$0x2] =	stream.indirect_vreg.gather [hbm4b:s7+s2], $0x80, v3, vm0, $0xb8;
	[tilespmem:$0x12400] =	vst v63  }
0x2e7: {  	_ = 	snop  }
0x2e8: {  	[tilespmem:s31], [sflag:$0x2] =	stream.indirect_vreg.gather [hbm4b:s8+s2], $0x80, v3, vm1, $0xb8;
	[tilespmem:$0x12400] =	vst v63  }
0x2e9: {  	v3 =	vld [tilespmem:$0x170];
	_ =	sdelay $0x4  }
0x2ea: {  	v23 =	vshrl.u32 v3, $0x3  }
0x2eb: {  	v4 =	vmul.u32 $0x48, v23  }
0x2ec: {  	v3 =	vand.u32 $0x7, v3  }
0x2ed: {  	v3 =	vor.u32 v3, v4  }
0x2ee: {  	v4 =	vperm.xlane v3, v0;
	_ =	sdelay $0x1  }
0x2ef: {  	v4 =	vadd.s32 v1, v4;
	_ =	sdelay $0x3  }
0x2f0: {  	s31 =	simm.s32 $0xDC00  }
0x2f1: {  	[tilespmem:s31], [sflag:$0x2] =	stream.indirect_vreg.gather [hbm4b:s3+s2], $0x80, v4, vm0, $0xb8;
	[tilespmem:$0x12400] =	vst v63  }
0x2f2: {  	_ = 	snop  }
0x2f3: {  	[tilespmem:s0], [sflag:$0x2] =	stream.indirect_vreg.gather [hbm4b:s5+s2], $0x80, v4, vm0, $0xb8;
	[tilespmem:$0x12400] =	vst v63  }
0x2f4: {  	v3 =	vperm.xlane v3, v2  }
0x2f5: {  	[tilespmem:s19], [sflag:$0x2] =	stream.indirect_vreg.gather [hbm4b:s6+s2], $0x80, v4, vm0, $0xb8;
	[tilespmem:$0x12400] =	vst v63  }
0x2f6: {  	s30 =	simm.s32 $0xF400;
	v3 =	vadd.s32 v1, v3  }
0x2f7: {  	[tilespmem:s30], [sflag:$0x2] =	stream.indirect_vreg.gather [hbm4b:s7+s2], $0x80, v4, vm0, $0xb8;
	[tilespmem:$0x12400] =	vst v63  }
0x2f8: {  	s19 =	simm.s32 $0xFC00  }
0x2f9: {  	[tilespmem:s19], [sflag:$0x2] =	stream.indirect_vreg.gather [hbm4b:s8+s2], $0x80, v4, vm1, $0xb8;
	[tilespmem:$0x12400] =	vst v63  }
0x2fa: {  	s23 =	simm.s32 $0x10000  }
0x2fb: {  	[tilespmem:s23], [sflag:$0x2] =	stream.indirect_vreg.gather [hbm4b:s3+s2], $0x80, v3, vm0, $0xb8;
	[tilespmem:$0x12400] =	vst v63  }
0x2fc: {  	s25 =	simm.s32 $0x10800  }
0x2fd: {  	[tilespmem:s25], [sflag:$0x2] =	stream.indirect_vreg.gather [hbm4b:s5+s2], $0x80, v3, vm0, $0xb8;
	[tilespmem:$0x12400] =	vst v63  }
0x2fe: {  	s26 =	simm.s32 $0x11000  }
0x2ff: {  	[tilespmem:s26], [sflag:$0x2] =	stream.indirect_vreg.gather [hbm4b:s6+s2], $0x80, v3, vm0, $0xb8;
	[tilespmem:$0x12400] =	vst v63  }
0x300: {  	s28 =	simm.s32 $0x11800  }
0x301: {  	[tilespmem:s28], [sflag:$0x2] =	stream.indirect_vreg.gather [hbm4b:s7+s2], $0x80, v3, vm0, $0xb8;
	[tilespmem:$0x12400] =	vst v63  }
0x302: {  	_ = 	snop  }
0x303: {  	[tilespmem:s24], [sflag:$0x2] =	stream.indirect_vreg.gather [hbm4b:s8+s2], $0x80, v3, vm1, $0xb8;
	[tilespmem:$0x12400] =	vst v63  }
0x304: {  	s29 =	rddreg [dreg:$0xe];
	s30 =	simm.s32 $0x400  }
0x305: {  	[hbm4b:s29+s2] =	stream.linear.scatter [tilespmem:s30], [sflag:$0x3], $0x9000, $0x38;
	[tilespmem:$0x12400] =	vst v63  }
0x306: {  	_ =	swait.ge [sflag:s20], $0x9000  }
0x307: {  	[sflag:s20] =	ssyncset.done $0x0  }
0x308: {  	[sflag:s20] =	ssyncadd.s32 $0xFFFF7000  }
0x309: {  	_ =	swait.ge [sflag:s21], $0x9000  }
0x30a: {  	[sflag:s21] =	ssyncset.done $0x0  }
0x30b: {  	[sflag:s21] =	ssyncadd.s32 $0xFFFF7000  }
0x30c: {  	v3 =	vld [tilespmem:$0x180];
	_ =	sdelay $0x4  }
0x30d: {  	v24 =	vshrl.u32 v3, $0x3  }
0x30e: {  	v4 =	vmul.u32 $0x48, v24  }
0x30f: {  	v3 =	vand.u32 $0x7, v3  }
0x310: {  	v3 =	vor.u32 v3, v4  }
0x311: {  	v4 =	vperm.xlane v3, v0;
	_ =	sdelay $0x1  }
0x312: {  	v4 =	vadd.s32 v1, v4;
	_ =	sdelay $0x4  }
0x313: {  	[tilespmem:s30], [sflag:$0x1] =	stream.indirect_vreg.gather [hbm4b:s3+s2], $0x80, v4, vm0, $0xb8;
	[tilespmem:$0x12400] =	vst v63  }
0x314: {  	s29 =	simm.s32 $0xC00  }
0x315: {  	[tilespmem:s29], [sflag:$0x1] =	stream.indirect_vreg.gather [hbm4b:s5+s2], $0x80, v4, vm0, $0xb8;
	[tilespmem:$0x12400] =	vst v63  }
0x316: {  	v3 =	vperm.xlane v3, v2;
	s30 =	simm.s32 $0x1400  }
0x317: {  	[tilespmem:s30], [sflag:$0x1] =	stream.indirect_vreg.gather [hbm4b:s6+s2], $0x80, v4, vm0, $0xb8;
	[tilespmem:$0x12400] =	vst v63  }
0x318: {  	s24 =	simm.s32 $0x1C00;
	v3 =	vadd.s32 v1, v3  }
0x319: {  	[tilespmem:s24], [sflag:$0x1] =	stream.indirect_vreg.gather [hbm4b:s7+s2], $0x80, v4, vm0, $0xb8;
	[tilespmem:$0x12400] =	vst v63  }
0x31a: {  	s19 =	simm.s32 $0x2400  }
0x31b: {  	[tilespmem:s19], [sflag:$0x1] =	stream.indirect_vreg.gather [hbm4b:s8+s2], $0x80, v4, vm1, $0xb8;
	[tilespmem:$0x12400] =	vst v63  }
0x31c: {  	s19 =	simm.s32 $0x2800  }
0x31d: {  	[tilespmem:s19], [sflag:$0x1] =	stream.indirect_vreg.gather [hbm4b:s3+s2], $0x80, v3, vm0, $0xb8;
	[tilespmem:$0x12400] =	vst v63  }
0x31e: {  	s25 =	simm.s32 $0x3000  }
0x31f: {  	[tilespmem:s25], [sflag:$0x1] =	stream.indirect_vreg.gather [hbm4b:s5+s2], $0x80, v3, vm0, $0xb8;
	[tilespmem:$0x12400] =	vst v63  }
0x320: {  	s26 =	simm.s32 $0x3800  }
0x321: {  	[tilespmem:s26], [sflag:$0x1] =	stream.indirect_vreg.gather [hbm4b:s6+s2], $0x80, v3, vm0, $0xb8;
	[tilespmem:$0x12400] =	vst v63  }
0x322: {  	s28 =	simm.s32 $0x4000  }
0x323: {  	[tilespmem:s28], [sflag:$0x1] =	stream.indirect_vreg.gather [hbm4b:s7+s2], $0x80, v3, vm0, $0xb8;
	[tilespmem:$0x12400] =	vst v63  }
0x324: {  	_ = 	snop  }
0x325: {  	[tilespmem:s1], [sflag:$0x1] =	stream.indirect_vreg.gather [hbm4b:s8+s2], $0x80, v3, vm1, $0xb8;
	[tilespmem:$0x12400] =	vst v63  }
0x326: {  	v3 =	vld [tilespmem:$0x190];
	_ =	sdelay $0x4  }
0x327: {  	v25 =	vshrl.u32 v3, $0x3  }
0x328: {  	v4 =	vmul.u32 $0x48, v25  }
0x329: {  	v3 =	vand.u32 $0x7, v3  }
0x32a: {  	v3 =	vor.u32 v3, v4  }
0x32b: {  	v4 =	vperm.xlane v3, v0;
	_ =	sdelay $0x1  }
0x32c: {  	v4 =	vadd.s32 v1, v4;
	_ =	sdelay $0x3  }
0x32d: {  	s23 =	simm.s32 $0x4C00  }
0x32e: {  	[tilespmem:s23], [sflag:$0x1] =	stream.indirect_vreg.gather [hbm4b:s3+s2], $0x80, v4, vm0, $0xb8;
	[tilespmem:$0x12400] =	vst v63  }
0x32f: {  	s1 =	simm.s32 $0x5400  }
0x330: {  	[tilespmem:s1], [sflag:$0x1] =	stream.indirect_vreg.gather [hbm4b:s5+s2], $0x80, v4, vm0, $0xb8;
	[tilespmem:$0x12400] =	vst v63  }
0x331: {  	v3 =	vperm.xlane v3, v2;
	s23 =	simm.s32 $0x5C00  }
0x332: {  	[tilespmem:s23], [sflag:$0x1] =	stream.indirect_vreg.gather [hbm4b:s6+s2], $0x80, v4, vm0, $0xb8;
	[tilespmem:$0x12400] =	vst v63  }
0x333: {  	v3 =	vadd.s32 v1, v3;
	s1 =	simm.s32 $0x6400  }
0x334: {  	[tilespmem:s1], [sflag:$0x1] =	stream.indirect_vreg.gather [hbm4b:s7+s2], $0x80, v4, vm0, $0xb8;
	[tilespmem:$0x12400] =	vst v63  }
0x335: {  	_ = 	snop  }
0x336: {  	[tilespmem:s18], [sflag:$0x1] =	stream.indirect_vreg.gather [hbm4b:s8+s2], $0x80, v4, vm1, $0xb8;
	[tilespmem:$0x12400] =	vst v63  }
0x337: {  	_ = 	snop  }
0x338: {  	[tilespmem:s17], [sflag:$0x1] =	stream.indirect_vreg.gather [hbm4b:s3+s2], $0x80, v3, vm0, $0xb8;
	[tilespmem:$0x12400] =	vst v63  }
0x339: {  	_ = 	snop  }
0x33a: {  	[tilespmem:s13], [sflag:$0x1] =	stream.indirect_vreg.gather [hbm4b:s5+s2], $0x80, v3, vm0, $0xb8;
	[tilespmem:$0x12400] =	vst v63  }
0x33b: {  	_ = 	snop  }
0x33c: {  	[tilespmem:s14], [sflag:$0x1] =	stream.indirect_vreg.gather [hbm4b:s6+s2], $0x80, v3, vm0, $0xb8;
	[tilespmem:$0x12400] =	vst v63  }
0x33d: {  	_ = 	snop  }
0x33e: {  	[tilespmem:s15], [sflag:$0x1] =	stream.indirect_vreg.gather [hbm4b:s7+s2], $0x80, v3, vm0, $0xb8;
	[tilespmem:$0x12400] =	vst v63  }
0x33f: {  	s17 =	simm.s32 $0x9000  }
0x340: {  	[tilespmem:s17], [sflag:$0x1] =	stream.indirect_vreg.gather [hbm4b:s8+s2], $0x80, v3, vm1, $0xb8;
	[tilespmem:$0x12400] =	vst v63  }
0x341: {  	s0 =	simm.s32 $0x9400;
	s18 =	rddreg [dreg:$0xf]  }
0x342: {  	[hbm4b:s18+s2] =	stream.linear.scatter [tilespmem:s0], [sflag:$0x4], $0x9000, $0x38;
	[tilespmem:$0x12400] =	vst v63  }
0x343: {  	_ =	swait.ge [sflag:s16], $0x9000  }
0x344: {  	[sflag:s16] =	ssyncset.done $0x0  }
0x345: {  	[sflag:s16] =	ssyncadd.s32 $0xFFFF7000  }
0x346: {  	_ =	swait.ge [sflag:s22], $0x9000  }
0x347: {  	[sflag:s22] =	ssyncset.done $0x0  }
0x348: {  	[sflag:s22] =	ssyncadd.s32 $0xFFFF7000  }
0x349: {  	v3 =	vld [tilespmem:$0x1A0];
	_ =	sdelay $0x4  }
0x34a: {  	v26 =	vshrl.u32 v3, $0x3  }
0x34b: {  	v4 =	vmul.u32 $0x48, v26  }
0x34c: {  	v3 =	vand.u32 $0x7, v3  }
0x34d: {  	v3 =	vor.u32 v3, v4  }
0x34e: {  	v4 =	vperm.xlane v3, v0;
	_ =	sdelay $0x1  }
0x34f: {  	v4 =	vadd.s32 v1, v4;
	_ =	sdelay $0x4  }
0x350: {  	[tilespmem:s0], [sflag:$0x2] =	stream.indirect_vreg.gather [hbm4b:s3+s2], $0x80, v4, vm0, $0xb8;
	[tilespmem:$0x12400] =	vst v63  }
0x351: {  	s0 =	simm.s32 $0x9C00  }
0x352: {  	[tilespmem:s0], [sflag:$0x2] =	stream.indirect_vreg.gather [hbm4b:s5+s2], $0x80, v4, vm0, $0xb8;
	[tilespmem:$0x12400] =	vst v63  }
0x353: {  	s15 =	simm.s32 $0xA400;
	v3 =	vperm.xlane v3, v2  }
0x354: {  	[tilespmem:s15], [sflag:$0x2] =	stream.indirect_vreg.gather [hbm4b:s6+s2], $0x80, v4, vm0, $0xb8;
	[tilespmem:$0x12400] =	vst v63  }
0x355: {  	s13 =	simm.s32 $0xAC00;
	v3 =	vadd.s32 v1, v3  }
0x356: {  	[tilespmem:s13], [sflag:$0x2] =	stream.indirect_vreg.gather [hbm4b:s7+s2], $0x80, v4, vm0, $0xb8;
	[tilespmem:$0x12400] =	vst v63  }
0x357: {  	s14 =	simm.s32 $0xB400  }
0x358: {  	[tilespmem:s14], [sflag:$0x2] =	stream.indirect_vreg.gather [hbm4b:s8+s2], $0x80, v4, vm1, $0xb8;
	[tilespmem:$0x12400] =	vst v63  }
0x359: {  	s18 =	simm.s32 $0xB800  }
0x35a: {  	[tilespmem:s18], [sflag:$0x2] =	stream.indirect_vreg.gather [hbm4b:s3+s2], $0x80, v3, vm0, $0xb8;
	[tilespmem:$0x12400] =	vst v63  }
0x35b: {  	s23 =	simm.s32 $0xC000  }
0x35c: {  	[tilespmem:s23], [sflag:$0x2] =	stream.indirect_vreg.gather [hbm4b:s5+s2], $0x80, v3, vm0, $0xb8;
	[tilespmem:$0x12400] =	vst v63  }
0x35d: {  	s13 =	simm.s32 $0xC800  }
0x35e: {  	[tilespmem:s13], [sflag:$0x2] =	stream.indirect_vreg.gather [hbm4b:s6+s2], $0x80, v3, vm0, $0xb8;
	[tilespmem:$0x12400] =	vst v63  }
0x35f: {  	s14 =	simm.s32 $0xD000  }
0x360: {  	[tilespmem:s14], [sflag:$0x2] =	stream.indirect_vreg.gather [hbm4b:s7+s2], $0x80, v3, vm0, $0xb8;
	[tilespmem:$0x12400] =	vst v63  }
0x361: {  	s1 =	simm.s32 $0xD800  }
0x362: {  	[tilespmem:s1], [sflag:$0x2] =	stream.indirect_vreg.gather [hbm4b:s8+s2], $0x80, v3, vm1, $0xb8;
	[tilespmem:$0x12400] =	vst v63  }
0x363: {  	v3 =	vld [tilespmem:$0x1B0];
	_ =	sdelay $0x4  }
0x364: {  	v27 =	vshrl.u32 v3, $0x3  }
0x365: {  	v4 =	vmul.u32 $0x48, v27  }
0x366: {  	v3 =	vand.u32 $0x7, v3  }
0x367: {  	v3 =	vor.u32 v3, v4  }
0x368: {  	v4 =	vperm.xlane v3, v0;
	_ =	sdelay $0x1  }
0x369: {  	v4 =	vadd.s32 v1, v4;
	_ =	sdelay $0x4  }
0x36a: {  	[tilespmem:s31], [sflag:$0x2] =	stream.indirect_vreg.gather [hbm4b:s3+s2], $0x80, v4, vm0, $0xb8;
	[tilespmem:$0x12400] =	vst v63  }
0x36b: {  	s13 =	simm.s32 $0xE400  }
0x36c: {  	[tilespmem:s13], [sflag:$0x2] =	stream.indirect_vreg.gather [hbm4b:s5+s2], $0x80, v4, vm0, $0xb8;
	[tilespmem:$0x12400] =	vst v63  }
0x36d: {  	v3 =	vperm.xlane v3, v2;
	s31 =	simm.s32 $0xEC00  }
0x36e: {  	[tilespmem:s31], [sflag:$0x2] =	stream.indirect_vreg.gather [hbm4b:s6+s2], $0x80, v4, vm0, $0xb8;
	[tilespmem:$0x12400] =	vst v63  }
0x36f: {  	s18 =	simm.s32 $0xF400;
	v3 =	vadd.s32 v1, v3  }
0x370: {  	[tilespmem:s18], [sflag:$0x2] =	stream.indirect_vreg.gather [hbm4b:s7+s2], $0x80, v4, vm0, $0xb8;
	[tilespmem:$0x12400] =	vst v63  }
0x371: {  	s23 =	simm.s32 $0xFC00  }
0x372: {  	[tilespmem:s23], [sflag:$0x2] =	stream.indirect_vreg.gather [hbm4b:s8+s2], $0x80, v4, vm1, $0xb8;
	[tilespmem:$0x12400] =	vst v63  }
0x373: {  	s18 =	simm.s32 $0x10000  }
0x374: {  	[tilespmem:s18], [sflag:$0x2] =	stream.indirect_vreg.gather [hbm4b:s3+s2], $0x80, v3, vm0, $0xb8;
	[tilespmem:$0x12400] =	vst v63  }
0x375: {  	s23 =	simm.s32 $0x10800  }
0x376: {  	[tilespmem:s23], [sflag:$0x2] =	stream.indirect_vreg.gather [hbm4b:s5+s2], $0x80, v3, vm0, $0xb8;
	[tilespmem:$0x12400] =	vst v63  }
0x377: {  	s18 =	simm.s32 $0x11000  }
0x378: {  	[tilespmem:s18], [sflag:$0x2] =	stream.indirect_vreg.gather [hbm4b:s6+s2], $0x80, v3, vm0, $0xb8;
	[tilespmem:$0x12400] =	vst v63  }
0x379: {  	s23 =	simm.s32 $0x11800  }
0x37a: {  	[tilespmem:s23], [sflag:$0x2] =	stream.indirect_vreg.gather [hbm4b:s7+s2], $0x80, v3, vm0, $0xb8;
	[tilespmem:$0x12400] =	vst v63  }
0x37b: {  	s18 =	simm.s32 $0x12000  }
0x37c: {  	[tilespmem:s18], [sflag:$0x2] =	stream.indirect_vreg.gather [hbm4b:s8+s2], $0x80, v3, vm1, $0xb8;
	[tilespmem:$0x12400] =	vst v63  }
0x37d: {  	s23 =	rddreg [dreg:$0x10];
	s18 =	simm.s32 $0x400  }
0x37e: {  	[hbm4b:s23+s2] =	stream.linear.scatter [tilespmem:s18], [sflag:$0x3], $0x9000, $0x38;
	[tilespmem:$0x12400] =	vst v63  }
0x37f: {  	_ =	swait.ge [sflag:s20], $0x9000  }
0x380: {  	[sflag:s20] =	ssyncset.done $0x0  }
0x381: {  	[sflag:s20] =	ssyncadd.s32 $0xFFFF7000  }
0x382: {  	_ =	swait.ge [sflag:s21], $0x9000  }
0x383: {  	[sflag:s21] =	ssyncset.done $0x0  }
0x384: {  	[sflag:s21] =	ssyncadd.s32 $0xFFFF7000  }
0x385: {  	v3 =	vld [tilespmem:$0x1C0];
	_ =	sdelay $0x4  }
0x386: {  	v28 =	vshrl.u32 v3, $0x3  }
0x387: {  	v4 =	vmul.u32 $0x48, v28  }
0x388: {  	v3 =	vand.u32 $0x7, v3  }
0x389: {  	v3 =	vor.u32 v3, v4  }
0x38a: {  	v4 =	vperm.xlane v3, v0;
	_ =	sdelay $0x1  }
0x38b: {  	v4 =	vadd.s32 v1, v4;
	_ =	sdelay $0x4  }
0x38c: {  	[tilespmem:s18], [sflag:$0x1] =	stream.indirect_vreg.gather [hbm4b:s3+s2], $0x80, v4, vm0, $0xb8;
	[tilespmem:$0x12400] =	vst v63  }
0x38d: {  	_ = 	snop  }
0x38e: {  	[tilespmem:s29], [sflag:$0x1] =	stream.indirect_vreg.gather [hbm4b:s5+s2], $0x80, v4, vm0, $0xb8;
	[tilespmem:$0x12400] =	vst v63  }
0x38f: {  	v3 =	vperm.xlane v3, v2  }
0x390: {  	[tilespmem:s30], [sflag:$0x1] =	stream.indirect_vreg.gather [hbm4b:s6+s2], $0x80, v4, vm0, $0xb8;
	[tilespmem:$0x12400] =	vst v63  }
0x391: {  	v3 =	vadd.s32 v1, v3  }
0x392: {  	[tilespmem:s24], [sflag:$0x1] =	stream.indirect_vreg.gather [hbm4b:s7+s2], $0x80, v4, vm0, $0xb8;
	[tilespmem:$0x12400] =	vst v63  }
0x393: {  	s24 =	simm.s32 $0x2400  }
0x394: {  	[tilespmem:s24], [sflag:$0x1] =	stream.indirect_vreg.gather [hbm4b:s8+s2], $0x80, v4, vm1, $0xb8;
	[tilespmem:$0x12400] =	vst v63  }
0x395: {  	_ = 	snop  }
0x396: {  	[tilespmem:s19], [sflag:$0x1] =	stream.indirect_vreg.gather [hbm4b:s3+s2], $0x80, v3, vm0, $0xb8;
	[tilespmem:$0x12400] =	vst v63  }
0x397: {  	_ = 	snop  }
0x398: {  	[tilespmem:s25], [sflag:$0x1] =	stream.indirect_vreg.gather [hbm4b:s5+s2], $0x80, v3, vm0, $0xb8;
	[tilespmem:$0x12400] =	vst v63  }
0x399: {  	_ = 	snop  }
0x39a: {  	[tilespmem:s26], [sflag:$0x1] =	stream.indirect_vreg.gather [hbm4b:s6+s2], $0x80, v3, vm0, $0xb8;
	[tilespmem:$0x12400] =	vst v63  }
0x39b: {  	_ = 	snop  }
0x39c: {  	[tilespmem:s28], [sflag:$0x1] =	stream.indirect_vreg.gather [hbm4b:s7+s2], $0x80, v3, vm0, $0xb8;
	[tilespmem:$0x12400] =	vst v63  }
0x39d: {  	s28 =	simm.s32 $0x4800  }
0x39e: {  	[tilespmem:s28], [sflag:$0x1] =	stream.indirect_vreg.gather [hbm4b:s8+s2], $0x80, v3, vm1, $0xb8;
	[tilespmem:$0x12400] =	vst v63  }
0x39f: {  	v3 =	vld [tilespmem:$0x1D0];
	_ =	sdelay $0x4  }
0x3a0: {  	v29 =	vshrl.u32 v3, $0x3  }
0x3a1: {  	v4 =	vmul.u32 $0x48, v29  }
0x3a2: {  	v3 =	vand.u32 $0x7, v3  }
0x3a3: {  	v3 =	vor.u32 v3, v4  }
0x3a4: {  	v4 =	vperm.xlane v3, v0;
	_ =	sdelay $0x1  }
0x3a5: {  	v4 =	vadd.s32 v1, v4;
	_ =	sdelay $0x3  }
0x3a6: {  	s28 =	simm.s32 $0x4C00  }
0x3a7: {  	[tilespmem:s28], [sflag:$0x1] =	stream.indirect_vreg.gather [hbm4b:s3+s2], $0x80, v4, vm0, $0xb8;
	[tilespmem:$0x12400] =	vst v63  }
0x3a8: {  	s19 =	simm.s32 $0x5400  }
0x3a9: {  	[tilespmem:s19], [sflag:$0x1] =	stream.indirect_vreg.gather [hbm4b:s5+s2], $0x80, v4, vm0, $0xb8;
	[tilespmem:$0x12400] =	vst v63  }
0x3aa: {  	s14 =	simm.s32 $0x5C00;
	v3 =	vperm.xlane v3, v2  }
0x3ab: {  	[tilespmem:s14], [sflag:$0x1] =	stream.indirect_vreg.gather [hbm4b:s6+s2], $0x80, v4, vm0, $0xb8;
	[tilespmem:$0x12400] =	vst v63  }
0x3ac: {  	s18 =	simm.s32 $0x6400;
	v3 =	vadd.s32 v1, v3  }
0x3ad: {  	[tilespmem:s18], [sflag:$0x1] =	stream.indirect_vreg.gather [hbm4b:s7+s2], $0x80, v4, vm0, $0xb8;
	[tilespmem:$0x12400] =	vst v63  }
0x3ae: {  	s29 =	simm.s32 $0x6C00  }
0x3af: {  	[tilespmem:s29], [sflag:$0x1] =	stream.indirect_vreg.gather [hbm4b:s8+s2], $0x80, v4, vm1, $0xb8;
	[tilespmem:$0x12400] =	vst v63  }
0x3b0: {  	s30 =	simm.s32 $0x7000  }
0x3b1: {  	[tilespmem:s30], [sflag:$0x1] =	stream.indirect_vreg.gather [hbm4b:s3+s2], $0x80, v3, vm0, $0xb8;
	[tilespmem:$0x12400] =	vst v63  }
0x3b2: {  	s24 =	simm.s32 $0x7800  }
0x3b3: {  	[tilespmem:s24], [sflag:$0x1] =	stream.indirect_vreg.gather [hbm4b:s5+s2], $0x80, v3, vm0, $0xb8;
	[tilespmem:$0x12400] =	vst v63  }
0x3b4: {  	s25 =	simm.s32 $0x8000  }
0x3b5: {  	[tilespmem:s25], [sflag:$0x1] =	stream.indirect_vreg.gather [hbm4b:s6+s2], $0x80, v3, vm0, $0xb8;
	[tilespmem:$0x12400] =	vst v63  }
0x3b6: {  	s26 =	simm.s32 $0x8800  }
0x3b7: {  	[tilespmem:s26], [sflag:$0x1] =	stream.indirect_vreg.gather [hbm4b:s7+s2], $0x80, v3, vm0, $0xb8;
	[tilespmem:$0x12400] =	vst v63  }
0x3b8: {  	_ = 	snop  }
0x3b9: {  	[tilespmem:s17], [sflag:$0x1] =	stream.indirect_vreg.gather [hbm4b:s8+s2], $0x80, v3, vm1, $0xb8;
	[tilespmem:$0x12400] =	vst v63  }
0x3ba: {  	s29 =	rddreg [dreg:$0x11];
	s30 =	simm.s32 $0x9400  }
0x3bb: {  	[hbm4b:s29+s2] =	stream.linear.scatter [tilespmem:s30], [sflag:$0x4], $0x9000, $0x38;
	[tilespmem:$0x12400] =	vst v63  }
0x3bc: {  	_ =	swait.ge [sflag:s16], $0x9000  }
0x3bd: {  	[sflag:s16] =	ssyncset.done $0x0  }
0x3be: {  	[sflag:s16] =	ssyncadd.s32 $0xFFFF7000  }
0x3bf: {  	_ =	swait.ge [sflag:s22], $0x9000  }
0x3c0: {  	[sflag:s22] =	ssyncset.done $0x0  }
0x3c1: {  	[sflag:s22] =	ssyncadd.s32 $0xFFFF7000  }
0x3c2: {  	v3 =	vld [tilespmem:$0x1E0];
	_ =	sdelay $0x4  }
0x3c3: {  	v30 =	vshrl.u32 v3, $0x3  }
0x3c4: {  	v4 =	vmul.u32 $0x48, v30  }
0x3c5: {  	v3 =	vand.u32 $0x7, v3  }
0x3c6: {  	v3 =	vor.u32 v3, v4  }
0x3c7: {  	v4 =	vperm.xlane v3, v0;
	_ =	sdelay $0x1  }
0x3c8: {  	v4 =	vadd.s32 v1, v4;
	_ =	sdelay $0x4  }
0x3c9: {  	[tilespmem:s30], [sflag:$0x2] =	stream.indirect_vreg.gather [hbm4b:s3+s2], $0x80, v4, vm0, $0xb8;
	[tilespmem:$0x12400] =	vst v63  }
0x3ca: {  	_ = 	snop  }
0x3cb: {  	[tilespmem:s0], [sflag:$0x2] =	stream.indirect_vreg.gather [hbm4b:s5+s2], $0x80, v4, vm0, $0xb8;
	[tilespmem:$0x12400] =	vst v63  }
0x3cc: {  	v3 =	vperm.xlane v3, v2  }
0x3cd: {  	[tilespmem:s15], [sflag:$0x2] =	stream.indirect_vreg.gather [hbm4b:s6+s2], $0x80, v4, vm0, $0xb8;
	[tilespmem:$0x12400] =	vst v63  }
0x3ce: {  	s29 =	simm.s32 $0xAC00;
	v3 =	vadd.s32 v1, v3  }
0x3cf: {  	[tilespmem:s29], [sflag:$0x2] =	stream.indirect_vreg.gather [hbm4b:s7+s2], $0x80, v4, vm0, $0xb8;
	[tilespmem:$0x12400] =	vst v63  }
0x3d0: {  	s30 =	simm.s32 $0xB400  }
0x3d1: {  	[tilespmem:s30], [sflag:$0x2] =	stream.indirect_vreg.gather [hbm4b:s8+s2], $0x80, v4, vm1, $0xb8;
	[tilespmem:$0x12400] =	vst v63  }
0x3d2: {  	s17 =	simm.s32 $0xB800  }
0x3d3: {  	[tilespmem:s17], [sflag:$0x2] =	stream.indirect_vreg.gather [hbm4b:s3+s2], $0x80, v3, vm0, $0xb8;
	[tilespmem:$0x12400] =	vst v63  }
0x3d4: {  	s24 =	simm.s32 $0xC000  }
0x3d5: {  	[tilespmem:s24], [sflag:$0x2] =	stream.indirect_vreg.gather [hbm4b:s5+s2], $0x80, v3, vm0, $0xb8;
	[tilespmem:$0x12400] =	vst v63  }
0x3d6: {  	s25 =	simm.s32 $0xC800  }
0x3d7: {  	[tilespmem:s25], [sflag:$0x2] =	stream.indirect_vreg.gather [hbm4b:s6+s2], $0x80, v3, vm0, $0xb8;
	[tilespmem:$0x12400] =	vst v63  }
0x3d8: {  	s26 =	simm.s32 $0xD000  }
0x3d9: {  	[tilespmem:s26], [sflag:$0x2] =	stream.indirect_vreg.gather [hbm4b:s7+s2], $0x80, v3, vm0, $0xb8;
	[tilespmem:$0x12400] =	vst v63  }
0x3da: {  	_ = 	snop  }
0x3db: {  	[tilespmem:s1], [sflag:$0x2] =	stream.indirect_vreg.gather [hbm4b:s8+s2], $0x80, v3, vm1, $0xb8;
	[tilespmem:$0x12400] =	vst v63  }
0x3dc: {  	v3 =	vld [tilespmem:$0x1F0];
	_ =	sdelay $0x4  }
0x3dd: {  	v31 =	vshrl.u32 v3, $0x3  }
0x3de: {  	v4 =	vmul.u32 $0x48, v31  }
0x3df: {  	v3 =	vand.u32 $0x7, v3  }
0x3e0: {  	v3 =	vor.u32 v3, v4  }
0x3e1: {  	v4 =	vperm.xlane v3, v0;
	_ =	sdelay $0x1  }
0x3e2: {  	v4 =	vadd.s32 v1, v4;
	_ =	sdelay $0x3  }
0x3e3: {  	s1 =	simm.s32 $0xDC00  }
0x3e4: {  	[tilespmem:s1], [sflag:$0x2] =	stream.indirect_vreg.gather [hbm4b:s3+s2], $0x80, v4, vm0, $0xb8;
	[tilespmem:$0x12400] =	vst v63  }
0x3e5: {  	_ = 	snop  }
0x3e6: {  	[tilespmem:s13], [sflag:$0x2] =	stream.indirect_vreg.gather [hbm4b:s5+s2], $0x80, v4, vm0, $0xb8;
	[tilespmem:$0x12400] =	vst v63  }
0x3e7: {  	v3 =	vperm.xlane v3, v2  }
0x3e8: {  	[tilespmem:s31], [sflag:$0x2] =	stream.indirect_vreg.gather [hbm4b:s6+s2], $0x80, v4, vm0, $0xb8;
	[tilespmem:$0x12400] =	vst v63  }
0x3e9: {  	v3 =	vadd.s32 v1, v3;
	s31 =	simm.s32 $0xF400  }
0x3ea: {  	[tilespmem:s31], [sflag:$0x2] =	stream.indirect_vreg.gather [hbm4b:s7+s2], $0x80, v4, vm0, $0xb8;
	[tilespmem:$0x12400] =	vst v63  }
0x3eb: {  	s13 =	simm.s32 $0xFC00  }
0x3ec: {  	[tilespmem:s13], [sflag:$0x2] =	stream.indirect_vreg.gather [hbm4b:s8+s2], $0x80, v4, vm1, $0xb8;
	[tilespmem:$0x12400] =	vst v63  }
0x3ed: {  	s15 =	simm.s32 $0x10000  }
0x3ee: {  	[tilespmem:s15], [sflag:$0x2] =	stream.indirect_vreg.gather [hbm4b:s3+s2], $0x80, v3, vm0, $0xb8;
	[tilespmem:$0x12400] =	vst v63  }
0x3ef: {  	s23 =	simm.s32 $0x10800  }
0x3f0: {  	[tilespmem:s23], [sflag:$0x2] =	stream.indirect_vreg.gather [hbm4b:s5+s2], $0x80, v3, vm0, $0xb8;
	[tilespmem:$0x12400] =	vst v63  }
0x3f1: {  	s1 =	simm.s32 $0x11000  }
0x3f2: {  	[tilespmem:s1], [sflag:$0x2] =	stream.indirect_vreg.gather [hbm4b:s6+s2], $0x80, v3, vm0, $0xb8;
	[tilespmem:$0x12400] =	vst v63  }
0x3f3: {  	s13 =	simm.s32 $0x11800  }
0x3f4: {  	[tilespmem:s13], [sflag:$0x2] =	stream.indirect_vreg.gather [hbm4b:s7+s2], $0x80, v3, vm0, $0xb8;
	[tilespmem:$0x12400] =	vst v63  }
0x3f5: {  	s1 =	simm.s32 $0x12000  }
0x3f6: {  	[tilespmem:s1], [sflag:$0x2] =	stream.indirect_vreg.gather [hbm4b:s8+s2], $0x80, v3, vm1, $0xb8;
	[tilespmem:$0x12400] =	vst v63  }
0x3f7: {  	s15 =	rddreg [dreg:$0x12];
	s13 =	simm.s32 $0x400  }
0x3f8: {  	[hbm4b:s15+s2] =	stream.linear.scatter [tilespmem:s13], [sflag:$0x3], $0x9000, $0x38;
	[tilespmem:$0x12400] =	vst v63  }
0x3f9: {  	_ =	swait.ge [sflag:s20], $0x9000  }
0x3fa: {  	[sflag:s20] =	ssyncset.done $0x0  }
0x3fb: {  	[sflag:s20] =	ssyncadd.s32 $0xFFFF7000  }
0x3fc: {  	_ =	swait.ge [sflag:s21], $0x9000  }
0x3fd: {  	[sflag:s21] =	ssyncset.done $0x0  }
0x3fe: {  	[sflag:s21] =	ssyncadd.s32 $0xFFFF7000  }
0x3ff: {  	v3 =	vld [tilespmem:$0x200];
	_ =	sdelay $0x4  }
0x400: {  	v32 =	vshrl.u32 v3, $0x3  }
0x401: {  	v4 =	vmul.u32 $0x48, v32  }
0x402: {  	v3 =	vand.u32 $0x7, v3  }
0x403: {  	v3 =	vor.u32 v3, v4  }
0x404: {  	v4 =	vperm.xlane v3, v0;
	_ =	sdelay $0x1  }
0x405: {  	v4 =	vadd.s32 v1, v4;
	_ =	sdelay $0x4  }
0x406: {  	[tilespmem:s13], [sflag:$0x1] =	stream.indirect_vreg.gather [hbm4b:s4+s2], $0x80, v4, vm0, $0xb8;
	[tilespmem:$0x12400] =	vst v63  }
0x407: {  	s0 =	simm.s32 $0xC00  }
0x408: {  	[tilespmem:s0], [sflag:$0x1] =	stream.indirect_vreg.gather [hbm4b:s9+s2], $0x80, v4, vm0, $0xb8;
	[tilespmem:$0x12400] =	vst v63  }
0x409: {  	s15 =	simm.s32 $0x1400;
	v3 =	vperm.xlane v3, v2  }
0x40a: {  	[tilespmem:s15], [sflag:$0x1] =	stream.indirect_vreg.gather [hbm4b:s10+s2], $0x80, v4, vm0, $0xb8;
	[tilespmem:$0x12400] =	vst v63  }
0x40b: {  	s23 =	simm.s32 $0x1C00;
	v3 =	vadd.s32 v1, v3  }
0x40c: {  	[tilespmem:s23], [sflag:$0x1] =	stream.indirect_vreg.gather [hbm4b:s11+s2], $0x80, v4, vm0, $0xb8;
	[tilespmem:$0x12400] =	vst v63  }
0x40d: {  	s13 =	simm.s32 $0x2400  }
0x40e: {  	[tilespmem:s13], [sflag:$0x1] =	stream.indirect_vreg.gather [hbm4b:s12+s2], $0x80, v4, vm1, $0xb8;
	[tilespmem:$0x12400] =	vst v63  }
0x40f: {  	s15 =	simm.s32 $0x2800  }
0x410: {  	[tilespmem:s15], [sflag:$0x1] =	stream.indirect_vreg.gather [hbm4b:s4+s2], $0x80, v3, vm0, $0xb8;
	[tilespmem:$0x12400] =	vst v63  }
0x411: {  	s23 =	simm.s32 $0x3000  }
0x412: {  	[tilespmem:s23], [sflag:$0x1] =	stream.indirect_vreg.gather [hbm4b:s9+s2], $0x80, v3, vm0, $0xb8;
	[tilespmem:$0x12400] =	vst v63  }
0x413: {  	s13 =	simm.s32 $0x3800  }
0x414: {  	[tilespmem:s13], [sflag:$0x1] =	stream.indirect_vreg.gather [hbm4b:s10+s2], $0x80, v3, vm0, $0xb8;
	[tilespmem:$0x12400] =	vst v63  }
0x415: {  	s15 =	simm.s32 $0x4000  }
0x416: {  	[tilespmem:s15], [sflag:$0x1] =	stream.indirect_vreg.gather [hbm4b:s11+s2], $0x80, v3, vm0, $0xb8;
	[tilespmem:$0x12400] =	vst v63  }
0x417: {  	s15 =	simm.s32 $0x4800  }
0x418: {  	[tilespmem:s15], [sflag:$0x1] =	stream.indirect_vreg.gather [hbm4b:s12+s2], $0x80, v3, vm1, $0xb8;
	[tilespmem:$0x12400] =	vst v63  }
0x419: {  	v3 =	vld [tilespmem:$0x210];
	_ =	sdelay $0x4  }
0x41a: {  	v33 =	vshrl.u32 v3, $0x3  }
0x41b: {  	v4 =	vmul.u32 $0x48, v33  }
0x41c: {  	v3 =	vand.u32 $0x7, v3  }
0x41d: {  	v3 =	vor.u32 v3, v4  }
0x41e: {  	v4 =	vperm.xlane v3, v0;
	_ =	sdelay $0x1  }
0x41f: {  	v4 =	vadd.s32 v1, v4;
	_ =	sdelay $0x4  }
0x420: {  	[tilespmem:s28], [sflag:$0x1] =	stream.indirect_vreg.gather [hbm4b:s4+s2], $0x80, v4, vm0, $0xb8;
	[tilespmem:$0x12400] =	vst v63  }
0x421: {  	_ = 	snop  }
0x422: {  	[tilespmem:s19], [sflag:$0x1] =	stream.indirect_vreg.gather [hbm4b:s9+s2], $0x80, v4, vm0, $0xb8;
	[tilespmem:$0x12400] =	vst v63  }
0x423: {  	v3 =	vperm.xlane v3, v2  }
0x424: {  	[tilespmem:s14], [sflag:$0x1] =	stream.indirect_vreg.gather [hbm4b:s10+s2], $0x80, v4, vm0, $0xb8;
	[tilespmem:$0x12400] =	vst v63  }
0x425: {  	v3 =	vadd.s32 v1, v3  }
0x426: {  	[tilespmem:s18], [sflag:$0x1] =	stream.indirect_vreg.gather [hbm4b:s11+s2], $0x80, v4, vm0, $0xb8;
	[tilespmem:$0x12400] =	vst v63  }
0x427: {  	s18 =	simm.s32 $0x6C00  }
0x428: {  	[tilespmem:s18], [sflag:$0x1] =	stream.indirect_vreg.gather [hbm4b:s12+s2], $0x80, v4, vm1, $0xb8;
	[tilespmem:$0x12400] =	vst v63  }
0x429: {  	s19 =	simm.s32 $0x7000  }
0x42a: {  	[tilespmem:s19], [sflag:$0x1] =	stream.indirect_vreg.gather [hbm4b:s4+s2], $0x80, v3, vm0, $0xb8;
	[tilespmem:$0x12400] =	vst v63  }
0x42b: {  	s28 =	simm.s32 $0x7800  }
0x42c: {  	[tilespmem:s28], [sflag:$0x1] =	stream.indirect_vreg.gather [hbm4b:s9+s2], $0x80, v3, vm0, $0xb8;
	[tilespmem:$0x12400] =	vst v63  }
0x42d: {  	s23 =	simm.s32 $0x8000  }
0x42e: {  	[tilespmem:s23], [sflag:$0x1] =	stream.indirect_vreg.gather [hbm4b:s10+s2], $0x80, v3, vm0, $0xb8;
	[tilespmem:$0x12400] =	vst v63  }
0x42f: {  	s13 =	simm.s32 $0x8800  }
0x430: {  	[tilespmem:s13], [sflag:$0x1] =	stream.indirect_vreg.gather [hbm4b:s11+s2], $0x80, v3, vm0, $0xb8;
	[tilespmem:$0x12400] =	vst v63  }
0x431: {  	s14 =	simm.s32 $0x9000  }
0x432: {  	[tilespmem:s14], [sflag:$0x1] =	stream.indirect_vreg.gather [hbm4b:s12+s2], $0x80, v3, vm1, $0xb8;
	[tilespmem:$0x12400] =	vst v63  }
0x433: {  	s23 =	rddreg [dreg:$0x13];
	s13 =	simm.s32 $0x9400  }
0x434: {  	[hbm4b:s23+s2] =	stream.linear.scatter [tilespmem:s13], [sflag:$0x4], $0x9000, $0x38;
	[tilespmem:$0x12400] =	vst v63  }
0x435: {  	_ =	swait.ge [sflag:s16], $0x9000  }
0x436: {  	[sflag:s16] =	ssyncset.done $0x0  }
0x437: {  	[sflag:s16] =	ssyncadd.s32 $0xFFFF7000  }
0x438: {  	_ =	swait.ge [sflag:s22], $0x9000  }
0x439: {  	[sflag:s22] =	ssyncset.done $0x0  }
0x43a: {  	[sflag:s22] =	ssyncadd.s32 $0xFFFF7000  }
0x43b: {  	v3 =	vld [tilespmem:$0x220];
	_ =	sdelay $0x4  }
0x43c: {  	v34 =	vshrl.u32 v3, $0x3  }
0x43d: {  	v4 =	vmul.u32 $0x48, v34  }
0x43e: {  	v3 =	vand.u32 $0x7, v3  }
0x43f: {  	v3 =	vor.u32 v3, v4  }
0x440: {  	v4 =	vperm.xlane v3, v0;
	_ =	sdelay $0x1  }
0x441: {  	v4 =	vadd.s32 v1, v4;
	_ =	sdelay $0x4  }
0x442: {  	[tilespmem:s13], [sflag:$0x2] =	stream.indirect_vreg.gather [hbm4b:s4+s2], $0x80, v4, vm0, $0xb8;
	[tilespmem:$0x12400] =	vst v63  }
0x443: {  	s1 =	simm.s32 $0x9C00  }
0x444: {  	[tilespmem:s1], [sflag:$0x2] =	stream.indirect_vreg.gather [hbm4b:s9+s2], $0x80, v4, vm0, $0xb8;
	[tilespmem:$0x12400] =	vst v63  }
0x445: {  	s23 =	simm.s32 $0xA400;
	v3 =	vperm.xlane v3, v2  }
0x446: {  	[tilespmem:s23], [sflag:$0x2] =	stream.indirect_vreg.gather [hbm4b:s10+s2], $0x80, v4, vm0, $0xb8;
	[tilespmem:$0x12400] =	vst v63  }
0x447: {  	v3 =	vadd.s32 v1, v3  }
0x448: {  	[tilespmem:s29], [sflag:$0x2] =	stream.indirect_vreg.gather [hbm4b:s11+s2], $0x80, v4, vm0, $0xb8;
	[tilespmem:$0x12400] =	vst v63  }
0x449: {  	_ = 	snop  }
0x44a: {  	[tilespmem:s30], [sflag:$0x2] =	stream.indirect_vreg.gather [hbm4b:s12+s2], $0x80, v4, vm1, $0xb8;
	[tilespmem:$0x12400] =	vst v63  }
0x44b: {  	_ = 	snop  }
0x44c: {  	[tilespmem:s17], [sflag:$0x2] =	stream.indirect_vreg.gather [hbm4b:s4+s2], $0x80, v3, vm0, $0xb8;
	[tilespmem:$0x12400] =	vst v63  }
0x44d: {  	_ = 	snop  }
0x44e: {  	[tilespmem:s24], [sflag:$0x2] =	stream.indirect_vreg.gather [hbm4b:s9+s2], $0x80, v3, vm0, $0xb8;
	[tilespmem:$0x12400] =	vst v63  }
0x44f: {  	_ = 	snop  }
0x450: {  	[tilespmem:s25], [sflag:$0x2] =	stream.indirect_vreg.gather [hbm4b:s10+s2], $0x80, v3, vm0, $0xb8;
	[tilespmem:$0x12400] =	vst v63  }
0x451: {  	_ = 	snop  }
0x452: {  	[tilespmem:s26], [sflag:$0x2] =	stream.indirect_vreg.gather [hbm4b:s11+s2], $0x80, v3, vm0, $0xb8;
	[tilespmem:$0x12400] =	vst v63  }
0x453: {  	s13 =	simm.s32 $0xD800  }
0x454: {  	[tilespmem:s13], [sflag:$0x2] =	stream.indirect_vreg.gather [hbm4b:s12+s2], $0x80, v3, vm1, $0xb8;
	[tilespmem:$0x12400] =	vst v63  }
0x455: {  	v3 =	vld [tilespmem:$0x230];
	_ =	sdelay $0x4  }
0x456: {  	v35 =	vshrl.u32 v3, $0x3  }
0x457: {  	v4 =	vmul.u32 $0x48, v35  }
0x458: {  	v3 =	vand.u32 $0x7, v3  }
0x459: {  	v3 =	vor.u32 v3, v4  }
0x45a: {  	v4 =	vperm.xlane v3, v0;
	_ =	sdelay $0x1  }
0x45b: {  	v4 =	vadd.s32 v1, v4;
	_ =	sdelay $0x3  }
0x45c: {  	s26 =	simm.s32 $0xDC00  }
0x45d: {  	[tilespmem:s26], [sflag:$0x2] =	stream.indirect_vreg.gather [hbm4b:s4+s2], $0x80, v4, vm0, $0xb8;
	[tilespmem:$0x12400] =	vst v63  }
0x45e: {  	s14 =	simm.s32 $0xE400  }
0x45f: {  	[tilespmem:s14], [sflag:$0x2] =	stream.indirect_vreg.gather [hbm4b:s9+s2], $0x80, v4, vm0, $0xb8;
	[tilespmem:$0x12400] =	vst v63  }
0x460: {  	s24 =	simm.s32 $0xEC00;
	v3 =	vperm.xlane v3, v2  }
0x461: {  	[tilespmem:s24], [sflag:$0x2] =	stream.indirect_vreg.gather [hbm4b:s10+s2], $0x80, v4, vm0, $0xb8;
	[tilespmem:$0x12400] =	vst v63  }
0x462: {  	v3 =	vadd.s32 v1, v3  }
0x463: {  	[tilespmem:s31], [sflag:$0x2] =	stream.indirect_vreg.gather [hbm4b:s11+s2], $0x80, v4, vm0, $0xb8;
	[tilespmem:$0x12400] =	vst v63  }
0x464: {  	s30 =	simm.s32 $0xFC00  }
0x465: {  	[tilespmem:s30], [sflag:$0x2] =	stream.indirect_vreg.gather [hbm4b:s12+s2], $0x80, v4, vm1, $0xb8;
	[tilespmem:$0x12400] =	vst v63  }
0x466: {  	s31 =	simm.s32 $0x10000  }
0x467: {  	[tilespmem:s31], [sflag:$0x2] =	stream.indirect_vreg.gather [hbm4b:s4+s2], $0x80, v3, vm0, $0xb8;
	[tilespmem:$0x12400] =	vst v63  }
0x468: {  	s23 =	simm.s32 $0x10800  }
0x469: {  	[tilespmem:s23], [sflag:$0x2] =	stream.indirect_vreg.gather [hbm4b:s9+s2], $0x80, v3, vm0, $0xb8;
	[tilespmem:$0x12400] =	vst v63  }
0x46a: {  	s25 =	simm.s32 $0x11000  }
0x46b: {  	[tilespmem:s25], [sflag:$0x2] =	stream.indirect_vreg.gather [hbm4b:s10+s2], $0x80, v3, vm0, $0xb8;
	[tilespmem:$0x12400] =	vst v63  }
0x46c: {  	s26 =	simm.s32 $0x11800  }
0x46d: {  	[tilespmem:s26], [sflag:$0x2] =	stream.indirect_vreg.gather [hbm4b:s11+s2], $0x80, v3, vm0, $0xb8;
	[tilespmem:$0x12400] =	vst v63  }
0x46e: {  	s25 =	simm.s32 $0x12000  }
0x46f: {  	[tilespmem:s25], [sflag:$0x2] =	stream.indirect_vreg.gather [hbm4b:s12+s2], $0x80, v3, vm1, $0xb8;
	[tilespmem:$0x12400] =	vst v63  }
0x470: {  	s30 =	rddreg [dreg:$0x14];
	s31 =	simm.s32 $0x400  }
0x471: {  	[hbm4b:s30+s2] =	stream.linear.scatter [tilespmem:s31], [sflag:$0x3], $0x9000, $0x38;
	[tilespmem:$0x12400] =	vst v63  }
0x472: {  	_ =	swait.ge [sflag:s20], $0x9000  }
0x473: {  	[sflag:s20] =	ssyncset.done $0x0  }
0x474: {  	[sflag:s20] =	ssyncadd.s32 $0xFFFF7000  }
0x475: {  	_ =	swait.ge [sflag:s21], $0x9000  }
0x476: {  	[sflag:s21] =	ssyncset.done $0x0  }
0x477: {  	[sflag:s21] =	ssyncadd.s32 $0xFFFF7000  }
0x478: {  	v3 =	vld [tilespmem:$0x240];
	_ =	sdelay $0x4  }
0x479: {  	v36 =	vshrl.u32 v3, $0x3  }
0x47a: {  	v4 =	vmul.u32 $0x48, v36  }
0x47b: {  	v3 =	vand.u32 $0x7, v3  }
0x47c: {  	v3 =	vor.u32 v3, v4  }
0x47d: {  	v4 =	vperm.xlane v3, v0;
	_ =	sdelay $0x1  }
0x47e: {  	v4 =	vadd.s32 v1, v4;
	_ =	sdelay $0x4  }
0x47f: {  	[tilespmem:s31], [sflag:$0x1] =	stream.indirect_vreg.gather [hbm4b:s4+s2], $0x80, v4, vm0, $0xb8;
	[tilespmem:$0x12400] =	vst v63  }
0x480: {  	_ = 	snop  }
0x481: {  	[tilespmem:s0], [sflag:$0x1] =	stream.indirect_vreg.gather [hbm4b:s9+s2], $0x80, v4, vm0, $0xb8;
	[tilespmem:$0x12400] =	vst v63  }
0x482: {  	s26 =	simm.s32 $0x1400;
	v3 =	vperm.xlane v3, v2  }
0x483: {  	[tilespmem:s26], [sflag:$0x1] =	stream.indirect_vreg.gather [hbm4b:s10+s2], $0x80, v4, vm0, $0xb8;
	[tilespmem:$0x12400] =	vst v63  }
0x484: {  	s17 =	simm.s32 $0x1C00;
	v3 =	vadd.s32 v1, v3  }
0x485: {  	[tilespmem:s17], [sflag:$0x1] =	stream.indirect_vreg.gather [hbm4b:s11+s2], $0x80, v4, vm0, $0xb8;
	[tilespmem:$0x12400] =	vst v63  }
0x486: {  	s30 =	simm.s32 $0x2400  }
0x487: {  	[tilespmem:s30], [sflag:$0x1] =	stream.indirect_vreg.gather [hbm4b:s12+s2], $0x80, v4, vm1, $0xb8;
	[tilespmem:$0x12400] =	vst v63  }
0x488: {  	s31 =	simm.s32 $0x2800  }
0x489: {  	[tilespmem:s31], [sflag:$0x1] =	stream.indirect_vreg.gather [hbm4b:s4+s2], $0x80, v3, vm0, $0xb8;
	[tilespmem:$0x12400] =	vst v63  }
0x48a: {  	s23 =	simm.s32 $0x3000  }
0x48b: {  	[tilespmem:s23], [sflag:$0x1] =	stream.indirect_vreg.gather [hbm4b:s9+s2], $0x80, v3, vm0, $0xb8;
	[tilespmem:$0x12400] =	vst v63  }
0x48c: {  	s26 =	simm.s32 $0x3800  }
0x48d: {  	[tilespmem:s26], [sflag:$0x1] =	stream.indirect_vreg.gather [hbm4b:s10+s2], $0x80, v3, vm0, $0xb8;
	[tilespmem:$0x12400] =	vst v63  }
0x48e: {  	s30 =	simm.s32 $0x4000  }
0x48f: {  	[tilespmem:s30], [sflag:$0x1] =	stream.indirect_vreg.gather [hbm4b:s11+s2], $0x80, v3, vm0, $0xb8;
	[tilespmem:$0x12400] =	vst v63  }
0x490: {  	_ = 	snop  }
0x491: {  	[tilespmem:s15], [sflag:$0x1] =	stream.indirect_vreg.gather [hbm4b:s12+s2], $0x80, v3, vm1, $0xb8;
	[tilespmem:$0x12400] =	vst v63  }
0x492: {  	v3 =	vld [tilespmem:$0x250];
	_ =	sdelay $0x4  }
0x493: {  	v37 =	vshrl.u32 v3, $0x3  }
0x494: {  	v4 =	vmul.u32 $0x48, v37  }
0x495: {  	v3 =	vand.u32 $0x7, v3  }
0x496: {  	v3 =	vor.u32 v3, v4  }
0x497: {  	v4 =	vperm.xlane v3, v0;
	_ =	sdelay $0x1  }
0x498: {  	v4 =	vadd.s32 v1, v4;
	_ =	sdelay $0x3  }
0x499: {  	s31 =	simm.s32 $0x4C00  }
0x49a: {  	[tilespmem:s31], [sflag:$0x1] =	stream.indirect_vreg.gather [hbm4b:s4+s2], $0x80, v4, vm0, $0xb8;
	[tilespmem:$0x12400] =	vst v63  }
0x49b: {  	s15 =	simm.s32 $0x5400  }
0x49c: {  	[tilespmem:s15], [sflag:$0x1] =	stream.indirect_vreg.gather [hbm4b:s9+s2], $0x80, v4, vm0, $0xb8;
	[tilespmem:$0x12400] =	vst v63  }
0x49d: {  	s23 =	simm.s32 $0x5C00;
	v3 =	vperm.xlane v3, v2  }
0x49e: {  	[tilespmem:s23], [sflag:$0x1] =	stream.indirect_vreg.gather [hbm4b:s10+s2], $0x80, v4, vm0, $0xb8;
	[tilespmem:$0x12400] =	vst v63  }
0x49f: {  	s26 =	simm.s32 $0x6400;
	v3 =	vadd.s32 v1, v3  }
0x4a0: {  	[tilespmem:s26], [sflag:$0x1] =	stream.indirect_vreg.gather [hbm4b:s11+s2], $0x80, v4, vm0, $0xb8;
	[tilespmem:$0x12400] =	vst v63  }
0x4a1: {  	_ = 	snop  }
0x4a2: {  	[tilespmem:s18], [sflag:$0x1] =	stream.indirect_vreg.gather [hbm4b:s12+s2], $0x80, v4, vm1, $0xb8;
	[tilespmem:$0x12400] =	vst v63  }
0x4a3: {  	_ = 	snop  }
0x4a4: {  	[tilespmem:s19], [sflag:$0x1] =	stream.indirect_vreg.gather [hbm4b:s4+s2], $0x80, v3, vm0, $0xb8;
	[tilespmem:$0x12400] =	vst v63  }
0x4a5: {  	_ = 	snop  }
0x4a6: {  	[tilespmem:s28], [sflag:$0x1] =	stream.indirect_vreg.gather [hbm4b:s9+s2], $0x80, v3, vm0, $0xb8;
	[tilespmem:$0x12400] =	vst v63  }
0x4a7: {  	s28 =	simm.s32 $0x8000  }
0x4a8: {  	[tilespmem:s28], [sflag:$0x1] =	stream.indirect_vreg.gather [hbm4b:s10+s2], $0x80, v3, vm0, $0xb8;
	[tilespmem:$0x12400] =	vst v63  }
0x4a9: {  	s30 =	simm.s32 $0x8800  }
0x4aa: {  	[tilespmem:s30], [sflag:$0x1] =	stream.indirect_vreg.gather [hbm4b:s11+s2], $0x80, v3, vm0, $0xb8;
	[tilespmem:$0x12400] =	vst v63  }
0x4ab: {  	s28 =	simm.s32 $0x9000  }
0x4ac: {  	[tilespmem:s28], [sflag:$0x1] =	stream.indirect_vreg.gather [hbm4b:s12+s2], $0x80, v3, vm1, $0xb8;
	[tilespmem:$0x12400] =	vst v63  }
0x4ad: {  	s0 =	simm.s32 $0x9400;
	s31 =	rddreg [dreg:$0x15]  }
0x4ae: {  	[hbm4b:s31+s2] =	stream.linear.scatter [tilespmem:s0], [sflag:$0x4], $0x9000, $0x38;
	[tilespmem:$0x12400] =	vst v63  }
0x4af: {  	_ =	swait.ge [sflag:s16], $0x9000  }
0x4b0: {  	[sflag:s16] =	ssyncset.done $0x0  }
0x4b1: {  	[sflag:s16] =	ssyncadd.s32 $0xFFFF7000  }
0x4b2: {  	_ =	swait.ge [sflag:s22], $0x9000  }
0x4b3: {  	[sflag:s22] =	ssyncset.done $0x0  }
0x4b4: {  	[sflag:s22] =	ssyncadd.s32 $0xFFFF7000  }
0x4b5: {  	v3 =	vld [tilespmem:$0x260];
	_ =	sdelay $0x4  }
0x4b6: {  	v38 =	vshrl.u32 v3, $0x3  }
0x4b7: {  	v4 =	vmul.u32 $0x48, v38  }
0x4b8: {  	v3 =	vand.u32 $0x7, v3  }
0x4b9: {  	v3 =	vor.u32 v3, v4  }
0x4ba: {  	v4 =	vperm.xlane v3, v0;
	_ =	sdelay $0x1  }
0x4bb: {  	v4 =	vadd.s32 v1, v4;
	_ =	sdelay $0x4  }
0x4bc: {  	[tilespmem:s0], [sflag:$0x2] =	stream.indirect_vreg.gather [hbm4b:s4+s2], $0x80, v4, vm0, $0xb8;
	[tilespmem:$0x12400] =	vst v63  }
0x4bd: {  	_ = 	snop  }
0x4be: {  	[tilespmem:s1], [sflag:$0x2] =	stream.indirect_vreg.gather [hbm4b:s9+s2], $0x80, v4, vm0, $0xb8;
	[tilespmem:$0x12400] =	vst v63  }
0x4bf: {  	v3 =	vperm.xlane v3, v2;
	s1 =	simm.s32 $0xA400  }
0x4c0: {  	[tilespmem:s1], [sflag:$0x2] =	stream.indirect_vreg.gather [hbm4b:s10+s2], $0x80, v4, vm0, $0xb8;
	[tilespmem:$0x12400] =	vst v63  }
0x4c1: {  	s19 =	simm.s32 $0xAC00;
	v3 =	vadd.s32 v1, v3  }
0x4c2: {  	[tilespmem:s19], [sflag:$0x2] =	stream.indirect_vreg.gather [hbm4b:s11+s2], $0x80, v4, vm0, $0xb8;
	[tilespmem:$0x12400] =	vst v63  }
0x4c3: {  	s15 =	simm.s32 $0xB400  }
0x4c4: {  	[tilespmem:s15], [sflag:$0x2] =	stream.indirect_vreg.gather [hbm4b:s12+s2], $0x80, v4, vm1, $0xb8;
	[tilespmem:$0x12400] =	vst v63  }
0x4c5: {  	s18 =	simm.s32 $0xB800  }
0x4c6: {  	[tilespmem:s18], [sflag:$0x2] =	stream.indirect_vreg.gather [hbm4b:s4+s2], $0x80, v3, vm0, $0xb8;
	[tilespmem:$0x12400] =	vst v63  }
0x4c7: {  	s26 =	simm.s32 $0xC000  }
0x4c8: {  	[tilespmem:s26], [sflag:$0x2] =	stream.indirect_vreg.gather [hbm4b:s9+s2], $0x80, v3, vm0, $0xb8;
	[tilespmem:$0x12400] =	vst v63  }
0x4c9: {  	s29 =	simm.s32 $0xC800  }
0x4ca: {  	[tilespmem:s29], [sflag:$0x2] =	stream.indirect_vreg.gather [hbm4b:s10+s2], $0x80, v3, vm0, $0xb8;
	[tilespmem:$0x12400] =	vst v63  }
0x4cb: {  	s0 =	simm.s32 $0xD000  }
0x4cc: {  	[tilespmem:s0], [sflag:$0x2] =	stream.indirect_vreg.gather [hbm4b:s11+s2], $0x80, v3, vm0, $0xb8;
	[tilespmem:$0x12400] =	vst v63  }
0x4cd: {  	_ = 	snop  }
0x4ce: {  	[tilespmem:s13], [sflag:$0x2] =	stream.indirect_vreg.gather [hbm4b:s12+s2], $0x80, v3, vm1, $0xb8;
	[tilespmem:$0x12400] =	vst v63  }
0x4cf: {  	v3 =	vld [tilespmem:$0x270];
	_ =	sdelay $0x4  }
0x4d0: {  	v39 =	vshrl.u32 v3, $0x3  }
0x4d1: {  	v4 =	vmul.u32 $0x48, v39  }
0x4d2: {  	v3 =	vand.u32 $0x7, v3  }
0x4d3: {  	v3 =	vor.u32 v3, v4  }
0x4d4: {  	v4 =	vperm.xlane v3, v0;
	_ =	sdelay $0x1  }
0x4d5: {  	v4 =	vadd.s32 v1, v4;
	_ =	sdelay $0x3  }
0x4d6: {  	s31 =	simm.s32 $0xDC00  }
0x4d7: {  	[tilespmem:s31], [sflag:$0x2] =	stream.indirect_vreg.gather [hbm4b:s4+s2], $0x80, v4, vm0, $0xb8;
	[tilespmem:$0x12400] =	vst v63  }
0x4d8: {  	_ = 	snop  }
0x4d9: {  	[tilespmem:s14], [sflag:$0x2] =	stream.indirect_vreg.gather [hbm4b:s9+s2], $0x80, v4, vm0, $0xb8;
	[tilespmem:$0x12400] =	vst v63  }
0x4da: {  	v3 =	vperm.xlane v3, v2  }
0x4db: {  	[tilespmem:s24], [sflag:$0x2] =	stream.indirect_vreg.gather [hbm4b:s10+s2], $0x80, v4, vm0, $0xb8;
	[tilespmem:$0x12400] =	vst v63  }
0x4dc: {  	s13 =	simm.s32 $0xF400;
	v3 =	vadd.s32 v1, v3  }
0x4dd: {  	[tilespmem:s13], [sflag:$0x2] =	stream.indirect_vreg.gather [hbm4b:s11+s2], $0x80, v4, vm0, $0xb8;
	[tilespmem:$0x12400] =	vst v63  }
0x4de: {  	s24 =	simm.s32 $0xFC00  }
0x4df: {  	[tilespmem:s24], [sflag:$0x2] =	stream.indirect_vreg.gather [hbm4b:s12+s2], $0x80, v4, vm1, $0xb8;
	[tilespmem:$0x12400] =	vst v63  }
0x4e0: {  	s29 =	simm.s32 $0x10000  }
0x4e1: {  	[tilespmem:s29], [sflag:$0x2] =	stream.indirect_vreg.gather [hbm4b:s4+s2], $0x80, v3, vm0, $0xb8;
	[tilespmem:$0x12400] =	vst v63  }
0x4e2: {  	s30 =	simm.s32 $0x10800  }
0x4e3: {  	[tilespmem:s30], [sflag:$0x2] =	stream.indirect_vreg.gather [hbm4b:s9+s2], $0x80, v3, vm0, $0xb8;
	[tilespmem:$0x12400] =	vst v63  }
0x4e4: {  	s14 =	simm.s32 $0x11000  }
0x4e5: {  	[tilespmem:s14], [sflag:$0x2] =	stream.indirect_vreg.gather [hbm4b:s10+s2], $0x80, v3, vm0, $0xb8;
	[tilespmem:$0x12400] =	vst v63  }
0x4e6: {  	s23 =	simm.s32 $0x11800  }
0x4e7: {  	[tilespmem:s23], [sflag:$0x2] =	stream.indirect_vreg.gather [hbm4b:s11+s2], $0x80, v3, vm0, $0xb8;
	[tilespmem:$0x12400] =	vst v63  }
0x4e8: {  	_ = 	snop  }
0x4e9: {  	[tilespmem:s25], [sflag:$0x2] =	stream.indirect_vreg.gather [hbm4b:s12+s2], $0x80, v3, vm1, $0xb8;
	[tilespmem:$0x12400] =	vst v63  }
0x4ea: {  	s1 =	rddreg [dreg:$0x16];
	s13 =	simm.s32 $0x400  }
0x4eb: {  	[hbm4b:s1+s2] =	stream.linear.scatter [tilespmem:s13], [sflag:$0x3], $0x9000, $0x38;
	[tilespmem:$0x12400] =	vst v63  }
0x4ec: {  	_ =	swait.ge [sflag:s20], $0x9000  }
0x4ed: {  	[sflag:s20] =	ssyncset.done $0x0  }
0x4ee: {  	[sflag:s20] =	ssyncadd.s32 $0xFFFF7000  }
0x4ef: {  	_ =	swait.ge [sflag:s21], $0x9000  }
0x4f0: {  	[sflag:s21] =	ssyncset.done $0x0  }
0x4f1: {  	[sflag:s21] =	ssyncadd.s32 $0xFFFF7000  }
0x4f2: {  	v3 =	vld [tilespmem:$0x280];
	_ =	sdelay $0x4  }
0x4f3: {  	v40 =	vshrl.u32 v3, $0x3  }
0x4f4: {  	v4 =	vmul.u32 $0x48, v40  }
0x4f5: {  	v3 =	vand.u32 $0x7, v3  }
0x4f6: {  	v3 =	vor.u32 v3, v4  }
0x4f7: {  	v4 =	vperm.xlane v3, v0;
	_ =	sdelay $0x1  }
0x4f8: {  	v4 =	vadd.s32 v1, v4;
	_ =	sdelay $0x4  }
0x4f9: {  	[tilespmem:s13], [sflag:$0x1] =	stream.indirect_vreg.gather [hbm4b:s4+s2], $0x80, v4, vm0, $0xb8;
	[tilespmem:$0x12400] =	vst v63  }
0x4fa: {  	s14 =	simm.s32 $0xC00  }
0x4fb: {  	[tilespmem:s14], [sflag:$0x1] =	stream.indirect_vreg.gather [hbm4b:s9+s2], $0x80, v4, vm0, $0xb8;
	[tilespmem:$0x12400] =	vst v63  }
0x4fc: {  	s23 =	simm.s32 $0x1400;
	v3 =	vperm.xlane v3, v2  }
0x4fd: {  	[tilespmem:s23], [sflag:$0x1] =	stream.indirect_vreg.gather [hbm4b:s10+s2], $0x80, v4, vm0, $0xb8;
	[tilespmem:$0x12400] =	vst v63  }
0x4fe: {  	v3 =	vadd.s32 v1, v3  }
0x4ff: {  	[tilespmem:s17], [sflag:$0x1] =	stream.indirect_vreg.gather [hbm4b:s11+s2], $0x80, v4, vm0, $0xb8;
	[tilespmem:$0x12400] =	vst v63  }
0x500: {  	s25 =	simm.s32 $0x2400  }
0x501: {  	[tilespmem:s25], [sflag:$0x1] =	stream.indirect_vreg.gather [hbm4b:s12+s2], $0x80, v4, vm1, $0xb8;
	[tilespmem:$0x12400] =	vst v63  }
0x502: {  	s13 =	simm.s32 $0x2800  }
0x503: {  	[tilespmem:s13], [sflag:$0x1] =	stream.indirect_vreg.gather [hbm4b:s4+s2], $0x80, v3, vm0, $0xb8;
	[tilespmem:$0x12400] =	vst v63  }
0x504: {  	s14 =	simm.s32 $0x3000  }
0x505: {  	[tilespmem:s14], [sflag:$0x1] =	stream.indirect_vreg.gather [hbm4b:s9+s2], $0x80, v3, vm0, $0xb8;
	[tilespmem:$0x12400] =	vst v63  }
0x506: {  	s17 =	simm.s32 $0x3800  }
0x507: {  	[tilespmem:s17], [sflag:$0x1] =	stream.indirect_vreg.gather [hbm4b:s10+s2], $0x80, v3, vm0, $0xb8;
	[tilespmem:$0x12400] =	vst v63  }
0x508: {  	s23 =	simm.s32 $0x4000  }
0x509: {  	[tilespmem:s23], [sflag:$0x1] =	stream.indirect_vreg.gather [hbm4b:s11+s2], $0x80, v3, vm0, $0xb8;
	[tilespmem:$0x12400] =	vst v63  }
0x50a: {  	s25 =	simm.s32 $0x4800  }
0x50b: {  	[tilespmem:s25], [sflag:$0x1] =	stream.indirect_vreg.gather [hbm4b:s12+s2], $0x80, v3, vm1, $0xb8;
	[tilespmem:$0x12400] =	vst v63  }
0x50c: {  	v3 =	vld [tilespmem:$0x290];
	_ =	sdelay $0x4  }
0x50d: {  	v41 =	vshrl.u32 v3, $0x3  }
0x50e: {  	v4 =	vmul.u32 $0x48, v41  }
0x50f: {  	v3 =	vand.u32 $0x7, v3  }
0x510: {  	v3 =	vor.u32 v3, v4  }
0x511: {  	v4 =	vperm.xlane v3, v0;
	_ =	sdelay $0x1  }
0x512: {  	v4 =	vadd.s32 v1, v4;
	_ =	sdelay $0x3  }
0x513: {  	s13 =	simm.s32 $0x4C00  }
0x514: {  	[tilespmem:s13], [sflag:$0x1] =	stream.indirect_vreg.gather [hbm4b:s4+s2], $0x80, v4, vm0, $0xb8;
	[tilespmem:$0x12400] =	vst v63  }
0x515: {  	s14 =	simm.s32 $0x5400  }
0x516: {  	[tilespmem:s14], [sflag:$0x1] =	stream.indirect_vreg.gather [hbm4b:s9+s2], $0x80, v4, vm0, $0xb8;
	[tilespmem:$0x12400] =	vst v63  }
0x517: {  	v3 =	vperm.xlane v3, v2;
	s13 =	simm.s32 $0x5C00  }
0x518: {  	[tilespmem:s13], [sflag:$0x1] =	stream.indirect_vreg.gather [hbm4b:s10+s2], $0x80, v4, vm0, $0xb8;
	[tilespmem:$0x12400] =	vst v63  }
0x519: {  	s25 =	simm.s32 $0x6400;
	v3 =	vadd.s32 v1, v3  }
0x51a: {  	[tilespmem:s25], [sflag:$0x1] =	stream.indirect_vreg.gather [hbm4b:s11+s2], $0x80, v4, vm0, $0xb8;
	[tilespmem:$0x12400] =	vst v63  }
0x51b: {  	s17 =	simm.s32 $0x6C00  }
0x51c: {  	[tilespmem:s17], [sflag:$0x1] =	stream.indirect_vreg.gather [hbm4b:s12+s2], $0x80, v4, vm1, $0xb8;
	[tilespmem:$0x12400] =	vst v63  }
0x51d: {  	s23 =	simm.s32 $0x7000  }
0x51e: {  	[tilespmem:s23], [sflag:$0x1] =	stream.indirect_vreg.gather [hbm4b:s4+s2], $0x80, v3, vm0, $0xb8;
	[tilespmem:$0x12400] =	vst v63  }
0x51f: {  	s14 =	simm.s32 $0x7800  }
0x520: {  	[tilespmem:s14], [sflag:$0x1] =	stream.indirect_vreg.gather [hbm4b:s9+s2], $0x80, v3, vm0, $0xb8;
	[tilespmem:$0x12400] =	vst v63  }
0x521: {  	s17 =	simm.s32 $0x8000  }
0x522: {  	[tilespmem:s17], [sflag:$0x1] =	stream.indirect_vreg.gather [hbm4b:s10+s2], $0x80, v3, vm0, $0xb8;
	[tilespmem:$0x12400] =	vst v63  }
0x523: {  	s23 =	simm.s32 $0x8800  }
0x524: {  	[tilespmem:s23], [sflag:$0x1] =	stream.indirect_vreg.gather [hbm4b:s11+s2], $0x80, v3, vm0, $0xb8;
	[tilespmem:$0x12400] =	vst v63  }
0x525: {  	_ = 	snop  }
0x526: {  	[tilespmem:s28], [sflag:$0x1] =	stream.indirect_vreg.gather [hbm4b:s12+s2], $0x80, v3, vm1, $0xb8;
	[tilespmem:$0x12400] =	vst v63  }
0x527: {  	s1 =	rddreg [dreg:$0x17];
	s14 =	simm.s32 $0x9400  }
0x528: {  	[hbm4b:s1+s2] =	stream.linear.scatter [tilespmem:s14], [sflag:$0x4], $0x9000, $0x38;
	[tilespmem:$0x12400] =	vst v63  }
0x529: {  	_ =	swait.ge [sflag:s16], $0x9000  }
0x52a: {  	[sflag:s16] =	ssyncset.done $0x0  }
0x52b: {  	[sflag:s16] =	ssyncadd.s32 $0xFFFF7000  }
0x52c: {  	_ =	swait.ge [sflag:s22], $0x9000  }
0x52d: {  	[sflag:s22] =	ssyncset.done $0x0  }
0x52e: {  	[sflag:s22] =	ssyncadd.s32 $0xFFFF7000  }
0x52f: {  	v3 =	vld [tilespmem:$0x2A0];
	_ =	sdelay $0x4  }
0x530: {  	v42 =	vshrl.u32 v3, $0x3  }
0x531: {  	v4 =	vmul.u32 $0x48, v42  }
0x532: {  	v3 =	vand.u32 $0x7, v3  }
0x533: {  	v3 =	vor.u32 v3, v4  }
0x534: {  	v4 =	vperm.xlane v3, v0;
	_ =	sdelay $0x1  }
0x535: {  	v4 =	vadd.s32 v1, v4;
	_ =	sdelay $0x4  }
0x536: {  	[tilespmem:s14], [sflag:$0x2] =	stream.indirect_vreg.gather [hbm4b:s4+s2], $0x80, v4, vm0, $0xb8;
	[tilespmem:$0x12400] =	vst v63  }
0x537: {  	s1 =	simm.s32 $0x9C00  }
0x538: {  	[tilespmem:s1], [sflag:$0x2] =	stream.indirect_vreg.gather [hbm4b:s9+s2], $0x80, v4, vm0, $0xb8;
	[tilespmem:$0x12400] =	vst v63  }
0x539: {  	s17 =	simm.s32 $0xA400;
	v3 =	vperm.xlane v3, v2  }
0x53a: {  	[tilespmem:s17], [sflag:$0x2] =	stream.indirect_vreg.gather [hbm4b:s10+s2], $0x80, v4, vm0, $0xb8;
	[tilespmem:$0x12400] =	vst v63  }
0x53b: {  	v3 =	vadd.s32 v1, v3  }
0x53c: {  	[tilespmem:s19], [sflag:$0x2] =	stream.indirect_vreg.gather [hbm4b:s11+s2], $0x80, v4, vm0, $0xb8;
	[tilespmem:$0x12400] =	vst v63  }
0x53d: {  	_ = 	snop  }
0x53e: {  	[tilespmem:s15], [sflag:$0x2] =	stream.indirect_vreg.gather [hbm4b:s12+s2], $0x80, v4, vm1, $0xb8;
	[tilespmem:$0x12400] =	vst v63  }
0x53f: {  	_ = 	snop  }
0x540: {  	[tilespmem:s18], [sflag:$0x2] =	stream.indirect_vreg.gather [hbm4b:s4+s2], $0x80, v3, vm0, $0xb8;
	[tilespmem:$0x12400] =	vst v63  }
0x541: {  	_ = 	snop  }
0x542: {  	[tilespmem:s26], [sflag:$0x2] =	stream.indirect_vreg.gather [hbm4b:s9+s2], $0x80, v3, vm0, $0xb8;
	[tilespmem:$0x12400] =	vst v63  }
0x543: {  	s15 =	simm.s32 $0xC800  }
0x544: {  	[tilespmem:s15], [sflag:$0x2] =	stream.indirect_vreg.gather [hbm4b:s10+s2], $0x80, v3, vm0, $0xb8;
	[tilespmem:$0x12400] =	vst v63  }
0x545: {  	_ = 	snop  }
0x546: {  	[tilespmem:s0], [sflag:$0x2] =	stream.indirect_vreg.gather [hbm4b:s11+s2], $0x80, v3, vm0, $0xb8;
	[tilespmem:$0x12400] =	vst v63  }
0x547: {  	s17 =	simm.s32 $0xD800  }
0x548: {  	[tilespmem:s17], [sflag:$0x2] =	stream.indirect_vreg.gather [hbm4b:s12+s2], $0x80, v3, vm1, $0xb8;
	[tilespmem:$0x12400] =	vst v63  }
0x549: {  	v3 =	vld [tilespmem:$0x2B0];
	_ =	sdelay $0x4  }
0x54a: {  	v43 =	vshrl.u32 v3, $0x3  }
0x54b: {  	v4 =	vmul.u32 $0x48, v43  }
0x54c: {  	v3 =	vand.u32 $0x7, v3  }
0x54d: {  	v3 =	vor.u32 v3, v4  }
0x54e: {  	v4 =	vperm.xlane v3, v0;
	_ =	sdelay $0x1  }
0x54f: {  	v4 =	vadd.s32 v1, v4;
	_ =	sdelay $0x4  }
0x550: {  	[tilespmem:s31], [sflag:$0x2] =	stream.indirect_vreg.gather [hbm4b:s4+s2], $0x80, v4, vm0, $0xb8;
	[tilespmem:$0x12400] =	vst v63  }
0x551: {  	s14 =	simm.s32 $0xE400  }
0x552: {  	[tilespmem:s14], [sflag:$0x2] =	stream.indirect_vreg.gather [hbm4b:s9+s2], $0x80, v4, vm0, $0xb8;
	[tilespmem:$0x12400] =	vst v63  }
0x553: {  	s23 =	simm.s32 $0xEC00;
	v3 =	vperm.xlane v3, v2  }
0x554: {  	[tilespmem:s23], [sflag:$0x2] =	stream.indirect_vreg.gather [hbm4b:s10+s2], $0x80, v4, vm0, $0xb8;
	[tilespmem:$0x12400] =	vst v63  }
0x555: {  	s26 =	simm.s32 $0xF400;
	v3 =	vadd.s32 v1, v3  }
0x556: {  	[tilespmem:s26], [sflag:$0x2] =	stream.indirect_vreg.gather [hbm4b:s11+s2], $0x80, v4, vm0, $0xb8;
	[tilespmem:$0x12400] =	vst v63  }
0x557: {  	_ = 	snop  }
0x558: {  	[tilespmem:s24], [sflag:$0x2] =	stream.indirect_vreg.gather [hbm4b:s12+s2], $0x80, v4, vm1, $0xb8;
	[tilespmem:$0x12400] =	vst v63  }
0x559: {  	_ = 	snop  }
0x55a: {  	[tilespmem:s29], [sflag:$0x2] =	stream.indirect_vreg.gather [hbm4b:s4+s2], $0x80, v3, vm0, $0xb8;
	[tilespmem:$0x12400] =	vst v63  }
0x55b: {  	_ = 	snop  }
0x55c: {  	[tilespmem:s30], [sflag:$0x2] =	stream.indirect_vreg.gather [hbm4b:s9+s2], $0x80, v3, vm0, $0xb8;
	[tilespmem:$0x12400] =	vst v63  }
0x55d: {  	s28 =	simm.s32 $0x11000  }
0x55e: {  	[tilespmem:s28], [sflag:$0x2] =	stream.indirect_vreg.gather [hbm4b:s10+s2], $0x80, v3, vm0, $0xb8;
	[tilespmem:$0x12400] =	vst v63  }
0x55f: {  	s29 =	simm.s32 $0x11800  }
0x560: {  	[tilespmem:s29], [sflag:$0x2] =	stream.indirect_vreg.gather [hbm4b:s11+s2], $0x80, v3, vm0, $0xb8;
	[tilespmem:$0x12400] =	vst v63  }
0x561: {  	s31 =	simm.s32 $0x12000  }
0x562: {  	[tilespmem:s31], [sflag:$0x2] =	stream.indirect_vreg.gather [hbm4b:s12+s2], $0x80, v3, vm1, $0xb8;
	[tilespmem:$0x12400] =	vst v63  }
0x563: {  	s0 =	simm.s32 $0x400;
	s30 =	rddreg [dreg:$0x18]  }
0x564: {  	[hbm4b:s30+s2] =	stream.linear.scatter [tilespmem:s0], [sflag:$0x3], $0x9000, $0x38;
	[tilespmem:$0x12400] =	vst v63  }
0x565: {  	_ =	swait.ge [sflag:s20], $0x9000  }
0x566: {  	[sflag:s20] =	ssyncset.done $0x0  }
0x567: {  	[sflag:s20] =	ssyncadd.s32 $0xFFFF7000  }
0x568: {  	_ =	swait.ge [sflag:s21], $0x9000  }
0x569: {  	[sflag:s21] =	ssyncset.done $0x0  }
0x56a: {  	[sflag:s21] =	ssyncadd.s32 $0xFFFF7000  }
0x56b: {  	v3 =	vld [tilespmem:$0x2C0];
	_ =	sdelay $0x4  }
0x56c: {  	v44 =	vshrl.u32 v3, $0x3  }
0x56d: {  	v4 =	vmul.u32 $0x48, v44  }
0x56e: {  	v3 =	vand.u32 $0x7, v3  }
0x56f: {  	v3 =	vor.u32 v3, v4  }
0x570: {  	v4 =	vperm.xlane v3, v0;
	_ =	sdelay $0x1  }
0x571: {  	v4 =	vadd.s32 v1, v4;
	_ =	sdelay $0x4  }
0x572: {  	[tilespmem:s0], [sflag:$0x1] =	stream.indirect_vreg.gather [hbm4b:s4+s2], $0x80, v4, vm0, $0xb8;
	[tilespmem:$0x12400] =	vst v63  }
0x573: {  	s30 =	simm.s32 $0xC00  }
0x574: {  	[tilespmem:s30], [sflag:$0x1] =	stream.indirect_vreg.gather [hbm4b:s9+s2], $0x80, v4, vm0, $0xb8;
	[tilespmem:$0x12400] =	vst v63  }
0x575: {  	s31 =	simm.s32 $0x1400;
	v3 =	vperm.xlane v3, v2  }
0x576: {  	[tilespmem:s31], [sflag:$0x1] =	stream.indirect_vreg.gather [hbm4b:s10+s2], $0x80, v4, vm0, $0xb8;
	[tilespmem:$0x12400] =	vst v63  }
0x577: {  	s19 =	simm.s32 $0x1C00;
	v3 =	vadd.s32 v1, v3  }
0x578: {  	[tilespmem:s19], [sflag:$0x1] =	stream.indirect_vreg.gather [hbm4b:s11+s2], $0x80, v4, vm0, $0xb8;
	[tilespmem:$0x12400] =	vst v63  }
0x579: {  	s19 =	simm.s32 $0x2400  }
0x57a: {  	[tilespmem:s19], [sflag:$0x1] =	stream.indirect_vreg.gather [hbm4b:s12+s2], $0x80, v4, vm1, $0xb8;
	[tilespmem:$0x12400] =	vst v63  }
0x57b: {  	s24 =	simm.s32 $0x2800  }
0x57c: {  	[tilespmem:s24], [sflag:$0x1] =	stream.indirect_vreg.gather [hbm4b:s4+s2], $0x80, v3, vm0, $0xb8;
	[tilespmem:$0x12400] =	vst v63  }
0x57d: {  	s26 =	simm.s32 $0x3000  }
0x57e: {  	[tilespmem:s26], [sflag:$0x1] =	stream.indirect_vreg.gather [hbm4b:s9+s2], $0x80, v3, vm0, $0xb8;
	[tilespmem:$0x12400] =	vst v63  }
0x57f: {  	s28 =	simm.s32 $0x3800  }
0x580: {  	[tilespmem:s28], [sflag:$0x1] =	stream.indirect_vreg.gather [hbm4b:s10+s2], $0x80, v3, vm0, $0xb8;
	[tilespmem:$0x12400] =	vst v63  }
0x581: {  	s29 =	simm.s32 $0x4000  }
0x582: {  	[tilespmem:s29], [sflag:$0x1] =	stream.indirect_vreg.gather [hbm4b:s11+s2], $0x80, v3, vm0, $0xb8;
	[tilespmem:$0x12400] =	vst v63  }
0x583: {  	s18 =	simm.s32 $0x4800  }
0x584: {  	[tilespmem:s18], [sflag:$0x1] =	stream.indirect_vreg.gather [hbm4b:s12+s2], $0x80, v3, vm1, $0xb8;
	[tilespmem:$0x12400] =	vst v63  }
0x585: {  	v3 =	vld [tilespmem:$0x2D0];
	_ =	sdelay $0x4  }
0x586: {  	v45 =	vshrl.u32 v3, $0x3  }
0x587: {  	v4 =	vmul.u32 $0x48, v45  }
0x588: {  	v3 =	vand.u32 $0x7, v3  }
0x589: {  	v3 =	vor.u32 v3, v4  }
0x58a: {  	v4 =	vperm.xlane v3, v0;
	_ =	sdelay $0x1  }
0x58b: {  	v4 =	vadd.s32 v1, v4;
	_ =	sdelay $0x3  }
0x58c: {  	s23 =	simm.s32 $0x4C00  }
0x58d: {  	[tilespmem:s23], [sflag:$0x1] =	stream.indirect_vreg.gather [hbm4b:s4+s2], $0x80, v4, vm0, $0xb8;
	[tilespmem:$0x12400] =	vst v63  }
0x58e: {  	s23 =	simm.s32 $0x5400  }
0x58f: {  	[tilespmem:s23], [sflag:$0x1] =	stream.indirect_vreg.gather [hbm4b:s9+s2], $0x80, v4, vm0, $0xb8;
	[tilespmem:$0x12400] =	vst v63  }
0x590: {  	v3 =	vperm.xlane v3, v2  }
0x591: {  	[tilespmem:s13], [sflag:$0x1] =	stream.indirect_vreg.gather [hbm4b:s10+s2], $0x80, v4, vm0, $0xb8;
	[tilespmem:$0x12400] =	vst v63  }
0x592: {  	v3 =	vadd.s32 v1, v3  }
0x593: {  	[tilespmem:s25], [sflag:$0x1] =	stream.indirect_vreg.gather [hbm4b:s11+s2], $0x80, v4, vm0, $0xb8;
	[tilespmem:$0x12400] =	vst v63  }
0x594: {  	s13 =	simm.s32 $0x6C00  }
0x595: {  	[tilespmem:s13], [sflag:$0x1] =	stream.indirect_vreg.gather [hbm4b:s12+s2], $0x80, v4, vm1, $0xb8;
	[tilespmem:$0x12400] =	vst v63  }
0x596: {  	s25 =	simm.s32 $0x7000  }
0x597: {  	[tilespmem:s25], [sflag:$0x1] =	stream.indirect_vreg.gather [hbm4b:s4+s2], $0x80, v3, vm0, $0xb8;
	[tilespmem:$0x12400] =	vst v63  }
0x598: {  	s23 =	simm.s32 $0x7800  }
0x599: {  	[tilespmem:s23], [sflag:$0x1] =	stream.indirect_vreg.gather [hbm4b:s9+s2], $0x80, v3, vm0, $0xb8;
	[tilespmem:$0x12400] =	vst v63  }
0x59a: {  	s23 =	simm.s32 $0x8000  }
0x59b: {  	[tilespmem:s23], [sflag:$0x1] =	stream.indirect_vreg.gather [hbm4b:s10+s2], $0x80, v3, vm0, $0xb8;
	[tilespmem:$0x12400] =	vst v63  }
0x59c: {  	s23 =	simm.s32 $0x8800  }
0x59d: {  	[tilespmem:s23], [sflag:$0x1] =	stream.indirect_vreg.gather [hbm4b:s11+s2], $0x80, v3, vm0, $0xb8;
	[tilespmem:$0x12400] =	vst v63  }
0x59e: {  	s0 =	simm.s32 $0x9000  }
0x59f: {  	[tilespmem:s0], [sflag:$0x1] =	stream.indirect_vreg.gather [hbm4b:s12+s2], $0x80, v3, vm1, $0xb8;
	[tilespmem:$0x12400] =	vst v63  }
0x5a0: {  	s23 =	rddreg [dreg:$0x19];
	s0 =	simm.s32 $0x9400  }
0x5a1: {  	[hbm4b:s23+s2] =	stream.linear.scatter [tilespmem:s0], [sflag:$0x4], $0x9000, $0x38;
	[tilespmem:$0x12400] =	vst v63  }
0x5a2: {  	_ =	swait.ge [sflag:s16], $0x9000  }
0x5a3: {  	[sflag:s16] =	ssyncset.done $0x0  }
0x5a4: {  	[sflag:s16] =	ssyncadd.s32 $0xFFFF7000  }
0x5a5: {  	_ =	swait.ge [sflag:s22], $0x9000  }
0x5a6: {  	[sflag:s22] =	ssyncset.done $0x0  }
0x5a7: {  	[sflag:s22] =	ssyncadd.s32 $0xFFFF7000  }
0x5a8: {  	v3 =	vld [tilespmem:$0x2E0];
	_ =	sdelay $0x4  }
0x5a9: {  	v46 =	vshrl.u32 v3, $0x3  }
0x5aa: {  	v4 =	vmul.u32 $0x48, v46  }
0x5ab: {  	v3 =	vand.u32 $0x7, v3  }
0x5ac: {  	v3 =	vor.u32 v3, v4  }
0x5ad: {  	v4 =	vperm.xlane v3, v0;
	_ =	sdelay $0x1  }
0x5ae: {  	v4 =	vadd.s32 v1, v4;
	_ =	sdelay $0x4  }
0x5af: {  	[tilespmem:s0], [sflag:$0x2] =	stream.indirect_vreg.gather [hbm4b:s4+s2], $0x80, v4, vm0, $0xb8;
	[tilespmem:$0x12400] =	vst v63  }
0x5b0: {  	_ = 	snop  }
0x5b1: {  	[tilespmem:s1], [sflag:$0x2] =	stream.indirect_vreg.gather [hbm4b:s9+s2], $0x80, v4, vm0, $0xb8;
	[tilespmem:$0x12400] =	vst v63  }
0x5b2: {  	v3 =	vperm.xlane v3, v2;
	s1 =	simm.s32 $0xA400  }
0x5b3: {  	[tilespmem:s1], [sflag:$0x2] =	stream.indirect_vreg.gather [hbm4b:s10+s2], $0x80, v4, vm0, $0xb8;
	[tilespmem:$0x12400] =	vst v63  }
0x5b4: {  	s23 =	simm.s32 $0xAC00;
	v3 =	vadd.s32 v1, v3  }
0x5b5: {  	[tilespmem:s23], [sflag:$0x2] =	stream.indirect_vreg.gather [hbm4b:s11+s2], $0x80, v4, vm0, $0xb8;
	[tilespmem:$0x12400] =	vst v63  }
0x5b6: {  	s1 =	simm.s32 $0xB400  }
0x5b7: {  	[tilespmem:s1], [sflag:$0x2] =	stream.indirect_vreg.gather [hbm4b:s12+s2], $0x80, v4, vm1, $0xb8;
	[tilespmem:$0x12400] =	vst v63  }
0x5b8: {  	s23 =	simm.s32 $0xB800  }
0x5b9: {  	[tilespmem:s23], [sflag:$0x2] =	stream.indirect_vreg.gather [hbm4b:s4+s2], $0x80, v3, vm0, $0xb8;
	[tilespmem:$0x12400] =	vst v63  }
0x5ba: {  	s1 =	simm.s32 $0xC000  }
0x5bb: {  	[tilespmem:s1], [sflag:$0x2] =	stream.indirect_vreg.gather [hbm4b:s9+s2], $0x80, v3, vm0, $0xb8;
	[tilespmem:$0x12400] =	vst v63  }
0x5bc: {  	_ = 	snop  }
0x5bd: {  	[tilespmem:s15], [sflag:$0x2] =	stream.indirect_vreg.gather [hbm4b:s10+s2], $0x80, v3, vm0, $0xb8;
	[tilespmem:$0x12400] =	vst v63  }
0x5be: {  	s0 =	simm.s32 $0xD000  }
0x5bf: {  	[tilespmem:s0], [sflag:$0x2] =	stream.indirect_vreg.gather [hbm4b:s11+s2], $0x80, v3, vm0, $0xb8;
	[tilespmem:$0x12400] =	vst v63  }
0x5c0: {  	_ = 	snop  }
0x5c1: {  	[tilespmem:s17], [sflag:$0x2] =	stream.indirect_vreg.gather [hbm4b:s12+s2], $0x80, v3, vm1, $0xb8;
	[tilespmem:$0x12400] =	vst v63  }
0x5c2: {  	v3 =	vld [tilespmem:$0x2F0];
	_ =	sdelay $0x4  }
0x5c3: {  	v47 =	vshrl.u32 v3, $0x3  }
0x5c4: {  	v4 =	vmul.u32 $0x48, v47  }
0x5c5: {  	v3 =	vand.u32 $0x7, v3  }
0x5c6: {  	v3 =	vor.u32 v3, v4  }
0x5c7: {  	v4 =	vperm.xlane v3, v0;
	_ =	sdelay $0x1  }
0x5c8: {  	v4 =	vadd.s32 v1, v4;
	_ =	sdelay $0x3  }
0x5c9: {  	s15 =	simm.s32 $0xDC00  }
0x5ca: {  	[tilespmem:s15], [sflag:$0x2] =	stream.indirect_vreg.gather [hbm4b:s4+s2], $0x80, v4, vm0, $0xb8;
	[tilespmem:$0x12400] =	vst v63  }
0x5cb: {  	_ = 	snop  }
0x5cc: {  	[tilespmem:s14], [sflag:$0x2] =	stream.indirect_vreg.gather [hbm4b:s9+s2], $0x80, v4, vm0, $0xb8;
	[tilespmem:$0x12400] =	vst v63  }
0x5cd: {  	s23 =	simm.s32 $0xEC00;
	v3 =	vperm.xlane v3, v2  }
0x5ce: {  	[tilespmem:s23], [sflag:$0x2] =	stream.indirect_vreg.gather [hbm4b:s10+s2], $0x80, v4, vm0, $0xb8;
	[tilespmem:$0x12400] =	vst v63  }
0x5cf: {  	v3 =	vadd.s32 v1, v3;
	s14 =	simm.s32 $0xF400  }
0x5d0: {  	[tilespmem:s14], [sflag:$0x2] =	stream.indirect_vreg.gather [hbm4b:s11+s2], $0x80, v4, vm0, $0xb8;
	[tilespmem:$0x12400] =	vst v63  }
0x5d1: {  	s17 =	simm.s32 $0xFC00  }
0x5d2: {  	[tilespmem:s17], [sflag:$0x2] =	stream.indirect_vreg.gather [hbm4b:s12+s2], $0x80, v4, vm1, $0xb8;
	[tilespmem:$0x12400] =	vst v63  }
0x5d3: {  	s23 =	simm.s32 $0x10000  }
0x5d4: {  	[tilespmem:s23], [sflag:$0x2] =	stream.indirect_vreg.gather [hbm4b:s4+s2], $0x80, v3, vm0, $0xb8;
	[tilespmem:$0x12400] =	vst v63  }
0x5d5: {  	s14 =	simm.s32 $0x10800  }
0x5d6: {  	[tilespmem:s14], [sflag:$0x2] =	stream.indirect_vreg.gather [hbm4b:s9+s2], $0x80, v3, vm0, $0xb8;
	[tilespmem:$0x12400] =	vst v63  }
0x5d7: {  	s17 =	simm.s32 $0x11000  }
0x5d8: {  	[tilespmem:s17], [sflag:$0x2] =	stream.indirect_vreg.gather [hbm4b:s10+s2], $0x80, v3, vm0, $0xb8;
	[tilespmem:$0x12400] =	vst v63  }
0x5d9: {  	s23 =	simm.s32 $0x11800  }
0x5da: {  	[tilespmem:s23], [sflag:$0x2] =	stream.indirect_vreg.gather [hbm4b:s11+s2], $0x80, v3, vm0, $0xb8;
	[tilespmem:$0x12400] =	vst v63  }
0x5db: {  	s14 =	simm.s32 $0x12000  }
0x5dc: {  	[tilespmem:s14], [sflag:$0x2] =	stream.indirect_vreg.gather [hbm4b:s12+s2], $0x80, v3, vm1, $0xb8;
	[tilespmem:$0x12400] =	vst v63  }
0x5dd: {  	s17 =	simm.s32 $0x400;
	s23 =	rddreg [dreg:$0x1a]  }
0x5de: {  	[hbm4b:s23+s2] =	stream.linear.scatter [tilespmem:s17], [sflag:$0x3], $0x9000, $0x38;
	[tilespmem:$0x12400] =	vst v63  }
0x5df: {  	_ =	swait.ge [sflag:s20], $0x9000  }
0x5e0: {  	[sflag:s20] =	ssyncset.done $0x0  }
0x5e1: {  	[sflag:s20] =	ssyncadd.s32 $0xFFFF7000  }
0x5e2: {  	_ =	swait.ge [sflag:s21], $0x9000  }
0x5e3: {  	[sflag:s21] =	ssyncset.done $0x0  }
0x5e4: {  	[sflag:s21] =	ssyncadd.s32 $0xFFFF7000  }
0x5e5: {  	v3 =	vld [tilespmem:$0x300];
	_ =	sdelay $0x4  }
0x5e6: {  	v48 =	vshrl.u32 v3, $0x3  }
0x5e7: {  	v4 =	vmul.u32 $0x48, v48  }
0x5e8: {  	v3 =	vand.u32 $0x7, v3  }
0x5e9: {  	v3 =	vor.u32 v3, v4  }
0x5ea: {  	v4 =	vperm.xlane v3, v0;
	_ =	sdelay $0x1  }
0x5eb: {  	v4 =	vadd.s32 v1, v4;
	_ =	sdelay $0x4  }
0x5ec: {  	[tilespmem:s17], [sflag:$0x1] =	stream.indirect_vreg.gather [hbm4b:s4+s2], $0x80, v4, vm0, $0xb8;
	[tilespmem:$0x12400] =	vst v63  }
0x5ed: {  	_ = 	snop  }
0x5ee: {  	[tilespmem:s30], [sflag:$0x1] =	stream.indirect_vreg.gather [hbm4b:s9+s2], $0x80, v4, vm0, $0xb8;
	[tilespmem:$0x12400] =	vst v63  }
0x5ef: {  	v3 =	vperm.xlane v3, v2  }
0x5f0: {  	[tilespmem:s31], [sflag:$0x1] =	stream.indirect_vreg.gather [hbm4b:s10+s2], $0x80, v4, vm0, $0xb8;
	[tilespmem:$0x12400] =	vst v63  }
0x5f1: {  	s23 =	simm.s32 $0x1C00;
	v3 =	vadd.s32 v1, v3  }
0x5f2: {  	[tilespmem:s23], [sflag:$0x1] =	stream.indirect_vreg.gather [hbm4b:s11+s2], $0x80, v4, vm0, $0xb8;
	[tilespmem:$0x12400] =	vst v63  }
0x5f3: {  	_ = 	snop  }
0x5f4: {  	[tilespmem:s19], [sflag:$0x1] =	stream.indirect_vreg.gather [hbm4b:s12+s2], $0x80, v4, vm1, $0xb8;
	[tilespmem:$0x12400] =	vst v63  }
0x5f5: {  	_ = 	snop  }
0x5f6: {  	[tilespmem:s24], [sflag:$0x1] =	stream.indirect_vreg.gather [hbm4b:s4+s2], $0x80, v3, vm0, $0xb8;
	[tilespmem:$0x12400] =	vst v63  }
0x5f7: {  	_ = 	snop  }
0x5f8: {  	[tilespmem:s26], [sflag:$0x1] =	stream.indirect_vreg.gather [hbm4b:s9+s2], $0x80, v3, vm0, $0xb8;
	[tilespmem:$0x12400] =	vst v63  }
0x5f9: {  	_ = 	snop  }
0x5fa: {  	[tilespmem:s28], [sflag:$0x1] =	stream.indirect_vreg.gather [hbm4b:s10+s2], $0x80, v3, vm0, $0xb8;
	[tilespmem:$0x12400] =	vst v63  }
0x5fb: {  	_ = 	snop  }
0x5fc: {  	[tilespmem:s29], [sflag:$0x1] =	stream.indirect_vreg.gather [hbm4b:s11+s2], $0x80, v3, vm0, $0xb8;
	[tilespmem:$0x12400] =	vst v63  }
0x5fd: {  	_ = 	snop  }
0x5fe: {  	[tilespmem:s18], [sflag:$0x1] =	stream.indirect_vreg.gather [hbm4b:s12+s2], $0x80, v3, vm1, $0xb8;
	[tilespmem:$0x12400] =	vst v63  }
0x5ff: {  	v3 =	vld [tilespmem:$0x310];
	_ =	sdelay $0x4  }
0x600: {  	v49 =	vshrl.u32 v3, $0x3  }
0x601: {  	v4 =	vmul.u32 $0x48, v49  }
0x602: {  	v3 =	vand.u32 $0x7, v3  }
0x603: {  	v3 =	vor.u32 v3, v4  }
0x604: {  	v4 =	vperm.xlane v3, v0;
	_ =	sdelay $0x1  }
0x605: {  	v4 =	vadd.s32 v1, v4;
	_ =	sdelay $0x3  }
0x606: {  	s30 =	simm.s32 $0x4C00  }
0x607: {  	[tilespmem:s30], [sflag:$0x1] =	stream.indirect_vreg.gather [hbm4b:s4+s2], $0x80, v4, vm0, $0xb8;
	[tilespmem:$0x12400] =	vst v63  }
0x608: {  	s31 =	simm.s32 $0x5400  }
0x609: {  	[tilespmem:s31], [sflag:$0x1] =	stream.indirect_vreg.gather [hbm4b:s9+s2], $0x80, v4, vm0, $0xb8;
	[tilespmem:$0x12400] =	vst v63  }
0x60a: {  	s14 =	simm.s32 $0x5C00;
	v3 =	vperm.xlane v3, v2  }
0x60b: {  	[tilespmem:s14], [sflag:$0x1] =	stream.indirect_vreg.gather [hbm4b:s10+s2], $0x80, v4, vm0, $0xb8;
	[tilespmem:$0x12400] =	vst v63  }
0x60c: {  	s17 =	simm.s32 $0x6400;
	v3 =	vadd.s32 v1, v3  }
0x60d: {  	[tilespmem:s17], [sflag:$0x1] =	stream.indirect_vreg.gather [hbm4b:s11+s2], $0x80, v4, vm0, $0xb8;
	[tilespmem:$0x12400] =	vst v63  }
0x60e: {  	_ = 	snop  }
0x60f: {  	[tilespmem:s13], [sflag:$0x1] =	stream.indirect_vreg.gather [hbm4b:s12+s2], $0x80, v4, vm1, $0xb8;
	[tilespmem:$0x12400] =	vst v63  }
0x610: {  	_ = 	snop  }
0x611: {  	[tilespmem:s25], [sflag:$0x1] =	stream.indirect_vreg.gather [hbm4b:s4+s2], $0x80, v3, vm0, $0xb8;
	[tilespmem:$0x12400] =	vst v63  }
0x612: {  	s23 =	simm.s32 $0x7800  }
0x613: {  	[tilespmem:s23], [sflag:$0x1] =	stream.indirect_vreg.gather [hbm4b:s9+s2], $0x80, v3, vm0, $0xb8;
	[tilespmem:$0x12400] =	vst v63  }
0x614: {  	s24 =	simm.s32 $0x8000  }
0x615: {  	[tilespmem:s24], [sflag:$0x1] =	stream.indirect_vreg.gather [hbm4b:s10+s2], $0x80, v3, vm0, $0xb8;
	[tilespmem:$0x12400] =	vst v63  }
0x616: {  	s25 =	simm.s32 $0x8800  }
0x617: {  	[tilespmem:s25], [sflag:$0x1] =	stream.indirect_vreg.gather [hbm4b:s11+s2], $0x80, v3, vm0, $0xb8;
	[tilespmem:$0x12400] =	vst v63  }
0x618: {  	s17 =	simm.s32 $0x9000  }
0x619: {  	[tilespmem:s17], [sflag:$0x1] =	stream.indirect_vreg.gather [hbm4b:s12+s2], $0x80, v3, vm1, $0xb8;
	[tilespmem:$0x12400] =	vst v63  }
0x61a: {  	s26 =	rddreg [dreg:$0x1b];
	s28 =	simm.s32 $0x9400  }
0x61b: {  	[hbm4b:s26+s2] =	stream.linear.scatter [tilespmem:s28], [sflag:$0x4], $0x9000, $0x38;
	[tilespmem:$0x12400] =	vst v63  }
0x61c: {  	_ =	swait.ge [sflag:s16], $0x9000  }
0x61d: {  	[sflag:s16] =	ssyncset.done $0x0  }
0x61e: {  	[sflag:s16] =	ssyncadd.s32 $0xFFFF7000  }
0x61f: {  	_ =	swait.ge [sflag:s22], $0x9000  }
0x620: {  	[sflag:s22] =	ssyncset.done $0x0  }
0x621: {  	[sflag:s22] =	ssyncadd.s32 $0xFFFF7000  }
0x622: {  	v3 =	vld [tilespmem:$0x320];
	_ =	sdelay $0x4  }
0x623: {  	v50 =	vshrl.u32 v3, $0x3  }
0x624: {  	v4 =	vmul.u32 $0x48, v50  }
0x625: {  	v3 =	vand.u32 $0x7, v3  }
0x626: {  	v3 =	vor.u32 v3, v4  }
0x627: {  	v4 =	vperm.xlane v3, v0;
	_ =	sdelay $0x1  }
0x628: {  	v4 =	vadd.s32 v1, v4;
	_ =	sdelay $0x4  }
0x629: {  	[tilespmem:s28], [sflag:$0x2] =	stream.indirect_vreg.gather [hbm4b:s4+s2], $0x80, v4, vm0, $0xb8;
	[tilespmem:$0x12400] =	vst v63  }
0x62a: {  	s1 =	simm.s32 $0x9C00  }
0x62b: {  	[tilespmem:s1], [sflag:$0x2] =	stream.indirect_vreg.gather [hbm4b:s9+s2], $0x80, v4, vm0, $0xb8;
	[tilespmem:$0x12400] =	vst v63  }
0x62c: {  	s24 =	simm.s32 $0xA400;
	v3 =	vperm.xlane v3, v2  }
0x62d: {  	[tilespmem:s24], [sflag:$0x2] =	stream.indirect_vreg.gather [hbm4b:s10+s2], $0x80, v4, vm0, $0xb8;
	[tilespmem:$0x12400] =	vst v63  }
0x62e: {  	s29 =	simm.s32 $0xAC00;
	v3 =	vadd.s32 v1, v3  }
0x62f: {  	[tilespmem:s29], [sflag:$0x2] =	stream.indirect_vreg.gather [hbm4b:s11+s2], $0x80, v4, vm0, $0xb8;
	[tilespmem:$0x12400] =	vst v63  }
0x630: {  	s30 =	simm.s32 $0xB400  }
0x631: {  	[tilespmem:s30], [sflag:$0x2] =	stream.indirect_vreg.gather [hbm4b:s12+s2], $0x80, v4, vm1, $0xb8;
	[tilespmem:$0x12400] =	vst v63  }
0x632: {  	s31 =	simm.s32 $0xB800  }
0x633: {  	[tilespmem:s31], [sflag:$0x2] =	stream.indirect_vreg.gather [hbm4b:s4+s2], $0x80, v3, vm0, $0xb8;
	[tilespmem:$0x12400] =	vst v63  }
0x634: {  	s14 =	simm.s32 $0xC000  }
0x635: {  	[tilespmem:s14], [sflag:$0x2] =	stream.indirect_vreg.gather [hbm4b:s9+s2], $0x80, v3, vm0, $0xb8;
	[tilespmem:$0x12400] =	vst v63  }
0x636: {  	s31 =	simm.s32 $0xC800  }
0x637: {  	[tilespmem:s31], [sflag:$0x2] =	stream.indirect_vreg.gather [hbm4b:s10+s2], $0x80, v3, vm0, $0xb8;
	[tilespmem:$0x12400] =	vst v63  }
0x638: {  	_ = 	snop  }
0x639: {  	[tilespmem:s0], [sflag:$0x2] =	stream.indirect_vreg.gather [hbm4b:s11+s2], $0x80, v3, vm0, $0xb8;
	[tilespmem:$0x12400] =	vst v63  }
0x63a: {  	s26 =	simm.s32 $0xD800  }
0x63b: {  	[tilespmem:s26], [sflag:$0x2] =	stream.indirect_vreg.gather [hbm4b:s12+s2], $0x80, v3, vm1, $0xb8;
	[tilespmem:$0x12400] =	vst v63  }
0x63c: {  	v3 =	vld [tilespmem:$0x330];
	_ =	sdelay $0x4  }
0x63d: {  	v51 =	vshrl.u32 v3, $0x3  }
0x63e: {  	v4 =	vmul.u32 $0x48, v51  }
0x63f: {  	v3 =	vand.u32 $0x7, v3  }
0x640: {  	v3 =	vor.u32 v3, v4  }
0x641: {  	v4 =	vperm.xlane v3, v0;
	_ =	sdelay $0x1  }
0x642: {  	v4 =	vadd.s32 v1, v4;
	_ =	sdelay $0x4  }
0x643: {  	[tilespmem:s15], [sflag:$0x2] =	stream.indirect_vreg.gather [hbm4b:s4+s2], $0x80, v4, vm0, $0xb8;
	[tilespmem:$0x12400] =	vst v63  }
0x644: {  	s28 =	simm.s32 $0xE400  }
0x645: {  	[tilespmem:s28], [sflag:$0x2] =	stream.indirect_vreg.gather [hbm4b:s9+s2], $0x80, v4, vm0, $0xb8;
	[tilespmem:$0x12400] =	vst v63  }
0x646: {  	s29 =	simm.s32 $0xEC00;
	v3 =	vperm.xlane v3, v2  }
0x647: {  	[tilespmem:s29], [sflag:$0x2] =	stream.indirect_vreg.gather [hbm4b:s10+s2], $0x80, v4, vm0, $0xb8;
	[tilespmem:$0x12400] =	vst v63  }
0x648: {  	v3 =	vadd.s32 v1, v3;
	s15 =	simm.s32 $0xF400  }
0x649: {  	[tilespmem:s15], [sflag:$0x2] =	stream.indirect_vreg.gather [hbm4b:s11+s2], $0x80, v4, vm0, $0xb8;
	[tilespmem:$0x12400] =	vst v63  }
0x64a: {  	s23 =	simm.s32 $0xFC00  }
0x64b: {  	[tilespmem:s23], [sflag:$0x2] =	stream.indirect_vreg.gather [hbm4b:s12+s2], $0x80, v4, vm1, $0xb8;
	[tilespmem:$0x12400] =	vst v63  }
0x64c: {  	s25 =	simm.s32 $0x10000  }
0x64d: {  	[tilespmem:s25], [sflag:$0x2] =	stream.indirect_vreg.gather [hbm4b:s4+s2], $0x80, v3, vm0, $0xb8;
	[tilespmem:$0x12400] =	vst v63  }
0x64e: {  	s30 =	simm.s32 $0x10800  }
0x64f: {  	[tilespmem:s30], [sflag:$0x2] =	stream.indirect_vreg.gather [hbm4b:s9+s2], $0x80, v3, vm0, $0xb8;
	[tilespmem:$0x12400] =	vst v63  }
0x650: {  	s13 =	simm.s32 $0x11000  }
0x651: {  	[tilespmem:s13], [sflag:$0x2] =	stream.indirect_vreg.gather [hbm4b:s10+s2], $0x80, v3, vm0, $0xb8;
	[tilespmem:$0x12400] =	vst v63  }
0x652: {  	s14 =	simm.s32 $0x11800  }
0x653: {  	[tilespmem:s14], [sflag:$0x2] =	stream.indirect_vreg.gather [hbm4b:s11+s2], $0x80, v3, vm0, $0xb8;
	[tilespmem:$0x12400] =	vst v63  }
0x654: {  	s30 =	simm.s32 $0x12000  }
0x655: {  	[tilespmem:s30], [sflag:$0x2] =	stream.indirect_vreg.gather [hbm4b:s12+s2], $0x80, v3, vm1, $0xb8;
	[tilespmem:$0x12400] =	vst v63  }
0x656: {  	s15 =	rddreg [dreg:$0x1c];
	s25 =	simm.s32 $0x400  }
0x657: {  	[hbm4b:s15+s2] =	stream.linear.scatter [tilespmem:s25], [sflag:$0x3], $0x9000, $0x38;
	[tilespmem:$0x12400] =	vst v63  }
0x658: {  	_ =	swait.ge [sflag:s20], $0x9000  }
0x659: {  	[sflag:s20] =	ssyncset.done $0x0  }
0x65a: {  	[sflag:s20] =	ssyncadd.s32 $0xFFFF7000  }
0x65b: {  	_ =	swait.ge [sflag:s21], $0x9000  }
0x65c: {  	[sflag:s21] =	ssyncset.done $0x0  }
0x65d: {  	[sflag:s21] =	ssyncadd.s32 $0xFFFF7000  }
0x65e: {  	v3 =	vld [tilespmem:$0x340];
	_ =	sdelay $0x4  }
0x65f: {  	v52 =	vshrl.u32 v3, $0x3  }
0x660: {  	v4 =	vmul.u32 $0x48, v52  }
0x661: {  	v3 =	vand.u32 $0x7, v3  }
0x662: {  	v3 =	vor.u32 v3, v4  }
0x663: {  	v4 =	vperm.xlane v3, v0;
	_ =	sdelay $0x1  }
0x664: {  	v4 =	vadd.s32 v1, v4;
	_ =	sdelay $0x4  }
0x665: {  	[tilespmem:s25], [sflag:$0x1] =	stream.indirect_vreg.gather [hbm4b:s4+s2], $0x80, v4, vm0, $0xb8;
	[tilespmem:$0x12400] =	vst v63  }
0x666: {  	s14 =	simm.s32 $0xC00  }
0x667: {  	[tilespmem:s14], [sflag:$0x1] =	stream.indirect_vreg.gather [hbm4b:s9+s2], $0x80, v4, vm0, $0xb8;
	[tilespmem:$0x12400] =	vst v63  }
0x668: {  	s13 =	simm.s32 $0x1400;
	v3 =	vperm.xlane v3, v2  }
0x669: {  	[tilespmem:s13], [sflag:$0x1] =	stream.indirect_vreg.gather [hbm4b:s10+s2], $0x80, v4, vm0, $0xb8;
	[tilespmem:$0x12400] =	vst v63  }
0x66a: {  	s15 =	simm.s32 $0x1C00;
	v3 =	vadd.s32 v1, v3  }
0x66b: {  	[tilespmem:s15], [sflag:$0x1] =	stream.indirect_vreg.gather [hbm4b:s11+s2], $0x80, v4, vm0, $0xb8;
	[tilespmem:$0x12400] =	vst v63  }
0x66c: {  	s19 =	simm.s32 $0x2400  }
0x66d: {  	[tilespmem:s19], [sflag:$0x1] =	stream.indirect_vreg.gather [hbm4b:s12+s2], $0x80, v4, vm1, $0xb8;
	[tilespmem:$0x12400] =	vst v63  }
0x66e: {  	s0 =	simm.s32 $0x2800  }
0x66f: {  	[tilespmem:s0], [sflag:$0x1] =	stream.indirect_vreg.gather [hbm4b:s4+s2], $0x80, v3, vm0, $0xb8;
	[tilespmem:$0x12400] =	vst v63  }
0x670: {  	s23 =	simm.s32 $0x3000  }
0x671: {  	[tilespmem:s23], [sflag:$0x1] =	stream.indirect_vreg.gather [hbm4b:s9+s2], $0x80, v3, vm0, $0xb8;
	[tilespmem:$0x12400] =	vst v63  }
0x672: {  	s25 =	simm.s32 $0x3800  }
0x673: {  	[tilespmem:s25], [sflag:$0x1] =	stream.indirect_vreg.gather [hbm4b:s10+s2], $0x80, v3, vm0, $0xb8;
	[tilespmem:$0x12400] =	vst v63  }
0x674: {  	s15 =	simm.s32 $0x4000  }
0x675: {  	[tilespmem:s15], [sflag:$0x1] =	stream.indirect_vreg.gather [hbm4b:s11+s2], $0x80, v3, vm0, $0xb8;
	[tilespmem:$0x12400] =	vst v63  }
0x676: {  	s18 =	simm.s32 $0x4800  }
0x677: {  	[tilespmem:s18], [sflag:$0x1] =	stream.indirect_vreg.gather [hbm4b:s12+s2], $0x80, v3, vm1, $0xb8;
	[tilespmem:$0x12400] =	vst v63  }
0x678: {  	v3 =	vld [tilespmem:$0x350];
	_ =	sdelay $0x4  }
0x679: {  	v53 =	vshrl.u32 v3, $0x3  }
0x67a: {  	v4 =	vmul.u32 $0x48, v53  }
0x67b: {  	v3 =	vand.u32 $0x7, v3  }
0x67c: {  	v3 =	vor.u32 v3, v4  }
0x67d: {  	v4 =	vperm.xlane v3, v0;
	_ =	sdelay $0x1  }
0x67e: {  	v4 =	vadd.s32 v1, v4;
	_ =	sdelay $0x3  }
0x67f: {  	s19 =	simm.s32 $0x4C00  }
0x680: {  	[tilespmem:s19], [sflag:$0x1] =	stream.indirect_vreg.gather [hbm4b:s4+s2], $0x80, v4, vm0, $0xb8;
	[tilespmem:$0x12400] =	vst v63  }
0x681: {  	s15 =	simm.s32 $0x5400  }
0x682: {  	[tilespmem:s15], [sflag:$0x1] =	stream.indirect_vreg.gather [hbm4b:s9+s2], $0x80, v4, vm0, $0xb8;
	[tilespmem:$0x12400] =	vst v63  }
0x683: {  	s23 =	simm.s32 $0x5C00;
	v3 =	vperm.xlane v3, v2  }
0x684: {  	[tilespmem:s23], [sflag:$0x1] =	stream.indirect_vreg.gather [hbm4b:s10+s2], $0x80, v4, vm0, $0xb8;
	[tilespmem:$0x12400] =	vst v63  }
0x685: {  	s25 =	simm.s32 $0x6400;
	v3 =	vadd.s32 v1, v3  }
0x686: {  	[tilespmem:s25], [sflag:$0x1] =	stream.indirect_vreg.gather [hbm4b:s11+s2], $0x80, v4, vm0, $0xb8;
	[tilespmem:$0x12400] =	vst v63  }
0x687: {  	s18 =	simm.s32 $0x6C00  }
0x688: {  	[tilespmem:s18], [sflag:$0x1] =	stream.indirect_vreg.gather [hbm4b:s12+s2], $0x80, v4, vm1, $0xb8;
	[tilespmem:$0x12400] =	vst v63  }
0x689: {  	s19 =	simm.s32 $0x7000  }
0x68a: {  	[tilespmem:s19], [sflag:$0x1] =	stream.indirect_vreg.gather [hbm4b:s4+s2], $0x80, v3, vm0, $0xb8;
	[tilespmem:$0x12400] =	vst v63  }
0x68b: {  	s25 =	simm.s32 $0x7800  }
0x68c: {  	[tilespmem:s25], [sflag:$0x1] =	stream.indirect_vreg.gather [hbm4b:s9+s2], $0x80, v3, vm0, $0xb8;
	[tilespmem:$0x12400] =	vst v63  }
0x68d: {  	s13 =	simm.s32 $0x8000  }
0x68e: {  	[tilespmem:s13], [sflag:$0x1] =	stream.indirect_vreg.gather [hbm4b:s10+s2], $0x80, v3, vm0, $0xb8;
	[tilespmem:$0x12400] =	vst v63  }
0x68f: {  	s13 =	simm.s32 $0x8800  }
0x690: {  	[tilespmem:s13], [sflag:$0x1] =	stream.indirect_vreg.gather [hbm4b:s11+s2], $0x80, v3, vm0, $0xb8;
	[tilespmem:$0x12400] =	vst v63  }
0x691: {  	_ = 	snop  }
0x692: {  	[tilespmem:s17], [sflag:$0x1] =	stream.indirect_vreg.gather [hbm4b:s12+s2], $0x80, v3, vm1, $0xb8;
	[tilespmem:$0x12400] =	vst v63  }
0x693: {  	s23 =	rddreg [dreg:$0x1d];
	s13 =	simm.s32 $0x9400  }
0x694: {  	[hbm4b:s23+s2] =	stream.linear.scatter [tilespmem:s13], [sflag:$0x4], $0x9000, $0x38;
	[tilespmem:$0x12400] =	vst v63  }
0x695: {  	_ =	swait.ge [sflag:s16], $0x9000  }
0x696: {  	[sflag:s16] =	ssyncset.done $0x0  }
0x697: {  	[sflag:s16] =	ssyncadd.s32 $0xFFFF7000  }
0x698: {  	_ =	swait.ge [sflag:s22], $0x9000  }
0x699: {  	[sflag:s22] =	ssyncset.done $0x0  }
0x69a: {  	[sflag:s22] =	ssyncadd.s32 $0xFFFF7000  }
0x69b: {  	v3 =	vld [tilespmem:$0x360];
	_ =	sdelay $0x4  }
0x69c: {  	v54 =	vshrl.u32 v3, $0x3  }
0x69d: {  	v4 =	vmul.u32 $0x48, v54  }
0x69e: {  	v3 =	vand.u32 $0x7, v3  }
0x69f: {  	v3 =	vor.u32 v3, v4  }
0x6a0: {  	v4 =	vperm.xlane v3, v0;
	_ =	sdelay $0x1  }
0x6a1: {  	v4 =	vadd.s32 v1, v4;
	_ =	sdelay $0x4  }
0x6a2: {  	[tilespmem:s13], [sflag:$0x2] =	stream.indirect_vreg.gather [hbm4b:s4+s2], $0x80, v4, vm0, $0xb8;
	[tilespmem:$0x12400] =	vst v63  }
0x6a3: {  	_ = 	snop  }
0x6a4: {  	[tilespmem:s1], [sflag:$0x2] =	stream.indirect_vreg.gather [hbm4b:s9+s2], $0x80, v4, vm0, $0xb8;
	[tilespmem:$0x12400] =	vst v63  }
0x6a5: {  	v3 =	vperm.xlane v3, v2  }
0x6a6: {  	[tilespmem:s24], [sflag:$0x2] =	stream.indirect_vreg.gather [hbm4b:s10+s2], $0x80, v4, vm0, $0xb8;
	[tilespmem:$0x12400] =	vst v63  }
0x6a7: {  	s17 =	simm.s32 $0xAC00;
	v3 =	vadd.s32 v1, v3  }
0x6a8: {  	[tilespmem:s17], [sflag:$0x2] =	stream.indirect_vreg.gather [hbm4b:s11+s2], $0x80, v4, vm0, $0xb8;
	[tilespmem:$0x12400] =	vst v63  }
0x6a9: {  	s24 =	simm.s32 $0xB400  }
0x6aa: {  	[tilespmem:s24], [sflag:$0x2] =	stream.indirect_vreg.gather [hbm4b:s12+s2], $0x80, v4, vm1, $0xb8;
	[tilespmem:$0x12400] =	vst v63  }
0x6ab: {  	s23 =	simm.s32 $0xB800  }
0x6ac: {  	[tilespmem:s23], [sflag:$0x2] =	stream.indirect_vreg.gather [hbm4b:s4+s2], $0x80, v3, vm0, $0xb8;
	[tilespmem:$0x12400] =	vst v63  }
0x6ad: {  	s13 =	simm.s32 $0xC000  }
0x6ae: {  	[tilespmem:s13], [sflag:$0x2] =	stream.indirect_vreg.gather [hbm4b:s9+s2], $0x80, v3, vm0, $0xb8;
	[tilespmem:$0x12400] =	vst v63  }
0x6af: {  	_ = 	snop  }
0x6b0: {  	[tilespmem:s31], [sflag:$0x2] =	stream.indirect_vreg.gather [hbm4b:s10+s2], $0x80, v3, vm0, $0xb8;
	[tilespmem:$0x12400] =	vst v63  }
0x6b1: {  	s13 =	simm.s32 $0xD000  }
0x6b2: {  	[tilespmem:s13], [sflag:$0x2] =	stream.indirect_vreg.gather [hbm4b:s11+s2], $0x80, v3, vm0, $0xb8;
	[tilespmem:$0x12400] =	vst v63  }
0x6b3: {  	_ = 	snop  }
0x6b4: {  	[tilespmem:s26], [sflag:$0x2] =	stream.indirect_vreg.gather [hbm4b:s12+s2], $0x80, v3, vm1, $0xb8;
	[tilespmem:$0x12400] =	vst v63  }
0x6b5: {  	v3 =	vld [tilespmem:$0x370];
	_ =	sdelay $0x4  }
0x6b6: {  	v55 =	vshrl.u32 v3, $0x3  }
0x6b7: {  	v4 =	vmul.u32 $0x48, v55  }
0x6b8: {  	v3 =	vand.u32 $0x7, v3  }
0x6b9: {  	v3 =	vor.u32 v3, v4  }
0x6ba: {  	v4 =	vperm.xlane v3, v0;
	_ =	sdelay $0x1  }
0x6bb: {  	v4 =	vadd.s32 v1, v4;
	_ =	sdelay $0x3  }
0x6bc: {  	s26 =	simm.s32 $0xDC00  }
0x6bd: {  	[tilespmem:s26], [sflag:$0x2] =	stream.indirect_vreg.gather [hbm4b:s4+s2], $0x80, v4, vm0, $0xb8;
	[tilespmem:$0x12400] =	vst v63  }
0x6be: {  	_ = 	snop  }
0x6bf: {  	[tilespmem:s28], [sflag:$0x2] =	stream.indirect_vreg.gather [hbm4b:s9+s2], $0x80, v4, vm0, $0xb8;
	[tilespmem:$0x12400] =	vst v63  }
0x6c0: {  	v3 =	vperm.xlane v3, v2  }
0x6c1: {  	[tilespmem:s29], [sflag:$0x2] =	stream.indirect_vreg.gather [hbm4b:s10+s2], $0x80, v4, vm0, $0xb8;
	[tilespmem:$0x12400] =	vst v63  }
0x6c2: {  	v3 =	vadd.s32 v1, v3;
	s28 =	simm.s32 $0xF400  }
0x6c3: {  	[tilespmem:s28], [sflag:$0x2] =	stream.indirect_vreg.gather [hbm4b:s11+s2], $0x80, v4, vm0, $0xb8;
	[tilespmem:$0x12400] =	vst v63  }
0x6c4: {  	s29 =	simm.s32 $0xFC00  }
0x6c5: {  	[tilespmem:s29], [sflag:$0x2] =	stream.indirect_vreg.gather [hbm4b:s12+s2], $0x80, v4, vm1, $0xb8;
	[tilespmem:$0x12400] =	vst v63  }
0x6c6: {  	s31 =	simm.s32 $0x10000  }
0x6c7: {  	[tilespmem:s31], [sflag:$0x2] =	stream.indirect_vreg.gather [hbm4b:s4+s2], $0x80, v3, vm0, $0xb8;
	[tilespmem:$0x12400] =	vst v63  }
0x6c8: {  	s23 =	simm.s32 $0x10800  }
0x6c9: {  	[tilespmem:s23], [sflag:$0x2] =	stream.indirect_vreg.gather [hbm4b:s9+s2], $0x80, v3, vm0, $0xb8;
	[tilespmem:$0x12400] =	vst v63  }
0x6ca: {  	s23 =	simm.s32 $0x11000  }
0x6cb: {  	[tilespmem:s23], [sflag:$0x2] =	stream.indirect_vreg.gather [hbm4b:s10+s2], $0x80, v3, vm0, $0xb8;
	[tilespmem:$0x12400] =	vst v63  }
0x6cc: {  	s23 =	simm.s32 $0x11800  }
0x6cd: {  	[tilespmem:s23], [sflag:$0x2] =	stream.indirect_vreg.gather [hbm4b:s11+s2], $0x80, v3, vm0, $0xb8;
	[tilespmem:$0x12400] =	vst v63  }
0x6ce: {  	_ = 	snop  }
0x6cf: {  	[tilespmem:s30], [sflag:$0x2] =	stream.indirect_vreg.gather [hbm4b:s12+s2], $0x80, v3, vm1, $0xb8;
	[tilespmem:$0x12400] =	vst v63  }
0x6d0: {  	s1 =	rddreg [dreg:$0x1e];
	s30 =	simm.s32 $0x400  }
0x6d1: {  	[hbm4b:s1+s2] =	stream.linear.scatter [tilespmem:s30], [sflag:$0x3], $0x9000, $0x38;
	[tilespmem:$0x12400] =	vst v63  }
0x6d2: {  	_ =	swait.ge [sflag:s20], $0x9000  }
0x6d3: {  	[sflag:s20] =	ssyncset.done $0x0  }
0x6d4: {  	[sflag:s20] =	ssyncadd.s32 $0xFFFF7000  }
0x6d5: {  	_ =	swait.ge [sflag:s21], $0x9000  }
0x6d6: {  	[sflag:s21] =	ssyncset.done $0x0  }
0x6d7: {  	[sflag:s21] =	ssyncadd.s32 $0xFFFF7000  }
0x6d8: {  	v3 =	vld [tilespmem:$0x380];
	_ =	sdelay $0x4  }
0x6d9: {  	v56 =	vshrl.u32 v3, $0x3  }
0x6da: {  	v4 =	vmul.u32 $0x48, v56  }
0x6db: {  	v3 =	vand.u32 $0x7, v3  }
0x6dc: {  	v3 =	vor.u32 v3, v4  }
0x6dd: {  	v4 =	vperm.xlane v3, v0;
	_ =	sdelay $0x1  }
0x6de: {  	v4 =	vadd.s32 v1, v4;
	_ =	sdelay $0x4  }
0x6df: {  	[tilespmem:s30], [sflag:$0x1] =	stream.indirect_vreg.gather [hbm4b:s4+s2], $0x80, v4, vm0, $0xb8;
	[tilespmem:$0x12400] =	vst v63  }
0x6e0: {  	_ = 	snop  }
0x6e1: {  	[tilespmem:s14], [sflag:$0x1] =	stream.indirect_vreg.gather [hbm4b:s9+s2], $0x80, v4, vm0, $0xb8;
	[tilespmem:$0x12400] =	vst v63  }
0x6e2: {  	s23 =	simm.s32 $0x1400;
	v3 =	vperm.xlane v3, v2  }
0x6e3: {  	[tilespmem:s23], [sflag:$0x1] =	stream.indirect_vreg.gather [hbm4b:s10+s2], $0x80, v4, vm0, $0xb8;
	[tilespmem:$0x12400] =	vst v63  }
0x6e4: {  	v3 =	vadd.s32 v1, v3;
	s14 =	simm.s32 $0x1C00  }
0x6e5: {  	[tilespmem:s14], [sflag:$0x1] =	stream.indirect_vreg.gather [hbm4b:s11+s2], $0x80, v4, vm0, $0xb8;
	[tilespmem:$0x12400] =	vst v63  }
0x6e6: {  	s23 =	simm.s32 $0x2400  }
0x6e7: {  	[tilespmem:s23], [sflag:$0x1] =	stream.indirect_vreg.gather [hbm4b:s12+s2], $0x80, v4, vm1, $0xb8;
	[tilespmem:$0x12400] =	vst v63  }
0x6e8: {  	_ = 	snop  }
0x6e9: {  	[tilespmem:s0], [sflag:$0x1] =	stream.indirect_vreg.gather [hbm4b:s4+s2], $0x80, v3, vm0, $0xb8;
	[tilespmem:$0x12400] =	vst v63  }
0x6ea: {  	s1 =	simm.s32 $0x3000  }
0x6eb: {  	[tilespmem:s1], [sflag:$0x1] =	stream.indirect_vreg.gather [hbm4b:s9+s2], $0x80, v3, vm0, $0xb8;
	[tilespmem:$0x12400] =	vst v63  }
0x6ec: {  	s14 =	simm.s32 $0x3800  }
0x6ed: {  	[tilespmem:s14], [sflag:$0x1] =	stream.indirect_vreg.gather [hbm4b:s10+s2], $0x80, v3, vm0, $0xb8;
	[tilespmem:$0x12400] =	vst v63  }
0x6ee: {  	s23 =	simm.s32 $0x4000  }
0x6ef: {  	[tilespmem:s23], [sflag:$0x1] =	stream.indirect_vreg.gather [hbm4b:s11+s2], $0x80, v3, vm0, $0xb8;
	[tilespmem:$0x12400] =	vst v63  }
0x6f0: {  	s1 =	simm.s32 $0x4800  }
0x6f1: {  	[tilespmem:s1], [sflag:$0x1] =	stream.indirect_vreg.gather [hbm4b:s12+s2], $0x80, v3, vm1, $0xb8;
	[tilespmem:$0x12400] =	vst v63  }
0x6f2: {  	v3 =	vld [tilespmem:$0x390];
	_ =	sdelay $0x4  }
0x6f3: {  	v57 =	vshrl.u32 v3, $0x3  }
0x6f4: {  	v4 =	vmul.u32 $0x48, v57  }
0x6f5: {  	v3 =	vand.u32 $0x7, v3  }
0x6f6: {  	v3 =	vor.u32 v3, v4  }
0x6f7: {  	v4 =	vperm.xlane v3, v0;
	_ =	sdelay $0x1  }
0x6f8: {  	v4 =	vadd.s32 v1, v4;
	_ =	sdelay $0x3  }
0x6f9: {  	s14 =	simm.s32 $0x4C00  }
0x6fa: {  	[tilespmem:s14], [sflag:$0x1] =	stream.indirect_vreg.gather [hbm4b:s4+s2], $0x80, v4, vm0, $0xb8;
	[tilespmem:$0x12400] =	vst v63  }
0x6fb: {  	_ = 	snop  }
0x6fc: {  	[tilespmem:s15], [sflag:$0x1] =	stream.indirect_vreg.gather [hbm4b:s9+s2], $0x80, v4, vm0, $0xb8;
	[tilespmem:$0x12400] =	vst v63  }
0x6fd: {  	v3 =	vperm.xlane v3, v2;
	s15 =	simm.s32 $0x5C00  }
0x6fe: {  	[tilespmem:s15], [sflag:$0x1] =	stream.indirect_vreg.gather [hbm4b:s10+s2], $0x80, v4, vm0, $0xb8;
	[tilespmem:$0x12400] =	vst v63  }
0x6ff: {  	s23 =	simm.s32 $0x6400;
	v3 =	vadd.s32 v1, v3  }
0x700: {  	[tilespmem:s23], [sflag:$0x1] =	stream.indirect_vreg.gather [hbm4b:s11+s2], $0x80, v4, vm0, $0xb8;
	[tilespmem:$0x12400] =	vst v63  }
0x701: {  	_ = 	snop  }
0x702: {  	[tilespmem:s18], [sflag:$0x1] =	stream.indirect_vreg.gather [hbm4b:s12+s2], $0x80, v4, vm1, $0xb8;
	[tilespmem:$0x12400] =	vst v63  }
0x703: {  	_ = 	snop  }
0x704: {  	[tilespmem:s19], [sflag:$0x1] =	stream.indirect_vreg.gather [hbm4b:s4+s2], $0x80, v3, vm0, $0xb8;
	[tilespmem:$0x12400] =	vst v63  }
0x705: {  	_ = 	snop  }
0x706: {  	[tilespmem:s25], [sflag:$0x1] =	stream.indirect_vreg.gather [hbm4b:s9+s2], $0x80, v3, vm0, $0xb8;
	[tilespmem:$0x12400] =	vst v63  }
0x707: {  	s0 =	simm.s32 $0x8000  }
0x708: {  	[tilespmem:s0], [sflag:$0x1] =	stream.indirect_vreg.gather [hbm4b:s10+s2], $0x80, v3, vm0, $0xb8;
	[tilespmem:$0x12400] =	vst v63  }
0x709: {  	s1 =	simm.s32 $0x8800  }
0x70a: {  	[tilespmem:s1], [sflag:$0x1] =	stream.indirect_vreg.gather [hbm4b:s11+s2], $0x80, v3, vm0, $0xb8;
	[tilespmem:$0x12400] =	vst v63  }
0x70b: {  	s1 =	simm.s32 $0x9000  }
0x70c: {  	[tilespmem:s1], [sflag:$0x1] =	stream.indirect_vreg.gather [hbm4b:s12+s2], $0x80, v3, vm1, $0xb8;
	[tilespmem:$0x12400] =	vst v63  }
0x70d: {  	s23 =	rddreg [dreg:$0x1f];
	s0 =	simm.s32 $0x9400  }
0x70e: {  	[hbm4b:s23+s2] =	stream.linear.scatter [tilespmem:s0], [sflag:$0x4], $0x9000, $0x38;
	[tilespmem:$0x12400] =	vst v63  }
0x70f: {  	_ =	swait.ge [sflag:s16], $0x9000  }
0x710: {  	[sflag:s16] =	ssyncset.done $0x0  }
0x711: {  	[sflag:s16] =	ssyncadd.s32 $0xFFFF7000  }
0x712: {  	_ =	swait.ge [sflag:s22], $0x9000  }
0x713: {  	[sflag:s22] =	ssyncset.done $0x0  }
0x714: {  	[sflag:s22] =	ssyncadd.s32 $0xFFFF7000  }
0x715: {  	v3 =	vld [tilespmem:$0x3A0];
	_ =	sdelay $0x4  }
0x716: {  	v58 =	vshrl.u32 v3, $0x3  }
0x717: {  	v4 =	vmul.u32 $0x48, v58  }
0x718: {  	v3 =	vand.u32 $0x7, v3  }
0x719: {  	v3 =	vor.u32 v3, v4  }
0x71a: {  	v4 =	vperm.xlane v3, v0;
	_ =	sdelay $0x1  }
0x71b: {  	v4 =	vadd.s32 v1, v4;
	_ =	sdelay $0x4  }
0x71c: {  	[tilespmem:s0], [sflag:$0x2] =	stream.indirect_vreg.gather [hbm4b:s4+s2], $0x80, v4, vm0, $0xb8;
	[tilespmem:$0x12400] =	vst v63  }
0x71d: {  	s23 =	simm.s32 $0x9C00  }
0x71e: {  	[tilespmem:s23], [sflag:$0x2] =	stream.indirect_vreg.gather [hbm4b:s9+s2], $0x80, v4, vm0, $0xb8;
	[tilespmem:$0x12400] =	vst v63  }
0x71f: {  	v3 =	vperm.xlane v3, v2;
	s23 =	simm.s32 $0xA400  }
0x720: {  	[tilespmem:s23], [sflag:$0x2] =	stream.indirect_vreg.gather [hbm4b:s10+s2], $0x80, v4, vm0, $0xb8;
	[tilespmem:$0x12400] =	vst v63  }
0x721: {  	v3 =	vadd.s32 v1, v3  }
0x722: {  	[tilespmem:s17], [sflag:$0x2] =	stream.indirect_vreg.gather [hbm4b:s11+s2], $0x80, v4, vm0, $0xb8;
	[tilespmem:$0x12400] =	vst v63  }
0x723: {  	_ = 	snop  }
0x724: {  	[tilespmem:s24], [sflag:$0x2] =	stream.indirect_vreg.gather [hbm4b:s12+s2], $0x80, v4, vm1, $0xb8;
	[tilespmem:$0x12400] =	vst v63  }
0x725: {  	s23 =	simm.s32 $0xB800  }
0x726: {  	[tilespmem:s23], [sflag:$0x2] =	stream.indirect_vreg.gather [hbm4b:s4+s2], $0x80, v3, vm0, $0xb8;
	[tilespmem:$0x12400] =	vst v63  }
0x727: {  	s23 =	simm.s32 $0xC000  }
0x728: {  	[tilespmem:s23], [sflag:$0x2] =	stream.indirect_vreg.gather [hbm4b:s9+s2], $0x80, v3, vm0, $0xb8;
	[tilespmem:$0x12400] =	vst v63  }
0x729: {  	s23 =	simm.s32 $0xC800  }
0x72a: {  	[tilespmem:s23], [sflag:$0x2] =	stream.indirect_vreg.gather [hbm4b:s10+s2], $0x80, v3, vm0, $0xb8;
	[tilespmem:$0x12400] =	vst v63  }
0x72b: {  	_ = 	snop  }
0x72c: {  	[tilespmem:s13], [sflag:$0x2] =	stream.indirect_vreg.gather [hbm4b:s11+s2], $0x80, v3, vm0, $0xb8;
	[tilespmem:$0x12400] =	vst v63  }
0x72d: {  	s13 =	simm.s32 $0xD800  }
0x72e: {  	[tilespmem:s13], [sflag:$0x2] =	stream.indirect_vreg.gather [hbm4b:s12+s2], $0x80, v3, vm1, $0xb8;
	[tilespmem:$0x12400] =	vst v63  }
0x72f: {  	v3 =	vld [tilespmem:$0x3B0];
	_ =	sdelay $0x4  }
0x730: {  	v59 =	vshrl.u32 v3, $0x3  }
0x731: {  	v4 =	vmul.u32 $0x48, v59  }
0x732: {  	v3 =	vand.u32 $0x7, v3  }
0x733: {  	v3 =	vor.u32 v3, v4  }
0x734: {  	v4 =	vperm.xlane v3, v0;
	_ =	sdelay $0x1  }
0x735: {  	v4 =	vadd.s32 v1, v4;
	_ =	sdelay $0x4  }
0x736: {  	[tilespmem:s26], [sflag:$0x2] =	stream.indirect_vreg.gather [hbm4b:s4+s2], $0x80, v4, vm0, $0xb8;
	[tilespmem:$0x12400] =	vst v63  }
0x737: {  	s13 =	simm.s32 $0xE400  }
0x738: {  	[tilespmem:s13], [sflag:$0x2] =	stream.indirect_vreg.gather [hbm4b:s9+s2], $0x80, v4, vm0, $0xb8;
	[tilespmem:$0x12400] =	vst v63  }
0x739: {  	v3 =	vperm.xlane v3, v2;
	s13 =	simm.s32 $0xEC00  }
0x73a: {  	[tilespmem:s13], [sflag:$0x2] =	stream.indirect_vreg.gather [hbm4b:s10+s2], $0x80, v4, vm0, $0xb8;
	[tilespmem:$0x12400] =	vst v63  }
0x73b: {  	v3 =	vadd.s32 v1, v3  }
0x73c: {  	[tilespmem:s28], [sflag:$0x2] =	stream.indirect_vreg.gather [hbm4b:s11+s2], $0x80, v4, vm0, $0xb8;
	[tilespmem:$0x12400] =	vst v63  }
0x73d: {  	_ = 	snop  }
0x73e: {  	[tilespmem:s29], [sflag:$0x2] =	stream.indirect_vreg.gather [hbm4b:s12+s2], $0x80, v4, vm1, $0xb8;
	[tilespmem:$0x12400] =	vst v63  }
0x73f: {  	_ = 	snop  }
0x740: {  	[tilespmem:s31], [sflag:$0x2] =	stream.indirect_vreg.gather [hbm4b:s4+s2], $0x80, v3, vm0, $0xb8;
	[tilespmem:$0x12400] =	vst v63  }
0x741: {  	s13 =	simm.s32 $0x10800  }
0x742: {  	[tilespmem:s13], [sflag:$0x2] =	stream.indirect_vreg.gather [hbm4b:s9+s2], $0x80, v3, vm0, $0xb8;
	[tilespmem:$0x12400] =	vst v63  }
0x743: {  	s13 =	simm.s32 $0x11000  }
0x744: {  	[tilespmem:s13], [sflag:$0x2] =	stream.indirect_vreg.gather [hbm4b:s10+s2], $0x80, v3, vm0, $0xb8;
	[tilespmem:$0x12400] =	vst v63  }
0x745: {  	s13 =	simm.s32 $0x11800  }
0x746: {  	[tilespmem:s13], [sflag:$0x2] =	stream.indirect_vreg.gather [hbm4b:s11+s2], $0x80, v3, vm0, $0xb8;
	[tilespmem:$0x12400] =	vst v63  }
0x747: {  	s23 =	sld [smem:$0x7F9];
	s13 =	simm.s32 $0x12000  }
0x748: {  	[tilespmem:s13], [sflag:$0x2] =	stream.indirect_vreg.gather [hbm4b:s12+s2], $0x80, v3, vm1, $0xb8;
	[tilespmem:$0x12400] =	vst v63  }
0x749: {  	s30 =	simm.s32 $0x400  }
0x74a: {  	[hbm4b:s23+s2] =	stream.linear.scatter [tilespmem:s30], [sflag:$0x3], $0x9000, $0x38;
	[tilespmem:$0x12400] =	vst v63  }
0x74b: {  	_ =	swait.ge [sflag:s20], $0x9000  }
0x74c: {  	[sflag:s20] =	ssyncset.done $0x0  }
0x74d: {  	[sflag:s20] =	ssyncadd.s32 $0xFFFF7000  }
0x74e: {  	_ =	swait.ge [sflag:s21], $0x9000  }
0x74f: {  	[sflag:s21] =	ssyncset.done $0x0  }
0x750: {  	[sflag:s21] =	ssyncadd.s32 $0xFFFF7000  }
0x751: {  	v3 =	vld [tilespmem:$0x3C0];
	_ =	sdelay $0x4  }
0x752: {  	v60 =	vshrl.u32 v3, $0x3  }
0x753: {  	v4 =	vmul.u32 $0x48, v60  }
0x754: {  	v3 =	vand.u32 $0x7, v3  }
0x755: {  	v3 =	vor.u32 v3, v4  }
0x756: {  	v4 =	vperm.xlane v3, v0;
	_ =	sdelay $0x1  }
0x757: {  	v4 =	vadd.s32 v1, v4;
	_ =	sdelay $0x4  }
0x758: {  	[tilespmem:s30], [sflag:$0x1] =	stream.indirect_vreg.gather [hbm4b:s4+s2], $0x80, v4, vm0, $0xb8;
	[tilespmem:$0x12400] =	vst v63  }
0x759: {  	s23 =	simm.s32 $0xC00  }
0x75a: {  	[tilespmem:s23], [sflag:$0x1] =	stream.indirect_vreg.gather [hbm4b:s9+s2], $0x80, v4, vm0, $0xb8;
	[tilespmem:$0x12400] =	vst v63  }
0x75b: {  	v3 =	vperm.xlane v3, v2;
	s23 =	simm.s32 $0x1400  }
0x75c: {  	[tilespmem:s23], [sflag:$0x1] =	stream.indirect_vreg.gather [hbm4b:s10+s2], $0x80, v4, vm0, $0xb8;
	[tilespmem:$0x12400] =	vst v63  }
0x75d: {  	v3 =	vadd.s32 v1, v3;
	s23 =	simm.s32 $0x1C00  }
0x75e: {  	[tilespmem:s23], [sflag:$0x1] =	stream.indirect_vreg.gather [hbm4b:s11+s2], $0x80, v4, vm0, $0xb8;
	[tilespmem:$0x12400] =	vst v63  }
0x75f: {  	s23 =	simm.s32 $0x2400  }
0x760: {  	[tilespmem:s23], [sflag:$0x1] =	stream.indirect_vreg.gather [hbm4b:s12+s2], $0x80, v4, vm1, $0xb8;
	[tilespmem:$0x12400] =	vst v63  }
0x761: {  	s23 =	simm.s32 $0x2800  }
0x762: {  	[tilespmem:s23], [sflag:$0x1] =	stream.indirect_vreg.gather [hbm4b:s4+s2], $0x80, v3, vm0, $0xb8;
	[tilespmem:$0x12400] =	vst v63  }
0x763: {  	s23 =	simm.s32 $0x3000  }
0x764: {  	[tilespmem:s23], [sflag:$0x1] =	stream.indirect_vreg.gather [hbm4b:s9+s2], $0x80, v3, vm0, $0xb8;
	[tilespmem:$0x12400] =	vst v63  }
0x765: {  	s23 =	simm.s32 $0x3800  }
0x766: {  	[tilespmem:s23], [sflag:$0x1] =	stream.indirect_vreg.gather [hbm4b:s10+s2], $0x80, v3, vm0, $0xb8;
	[tilespmem:$0x12400] =	vst v63  }
0x767: {  	s23 =	simm.s32 $0x4000  }
0x768: {  	[tilespmem:s23], [sflag:$0x1] =	stream.indirect_vreg.gather [hbm4b:s11+s2], $0x80, v3, vm0, $0xb8;
	[tilespmem:$0x12400] =	vst v63  }
0x769: {  	s23 =	simm.s32 $0x4800  }
0x76a: {  	[tilespmem:s23], [sflag:$0x1] =	stream.indirect_vreg.gather [hbm4b:s12+s2], $0x80, v3, vm1, $0xb8;
	[tilespmem:$0x12400] =	vst v63  }
0x76b: {  	v3 =	vld [tilespmem:$0x3D0];
	_ =	sdelay $0x4  }
0x76c: {  	v61 =	vshrl.u32 v3, $0x3  }
0x76d: {  	v4 =	vmul.u32 $0x48, v61  }
0x76e: {  	v3 =	vand.u32 $0x7, v3  }
0x76f: {  	v3 =	vor.u32 v3, v4  }
0x770: {  	v4 =	vperm.xlane v3, v0;
	_ =	sdelay $0x1  }
0x771: {  	v4 =	vadd.s32 v1, v4;
	_ =	sdelay $0x3  }
0x772: {  	s14 =	simm.s32 $0x4C00  }
0x773: {  	[tilespmem:s14], [sflag:$0x1] =	stream.indirect_vreg.gather [hbm4b:s4+s2], $0x80, v4, vm0, $0xb8;
	[tilespmem:$0x12400] =	vst v63  }
0x774: {  	s14 =	simm.s32 $0x5400  }
0x775: {  	[tilespmem:s14], [sflag:$0x1] =	stream.indirect_vreg.gather [hbm4b:s9+s2], $0x80, v4, vm0, $0xb8;
	[tilespmem:$0x12400] =	vst v63  }
0x776: {  	s23 =	simm.s32 $0x5C00;
	v3 =	vperm.xlane v3, v2  }
0x777: {  	[tilespmem:s23], [sflag:$0x1] =	stream.indirect_vreg.gather [hbm4b:s10+s2], $0x80, v4, vm0, $0xb8;
	[tilespmem:$0x12400] =	vst v63  }
0x778: {  	v3 =	vadd.s32 v1, v3;
	s14 =	simm.s32 $0x6400  }
0x779: {  	[tilespmem:s14], [sflag:$0x1] =	stream.indirect_vreg.gather [hbm4b:s11+s2], $0x80, v4, vm0, $0xb8;
	[tilespmem:$0x12400] =	vst v63  }
0x77a: {  	s15 =	simm.s32 $0x6C00  }
0x77b: {  	[tilespmem:s15], [sflag:$0x1] =	stream.indirect_vreg.gather [hbm4b:s12+s2], $0x80, v4, vm1, $0xb8;
	[tilespmem:$0x12400] =	vst v63  }
0x77c: {  	s18 =	simm.s32 $0x7000  }
0x77d: {  	[tilespmem:s18], [sflag:$0x1] =	stream.indirect_vreg.gather [hbm4b:s4+s2], $0x80, v3, vm0, $0xb8;
	[tilespmem:$0x12400] =	vst v63  }
0x77e: {  	s19 =	simm.s32 $0x7800  }
0x77f: {  	[tilespmem:s19], [sflag:$0x1] =	stream.indirect_vreg.gather [hbm4b:s9+s2], $0x80, v3, vm0, $0xb8;
	[tilespmem:$0x12400] =	vst v63  }
0x780: {  	s25 =	simm.s32 $0x8000  }
0x781: {  	[tilespmem:s25], [sflag:$0x1] =	stream.indirect_vreg.gather [hbm4b:s10+s2], $0x80, v3, vm0, $0xb8;
	[tilespmem:$0x12400] =	vst v63  }
0x782: {  	s18 =	simm.s32 $0x8800  }
0x783: {  	[tilespmem:s18], [sflag:$0x1] =	stream.indirect_vreg.gather [hbm4b:s11+s2], $0x80, v3, vm0, $0xb8;
	[tilespmem:$0x12400] =	vst v63  }
0x784: {  	s19 =	sld [smem:$0x7FA]  }
0x785: {  	[tilespmem:s1], [sflag:$0x1] =	stream.indirect_vreg.gather [hbm4b:s12+s2], $0x80, v3, vm1, $0xb8;
	[tilespmem:$0x12400] =	vst v63  }
0x786: {  	s0 =	simm.s32 $0x9400  }
0x787: {  	[hbm4b:s19+s2] =	stream.linear.scatter [tilespmem:s0], [sflag:$0x4], $0x9000, $0x38;
	[tilespmem:$0x12400] =	vst v63  }
0x788: {  	_ =	swait.ge [sflag:s16], $0x9000  }
0x789: {  	[sflag:s16] =	ssyncset.done $0x0  }
0x78a: {  	[sflag:s16] =	ssyncadd.s32 $0xFFFF7000  }
0x78b: {  	_ =	swait.ge [sflag:s22], $0x9000  }
0x78c: {  	[sflag:s22] =	ssyncset.done $0x0  }
0x78d: {  	[sflag:s22] =	ssyncadd.s32 $0xFFFF7000  }
0x78e: {  	v3 =	vld [tilespmem:$0x3E0];
	_ =	sdelay $0x4  }
0x78f: {  	v62 =	vshrl.u32 v3, $0x3  }
0x790: {  	v4 =	vmul.u32 $0x48, v62  }
0x791: {  	v3 =	vand.u32 $0x7, v3  }
0x792: {  	v3 =	vor.u32 v3, v4  }
0x793: {  	v4 =	vperm.xlane v3, v0;
	_ =	sdelay $0x1  }
0x794: {  	v4 =	vadd.s32 v1, v4;
	_ =	sdelay $0x4  }
0x795: {  	[tilespmem:s0], [sflag:$0x2] =	stream.indirect_vreg.gather [hbm4b:s4+s2], $0x80, v4, vm0, $0xb8;
	[tilespmem:$0x12400] =	vst v63  }
0x796: {  	s23 =	simm.s32 $0x9C00  }
0x797: {  	[tilespmem:s23], [sflag:$0x2] =	stream.indirect_vreg.gather [hbm4b:s9+s2], $0x80, v4, vm0, $0xb8;
	[tilespmem:$0x12400] =	vst v63  }
0x798: {  	s25 =	simm.s32 $0xA400;
	v3 =	vperm.xlane v3, v2  }
0x799: {  	[tilespmem:s25], [sflag:$0x2] =	stream.indirect_vreg.gather [hbm4b:s10+s2], $0x80, v4, vm0, $0xb8;
	[tilespmem:$0x12400] =	vst v63  }
0x79a: {  	s17 =	simm.s32 $0xAC00;
	v3 =	vadd.s32 v1, v3  }
0x79b: {  	[tilespmem:s17], [sflag:$0x2] =	stream.indirect_vreg.gather [hbm4b:s11+s2], $0x80, v4, vm0, $0xb8;
	[tilespmem:$0x12400] =	vst v63  }
0x79c: {  	s24 =	simm.s32 $0xB400  }
0x79d: {  	[tilespmem:s24], [sflag:$0x2] =	stream.indirect_vreg.gather [hbm4b:s12+s2], $0x80, v4, vm1, $0xb8;
	[tilespmem:$0x12400] =	vst v63  }
0x79e: {  	s13 =	simm.s32 $0xB800  }
0x79f: {  	[tilespmem:s13], [sflag:$0x2] =	stream.indirect_vreg.gather [hbm4b:s4+s2], $0x80, v3, vm0, $0xb8;
	[tilespmem:$0x12400] =	vst v63  }
0x7a0: {  	s14 =	simm.s32 $0xC000  }
0x7a1: {  	[tilespmem:s14], [sflag:$0x2] =	stream.indirect_vreg.gather [hbm4b:s9+s2], $0x80, v3, vm0, $0xb8;
	[tilespmem:$0x12400] =	vst v63  }
0x7a2: {  	s15 =	simm.s32 $0xC800  }
0x7a3: {  	[tilespmem:s15], [sflag:$0x2] =	stream.indirect_vreg.gather [hbm4b:s10+s2], $0x80, v3, vm0, $0xb8;
	[tilespmem:$0x12400] =	vst v63  }
0x7a4: {  	s17 =	simm.s32 $0xD000  }
0x7a5: {  	[tilespmem:s17], [sflag:$0x2] =	stream.indirect_vreg.gather [hbm4b:s11+s2], $0x80, v3, vm0, $0xb8;
	[tilespmem:$0x12400] =	vst v63  }
0x7a6: {  	s18 =	simm.s32 $0xD800  }
0x7a7: {  	[tilespmem:s18], [sflag:$0x2] =	stream.indirect_vreg.gather [hbm4b:s12+s2], $0x80, v3, vm1, $0xb8;
	[tilespmem:$0x12400] =	vst v63  }
0x7a8: {  	v3 =	vld [tilespmem:$0x3F0];
	_ =	sdelay $0x4  }
0x7a9: {  	v63 =	vshrl.u32 v3, $0x3  }
0x7aa: {  	v4 =	vmul.u32 $0x48, v63  }
0x7ab: {  	v3 =	vand.u32 $0x7, v3  }
0x7ac: {  	v3 =	vor.u32 v3, v4  }
0x7ad: {  	v4 =	vperm.xlane v3, v0;
	_ =	sdelay $0x1  }
0x7ae: {  	v4 =	vadd.s32 v1, v4;
	_ =	sdelay $0x3  }
0x7af: {  	s26 =	simm.s32 $0xDC00  }
0x7b0: {  	[tilespmem:s26], [sflag:$0x2] =	stream.indirect_vreg.gather [hbm4b:s4+s2], $0x80, v4, vm0, $0xb8;
	[tilespmem:$0x12400] =	vst v63  }
0x7b1: {  	s19 =	simm.s32 $0xE400  }
0x7b2: {  	[tilespmem:s19], [sflag:$0x2] =	stream.indirect_vreg.gather [hbm4b:s9+s2], $0x80, v4, vm0, $0xb8;
	[tilespmem:$0x12400] =	vst v63  }
0x7b3: {  	s23 =	simm.s32 $0xEC00;
	v3 =	vperm.xlane v3, v2  }
0x7b4: {  	[tilespmem:s23], [sflag:$0x2] =	stream.indirect_vreg.gather [hbm4b:s10+s2], $0x80, v4, vm0, $0xb8;
	[tilespmem:$0x12400] =	vst v63  }
0x7b5: {  	s28 =	simm.s32 $0xF400;
	v3 =	vadd.s32 v1, v3  }
0x7b6: {  	[tilespmem:s28], [sflag:$0x2] =	stream.indirect_vreg.gather [hbm4b:s11+s2], $0x80, v4, vm0, $0xb8;
	[tilespmem:$0x12400] =	vst v63  }
0x7b7: {  	s29 =	simm.s32 $0xFC00  }
0x7b8: {  	[tilespmem:s29], [sflag:$0x2] =	stream.indirect_vreg.gather [hbm4b:s12+s2], $0x80, v4, vm1, $0xb8;
	[tilespmem:$0x12400] =	vst v63  }
0x7b9: {  	s31 =	simm.s32 $0x10000  }
0x7ba: {  	[tilespmem:s31], [sflag:$0x2] =	stream.indirect_vreg.gather [hbm4b:s4+s2], $0x80, v3, vm0, $0xb8;
	[tilespmem:$0x12400] =	vst v63  }
0x7bb: {  	s24 =	simm.s32 $0x10800  }
0x7bc: {  	[tilespmem:s24], [sflag:$0x2] =	stream.indirect_vreg.gather [hbm4b:s9+s2], $0x80, v3, vm0, $0xb8;
	[tilespmem:$0x12400] =	vst v63  }
0x7bd: {  	s25 =	simm.s32 $0x11000  }
0x7be: {  	[tilespmem:s25], [sflag:$0x2] =	stream.indirect_vreg.gather [hbm4b:s10+s2], $0x80, v3, vm0, $0xb8;
	[tilespmem:$0x12400] =	vst v63  }
0x7bf: {  	s26 =	simm.s32 $0x11800  }
0x7c0: {  	[tilespmem:s26], [sflag:$0x2] =	stream.indirect_vreg.gather [hbm4b:s11+s2], $0x80, v3, vm0, $0xb8;
	[tilespmem:$0x12400] =	vst v63  }
0x7c1: {  	s28 =	sld [smem:$0x7FB];
	s29 =	simm.s32 $0x12000  }
0x7c2: {  	[tilespmem:s29], [sflag:$0x2] =	stream.indirect_vreg.gather [hbm4b:s12+s2], $0x80, v3, vm1, $0xb8;
	[tilespmem:$0x12400] =	vst v63  }
0x7c3: {  	_ = 	snop  }
0x7c4: {  	[hbm4b:s28+s2] =	stream.linear.scatter [tilespmem:s30], [sflag:$0x3], $0x9000, $0x38;
	[tilespmem:$0x12400] =	vst v63  }
0x7c5: {  	_ =	swait.ge [sflag:s20], $0x9000  }
0x7c6: {  	s30 =	sld [smem:$0x7FC]  }
0x7c7: {  	[sflag:s20] =	ssyncset.done $0x0;
	s31 =	sld [smem:$0x7F8]  }
0x7c8: {  	[sflag:s20] =	ssyncadd.s32 $0xFFFF7000  }
0x7c9: {  	[hbm4b:s30+s2] =	stream.linear.scatter [tilespmem:s0], [sflag:$0x4], $0x9000, $0x38;
	[tilespmem:$0x12400] =	vst v63  }
0x7ca: {  	p0 =	sne.s32 s31, $0x1;
	_ =	swait.ge [sflag:s21], $0x9000  }
.Ltmp0:
0x7cb: {  	[sflag:s21] =	ssyncset.done $0x0;
	(pc) =	sbr.rel @p0 .LBB2_1-.Ltmp0, $4  }
0x7cc: {  	[sflag:s21] =	ssyncadd.s32 $0xFFFF7000  }
0x7cd: {  	_ =	swait.ge [sflag:s22], $0x9000  }
0x7ce: {  	[sflag:s22] =	ssyncset.done $0x0  }
0x7cf: {  	s23 =	sadd.s32 $0xFFFFFFFF, s31;
	[sflag:s22] =	ssyncadd.s32 $0xFFFF7000  }
0x7d0: {  	_ =	sfence.sel $0x180000  }
0x7d1: {  	[bflag:$0x0] =	sbarrier.arrive $0xFFFF  }
0x7d2: {  	_ =	strace $0x90000047  }
0x7d3: {  	s0 =	stileid.u32;
	[bflag:$0x2] =	sbarrier.arrive $0xFFFF  }
0x7d4: {  	p0 =	sne.s32 s0, $0x0;
	s0 =	rddreg [dreg:$0x1]  }
0x7d5: {  	s0 =	sadd.s32 @!p0 $0x100000, s0  }
0x7d6: {  	[sflag:s0] =	ssyncadd.tile.s32 @!p0 $0x1;
	_ =	shalt  }
.Lfunc_end2:
_tile_overlayer_lowered:
.L_overlay_start_2:
0x7d7: {  	(tag) =	ssettag $0x2  }
0x7d8: {  	s0 =	rddreg [dreg:$0x0];
	s2 =	stileid.u32  }
0x7d9: {  	s1 =	rddreg [dreg:$0x1];
	p0 =	sne.s32 s2, $0x0  }
0x7da: {  	s3 =	rddreg [dreg:$0x2];
	[bflag:$0x3] =	sbarrier.arrive $0xFFFF;
	s2 =	simm.s32 @!p0 $0x1C05  }
0x7db: {  	[timem:s3], [sflag:s2] =	dma.local @!p0 [hbm:s0], s1  }
0x7dc: {  	s0 =	simm.s32 @!p0 $0x5  }
0x7dd: {  	_ =	swait.ge @!p0 [sflag:s0], s1  }
0x7de: {  	s1 =	ssub.s32 @!p0 $0x0, s1;
	[sflag:s0] =	ssyncset.done @!p0 $0x0  }
0x7df: {  	[sflag:s0] =	ssyncadd.s32 @!p0 s1  }
0x7e0: {  	[bflag:$0x3] =	sbarrier.arrive $0xFFFF  }
0x7e1: {  	_ =	shalt  }

</sc_bundles>
